<compile_context>
chip_gen: v7x
topology: tpu7x:2x2x1
jax: 0.10.2.dev20260603
libtpu: 0.0.44.dev20260713+nightly
codegen_flags: <defaults>
</compile_context>

<pallas_src>
import functools

import jax
import jax.numpy as jnp
from jax import lax
from jax.experimental import pallas as pl
from jax.experimental.pallas import tpu as pltpu
from jax.experimental.pallas import tpu_sc as plsc

B = 4096
L = 200
F = 64
VOCAB = 1000000
NC = 2
NS = 16
NW = NC * NS
ROWS_PER_TILE = B // NW
LANES = 16
FCHUNKS = F // LANES


NBUF = 8


def _sc_pool_kernel(idx4_hbm, table_hbm, out_hbm, idx_v, rows_v, acc_v, *sems):
  wid = lax.axis_index("s") * NC + lax.axis_index("c")
  base = wid * ROWS_PER_TILE

  pltpu.sync_copy(idx4_hbm.at[:, wid], idx_v)

  half = jnp.full((LANES,), SPLIT, jnp.int32)
  corr = jnp.full((LANES,), 2 * SPLIT - 1, jnp.int32)
  zero = jnp.zeros((LANES,), jnp.int32)

  @plsc.parallel_loop(0, L // 8, step=1)
  def _(a):
    for b in range(8):
      for k in range(128 // LANES):
        t = idx_v[a, b, pl.ds(k * LANES, LANES)]
        u = t + t - jnp.where(t >= half, corr, zero)
        idx_v[a, b, pl.ds(k * LANES, LANES)] = u

  @plsc.parallel_loop(0, ROWS_PER_TILE, step=1, unroll=8)
  def _(i):
    for k in range(FCHUNKS):
      acc_v[i, pl.ds(k * LANES, LANES)] = jnp.zeros((LANES,), jnp.float32)


  def start(j, buf):
    pltpu.async_copy(
        table_hbm.at[idx_v.at[j // 8, j % 8]], rows_v.at[buf], sems[buf])

  def wait(buf):
    pltpu.make_async_copy(
        table_hbm.at[idx_v.at[0, 0]], rows_v.at[buf], sems[buf]).wait()

  def accum(buf):
    @plsc.parallel_loop(0, ROWS_PER_TILE, step=1, unroll=4)
    def _(i):
      for k in range(FCHUNKS):
        plsc.addupdate(acc_v.at[i, pl.ds(k * LANES, LANES)],
                       rows_v[buf, i, pl.ds(k * LANES, LANES)])

  for p in range(NBUF - 1):
    start(p, p)

  def outer(g, _):
    j0 = g * NBUF
    for p in range(NBUF):
      j = j0 + p
      wait(p)

      @pl.when(j + NBUF - 1 < L)
      def _():
        start(j + NBUF - 1, (p + NBUF - 1) % NBUF)

      accum(p)
    return 0

  lax.fori_loop(0, L // NBUF, outer, 0)

  pltpu.sync_copy(acc_v, out_hbm.at[pl.ds(base, ROWS_PER_TILE)])


def _sc_pool(idx4, table):
  mesh = plsc.VectorSubcoreMesh(core_axis_name="c", subcore_axis_name="s")
  kern = pl.kernel(
      _sc_pool_kernel,
      out_type=jax.ShapeDtypeStruct((B, F), jnp.float32),
      mesh=mesh,
      scratch_types=[
          pltpu.VMEM((L // 8, 8, ROWS_PER_TILE), jnp.int32),
          pltpu.VMEM((NBUF, ROWS_PER_TILE, F), jnp.float32),
          pltpu.VMEM((ROWS_PER_TILE, F), jnp.float32),
      ] + [pltpu.SemaphoreType.DMA] * NBUF,
      compiler_params=pltpu.CompilerParams(use_tc_tiling_on_sc=False),
  )
  return kern(idx4, table)


_TR_BLK = 512
SPLIT = 977 * _TR_BLK
_TR_GRID = SPLIT // _TR_BLK - 1


def _eye():
  r = lax.broadcasted_iota(jnp.int32, (F, F), 0)
  c = lax.broadcasted_iota(jnp.int32, (F, F), 1)
  return jnp.where(r == c, 1.0, 0.0).astype(jnp.float32)


def _mxu_t(x):
  hi = x.astype(jnp.bfloat16).astype(jnp.float32)
  lo = x - hi
  dims = (((0,), (0,)), ((), ()))
  e = _eye()
  return (lax.dot_general(hi, e, dims, preferred_element_type=jnp.float32) +
          lax.dot_general(lo, e, dims, preferred_element_type=jnp.float32))


def _tc_transpose_kernel(xa_ref, xb_ref, o_ref):
  o_ref[...] = jnp.concatenate([_mxu_t(xa_ref[...]), _mxu_t(xb_ref[...])],
                               axis=1)


def _tc_patch_kernel(o_in_ref, xd_ref, tail_ref, o_ref):
  del o_in_ref
  right = jnp.concatenate(
      [tail_ref[...], jnp.zeros((_TR_BLK - F, F), jnp.float32)], axis=0)
  o_ref[...] = jnp.concatenate([_mxu_t(xd_ref[...]), right], axis=1)


_TR_WIDE = 8192
_TR_WGRID = (SPLIT - _TR_BLK) // _TR_WIDE


def _tc_transpose(tableT, tail):
  packed = pl.pallas_call(
      _tc_transpose_kernel,
      grid=(_TR_WGRID,),
      in_specs=[
          pl.BlockSpec((pl.Element(F), pl.Element(_TR_WIDE)),
                       lambda i: (0, pl.multiple_of(i * _TR_WIDE, 128))),
          pl.BlockSpec((pl.Element(F), pl.Element(_TR_WIDE)),
                       lambda i: (0, pl.multiple_of(SPLIT + i * _TR_WIDE, 128))),
      ],
      out_specs=pl.BlockSpec((_TR_WIDE, 128), lambda i: (i, 0)),
      out_shape=jax.ShapeDtypeStruct((SPLIT, 128), jnp.float32),
  )(tableT, tableT)
  return pl.pallas_call(
      _tc_patch_kernel,
      grid=(1,),
      in_specs=[
          pl.BlockSpec((_TR_BLK, 128), lambda i: (_TR_GRID, 0)),
          pl.BlockSpec((F, _TR_BLK), lambda i: (0, _TR_GRID)),
          pl.BlockSpec((F, F), lambda i: (0, 0)),
      ],
      out_specs=pl.BlockSpec((_TR_BLK, 128), lambda i: (_TR_GRID, 0)),
      out_shape=jax.ShapeDtypeStruct((SPLIT, 128), jnp.float32),
      input_output_aliases={0: 0},
  )(packed, tableT, tail)


def _tc_head_kernel(x_ref, w_ref, b_ref, bng_ref, bnb_ref, bnm_ref, bnv_ref,
                    lng_ref, lnb_ref, o_ref):
  x = x_ref[...] * (1.0 / L)
  y = jnp.dot(x, w_ref[...], preferred_element_type=jnp.float32) + b_ref[...]
  inv = lax.rsqrt(bnv_ref[...] + 1e-3)
  y = (y - bnm_ref[...]) * inv * bng_ref[...] + bnb_ref[...]
  mu = jnp.mean(y, axis=-1, keepdims=True)
  yc = y - mu
  var = jnp.mean(yc * yc, axis=-1, keepdims=True)
  o_ref[...] = yc * lax.rsqrt(var + 1e-3) * lng_ref[...] + lnb_ref[...]


def _tc_head(pooled, W, b, bn_gamma, bn_beta, bn_mean, bn_var, ln_gamma, ln_beta):
  blk = 512
  grid = B // blk
  vec_spec = pl.BlockSpec((1, F), lambda i: (0, 0))
  return pl.pallas_call(
      _tc_head_kernel,
      grid=(grid,),
      in_specs=[
          pl.BlockSpec((blk, F), lambda i: (i, 0)),
          pl.BlockSpec((F, F), lambda i: (0, 0)),
          vec_spec, vec_spec, vec_spec, vec_spec, vec_spec, vec_spec, vec_spec,
      ],
      out_specs=pl.BlockSpec((blk, F), lambda i: (i, 0)),
      out_shape=jax.ShapeDtypeStruct((B, F), jnp.float32),
  )(pooled, W, b.reshape(1, F), bn_gamma.reshape(1, F), bn_beta.reshape(1, F),
    bn_mean.reshape(1, F), bn_var.reshape(1, F), ln_gamma.reshape(1, F),
    ln_beta.reshape(1, F))


@jax.jit
def kernel(inputs, table, W, b, bn_gamma, bn_beta, bn_mean, bn_var, ln_gamma, ln_beta):
  idx4 = (inputs.astype(jnp.int32).T
          .reshape(L // 8, 8, B // 128, 128)
          .transpose(0, 2, 1, 3))
  tail = lax.slice(table, (VOCAB - F, 0), (VOCAB, F))
  tbl_lin = _tc_transpose(table.T, tail).reshape(2 * SPLIT, F)
  pooled = _sc_pool(idx4, tbl_lin)
  return _tc_head(pooled, W, b, bn_gamma, bn_beta, bn_mean, bn_var,
                  ln_gamma, ln_beta)

# --- scband reference (transcript-rebuilt; emitter-appended) ---
"""Pipeline reference for scband-triplet-network-34952443855474 (READ-ONLY COPY).

The authoritative reference and input builder live on the scoring server;
editing this copy changes nothing except your own understanding.
"""

import jax, jax.numpy as jnp
import numpy as np

VOCAB = 1000000
FEAT = 64
B = 4096
L = 200

def setup_inputs(seed: int = 0) -> dict:
    key = jax.random.key(seed)
    k_idx, k_tab, k_w, k_b = jax.random.split(key, 4)
    inputs = jax.random.randint(k_idx, (B, L), 0, VOCAB, dtype=jnp.int64 if jax.config.jax_enable_x64 else jnp.int32)
    table = jax.random.normal(k_tab, (VOCAB, FEAT), dtype=jnp.float32) * 0.05
    W = jax.random.normal(k_w, (FEAT, FEAT), dtype=jnp.float32) * (1.0 / np.sqrt(FEAT))
    b = jnp.zeros((FEAT,), dtype=jnp.float32)
    bn_gamma = jnp.ones((FEAT,), dtype=jnp.float32)
    bn_beta = jnp.zeros((FEAT,), dtype=jnp.float32)
    bn_mean = jnp.zeros((FEAT,), dtype=jnp.float32)
    bn_var = jnp.ones((FEAT,), dtype=jnp.float32)
    ln_gamma = jnp.ones((FEAT,), dtype=jnp.float32)
    ln_beta = jnp.zeros((FEAT,), dtype=jnp.float32)
    return {"inputs": inputs, "table": table, "W": W, "b": b,
            "bn_gamma": bn_gamma, "bn_beta": bn_beta, "bn_mean": bn_mean, "bn_var": bn_var,
            "ln_gamma": ln_gamma, "ln_beta": ln_beta}

def reference(inputs, table, W, b, bn_gamma, bn_beta, bn_mean, bn_var, ln_gamma, ln_beta):
    # Embedding lookup: [B, L] -> [B, L, F]
    x = jnp.take(table, inputs, axis=0)
    # GlobalAveragePooling1D over the sequence axis -> [B, F]
    x = jnp.mean(x, axis=1)
    # Flatten is a no-op on [B, F]
    # Dense
    x = x @ W + b
    # BatchNormalization (inference mode, Keras default epsilon=1e-3)
    x = (x - bn_mean) / jnp.sqrt(bn_var + 1e-3) * bn_gamma + bn_beta
    # LayerNormalization (Keras default epsilon=1e-3)
    mu = jnp.mean(x, axis=-1, keepdims=True)
    var = jnp.var(x, axis=-1, keepdims=True)
    x = (x - mu) / jnp.sqrt(var + 1e-3) * ln_gamma + ln_beta
    return x

if __name__ == "__main__":
    import jax
    _d = setup_inputs()
    print(jax.jit(kernel)(*tuple(_d.values())))

</pallas_src>

<mosaic_0001>
#map = affine_map<(d0, d1) -> (0, 0, 0, 0)>
#map1 = affine_map<(d0, d1) -> (0, 0)>
module attributes {stable_mosaic.version = 14 : i64} {
  func.func @_sc_pool_kernel(%arg0: i32, %arg1: i32, %arg2: memref<25x32x8x128xi32, #tpu.memory_space<hbm>>, %arg3: memref<1000448x64xf32, #tpu.memory_space<hbm>>, %arg4: memref<4096x64xf32, #tpu.memory_space<hbm>>, %arg5: memref<25x8x128xi32, #tpu.memory_space<vmem>>, %arg6: memref<8x128x64xf32, #tpu.memory_space<vmem>>, %arg7: memref<128x64xf32, #tpu.memory_space<vmem>>, %arg8: memref<!tpu.dma_semaphore, #tpu.memory_space<semaphore_mem>>, %arg9: memref<!tpu.dma_semaphore, #tpu.memory_space<semaphore_mem>>, %arg10: memref<!tpu.dma_semaphore, #tpu.memory_space<semaphore_mem>>, %arg11: memref<!tpu.dma_semaphore, #tpu.memory_space<semaphore_mem>>, %arg12: memref<!tpu.dma_semaphore, #tpu.memory_space<semaphore_mem>>, %arg13: memref<!tpu.dma_semaphore, #tpu.memory_space<semaphore_mem>>, %arg14: memref<!tpu.dma_semaphore, #tpu.memory_space<semaphore_mem>>, %arg15: memref<!tpu.dma_semaphore, #tpu.memory_space<semaphore_mem>>) attributes {dimension_semantics = [#tpu.dimension_semantics<core_parallel>, #tpu.dimension_semantics<subcore_parallel>], iteration_bounds = array<i64: 2, 16>, scalar_prefetch = 0 : i64, scratch_operands = 11 : i64, tpu.core_type = #tpu.core_type<sc_vector_subcore>, window_params = [{transform_indices = #map}, {transform_indices = #map1}, {transform_indices = #map1}]} {
    %mul3A = arith.constant 2 : i32
    %mul3A_0 = arith.muli %arg1, %mul3A : i32
    %add3A = arith.addi %mul3A_0, %arg0 : i32
    %mul3A_1 = arith.constant 128 : i32
    %mul3A_2 = arith.muli %add3A, %mul3A_1 : i32
    "tpu.region"() ({
      %run_scoped3A = tpu.sem_alloc : memref<!tpu.dma_semaphore, #tpu.memory_space<semaphore_mem>>
      %dma_start3A_109 = arith.constant 0 : i32
      %dma_start3A_110 = arith.constant 0 : i32
      %dma_start3A_111 = arith.constant 0 : i32
      %dma_start3A_112 = tpu.memref_slice %arg2[%dma_start3A_109, %add3A, %dma_start3A_110, %dma_start3A_111] : memref<25x32x8x128xi32, #tpu.memory_space<hbm>> -> memref<25x1x8x128xi32, #tpu.memory_space<hbm>>
      %dma_start3A_113 = tpu.memref_squeeze %dma_start3A_112 : memref<25x1x8x128xi32, #tpu.memory_space<hbm>> -> memref<25x8x128xi32, #tpu.memory_space<hbm>>
      %dma_start3A_114 = arith.constant 0 : i32
      %dma_start3A_115 = arith.constant 0 : i32
      %dma_start3A_116 = arith.constant 0 : i32
      %dma_start3A_117 = tpu.memref_slice %arg2[%dma_start3A_114, %add3A, %dma_start3A_115, %dma_start3A_116] : memref<25x32x8x128xi32, #tpu.memory_space<hbm>> -> memref<25x1x8x128xi32, #tpu.memory_space<hbm>>
      %dma_start3A_118 = tpu.memref_squeeze %dma_start3A_117 : memref<25x1x8x128xi32, #tpu.memory_space<hbm>> -> memref<25x8x128xi32, #tpu.memory_space<hbm>>
      tpu.enqueue_dma source(%dma_start3A_118 : memref<25x8x128xi32, #tpu.memory_space<hbm>>) target(%arg5 : memref<25x8x128xi32, #tpu.memory_space<vmem>>) target_semaphore(%run_scoped3A : memref<!tpu.dma_semaphore, #tpu.memory_space<semaphore_mem>>)
      %dma_wait3A = arith.constant 0 : i32
      %dma_wait3A_119 = arith.constant 0 : i32
      %dma_wait3A_120 = arith.constant 0 : i32
      %dma_wait3A_121 = tpu.memref_slice %arg2[%dma_wait3A, %add3A, %dma_wait3A_119, %dma_wait3A_120] : memref<25x32x8x128xi32, #tpu.memory_space<hbm>> -> memref<25x1x8x128xi32, #tpu.memory_space<hbm>>
      %dma_wait3A_122 = tpu.memref_squeeze %dma_wait3A_121 : memref<25x1x8x128xi32, #tpu.memory_space<hbm>> -> memref<25x8x128xi32, #tpu.memory_space<hbm>>
      %dma_wait3A_123 = arith.constant 0 : i32
      %dma_wait3A_124 = arith.constant 0 : i32
      %dma_wait3A_125 = arith.constant 0 : i32
      %dma_wait3A_126 = tpu.memref_slice %arg2[%dma_wait3A_123, %add3A, %dma_wait3A_124, %dma_wait3A_125] : memref<25x32x8x128xi32, #tpu.memory_space<hbm>> -> memref<25x1x8x128xi32, #tpu.memory_space<hbm>>
      %dma_wait3A_127 = tpu.memref_squeeze %dma_wait3A_126 : memref<25x1x8x128xi32, #tpu.memory_space<hbm>> -> memref<25x8x128xi32, #tpu.memory_space<hbm>>
      tpu.wait_dma2 semaphore(%run_scoped3A : memref<!tpu.dma_semaphore, #tpu.memory_space<semaphore_mem>>) src(%dma_wait3A_127 : memref<25x8x128xi32, #tpu.memory_space<hbm>>) dst(%arg5 : memref<25x8x128xi32, #tpu.memory_space<vmem>>)
      tpu.yield
    }) : () -> ()
    %broadcast_in_dim3A = arith.constant 500224 : i32
    %broadcast_in_dim3A_3 = vector.broadcast %broadcast_in_dim3A : i32 to vector<16xi32>
    %broadcast_in_dim3A_4 = arith.constant 1000447 : i32
    %broadcast_in_dim3A_5 = vector.broadcast %broadcast_in_dim3A_4 : i32 to vector<16xi32>
    %broadcast_in_dim3A_6 = arith.constant 0 : i32
    %broadcast_in_dim3A_7 = vector.broadcast %broadcast_in_dim3A_6 : i32 to vector<16xi32>
    %parallel_loop3A = arith.constant 0 : i32
    %parallel_loop3A_8 = arith.constant 25 : i32
    %parallel_loop3A_9 = arith.constant 1 : i32
    scf.for %parallel_loop3A_109 = %parallel_loop3A to %parallel_loop3A_8 step %parallel_loop3A_9  : i32 {
      %parallel_loop3A_110 = arith.constant 0 : i32
      %parallel_loop3A_111 = arith.index_cast %parallel_loop3A_109 : i32 to index
      %parallel_loop3A_112 = arith.index_cast %parallel_loop3A_110 : i32 to index
      %parallel_loop3A_113 = arith.constant 0 : index
      %parallel_loop3A_114 = tpu.vector_load %arg5[%parallel_loop3A_111, %parallel_loop3A_112, %parallel_loop3A_113] {strides = array<i32>} : memref<25x8x128xi32, #tpu.memory_space<vmem>>, vector<1x1x16xi32>,
      %parallel_loop3A_115 = vector.shape_cast %parallel_loop3A_114 : vector<1x1x16xi32> to vector<16xi32>
      %parallel_loop3A_116 = arith.addi %parallel_loop3A_115, %parallel_loop3A_115 : vector<16xi32>
      %parallel_loop3A_117 = arith.cmpi sge, %parallel_loop3A_115, %broadcast_in_dim3A_3 : vector<16xi32>
      %parallel_loop3A_118 = arith.select %parallel_loop3A_117, %broadcast_in_dim3A_5, %broadcast_in_dim3A_7 : vector<16xi1>, vector<16xi32>
      %parallel_loop3A_119 = arith.subi %parallel_loop3A_116, %parallel_loop3A_118 : vector<16xi32>
      %parallel_loop3A_120 = arith.constant 0 : i32
      %parallel_loop3A_121 = arith.index_cast %parallel_loop3A_109 : i32 to index
      %parallel_loop3A_122 = arith.index_cast %parallel_loop3A_120 : i32 to index
      %parallel_loop3A_123 = arith.constant 0 : index
      %parallel_loop3A_124 = tpu.vector_load %arg5[%parallel_loop3A_121, %parallel_loop3A_122, %parallel_loop3A_123] {strides = array<i32>} : memref<25x8x128xi32, #tpu.memory_space<vmem>>, vector<1x1x16xi32>,
      %parallel_loop3A_125 = vector.shape_cast %parallel_loop3A_124 : vector<1x1x16xi32> to vector<16xi32>
      %parallel_loop3A_126 = vector.shape_cast %parallel_loop3A_119 : vector<16xi32> to vector<1x1x16xi32>
      tpu.vector_store %arg5[%parallel_loop3A_121, %parallel_loop3A_122, %parallel_loop3A_123], %parallel_loop3A_126 {strides = array<i32>} : memref<25x8x128xi32, #tpu.memory_space<vmem>>, vector<1x1x16xi32>,
      %parallel_loop3A_127 = arith.constant 0 : i32
      %parallel_loop3A_128 = arith.index_cast %parallel_loop3A_109 : i32 to index
      %parallel_loop3A_129 = arith.index_cast %parallel_loop3A_127 : i32 to index
      %parallel_loop3A_130 = arith.constant 16 : index
      %parallel_loop3A_131 = tpu.vector_load %arg5[%parallel_loop3A_128, %parallel_loop3A_129, %parallel_loop3A_130] {strides = array<i32>} : memref<25x8x128xi32, #tpu.memory_space<vmem>>, vector<1x1x16xi32>,
      %parallel_loop3A_132 = vector.shape_cast %parallel_loop3A_131 : vector<1x1x16xi32> to vector<16xi32>
      %parallel_loop3A_133 = arith.addi %parallel_loop3A_132, %parallel_loop3A_132 : vector<16xi32>
      %parallel_loop3A_134 = arith.cmpi sge, %parallel_loop3A_132, %broadcast_in_dim3A_3 : vector<16xi32>
      %parallel_loop3A_135 = arith.select %parallel_loop3A_134, %broadcast_in_dim3A_5, %broadcast_in_dim3A_7 : vector<16xi1>, vector<16xi32>
      %parallel_loop3A_136 = arith.subi %parallel_loop3A_133, %parallel_loop3A_135 : vector<16xi32>
      %parallel_loop3A_137 = arith.constant 0 : i32
      %parallel_loop3A_138 = arith.index_cast %parallel_loop3A_109 : i32 to index
      %parallel_loop3A_139 = arith.index_cast %parallel_loop3A_137 : i32 to index
      %parallel_loop3A_140 = arith.constant 16 : index
      %parallel_loop3A_141 = tpu.vector_load %arg5[%parallel_loop3A_138, %parallel_loop3A_139, %parallel_loop3A_140] {strides = array<i32>} : memref<25x8x128xi32, #tpu.memory_space<vmem>>, vector<1x1x16xi32>,
      %parallel_loop3A_142 = vector.shape_cast %parallel_loop3A_141 : vector<1x1x16xi32> to vector<16xi32>
      %parallel_loop3A_143 = vector.shape_cast %parallel_loop3A_136 : vector<16xi32> to vector<1x1x16xi32>
      tpu.vector_store %arg5[%parallel_loop3A_138, %parallel_loop3A_139, %parallel_loop3A_140], %parallel_loop3A_143 {strides = array<i32>} : memref<25x8x128xi32, #tpu.memory_space<vmem>>, vector<1x1x16xi32>,
      %parallel_loop3A_144 = arith.constant 0 : i32
      %parallel_loop3A_145 = arith.index_cast %parallel_loop3A_109 : i32 to index
      %parallel_loop3A_146 = arith.index_cast %parallel_loop3A_144 : i32 to index
      %parallel_loop3A_147 = arith.constant 32 : index
      %parallel_loop3A_148 = tpu.vector_load %arg5[%parallel_loop3A_145, %parallel_loop3A_146, %parallel_loop3A_147] {strides = array<i32>} : memref<25x8x128xi32, #tpu.memory_space<vmem>>, vector<1x1x16xi32>,
      %parallel_loop3A_149 = vector.shape_cast %parallel_loop3A_148 : vector<1x1x16xi32> to vector<16xi32>
      %parallel_loop3A_150 = arith.addi %parallel_loop3A_149, %parallel_loop3A_149 : vector<16xi32>
      %parallel_loop3A_151 = arith.cmpi sge, %parallel_loop3A_149, %broadcast_in_dim3A_3 : vector<16xi32>
      %parallel_loop3A_152 = arith.select %parallel_loop3A_151, %broadcast_in_dim3A_5, %broadcast_in_dim3A_7 : vector<16xi1>, vector<16xi32>
      %parallel_loop3A_153 = arith.subi %parallel_loop3A_150, %parallel_loop3A_152 : vector<16xi32>
      %parallel_loop3A_154 = arith.constant 0 : i32
      %parallel_loop3A_155 = arith.index_cast %parallel_loop3A_109 : i32 to index
      %parallel_loop3A_156 = arith.index_cast %parallel_loop3A_154 : i32 to index
      %parallel_loop3A_157 = arith.constant 32 : index
      %parallel_loop3A_158 = tpu.vector_load %arg5[%parallel_loop3A_155, %parallel_loop3A_156, %parallel_loop3A_157] {strides = array<i32>} : memref<25x8x128xi32, #tpu.memory_space<vmem>>, vector<1x1x16xi32>,
      %parallel_loop3A_159 = vector.shape_cast %parallel_loop3A_158 : vector<1x1x16xi32> to vector<16xi32>
      %parallel_loop3A_160 = vector.shape_cast %parallel_loop3A_153 : vector<16xi32> to vector<1x1x16xi32>
      tpu.vector_store %arg5[%parallel_loop3A_155, %parallel_loop3A_156, %parallel_loop3A_157], %parallel_loop3A_160 {strides = array<i32>} : memref<25x8x128xi32, #tpu.memory_space<vmem>>, vector<1x1x16xi32>,
      %parallel_loop3A_161 = arith.constant 0 : i32
      %parallel_loop3A_162 = arith.index_cast %parallel_loop3A_109 : i32 to index
      %parallel_loop3A_163 = arith.index_cast %parallel_loop3A_161 : i32 to index
      %parallel_loop3A_164 = arith.constant 48 : index
      %parallel_loop3A_165 = tpu.vector_load %arg5[%parallel_loop3A_162, %parallel_loop3A_163, %parallel_loop3A_164] {strides = array<i32>} : memref<25x8x128xi32, #tpu.memory_space<vmem>>, vector<1x1x16xi32>,
      %parallel_loop3A_166 = vector.shape_cast %parallel_loop3A_165 : vector<1x1x16xi32> to vector<16xi32>
      %parallel_loop3A_167 = arith.addi %parallel_loop3A_166, %parallel_loop3A_166 : vector<16xi32>
      %parallel_loop3A_168 = arith.cmpi sge, %parallel_loop3A_166, %broadcast_in_dim3A_3 : vector<16xi32>
      %parallel_loop3A_169 = arith.select %parallel_loop3A_168, %broadcast_in_dim3A_5, %broadcast_in_dim3A_7 : vector<16xi1>, vector<16xi32>
      %parallel_loop3A_170 = arith.subi %parallel_loop3A_167, %parallel_loop3A_169 : vector<16xi32>
      %parallel_loop3A_171 = arith.constant 0 : i32
      %parallel_loop3A_172 = arith.index_cast %parallel_loop3A_109 : i32 to index
      %parallel_loop3A_173 = arith.index_cast %parallel_loop3A_171 : i32 to index
      %parallel_loop3A_174 = arith.constant 48 : index
      %parallel_loop3A_175 = tpu.vector_load %arg5[%parallel_loop3A_172, %parallel_loop3A_173, %parallel_loop3A_174] {strides = array<i32>} : memref<25x8x128xi32, #tpu.memory_space<vmem>>, vector<1x1x16xi32>,
      %parallel_loop3A_176 = vector.shape_cast %parallel_loop3A_175 : vector<1x1x16xi32> to vector<16xi32>
      %parallel_loop3A_177 = vector.shape_cast %parallel_loop3A_170 : vector<16xi32> to vector<1x1x16xi32>
      tpu.vector_store %arg5[%parallel_loop3A_172, %parallel_loop3A_173, %parallel_loop3A_174], %parallel_loop3A_177 {strides = array<i32>} : memref<25x8x128xi32, #tpu.memory_space<vmem>>, vector<1x1x16xi32>,
      %parallel_loop3A_178 = arith.constant 0 : i32
      %parallel_loop3A_179 = arith.index_cast %parallel_loop3A_109 : i32 to index
      %parallel_loop3A_180 = arith.index_cast %parallel_loop3A_178 : i32 to index
      %parallel_loop3A_181 = arith.constant 64 : index
      %parallel_loop3A_182 = tpu.vector_load %arg5[%parallel_loop3A_179, %parallel_loop3A_180, %parallel_loop3A_181] {strides = array<i32>} : memref<25x8x128xi32, #tpu.memory_space<vmem>>, vector<1x1x16xi32>,
      %parallel_loop3A_183 = vector.shape_cast %parallel_loop3A_182 : vector<1x1x16xi32> to vector<16xi32>
      %parallel_loop3A_184 = arith.addi %parallel_loop3A_183, %parallel_loop3A_183 : vector<16xi32>
      %parallel_loop3A_185 = arith.cmpi sge, %parallel_loop3A_183, %broadcast_in_dim3A_3 : vector<16xi32>
      %parallel_loop3A_186 = arith.select %parallel_loop3A_185, %broadcast_in_dim3A_5, %broadcast_in_dim3A_7 : vector<16xi1>, vector<16xi32>
      %parallel_loop3A_187 = arith.subi %parallel_loop3A_184, %parallel_loop3A_186 : vector<16xi32>
      %parallel_loop3A_188 = arith.constant 0 : i32
      %parallel_loop3A_189 = arith.index_cast %parallel_loop3A_109 : i32 to index
      %parallel_loop3A_190 = arith.index_cast %parallel_loop3A_188 : i32 to index
      %parallel_loop3A_191 = arith.constant 64 : index
      %parallel_loop3A_192 = tpu.vector_load %arg5[%parallel_loop3A_189, %parallel_loop3A_190, %parallel_loop3A_191] {strides = array<i32>} : memref<25x8x128xi32, #tpu.memory_space<vmem>>, vector<1x1x16xi32>,
      %parallel_loop3A_193 = vector.shape_cast %parallel_loop3A_192 : vector<1x1x16xi32> to vector<16xi32>
      %parallel_loop3A_194 = vector.shape_cast %parallel_loop3A_187 : vector<16xi32> to vector<1x1x16xi32>
      tpu.vector_store %arg5[%parallel_loop3A_189, %parallel_loop3A_190, %parallel_loop3A_191], %parallel_loop3A_194 {strides = array<i32>} : memref<25x8x128xi32, #tpu.memory_space<vmem>>, vector<1x1x16xi32>,
      %parallel_loop3A_195 = arith.constant 0 : i32
      %parallel_loop3A_196 = arith.index_cast %parallel_loop3A_109 : i32 to index
      %parallel_loop3A_197 = arith.index_cast %parallel_loop3A_195 : i32 to index
      %parallel_loop3A_198 = arith.constant 80 : index
      %parallel_loop3A_199 = tpu.vector_load %arg5[%parallel_loop3A_196, %parallel_loop3A_197, %parallel_loop3A_198] {strides = array<i32>} : memref<25x8x128xi32, #tpu.memory_space<vmem>>, vector<1x1x16xi32>,
      %parallel_loop3A_200 = vector.shape_cast %parallel_loop3A_199 : vector<1x1x16xi32> to vector<16xi32>
      %parallel_loop3A_201 = arith.addi %parallel_loop3A_200, %parallel_loop3A_200 : vector<16xi32>
      %parallel_loop3A_202 = arith.cmpi sge, %parallel_loop3A_200, %broadcast_in_dim3A_3 : vector<16xi32>
      %parallel_loop3A_203 = arith.select %parallel_loop3A_202, %broadcast_in_dim3A_5, %broadcast_in_dim3A_7 : vector<16xi1>, vector<16xi32>
      %parallel_loop3A_204 = arith.subi %parallel_loop3A_201, %parallel_loop3A_203 : vector<16xi32>
      %parallel_loop3A_205 = arith.constant 0 : i32
      %parallel_loop3A_206 = arith.index_cast %parallel_loop3A_109 : i32 to index
      %parallel_loop3A_207 = arith.index_cast %parallel_loop3A_205 : i32 to index
      %parallel_loop3A_208 = arith.constant 80 : index
      %parallel_loop3A_209 = tpu.vector_load %arg5[%parallel_loop3A_206, %parallel_loop3A_207, %parallel_loop3A_208] {strides = array<i32>} : memref<25x8x128xi32, #tpu.memory_space<vmem>>, vector<1x1x16xi32>,
      %parallel_loop3A_210 = vector.shape_cast %parallel_loop3A_209 : vector<1x1x16xi32> to vector<16xi32>
      %parallel_loop3A_211 = vector.shape_cast %parallel_loop3A_204 : vector<16xi32> to vector<1x1x16xi32>
      tpu.vector_store %arg5[%parallel_loop3A_206, %parallel_loop3A_207, %parallel_loop3A_208], %parallel_loop3A_211 {strides = array<i32>} : memref<25x8x128xi32, #tpu.memory_space<vmem>>, vector<1x1x16xi32>,
      %parallel_loop3A_212 = arith.constant 0 : i32
      %parallel_loop3A_213 = arith.index_cast %parallel_loop3A_109 : i32 to index
      %parallel_loop3A_214 = arith.index_cast %parallel_loop3A_212 : i32 to index
      %parallel_loop3A_215 = arith.constant 96 : index
      %parallel_loop3A_216 = tpu.vector_load %arg5[%parallel_loop3A_213, %parallel_loop3A_214, %parallel_loop3A_215] {strides = array<i32>} : memref<25x8x128xi32, #tpu.memory_space<vmem>>, vector<1x1x16xi32>,
      %parallel_loop3A_217 = vector.shape_cast %parallel_loop3A_216 : vector<1x1x16xi32> to vector<16xi32>
      %parallel_loop3A_218 = arith.addi %parallel_loop3A_217, %parallel_loop3A_217 : vector<16xi32>
      %parallel_loop3A_219 = arith.cmpi sge, %parallel_loop3A_217, %broadcast_in_dim3A_3 : vector<16xi32>
      %parallel_loop3A_220 = arith.select %parallel_loop3A_219, %broadcast_in_dim3A_5, %broadcast_in_dim3A_7 : vector<16xi1>, vector<16xi32>
      %parallel_loop3A_221 = arith.subi %parallel_loop3A_218, %parallel_loop3A_220 : vector<16xi32>
      %parallel_loop3A_222 = arith.constant 0 : i32
      %parallel_loop3A_223 = arith.index_cast %parallel_loop3A_109 : i32 to index
      %parallel_loop3A_224 = arith.index_cast %parallel_loop3A_222 : i32 to index
      %parallel_loop3A_225 = arith.constant 96 : index
      %parallel_loop3A_226 = tpu.vector_load %arg5[%parallel_loop3A_223, %parallel_loop3A_224, %parallel_loop3A_225] {strides = array<i32>} : memref<25x8x128xi32, #tpu.memory_space<vmem>>, vector<1x1x16xi32>,
      %parallel_loop3A_227 = vector.shape_cast %parallel_loop3A_226 : vector<1x1x16xi32> to vector<16xi32>
      %parallel_loop3A_228 = vector.shape_cast %parallel_loop3A_221 : vector<16xi32> to vector<1x1x16xi32>
      tpu.vector_store %arg5[%parallel_loop3A_223, %parallel_loop3A_224, %parallel_loop3A_225], %parallel_loop3A_228 {strides = array<i32>} : memref<25x8x128xi32, #tpu.memory_space<vmem>>, vector<1x1x16xi32>,
      %parallel_loop3A_229 = arith.constant 0 : i32
      %parallel_loop3A_230 = arith.index_cast %parallel_loop3A_109 : i32 to index
      %parallel_loop3A_231 = arith.index_cast %parallel_loop3A_229 : i32 to index
      %parallel_loop3A_232 = arith.constant 112 : index
      %parallel_loop3A_233 = tpu.vector_load %arg5[%parallel_loop3A_230, %parallel_loop3A_231, %parallel_loop3A_232] {strides = array<i32>} : memref<25x8x128xi32, #tpu.memory_space<vmem>>, vector<1x1x16xi32>,
      %parallel_loop3A_234 = vector.shape_cast %parallel_loop3A_233 : vector<1x1x16xi32> to vector<16xi32>
      %parallel_loop3A_235 = arith.addi %parallel_loop3A_234, %parallel_loop3A_234 : vector<16xi32>
      %parallel_loop3A_236 = arith.cmpi sge, %parallel_loop3A_234, %broadcast_in_dim3A_3 : vector<16xi32>
      %parallel_loop3A_237 = arith.select %parallel_loop3A_236, %broadcast_in_dim3A_5, %broadcast_in_dim3A_7 : vector<16xi1>, vector<16xi32>
      %parallel_loop3A_238 = arith.subi %parallel_loop3A_235, %parallel_loop3A_237 : vector<16xi32>
      %parallel_loop3A_239 = arith.constant 0 : i32
      %parallel_loop3A_240 = arith.index_cast %parallel_loop3A_109 : i32 to index
      %parallel_loop3A_241 = arith.index_cast %parallel_loop3A_239 : i32 to index
      %parallel_loop3A_242 = arith.constant 112 : index
      %parallel_loop3A_243 = tpu.vector_load %arg5[%parallel_loop3A_240, %parallel_loop3A_241, %parallel_loop3A_242] {strides = array<i32>} : memref<25x8x128xi32, #tpu.memory_space<vmem>>, vector<1x1x16xi32>,
      %parallel_loop3A_244 = vector.shape_cast %parallel_loop3A_243 : vector<1x1x16xi32> to vector<16xi32>
      %parallel_loop3A_245 = vector.shape_cast %parallel_loop3A_238 : vector<16xi32> to vector<1x1x16xi32>
      tpu.vector_store %arg5[%parallel_loop3A_240, %parallel_loop3A_241, %parallel_loop3A_242], %parallel_loop3A_245 {strides = array<i32>} : memref<25x8x128xi32, #tpu.memory_space<vmem>>, vector<1x1x16xi32>,
      %parallel_loop3A_246 = arith.constant 1 : i32
      %parallel_loop3A_247 = arith.index_cast %parallel_loop3A_109 : i32 to index
      %parallel_loop3A_248 = arith.index_cast %parallel_loop3A_246 : i32 to index
      %parallel_loop3A_249 = arith.constant 0 : index
      %parallel_loop3A_250 = tpu.vector_load %arg5[%parallel_loop3A_247, %parallel_loop3A_248, %parallel_loop3A_249] {strides = array<i32>} : memref<25x8x128xi32, #tpu.memory_space<vmem>>, vector<1x1x16xi32>,
      %parallel_loop3A_251 = vector.shape_cast %parallel_loop3A_250 : vector<1x1x16xi32> to vector<16xi32>
      %parallel_loop3A_252 = arith.addi %parallel_loop3A_251, %parallel_loop3A_251 : vector<16xi32>
      %parallel_loop3A_253 = arith.cmpi sge, %parallel_loop3A_251, %broadcast_in_dim3A_3 : vector<16xi32>
      %parallel_loop3A_254 = arith.select %parallel_loop3A_253, %broadcast_in_dim3A_5, %broadcast_in_dim3A_7 : vector<16xi1>, vector<16xi32>
      %parallel_loop3A_255 = arith.subi %parallel_loop3A_252, %parallel_loop3A_254 : vector<16xi32>
      %parallel_loop3A_256 = arith.constant 1 : i32
      %parallel_loop3A_257 = arith.index_cast %parallel_loop3A_109 : i32 to index
      %parallel_loop3A_258 = arith.index_cast %parallel_loop3A_256 : i32 to index
      %parallel_loop3A_259 = arith.constant 0 : index
      %parallel_loop3A_260 = tpu.vector_load %arg5[%parallel_loop3A_257, %parallel_loop3A_258, %parallel_loop3A_259] {strides = array<i32>} : memref<25x8x128xi32, #tpu.memory_space<vmem>>, vector<1x1x16xi32>,
      %parallel_loop3A_261 = vector.shape_cast %parallel_loop3A_260 : vector<1x1x16xi32> to vector<16xi32>
      %parallel_loop3A_262 = vector.shape_cast %parallel_loop3A_255 : vector<16xi32> to vector<1x1x16xi32>
      tpu.vector_store %arg5[%parallel_loop3A_257, %parallel_loop3A_258, %parallel_loop3A_259], %parallel_loop3A_262 {strides = array<i32>} : memref<25x8x128xi32, #tpu.memory_space<vmem>>, vector<1x1x16xi32>,
      %parallel_loop3A_263 = arith.constant 1 : i32
      %parallel_loop3A_264 = arith.index_cast %parallel_loop3A_109 : i32 to index
      %parallel_loop3A_265 = arith.index_cast %parallel_loop3A_263 : i32 to index
      %parallel_loop3A_266 = arith.constant 16 : index
      %parallel_loop3A_267 = tpu.vector_load %arg5[%parallel_loop3A_264, %parallel_loop3A_265, %parallel_loop3A_266] {strides = array<i32>} : memref<25x8x128xi32, #tpu.memory_space<vmem>>, vector<1x1x16xi32>,
      %parallel_loop3A_268 = vector.shape_cast %parallel_loop3A_267 : vector<1x1x16xi32> to vector<16xi32>
      %parallel_loop3A_269 = arith.addi %parallel_loop3A_268, %parallel_loop3A_268 : vector<16xi32>
      %parallel_loop3A_270 = arith.cmpi sge, %parallel_loop3A_268, %broadcast_in_dim3A_3 : vector<16xi32>
      %parallel_loop3A_271 = arith.select %parallel_loop3A_270, %broadcast_in_dim3A_5, %broadcast_in_dim3A_7 : vector<16xi1>, vector<16xi32>
      %parallel_loop3A_272 = arith.subi %parallel_loop3A_269, %parallel_loop3A_271 : vector<16xi32>
      %parallel_loop3A_273 = arith.constant 1 : i32
      %parallel_loop3A_274 = arith.index_cast %parallel_loop3A_109 : i32 to index
      %parallel_loop3A_275 = arith.index_cast %parallel_loop3A_273 : i32 to index
      %parallel_loop3A_276 = arith.constant 16 : index
      %parallel_loop3A_277 = tpu.vector_load %arg5[%parallel_loop3A_274, %parallel_loop3A_275, %parallel_loop3A_276] {strides = array<i32>} : memref<25x8x128xi32, #tpu.memory_space<vmem>>, vector<1x1x16xi32>,
      %parallel_loop3A_278 = vector.shape_cast %parallel_loop3A_277 : vector<1x1x16xi32> to vector<16xi32>
      %parallel_loop3A_279 = vector.shape_cast %parallel_loop3A_272 : vector<16xi32> to vector<1x1x16xi32>
      tpu.vector_store %arg5[%parallel_loop3A_274, %parallel_loop3A_275, %parallel_loop3A_276], %parallel_loop3A_279 {strides = array<i32>} : memref<25x8x128xi32, #tpu.memory_space<vmem>>, vector<1x1x16xi32>,
      %parallel_loop3A_280 = arith.constant 1 : i32
      %parallel_loop3A_281 = arith.index_cast %parallel_loop3A_109 : i32 to index
      %parallel_loop3A_282 = arith.index_cast %parallel_loop3A_280 : i32 to index
      %parallel_loop3A_283 = arith.constant 32 : index
      %parallel_loop3A_284 = tpu.vector_load %arg5[%parallel_loop3A_281, %parallel_loop3A_282, %parallel_loop3A_283] {strides = array<i32>} : memref<25x8x128xi32, #tpu.memory_space<vmem>>, vector<1x1x16xi32>,
      %parallel_loop3A_285 = vector.shape_cast %parallel_loop3A_284 : vector<1x1x16xi32> to vector<16xi32>
      %parallel_loop3A_286 = arith.addi %parallel_loop3A_285, %parallel_loop3A_285 : vector<16xi32>
      %parallel_loop3A_287 = arith.cmpi sge, %parallel_loop3A_285, %broadcast_in_dim3A_3 : vector<16xi32>
      %parallel_loop3A_288 = arith.select %parallel_loop3A_287, %broadcast_in_dim3A_5, %broadcast_in_dim3A_7 : vector<16xi1>, vector<16xi32>
      %parallel_loop3A_289 = arith.subi %parallel_loop3A_286, %parallel_loop3A_288 : vector<16xi32>
      %parallel_loop3A_290 = arith.constant 1 : i32
      %parallel_loop3A_291 = arith.index_cast %parallel_loop3A_109 : i32 to index
      %parallel_loop3A_292 = arith.index_cast %parallel_loop3A_290 : i32 to index
      %parallel_loop3A_293 = arith.constant 32 : index
      %parallel_loop3A_294 = tpu.vector_load %arg5[%parallel_loop3A_291, %parallel_loop3A_292, %parallel_loop3A_293] {strides = array<i32>} : memref<25x8x128xi32, #tpu.memory_space<vmem>>, vector<1x1x16xi32>,
      %parallel_loop3A_295 = vector.shape_cast %parallel_loop3A_294 : vector<1x1x16xi32> to vector<16xi32>
      %parallel_loop3A_296 = vector.shape_cast %parallel_loop3A_289 : vector<16xi32> to vector<1x1x16xi32>
      tpu.vector_store %arg5[%parallel_loop3A_291, %parallel_loop3A_292, %parallel_loop3A_293], %parallel_loop3A_296 {strides = array<i32>} : memref<25x8x128xi32, #tpu.memory_space<vmem>>, vector<1x1x16xi32>,
      %parallel_loop3A_297 = arith.constant 1 : i32
      %parallel_loop3A_298 = arith.index_cast %parallel_loop3A_109 : i32 to index
      %parallel_loop3A_299 = arith.index_cast %parallel_loop3A_297 : i32 to index
      %parallel_loop3A_300 = arith.constant 48 : index
      %parallel_loop3A_301 = tpu.vector_load %arg5[%parallel_loop3A_298, %parallel_loop3A_299, %parallel_loop3A_300] {strides = array<i32>} : memref<25x8x128xi32, #tpu.memory_space<vmem>>, vector<1x1x16xi32>,
      %parallel_loop3A_302 = vector.shape_cast %parallel_loop3A_301 : vector<1x1x16xi32> to vector<16xi32>
      %parallel_loop3A_303 = arith.addi %parallel_loop3A_302, %parallel_loop3A_302 : vector<16xi32>
      %parallel_loop3A_304 = arith.cmpi sge, %parallel_loop3A_302, %broadcast_in_dim3A_3 : vector<16xi32>
      %parallel_loop3A_305 = arith.select %parallel_loop3A_304, %broadcast_in_dim3A_5, %broadcast_in_dim3A_7 : vector<16xi1>, vector<16xi32>
      %parallel_loop3A_306 = arith.subi %parallel_loop3A_303, %parallel_loop3A_305 : vector<16xi32>
      %parallel_loop3A_307 = arith.constant 1 : i32
      %parallel_loop3A_308 = arith.index_cast %parallel_loop3A_109 : i32 to index
      %parallel_loop3A_309 = arith.index_cast %parallel_loop3A_307 : i32 to index
      %parallel_loop3A_310 = arith.constant 48 : index
      %parallel_loop3A_311 = tpu.vector_load %arg5[%parallel_loop3A_308, %parallel_loop3A_309, %parallel_loop3A_310] {strides = array<i32>} : memref<25x8x128xi32, #tpu.memory_space<vmem>>, vector<1x1x16xi32>,
      %parallel_loop3A_312 = vector.shape_cast %parallel_loop3A_311 : vector<1x1x16xi32> to vector<16xi32>
      %parallel_loop3A_313 = vector.shape_cast %parallel_loop3A_306 : vector<16xi32> to vector<1x1x16xi32>
      tpu.vector_store %arg5[%parallel_loop3A_308, %parallel_loop3A_309, %parallel_loop3A_310], %parallel_loop3A_313 {strides = array<i32>} : memref<25x8x128xi32, #tpu.memory_space<vmem>>, vector<1x1x16xi32>,
      %parallel_loop3A_314 = arith.constant 1 : i32
      %parallel_loop3A_315 = arith.index_cast %parallel_loop3A_109 : i32 to index
      %parallel_loop3A_316 = arith.index_cast %parallel_loop3A_314 : i32 to index
      %parallel_loop3A_317 = arith.constant 64 : index
      %parallel_loop3A_318 = tpu.vector_load %arg5[%parallel_loop3A_315, %parallel_loop3A_316, %parallel_loop3A_317] {strides = array<i32>} : memref<25x8x128xi32, #tpu.memory_space<vmem>>, vector<1x1x16xi32>,
      %parallel_loop3A_319 = vector.shape_cast %parallel_loop3A_318 : vector<1x1x16xi32> to vector<16xi32>
      %parallel_loop3A_320 = arith.addi %parallel_loop3A_319, %parallel_loop3A_319 : vector<16xi32>
      %parallel_loop3A_321 = arith.cmpi sge, %parallel_loop3A_319, %broadcast_in_dim3A_3 : vector<16xi32>
      %parallel_loop3A_322 = arith.select %parallel_loop3A_321, %broadcast_in_dim3A_5, %broadcast_in_dim3A_7 : vector<16xi1>, vector<16xi32>
      %parallel_loop3A_323 = arith.subi %parallel_loop3A_320, %parallel_loop3A_322 : vector<16xi32>
      %parallel_loop3A_324 = arith.constant 1 : i32
      %parallel_loop3A_325 = arith.index_cast %parallel_loop3A_109 : i32 to index
      %parallel_loop3A_326 = arith.index_cast %parallel_loop3A_324 : i32 to index
      %parallel_loop3A_327 = arith.constant 64 : index
      %parallel_loop3A_328 = tpu.vector_load %arg5[%parallel_loop3A_325, %parallel_loop3A_326, %parallel_loop3A_327] {strides = array<i32>} : memref<25x8x128xi32, #tpu.memory_space<vmem>>, vector<1x1x16xi32>,
      %parallel_loop3A_329 = vector.shape_cast %parallel_loop3A_328 : vector<1x1x16xi32> to vector<16xi32>
      %parallel_loop3A_330 = vector.shape_cast %parallel_loop3A_323 : vector<16xi32> to vector<1x1x16xi32>
      tpu.vector_store %arg5[%parallel_loop3A_325, %parallel_loop3A_326, %parallel_loop3A_327], %parallel_loop3A_330 {strides = array<i32>} : memref<25x8x128xi32, #tpu.memory_space<vmem>>, vector<1x1x16xi32>,
      %parallel_loop3A_331 = arith.constant 1 : i32
      %parallel_loop3A_332 = arith.index_cast %parallel_loop3A_109 : i32 to index
      %parallel_loop3A_333 = arith.index_cast %parallel_loop3A_331 : i32 to index
      %parallel_loop3A_334 = arith.constant 80 : index
      %parallel_loop3A_335 = tpu.vector_load %arg5[%parallel_loop3A_332, %parallel_loop3A_333, %parallel_loop3A_334] {strides = array<i32>} : memref<25x8x128xi32, #tpu.memory_space<vmem>>, vector<1x1x16xi32>,
      %parallel_loop3A_336 = vector.shape_cast %parallel_loop3A_335 : vector<1x1x16xi32> to vector<16xi32>
      %parallel_loop3A_337 = arith.addi %parallel_loop3A_336, %parallel_loop3A_336 : vector<16xi32>
      %parallel_loop3A_338 = arith.cmpi sge, %parallel_loop3A_336, %broadcast_in_dim3A_3 : vector<16xi32>
      %parallel_loop3A_339 = arith.select %parallel_loop3A_338, %broadcast_in_dim3A_5, %broadcast_in_dim3A_7 : vector<16xi1>, vector<16xi32>
      %parallel_loop3A_340 = arith.subi %parallel_loop3A_337, %parallel_loop3A_339 : vector<16xi32>
      %parallel_loop3A_341 = arith.constant 1 : i32
      %parallel_loop3A_342 = arith.index_cast %parallel_loop3A_109 : i32 to index
      %parallel_loop3A_343 = arith.index_cast %parallel_loop3A_341 : i32 to index
      %parallel_loop3A_344 = arith.constant 80 : index
      %parallel_loop3A_345 = tpu.vector_load %arg5[%parallel_loop3A_342, %parallel_loop3A_343, %parallel_loop3A_344] {strides = array<i32>} : memref<25x8x128xi32, #tpu.memory_space<vmem>>, vector<1x1x16xi32>,
      %parallel_loop3A_346 = vector.shape_cast %parallel_loop3A_345 : vector<1x1x16xi32> to vector<16xi32>
      %parallel_loop3A_347 = vector.shape_cast %parallel_loop3A_340 : vector<16xi32> to vector<1x1x16xi32>
      tpu.vector_store %arg5[%parallel_loop3A_342, %parallel_loop3A_343, %parallel_loop3A_344], %parallel_loop3A_347 {strides = array<i32>} : memref<25x8x128xi32, #tpu.memory_space<vmem>>, vector<1x1x16xi32>,
      %parallel_loop3A_348 = arith.constant 1 : i32
      %parallel_loop3A_349 = arith.index_cast %parallel_loop3A_109 : i32 to index
      %parallel_loop3A_350 = arith.index_cast %parallel_loop3A_348 : i32 to index
      %parallel_loop3A_351 = arith.constant 96 : index
      %parallel_loop3A_352 = tpu.vector_load %arg5[%parallel_loop3A_349, %parallel_loop3A_350, %parallel_loop3A_351] {strides = array<i32>} : memref<25x8x128xi32, #tpu.memory_space<vmem>>, vector<1x1x16xi32>,
      %parallel_loop3A_353 = vector.shape_cast %parallel_loop3A_352 : vector<1x1x16xi32> to vector<16xi32>
      %parallel_loop3A_354 = arith.addi %parallel_loop3A_353, %parallel_loop3A_353 : vector<16xi32>
      %parallel_loop3A_355 = arith.cmpi sge, %parallel_loop3A_353, %broadcast_in_dim3A_3 : vector<16xi32>
      %parallel_loop3A_356 = arith.select %parallel_loop3A_355, %broadcast_in_dim3A_5, %broadcast_in_dim3A_7 : vector<16xi1>, vector<16xi32>
      %parallel_loop3A_357 = arith.subi %parallel_loop3A_354, %parallel_loop3A_356 : vector<16xi32>
      %parallel_loop3A_358 = arith.constant 1 : i32
      %parallel_loop3A_359 = arith.index_cast %parallel_loop3A_109 : i32 to index
      %parallel_loop3A_360 = arith.index_cast %parallel_loop3A_358 : i32 to index
      %parallel_loop3A_361 = arith.constant 96 : index
      %parallel_loop3A_362 = tpu.vector_load %arg5[%parallel_loop3A_359, %parallel_loop3A_360, %parallel_loop3A_361] {strides = array<i32>} : memref<25x8x128xi32, #tpu.memory_space<vmem>>, vector<1x1x16xi32>,
      %parallel_loop3A_363 = vector.shape_cast %parallel_loop3A_362 : vector<1x1x16xi32> to vector<16xi32>
      %parallel_loop3A_364 = vector.shape_cast %parallel_loop3A_357 : vector<16xi32> to vector<1x1x16xi32>
      tpu.vector_store %arg5[%parallel_loop3A_359, %parallel_loop3A_360, %parallel_loop3A_361], %parallel_loop3A_364 {strides = array<i32>} : memref<25x8x128xi32, #tpu.memory_space<vmem>>, vector<1x1x16xi32>,
      %parallel_loop3A_365 = arith.constant 1 : i32
      %parallel_loop3A_366 = arith.index_cast %parallel_loop3A_109 : i32 to index
      %parallel_loop3A_367 = arith.index_cast %parallel_loop3A_365 : i32 to index
      %parallel_loop3A_368 = arith.constant 112 : index
      %parallel_loop3A_369 = tpu.vector_load %arg5[%parallel_loop3A_366, %parallel_loop3A_367, %parallel_loop3A_368] {strides = array<i32>} : memref<25x8x128xi32, #tpu.memory_space<vmem>>, vector<1x1x16xi32>,
      %parallel_loop3A_370 = vector.shape_cast %parallel_loop3A_369 : vector<1x1x16xi32> to vector<16xi32>
      %parallel_loop3A_371 = arith.addi %parallel_loop3A_370, %parallel_loop3A_370 : vector<16xi32>
      %parallel_loop3A_372 = arith.cmpi sge, %parallel_loop3A_370, %broadcast_in_dim3A_3 : vector<16xi32>
      %parallel_loop3A_373 = arith.select %parallel_loop3A_372, %broadcast_in_dim3A_5, %broadcast_in_dim3A_7 : vector<16xi1>, vector<16xi32>
      %parallel_loop3A_374 = arith.subi %parallel_loop3A_371, %parallel_loop3A_373 : vector<16xi32>
      %parallel_loop3A_375 = arith.constant 1 : i32
      %parallel_loop3A_376 = arith.index_cast %parallel_loop3A_109 : i32 to index
      %parallel_loop3A_377 = arith.index_cast %parallel_loop3A_375 : i32 to index
      %parallel_loop3A_378 = arith.constant 112 : index
      %parallel_loop3A_379 = tpu.vector_load %arg5[%parallel_loop3A_376, %parallel_loop3A_377, %parallel_loop3A_378] {strides = array<i32>} : memref<25x8x128xi32, #tpu.memory_space<vmem>>, vector<1x1x16xi32>,
      %parallel_loop3A_380 = vector.shape_cast %parallel_loop3A_379 : vector<1x1x16xi32> to vector<16xi32>
      %parallel_loop3A_381 = vector.shape_cast %parallel_loop3A_374 : vector<16xi32> to vector<1x1x16xi32>
      tpu.vector_store %arg5[%parallel_loop3A_376, %parallel_loop3A_377, %parallel_loop3A_378], %parallel_loop3A_381 {strides = array<i32>} : memref<25x8x128xi32, #tpu.memory_space<vmem>>, vector<1x1x16xi32>,
      %parallel_loop3A_382 = arith.constant 2 : i32
      %parallel_loop3A_383 = arith.index_cast %parallel_loop3A_109 : i32 to index
      %parallel_loop3A_384 = arith.index_cast %parallel_loop3A_382 : i32 to index
      %parallel_loop3A_385 = arith.constant 0 : index
      %parallel_loop3A_386 = tpu.vector_load %arg5[%parallel_loop3A_383, %parallel_loop3A_384, %parallel_loop3A_385] {strides = array<i32>} : memref<25x8x128xi32, #tpu.memory_space<vmem>>, vector<1x1x16xi32>,
      %parallel_loop3A_387 = vector.shape_cast %parallel_loop3A_386 : vector<1x1x16xi32> to vector<16xi32>
      %parallel_loop3A_388 = arith.addi %parallel_loop3A_387, %parallel_loop3A_387 : vector<16xi32>
      %parallel_loop3A_389 = arith.cmpi sge, %parallel_loop3A_387, %broadcast_in_dim3A_3 : vector<16xi32>
      %parallel_loop3A_390 = arith.select %parallel_loop3A_389, %broadcast_in_dim3A_5, %broadcast_in_dim3A_7 : vector<16xi1>, vector<16xi32>
      %parallel_loop3A_391 = arith.subi %parallel_loop3A_388, %parallel_loop3A_390 : vector<16xi32>
      %parallel_loop3A_392 = arith.constant 2 : i32
      %parallel_loop3A_393 = arith.index_cast %parallel_loop3A_109 : i32 to index
      %parallel_loop3A_394 = arith.index_cast %parallel_loop3A_392 : i32 to index
      %parallel_loop3A_395 = arith.constant 0 : index
      %parallel_loop3A_396 = tpu.vector_load %arg5[%parallel_loop3A_393, %parallel_loop3A_394, %parallel_loop3A_395] {strides = array<i32>} : memref<25x8x128xi32, #tpu.memory_space<vmem>>, vector<1x1x16xi32>,
      %parallel_loop3A_397 = vector.shape_cast %parallel_loop3A_396 : vector<1x1x16xi32> to vector<16xi32>
      %parallel_loop3A_398 = vector.shape_cast %parallel_loop3A_391 : vector<16xi32> to vector<1x1x16xi32>
      tpu.vector_store %arg5[%parallel_loop3A_393, %parallel_loop3A_394, %parallel_loop3A_395], %parallel_loop3A_398 {strides = array<i32>} : memref<25x8x128xi32, #tpu.memory_space<vmem>>, vector<1x1x16xi32>,
      %parallel_loop3A_399 = arith.constant 2 : i32
      %parallel_loop3A_400 = arith.index_cast %parallel_loop3A_109 : i32 to index
      %parallel_loop3A_401 = arith.index_cast %parallel_loop3A_399 : i32 to index
      %parallel_loop3A_402 = arith.constant 16 : index
      %parallel_loop3A_403 = tpu.vector_load %arg5[%parallel_loop3A_400, %parallel_loop3A_401, %parallel_loop3A_402] {strides = array<i32>} : memref<25x8x128xi32, #tpu.memory_space<vmem>>, vector<1x1x16xi32>,
      %parallel_loop3A_404 = vector.shape_cast %parallel_loop3A_403 : vector<1x1x16xi32> to vector<16xi32>
      %parallel_loop3A_405 = arith.addi %parallel_loop3A_404, %parallel_loop3A_404 : vector<16xi32>
      %parallel_loop3A_406 = arith.cmpi sge, %parallel_loop3A_404, %broadcast_in_dim3A_3 : vector<16xi32>
      %parallel_loop3A_407 = arith.select %parallel_loop3A_406, %broadcast_in_dim3A_5, %broadcast_in_dim3A_7 : vector<16xi1>, vector<16xi32>
      %parallel_loop3A_408 = arith.subi %parallel_loop3A_405, %parallel_loop3A_407 : vector<16xi32>
      %parallel_loop3A_409 = arith.constant 2 : i32
      %parallel_loop3A_410 = arith.index_cast %parallel_loop3A_109 : i32 to index
      %parallel_loop3A_411 = arith.index_cast %parallel_loop3A_409 : i32 to index
      %parallel_loop3A_412 = arith.constant 16 : index
      %parallel_loop3A_413 = tpu.vector_load %arg5[%parallel_loop3A_410, %parallel_loop3A_411, %parallel_loop3A_412] {strides = array<i32>} : memref<25x8x128xi32, #tpu.memory_space<vmem>>, vector<1x1x16xi32>,
      %parallel_loop3A_414 = vector.shape_cast %parallel_loop3A_413 : vector<1x1x16xi32> to vector<16xi32>
      %parallel_loop3A_415 = vector.shape_cast %parallel_loop3A_408 : vector<16xi32> to vector<1x1x16xi32>
      tpu.vector_store %arg5[%parallel_loop3A_410, %parallel_loop3A_411, %parallel_loop3A_412], %parallel_loop3A_415 {strides = array<i32>} : memref<25x8x128xi32, #tpu.memory_space<vmem>>, vector<1x1x16xi32>,
      %parallel_loop3A_416 = arith.constant 2 : i32
      %parallel_loop3A_417 = arith.index_cast %parallel_loop3A_109 : i32 to index
      %parallel_loop3A_418 = arith.index_cast %parallel_loop3A_416 : i32 to index
      %parallel_loop3A_419 = arith.constant 32 : index
      %parallel_loop3A_420 = tpu.vector_load %arg5[%parallel_loop3A_417, %parallel_loop3A_418, %parallel_loop3A_419] {strides = array<i32>} : memref<25x8x128xi32, #tpu.memory_space<vmem>>, vector<1x1x16xi32>,
      %parallel_loop3A_421 = vector.shape_cast %parallel_loop3A_420 : vector<1x1x16xi32> to vector<16xi32>
      %parallel_loop3A_422 = arith.addi %parallel_loop3A_421, %parallel_loop3A_421 : vector<16xi32>
      %parallel_loop3A_423 = arith.cmpi sge, %parallel_loop3A_421, %broadcast_in_dim3A_3 : vector<16xi32>
      %parallel_loop3A_424 = arith.select %parallel_loop3A_423, %broadcast_in_dim3A_5, %broadcast_in_dim3A_7 : vector<16xi1>, vector<16xi32>
      %parallel_loop3A_425 = arith.subi %parallel_loop3A_422, %parallel_loop3A_424 : vector<16xi32>
      %parallel_loop3A_426 = arith.constant 2 : i32
      %parallel_loop3A_427 = arith.index_cast %parallel_loop3A_109 : i32 to index
      %parallel_loop3A_428 = arith.index_cast %parallel_loop3A_426 : i32 to index
      %parallel_loop3A_429 = arith.constant 32 : index
      %parallel_loop3A_430 = tpu.vector_load %arg5[%parallel_loop3A_427, %parallel_loop3A_428, %parallel_loop3A_429] {strides = array<i32>} : memref<25x8x128xi32, #tpu.memory_space<vmem>>, vector<1x1x16xi32>,
      %parallel_loop3A_431 = vector.shape_cast %parallel_loop3A_430 : vector<1x1x16xi32> to vector<16xi32>
      %parallel_loop3A_432 = vector.shape_cast %parallel_loop3A_425 : vector<16xi32> to vector<1x1x16xi32>
      tpu.vector_store %arg5[%parallel_loop3A_427, %parallel_loop3A_428, %parallel_loop3A_429], %parallel_loop3A_432 {strides = array<i32>} : memref<25x8x128xi32, #tpu.memory_space<vmem>>, vector<1x1x16xi32>,
      %parallel_loop3A_433 = arith.constant 2 : i32
      %parallel_loop3A_434 = arith.index_cast %parallel_loop3A_109 : i32 to index
      %parallel_loop3A_435 = arith.index_cast %parallel_loop3A_433 : i32 to index
      %parallel_loop3A_436 = arith.constant 48 : index
      %parallel_loop3A_437 = tpu.vector_load %arg5[%parallel_loop3A_434, %parallel_loop3A_435, %parallel_loop3A_436] {strides = array<i32>} : memref<25x8x128xi32, #tpu.memory_space<vmem>>, vector<1x1x16xi32>,
      %parallel_loop3A_438 = vector.shape_cast %parallel_loop3A_437 : vector<1x1x16xi32> to vector<16xi32>
      %parallel_loop3A_439 = arith.addi %parallel_loop3A_438, %parallel_loop3A_438 : vector<16xi32>
      %parallel_loop3A_440 = arith.cmpi sge, %parallel_loop3A_438, %broadcast_in_dim3A_3 : vector<16xi32>
      %parallel_loop3A_441 = arith.select %parallel_loop3A_440, %broadcast_in_dim3A_5, %broadcast_in_dim3A_7 : vector<16xi1>, vector<16xi32>
      %parallel_loop3A_442 = arith.subi %parallel_loop3A_439, %parallel_loop3A_441 : vector<16xi32>
      %parallel_loop3A_443 = arith.constant 2 : i32
      %parallel_loop3A_444 = arith.index_cast %parallel_loop3A_109 : i32 to index
      %parallel_loop3A_445 = arith.index_cast %parallel_loop3A_443 : i32 to index
      %parallel_loop3A_446 = arith.constant 48 : index
      %parallel_loop3A_447 = tpu.vector_load %arg5[%parallel_loop3A_444, %parallel_loop3A_445, %parallel_loop3A_446] {strides = array<i32>} : memref<25x8x128xi32, #tpu.memory_space<vmem>>, vector<1x1x16xi32>,
      %parallel_loop3A_448 = vector.shape_cast %parallel_loop3A_447 : vector<1x1x16xi32> to vector<16xi32>
      %parallel_loop3A_449 = vector.shape_cast %parallel_loop3A_442 : vector<16xi32> to vector<1x1x16xi32>
      tpu.vector_store %arg5[%parallel_loop3A_444, %parallel_loop3A_445, %parallel_loop3A_446], %parallel_loop3A_449 {strides = array<i32>} : memref<25x8x128xi32, #tpu.memory_space<vmem>>, vector<1x1x16xi32>,
      %parallel_loop3A_450 = arith.constant 2 : i32
      %parallel_loop3A_451 = arith.index_cast %parallel_loop3A_109 : i32 to index
      %parallel_loop3A_452 = arith.index_cast %parallel_loop3A_450 : i32 to index
      %parallel_loop3A_453 = arith.constant 64 : index
      %parallel_loop3A_454 = tpu.vector_load %arg5[%parallel_loop3A_451, %parallel_loop3A_452, %parallel_loop3A_453] {strides = array<i32>} : memref<25x8x128xi32, #tpu.memory_space<vmem>>, vector<1x1x16xi32>,
      %parallel_loop3A_455 = vector.shape_cast %parallel_loop3A_454 : vector<1x1x16xi32> to vector<16xi32>
      %parallel_loop3A_456 = arith.addi %parallel_loop3A_455, %parallel_loop3A_455 : vector<16xi32>
      %parallel_loop3A_457 = arith.cmpi sge, %parallel_loop3A_455, %broadcast_in_dim3A_3 : vector<16xi32>
      %parallel_loop3A_458 = arith.select %parallel_loop3A_457, %broadcast_in_dim3A_5, %broadcast_in_dim3A_7 : vector<16xi1>, vector<16xi32>
      %parallel_loop3A_459 = arith.subi %parallel_loop3A_456, %parallel_loop3A_458 : vector<16xi32>
      %parallel_loop3A_460 = arith.constant 2 : i32
      %parallel_loop3A_461 = arith.index_cast %parallel_loop3A_109 : i32 to index
      %parallel_loop3A_462 = arith.index_cast %parallel_loop3A_460 : i32 to index
      %parallel_loop3A_463 = arith.constant 64 : index
      %parallel_loop3A_464 = tpu.vector_load %arg5[%parallel_loop3A_461, %parallel_loop3A_462, %parallel_loop3A_463] {strides = array<i32>} : memref<25x8x128xi32, #tpu.memory_space<vmem>>, vector<1x1x16xi32>,
      %parallel_loop3A_465 = vector.shape_cast %parallel_loop3A_464 : vector<1x1x16xi32> to vector<16xi32>
      %parallel_loop3A_466 = vector.shape_cast %parallel_loop3A_459 : vector<16xi32> to vector<1x1x16xi32>
      tpu.vector_store %arg5[%parallel_loop3A_461, %parallel_loop3A_462, %parallel_loop3A_463], %parallel_loop3A_466 {strides = array<i32>} : memref<25x8x128xi32, #tpu.memory_space<vmem>>, vector<1x1x16xi32>,
      %parallel_loop3A_467 = arith.constant 2 : i32
      %parallel_loop3A_468 = arith.index_cast %parallel_loop3A_109 : i32 to index
      %parallel_loop3A_469 = arith.index_cast %parallel_loop3A_467 : i32 to index
      %parallel_loop3A_470 = arith.constant 80 : index
      %parallel_loop3A_471 = tpu.vector_load %arg5[%parallel_loop3A_468, %parallel_loop3A_469, %parallel_loop3A_470] {strides = array<i32>} : memref<25x8x128xi32, #tpu.memory_space<vmem>>, vector<1x1x16xi32>,
      %parallel_loop3A_472 = vector.shape_cast %parallel_loop3A_471 : vector<1x1x16xi32> to vector<16xi32>
      %parallel_loop3A_473 = arith.addi %parallel_loop3A_472, %parallel_loop3A_472 : vector<16xi32>
      %parallel_loop3A_474 = arith.cmpi sge, %parallel_loop3A_472, %broadcast_in_dim3A_3 : vector<16xi32>
      %parallel_loop3A_475 = arith.select %parallel_loop3A_474, %broadcast_in_dim3A_5, %broadcast_in_dim3A_7 : vector<16xi1>, vector<16xi32>
      %parallel_loop3A_476 = arith.subi %parallel_loop3A_473, %parallel_loop3A_475 : vector<16xi32>
      %parallel_loop3A_477 = arith.constant 2 : i32
      %parallel_loop3A_478 = arith.index_cast %parallel_loop3A_109 : i32 to index
      %parallel_loop3A_479 = arith.index_cast %parallel_loop3A_477 : i32 to index
      %parallel_loop3A_480 = arith.constant 80 : index
      %parallel_loop3A_481 = tpu.vector_load %arg5[%parallel_loop3A_478, %parallel_loop3A_479, %parallel_loop3A_480] {strides = array<i32>} : memref<25x8x128xi32, #tpu.memory_space<vmem>>, vector<1x1x16xi32>,
      %parallel_loop3A_482 = vector.shape_cast %parallel_loop3A_481 : vector<1x1x16xi32> to vector<16xi32>
      %parallel_loop3A_483 = vector.shape_cast %parallel_loop3A_476 : vector<16xi32> to vector<1x1x16xi32>
      tpu.vector_store %arg5[%parallel_loop3A_478, %parallel_loop3A_479, %parallel_loop3A_480], %parallel_loop3A_483 {strides = array<i32>} : memref<25x8x128xi32, #tpu.memory_space<vmem>>, vector<1x1x16xi32>,
      %parallel_loop3A_484 = arith.constant 2 : i32
      %parallel_loop3A_485 = arith.index_cast %parallel_loop3A_109 : i32 to index
      %parallel_loop3A_486 = arith.index_cast %parallel_loop3A_484 : i32 to index
      %parallel_loop3A_487 = arith.constant 96 : index
      %parallel_loop3A_488 = tpu.vector_load %arg5[%parallel_loop3A_485, %parallel_loop3A_486, %parallel_loop3A_487] {strides = array<i32>} : memref<25x8x128xi32, #tpu.memory_space<vmem>>, vector<1x1x16xi32>,
      %parallel_loop3A_489 = vector.shape_cast %parallel_loop3A_488 : vector<1x1x16xi32> to vector<16xi32>
      %parallel_loop3A_490 = arith.addi %parallel_loop3A_489, %parallel_loop3A_489 : vector<16xi32>
      %parallel_loop3A_491 = arith.cmpi sge, %parallel_loop3A_489, %broadcast_in_dim3A_3 : vector<16xi32>
      %parallel_loop3A_492 = arith.select %parallel_loop3A_491, %broadcast_in_dim3A_5, %broadcast_in_dim3A_7 : vector<16xi1>, vector<16xi32>
      %parallel_loop3A_493 = arith.subi %parallel_loop3A_490, %parallel_loop3A_492 : vector<16xi32>
      %parallel_loop3A_494 = arith.constant 2 : i32
      %parallel_loop3A_495 = arith.index_cast %parallel_loop3A_109 : i32 to index
      %parallel_loop3A_496 = arith.index_cast %parallel_loop3A_494 : i32 to index
      %parallel_loop3A_497 = arith.constant 96 : index
      %parallel_loop3A_498 = tpu.vector_load %arg5[%parallel_loop3A_495, %parallel_loop3A_496, %parallel_loop3A_497] {strides = array<i32>} : memref<25x8x128xi32, #tpu.memory_space<vmem>>, vector<1x1x16xi32>,
      %parallel_loop3A_499 = vector.shape_cast %parallel_loop3A_498 : vector<1x1x16xi32> to vector<16xi32>
      %parallel_loop3A_500 = vector.shape_cast %parallel_loop3A_493 : vector<16xi32> to vector<1x1x16xi32>
      tpu.vector_store %arg5[%parallel_loop3A_495, %parallel_loop3A_496, %parallel_loop3A_497], %parallel_loop3A_500 {strides = array<i32>} : memref<25x8x128xi32, #tpu.memory_space<vmem>>, vector<1x1x16xi32>,
      %parallel_loop3A_501 = arith.constant 2 : i32
      %parallel_loop3A_502 = arith.index_cast %parallel_loop3A_109 : i32 to index
      %parallel_loop3A_503 = arith.index_cast %parallel_loop3A_501 : i32 to index
      %parallel_loop3A_504 = arith.constant 112 : index
      %parallel_loop3A_505 = tpu.vector_load %arg5[%parallel_loop3A_502, %parallel_loop3A_503, %parallel_loop3A_504] {strides = array<i32>} : memref<25x8x128xi32, #tpu.memory_space<vmem>>, vector<1x1x16xi32>,
      %parallel_loop3A_506 = vector.shape_cast %parallel_loop3A_505 : vector<1x1x16xi32> to vector<16xi32>
      %parallel_loop3A_507 = arith.addi %parallel_loop3A_506, %parallel_loop3A_506 : vector<16xi32>
      %parallel_loop3A_508 = arith.cmpi sge, %parallel_loop3A_506, %broadcast_in_dim3A_3 : vector<16xi32>
      %parallel_loop3A_509 = arith.select %parallel_loop3A_508, %broadcast_in_dim3A_5, %broadcast_in_dim3A_7 : vector<16xi1>, vector<16xi32>
      %parallel_loop3A_510 = arith.subi %parallel_loop3A_507, %parallel_loop3A_509 : vector<16xi32>
      %parallel_loop3A_511 = arith.constant 2 : i32
      %parallel_loop3A_512 = arith.index_cast %parallel_loop3A_109 : i32 to index
      %parallel_loop3A_513 = arith.index_cast %parallel_loop3A_511 : i32 to index
      %parallel_loop3A_514 = arith.constant 112 : index
      %parallel_loop3A_515 = tpu.vector_load %arg5[%parallel_loop3A_512, %parallel_loop3A_513, %parallel_loop3A_514] {strides = array<i32>} : memref<25x8x128xi32, #tpu.memory_space<vmem>>, vector<1x1x16xi32>,
      %parallel_loop3A_516 = vector.shape_cast %parallel_loop3A_515 : vector<1x1x16xi32> to vector<16xi32>
      %parallel_loop3A_517 = vector.shape_cast %parallel_loop3A_510 : vector<16xi32> to vector<1x1x16xi32>
      tpu.vector_store %arg5[%parallel_loop3A_512, %parallel_loop3A_513, %parallel_loop3A_514], %parallel_loop3A_517 {strides = array<i32>} : memref<25x8x128xi32, #tpu.memory_space<vmem>>, vector<1x1x16xi32>,
      %parallel_loop3A_518 = arith.constant 3 : i32
      %parallel_loop3A_519 = arith.index_cast %parallel_loop3A_109 : i32 to index
      %parallel_loop3A_520 = arith.index_cast %parallel_loop3A_518 : i32 to index
      %parallel_loop3A_521 = arith.constant 0 : index
      %parallel_loop3A_522 = tpu.vector_load %arg5[%parallel_loop3A_519, %parallel_loop3A_520, %parallel_loop3A_521] {strides = array<i32>} : memref<25x8x128xi32, #tpu.memory_space<vmem>>, vector<1x1x16xi32>,
      %parallel_loop3A_523 = vector.shape_cast %parallel_loop3A_522 : vector<1x1x16xi32> to vector<16xi32>
      %parallel_loop3A_524 = arith.addi %parallel_loop3A_523, %parallel_loop3A_523 : vector<16xi32>
      %parallel_loop3A_525 = arith.cmpi sge, %parallel_loop3A_523, %broadcast_in_dim3A_3 : vector<16xi32>
      %parallel_loop3A_526 = arith.select %parallel_loop3A_525, %broadcast_in_dim3A_5, %broadcast_in_dim3A_7 : vector<16xi1>, vector<16xi32>
      %parallel_loop3A_527 = arith.subi %parallel_loop3A_524, %parallel_loop3A_526 : vector<16xi32>
      %parallel_loop3A_528 = arith.constant 3 : i32
      %parallel_loop3A_529 = arith.index_cast %parallel_loop3A_109 : i32 to index
      %parallel_loop3A_530 = arith.index_cast %parallel_loop3A_528 : i32 to index
      %parallel_loop3A_531 = arith.constant 0 : index
      %parallel_loop3A_532 = tpu.vector_load %arg5[%parallel_loop3A_529, %parallel_loop3A_530, %parallel_loop3A_531] {strides = array<i32>} : memref<25x8x128xi32, #tpu.memory_space<vmem>>, vector<1x1x16xi32>,
      %parallel_loop3A_533 = vector.shape_cast %parallel_loop3A_532 : vector<1x1x16xi32> to vector<16xi32>
      %parallel_loop3A_534 = vector.shape_cast %parallel_loop3A_527 : vector<16xi32> to vector<1x1x16xi32>
      tpu.vector_store %arg5[%parallel_loop3A_529, %parallel_loop3A_530, %parallel_loop3A_531], %parallel_loop3A_534 {strides = array<i32>} : memref<25x8x128xi32, #tpu.memory_space<vmem>>, vector<1x1x16xi32>,
      %parallel_loop3A_535 = arith.constant 3 : i32
      %parallel_loop3A_536 = arith.index_cast %parallel_loop3A_109 : i32 to index
      %parallel_loop3A_537 = arith.index_cast %parallel_loop3A_535 : i32 to index
      %parallel_loop3A_538 = arith.constant 16 : index
      %parallel_loop3A_539 = tpu.vector_load %arg5[%parallel_loop3A_536, %parallel_loop3A_537, %parallel_loop3A_538] {strides = array<i32>} : memref<25x8x128xi32, #tpu.memory_space<vmem>>, vector<1x1x16xi32>,
      %parallel_loop3A_540 = vector.shape_cast %parallel_loop3A_539 : vector<1x1x16xi32> to vector<16xi32>
      %parallel_loop3A_541 = arith.addi %parallel_loop3A_540, %parallel_loop3A_540 : vector<16xi32>
      %parallel_loop3A_542 = arith.cmpi sge, %parallel_loop3A_540, %broadcast_in_dim3A_3 : vector<16xi32>
      %parallel_loop3A_543 = arith.select %parallel_loop3A_542, %broadcast_in_dim3A_5, %broadcast_in_dim3A_7 : vector<16xi1>, vector<16xi32>
      %parallel_loop3A_544 = arith.subi %parallel_loop3A_541, %parallel_loop3A_543 : vector<16xi32>
      %parallel_loop3A_545 = arith.constant 3 : i32
      %parallel_loop3A_546 = arith.index_cast %parallel_loop3A_109 : i32 to index
      %parallel_loop3A_547 = arith.index_cast %parallel_loop3A_545 : i32 to index
      %parallel_loop3A_548 = arith.constant 16 : index
      %parallel_loop3A_549 = tpu.vector_load %arg5[%parallel_loop3A_546, %parallel_loop3A_547, %parallel_loop3A_548] {strides = array<i32>} : memref<25x8x128xi32, #tpu.memory_space<vmem>>, vector<1x1x16xi32>,
      %parallel_loop3A_550 = vector.shape_cast %parallel_loop3A_549 : vector<1x1x16xi32> to vector<16xi32>
      %parallel_loop3A_551 = vector.shape_cast %parallel_loop3A_544 : vector<16xi32> to vector<1x1x16xi32>
      tpu.vector_store %arg5[%parallel_loop3A_546, %parallel_loop3A_547, %parallel_loop3A_548], %parallel_loop3A_551 {strides = array<i32>} : memref<25x8x128xi32, #tpu.memory_space<vmem>>, vector<1x1x16xi32>,
      %parallel_loop3A_552 = arith.constant 3 : i32
      %parallel_loop3A_553 = arith.index_cast %parallel_loop3A_109 : i32 to index
      %parallel_loop3A_554 = arith.index_cast %parallel_loop3A_552 : i32 to index
      %parallel_loop3A_555 = arith.constant 32 : index
      %parallel_loop3A_556 = tpu.vector_load %arg5[%parallel_loop3A_553, %parallel_loop3A_554, %parallel_loop3A_555] {strides = array<i32>} : memref<25x8x128xi32, #tpu.memory_space<vmem>>, vector<1x1x16xi32>,
      %parallel_loop3A_557 = vector.shape_cast %parallel_loop3A_556 : vector<1x1x16xi32> to vector<16xi32>
      %parallel_loop3A_558 = arith.addi %parallel_loop3A_557, %parallel_loop3A_557 : vector<16xi32>
      %parallel_loop3A_559 = arith.cmpi sge, %parallel_loop3A_557, %broadcast_in_dim3A_3 : vector<16xi32>
      %parallel_loop3A_560 = arith.select %parallel_loop3A_559, %broadcast_in_dim3A_5, %broadcast_in_dim3A_7 : vector<16xi1>, vector<16xi32>
      %parallel_loop3A_561 = arith.subi %parallel_loop3A_558, %parallel_loop3A_560 : vector<16xi32>
      %parallel_loop3A_562 = arith.constant 3 : i32
      %parallel_loop3A_563 = arith.index_cast %parallel_loop3A_109 : i32 to index
      %parallel_loop3A_564 = arith.index_cast %parallel_loop3A_562 : i32 to index
      %parallel_loop3A_565 = arith.constant 32 : index
      %parallel_loop3A_566 = tpu.vector_load %arg5[%parallel_loop3A_563, %parallel_loop3A_564, %parallel_loop3A_565] {strides = array<i32>} : memref<25x8x128xi32, #tpu.memory_space<vmem>>, vector<1x1x16xi32>,
      %parallel_loop3A_567 = vector.shape_cast %parallel_loop3A_566 : vector<1x1x16xi32> to vector<16xi32>
      %parallel_loop3A_568 = vector.shape_cast %parallel_loop3A_561 : vector<16xi32> to vector<1x1x16xi32>
      tpu.vector_store %arg5[%parallel_loop3A_563, %parallel_loop3A_564, %parallel_loop3A_565], %parallel_loop3A_568 {strides = array<i32>} : memref<25x8x128xi32, #tpu.memory_space<vmem>>, vector<1x1x16xi32>,
      %parallel_loop3A_569 = arith.constant 3 : i32
      %parallel_loop3A_570 = arith.index_cast %parallel_loop3A_109 : i32 to index
      %parallel_loop3A_571 = arith.index_cast %parallel_loop3A_569 : i32 to index
      %parallel_loop3A_572 = arith.constant 48 : index
      %parallel_loop3A_573 = tpu.vector_load %arg5[%parallel_loop3A_570, %parallel_loop3A_571, %parallel_loop3A_572] {strides = array<i32>} : memref<25x8x128xi32, #tpu.memory_space<vmem>>, vector<1x1x16xi32>,
      %parallel_loop3A_574 = vector.shape_cast %parallel_loop3A_573 : vector<1x1x16xi32> to vector<16xi32>
      %parallel_loop3A_575 = arith.addi %parallel_loop3A_574, %parallel_loop3A_574 : vector<16xi32>
      %parallel_loop3A_576 = arith.cmpi sge, %parallel_loop3A_574, %broadcast_in_dim3A_3 : vector<16xi32>
      %parallel_loop3A_577 = arith.select %parallel_loop3A_576, %broadcast_in_dim3A_5, %broadcast_in_dim3A_7 : vector<16xi1>, vector<16xi32>
      %parallel_loop3A_578 = arith.subi %parallel_loop3A_575, %parallel_loop3A_577 : vector<16xi32>
      %parallel_loop3A_579 = arith.constant 3 : i32
      %parallel_loop3A_580 = arith.index_cast %parallel_loop3A_109 : i32 to index
      %parallel_loop3A_581 = arith.index_cast %parallel_loop3A_579 : i32 to index
      %parallel_loop3A_582 = arith.constant 48 : index
      %parallel_loop3A_583 = tpu.vector_load %arg5[%parallel_loop3A_580, %parallel_loop3A_581, %parallel_loop3A_582] {strides = array<i32>} : memref<25x8x128xi32, #tpu.memory_space<vmem>>, vector<1x1x16xi32>,
      %parallel_loop3A_584 = vector.shape_cast %parallel_loop3A_583 : vector<1x1x16xi32> to vector<16xi32>
      %parallel_loop3A_585 = vector.shape_cast %parallel_loop3A_578 : vector<16xi32> to vector<1x1x16xi32>
      tpu.vector_store %arg5[%parallel_loop3A_580, %parallel_loop3A_581, %parallel_loop3A_582], %parallel_loop3A_585 {strides = array<i32>} : memref<25x8x128xi32, #tpu.memory_space<vmem>>, vector<1x1x16xi32>,
      %parallel_loop3A_586 = arith.constant 3 : i32
      %parallel_loop3A_587 = arith.index_cast %parallel_loop3A_109 : i32 to index
      %parallel_loop3A_588 = arith.index_cast %parallel_loop3A_586 : i32 to index
      %parallel_loop3A_589 = arith.constant 64 : index
      %parallel_loop3A_590 = tpu.vector_load %arg5[%parallel_loop3A_587, %parallel_loop3A_588, %parallel_loop3A_589] {strides = array<i32>} : memref<25x8x128xi32, #tpu.memory_space<vmem>>, vector<1x1x16xi32>,
      %parallel_loop3A_591 = vector.shape_cast %parallel_loop3A_590 : vector<1x1x16xi32> to vector<16xi32>
      %parallel_loop3A_592 = arith.addi %parallel_loop3A_591, %parallel_loop3A_591 : vector<16xi32>
      %parallel_loop3A_593 = arith.cmpi sge, %parallel_loop3A_591, %broadcast_in_dim3A_3 : vector<16xi32>
      %parallel_loop3A_594 = arith.select %parallel_loop3A_593, %broadcast_in_dim3A_5, %broadcast_in_dim3A_7 : vector<16xi1>, vector<16xi32>
      %parallel_loop3A_595 = arith.subi %parallel_loop3A_592, %parallel_loop3A_594 : vector<16xi32>
      %parallel_loop3A_596 = arith.constant 3 : i32
      %parallel_loop3A_597 = arith.index_cast %parallel_loop3A_109 : i32 to index
      %parallel_loop3A_598 = arith.index_cast %parallel_loop3A_596 : i32 to index
      %parallel_loop3A_599 = arith.constant 64 : index
      %parallel_loop3A_600 = tpu.vector_load %arg5[%parallel_loop3A_597, %parallel_loop3A_598, %parallel_loop3A_599] {strides = array<i32>} : memref<25x8x128xi32, #tpu.memory_space<vmem>>, vector<1x1x16xi32>,
      %parallel_loop3A_601 = vector.shape_cast %parallel_loop3A_600 : vector<1x1x16xi32> to vector<16xi32>
      %parallel_loop3A_602 = vector.shape_cast %parallel_loop3A_595 : vector<16xi32> to vector<1x1x16xi32>
      tpu.vector_store %arg5[%parallel_loop3A_597, %parallel_loop3A_598, %parallel_loop3A_599], %parallel_loop3A_602 {strides = array<i32>} : memref<25x8x128xi32, #tpu.memory_space<vmem>>, vector<1x1x16xi32>,
      %parallel_loop3A_603 = arith.constant 3 : i32
      %parallel_loop3A_604 = arith.index_cast %parallel_loop3A_109 : i32 to index
      %parallel_loop3A_605 = arith.index_cast %parallel_loop3A_603 : i32 to index
      %parallel_loop3A_606 = arith.constant 80 : index
      %parallel_loop3A_607 = tpu.vector_load %arg5[%parallel_loop3A_604, %parallel_loop3A_605, %parallel_loop3A_606] {strides = array<i32>} : memref<25x8x128xi32, #tpu.memory_space<vmem>>, vector<1x1x16xi32>,
      %parallel_loop3A_608 = vector.shape_cast %parallel_loop3A_607 : vector<1x1x16xi32> to vector<16xi32>
      %parallel_loop3A_609 = arith.addi %parallel_loop3A_608, %parallel_loop3A_608 : vector<16xi32>
      %parallel_loop3A_610 = arith.cmpi sge, %parallel_loop3A_608, %broadcast_in_dim3A_3 : vector<16xi32>
      %parallel_loop3A_611 = arith.select %parallel_loop3A_610, %broadcast_in_dim3A_5, %broadcast_in_dim3A_7 : vector<16xi1>, vector<16xi32>
      %parallel_loop3A_612 = arith.subi %parallel_loop3A_609, %parallel_loop3A_611 : vector<16xi32>
      %parallel_loop3A_613 = arith.constant 3 : i32
      %parallel_loop3A_614 = arith.index_cast %parallel_loop3A_109 : i32 to index
      %parallel_loop3A_615 = arith.index_cast %parallel_loop3A_613 : i32 to index
      %parallel_loop3A_616 = arith.constant 80 : index
      %parallel_loop3A_617 = tpu.vector_load %arg5[%parallel_loop3A_614, %parallel_loop3A_615, %parallel_loop3A_616] {strides = array<i32>} : memref<25x8x128xi32, #tpu.memory_space<vmem>>, vector<1x1x16xi32>,
      %parallel_loop3A_618 = vector.shape_cast %parallel_loop3A_617 : vector<1x1x16xi32> to vector<16xi32>
      %parallel_loop3A_619 = vector.shape_cast %parallel_loop3A_612 : vector<16xi32> to vector<1x1x16xi32>
      tpu.vector_store %arg5[%parallel_loop3A_614, %parallel_loop3A_615, %parallel_loop3A_616], %parallel_loop3A_619 {strides = array<i32>} : memref<25x8x128xi32, #tpu.memory_space<vmem>>, vector<1x1x16xi32>,
      %parallel_loop3A_620 = arith.constant 3 : i32
      %parallel_loop3A_621 = arith.index_cast %parallel_loop3A_109 : i32 to index
      %parallel_loop3A_622 = arith.index_cast %parallel_loop3A_620 : i32 to index
      %parallel_loop3A_623 = arith.constant 96 : index
      %parallel_loop3A_624 = tpu.vector_load %arg5[%parallel_loop3A_621, %parallel_loop3A_622, %parallel_loop3A_623] {strides = array<i32>} : memref<25x8x128xi32, #tpu.memory_space<vmem>>, vector<1x1x16xi32>,
      %parallel_loop3A_625 = vector.shape_cast %parallel_loop3A_624 : vector<1x1x16xi32> to vector<16xi32>
      %parallel_loop3A_626 = arith.addi %parallel_loop3A_625, %parallel_loop3A_625 : vector<16xi32>
      %parallel_loop3A_627 = arith.cmpi sge, %parallel_loop3A_625, %broadcast_in_dim3A_3 : vector<16xi32>
      %parallel_loop3A_628 = arith.select %parallel_loop3A_627, %broadcast_in_dim3A_5, %broadcast_in_dim3A_7 : vector<16xi1>, vector<16xi32>
      %parallel_loop3A_629 = arith.subi %parallel_loop3A_626, %parallel_loop3A_628 : vector<16xi32>
      %parallel_loop3A_630 = arith.constant 3 : i32
      %parallel_loop3A_631 = arith.index_cast %parallel_loop3A_109 : i32 to index
      %parallel_loop3A_632 = arith.index_cast %parallel_loop3A_630 : i32 to index
      %parallel_loop3A_633 = arith.constant 96 : index
      %parallel_loop3A_634 = tpu.vector_load %arg5[%parallel_loop3A_631, %parallel_loop3A_632, %parallel_loop3A_633] {strides = array<i32>} : memref<25x8x128xi32, #tpu.memory_space<vmem>>, vector<1x1x16xi32>,
      %parallel_loop3A_635 = vector.shape_cast %parallel_loop3A_634 : vector<1x1x16xi32> to vector<16xi32>
      %parallel_loop3A_636 = vector.shape_cast %parallel_loop3A_629 : vector<16xi32> to vector<1x1x16xi32>
      tpu.vector_store %arg5[%parallel_loop3A_631, %parallel_loop3A_632, %parallel_loop3A_633], %parallel_loop3A_636 {strides = array<i32>} : memref<25x8x128xi32, #tpu.memory_space<vmem>>, vector<1x1x16xi32>,
      %parallel_loop3A_637 = arith.constant 3 : i32
      %parallel_loop3A_638 = arith.index_cast %parallel_loop3A_109 : i32 to index
      %parallel_loop3A_639 = arith.index_cast %parallel_loop3A_637 : i32 to index
      %parallel_loop3A_640 = arith.constant 112 : index
      %parallel_loop3A_641 = tpu.vector_load %arg5[%parallel_loop3A_638, %parallel_loop3A_639, %parallel_loop3A_640] {strides = array<i32>} : memref<25x8x128xi32, #tpu.memory_space<vmem>>, vector<1x1x16xi32>,
      %parallel_loop3A_642 = vector.shape_cast %parallel_loop3A_641 : vector<1x1x16xi32> to vector<16xi32>
      %parallel_loop3A_643 = arith.addi %parallel_loop3A_642, %parallel_loop3A_642 : vector<16xi32>
      %parallel_loop3A_644 = arith.cmpi sge, %parallel_loop3A_642, %broadcast_in_dim3A_3 : vector<16xi32>
      %parallel_loop3A_645 = arith.select %parallel_loop3A_644, %broadcast_in_dim3A_5, %broadcast_in_dim3A_7 : vector<16xi1>, vector<16xi32>
      %parallel_loop3A_646 = arith.subi %parallel_loop3A_643, %parallel_loop3A_645 : vector<16xi32>
      %parallel_loop3A_647 = arith.constant 3 : i32
      %parallel_loop3A_648 = arith.index_cast %parallel_loop3A_109 : i32 to index
      %parallel_loop3A_649 = arith.index_cast %parallel_loop3A_647 : i32 to index
      %parallel_loop3A_650 = arith.constant 112 : index
      %parallel_loop3A_651 = tpu.vector_load %arg5[%parallel_loop3A_648, %parallel_loop3A_649, %parallel_loop3A_650] {strides = array<i32>} : memref<25x8x128xi32, #tpu.memory_space<vmem>>, vector<1x1x16xi32>,
      %parallel_loop3A_652 = vector.shape_cast %parallel_loop3A_651 : vector<1x1x16xi32> to vector<16xi32>
      %parallel_loop3A_653 = vector.shape_cast %parallel_loop3A_646 : vector<16xi32> to vector<1x1x16xi32>
      tpu.vector_store %arg5[%parallel_loop3A_648, %parallel_loop3A_649, %parallel_loop3A_650], %parallel_loop3A_653 {strides = array<i32>} : memref<25x8x128xi32, #tpu.memory_space<vmem>>, vector<1x1x16xi32>,
      %parallel_loop3A_654 = arith.constant 4 : i32
      %parallel_loop3A_655 = arith.index_cast %parallel_loop3A_109 : i32 to index
      %parallel_loop3A_656 = arith.index_cast %parallel_loop3A_654 : i32 to index
      %parallel_loop3A_657 = arith.constant 0 : index
      %parallel_loop3A_658 = tpu.vector_load %arg5[%parallel_loop3A_655, %parallel_loop3A_656, %parallel_loop3A_657] {strides = array<i32>} : memref<25x8x128xi32, #tpu.memory_space<vmem>>, vector<1x1x16xi32>,
      %parallel_loop3A_659 = vector.shape_cast %parallel_loop3A_658 : vector<1x1x16xi32> to vector<16xi32>
      %parallel_loop3A_660 = arith.addi %parallel_loop3A_659, %parallel_loop3A_659 : vector<16xi32>
      %parallel_loop3A_661 = arith.cmpi sge, %parallel_loop3A_659, %broadcast_in_dim3A_3 : vector<16xi32>
      %parallel_loop3A_662 = arith.select %parallel_loop3A_661, %broadcast_in_dim3A_5, %broadcast_in_dim3A_7 : vector<16xi1>, vector<16xi32>
      %parallel_loop3A_663 = arith.subi %parallel_loop3A_660, %parallel_loop3A_662 : vector<16xi32>
      %parallel_loop3A_664 = arith.constant 4 : i32
      %parallel_loop3A_665 = arith.index_cast %parallel_loop3A_109 : i32 to index
      %parallel_loop3A_666 = arith.index_cast %parallel_loop3A_664 : i32 to index
      %parallel_loop3A_667 = arith.constant 0 : index
      %parallel_loop3A_668 = tpu.vector_load %arg5[%parallel_loop3A_665, %parallel_loop3A_666, %parallel_loop3A_667] {strides = array<i32>} : memref<25x8x128xi32, #tpu.memory_space<vmem>>, vector<1x1x16xi32>,
      %parallel_loop3A_669 = vector.shape_cast %parallel_loop3A_668 : vector<1x1x16xi32> to vector<16xi32>
      %parallel_loop3A_670 = vector.shape_cast %parallel_loop3A_663 : vector<16xi32> to vector<1x1x16xi32>
      tpu.vector_store %arg5[%parallel_loop3A_665, %parallel_loop3A_666, %parallel_loop3A_667], %parallel_loop3A_670 {strides = array<i32>} : memref<25x8x128xi32, #tpu.memory_space<vmem>>, vector<1x1x16xi32>,
      %parallel_loop3A_671 = arith.constant 4 : i32
      %parallel_loop3A_672 = arith.index_cast %parallel_loop3A_109 : i32 to index
      %parallel_loop3A_673 = arith.index_cast %parallel_loop3A_671 : i32 to index
      %parallel_loop3A_674 = arith.constant 16 : index
      %parallel_loop3A_675 = tpu.vector_load %arg5[%parallel_loop3A_672, %parallel_loop3A_673, %parallel_loop3A_674] {strides = array<i32>} : memref<25x8x128xi32, #tpu.memory_space<vmem>>, vector<1x1x16xi32>,
      %parallel_loop3A_676 = vector.shape_cast %parallel_loop3A_675 : vector<1x1x16xi32> to vector<16xi32>
      %parallel_loop3A_677 = arith.addi %parallel_loop3A_676, %parallel_loop3A_676 : vector<16xi32>
      %parallel_loop3A_678 = arith.cmpi sge, %parallel_loop3A_676, %broadcast_in_dim3A_3 : vector<16xi32>
      %parallel_loop3A_679 = arith.select %parallel_loop3A_678, %broadcast_in_dim3A_5, %broadcast_in_dim3A_7 : vector<16xi1>, vector<16xi32>
      %parallel_loop3A_680 = arith.subi %parallel_loop3A_677, %parallel_loop3A_679 : vector<16xi32>
      %parallel_loop3A_681 = arith.constant 4 : i32
      %parallel_loop3A_682 = arith.index_cast %parallel_loop3A_109 : i32 to index
      %parallel_loop3A_683 = arith.index_cast %parallel_loop3A_681 : i32 to index
      %parallel_loop3A_684 = arith.constant 16 : index
      %parallel_loop3A_685 = tpu.vector_load %arg5[%parallel_loop3A_682, %parallel_loop3A_683, %parallel_loop3A_684] {strides = array<i32>} : memref<25x8x128xi32, #tpu.memory_space<vmem>>, vector<1x1x16xi32>,
      %parallel_loop3A_686 = vector.shape_cast %parallel_loop3A_685 : vector<1x1x16xi32> to vector<16xi32>
      %parallel_loop3A_687 = vector.shape_cast %parallel_loop3A_680 : vector<16xi32> to vector<1x1x16xi32>
      tpu.vector_store %arg5[%parallel_loop3A_682, %parallel_loop3A_683, %parallel_loop3A_684], %parallel_loop3A_687 {strides = array<i32>} : memref<25x8x128xi32, #tpu.memory_space<vmem>>, vector<1x1x16xi32>,
      %parallel_loop3A_688 = arith.constant 4 : i32
      %parallel_loop3A_689 = arith.index_cast %parallel_loop3A_109 : i32 to index
      %parallel_loop3A_690 = arith.index_cast %parallel_loop3A_688 : i32 to index
      %parallel_loop3A_691 = arith.constant 32 : index
      %parallel_loop3A_692 = tpu.vector_load %arg5[%parallel_loop3A_689, %parallel_loop3A_690, %parallel_loop3A_691] {strides = array<i32>} : memref<25x8x128xi32, #tpu.memory_space<vmem>>, vector<1x1x16xi32>,
      %parallel_loop3A_693 = vector.shape_cast %parallel_loop3A_692 : vector<1x1x16xi32> to vector<16xi32>
      %parallel_loop3A_694 = arith.addi %parallel_loop3A_693, %parallel_loop3A_693 : vector<16xi32>
      %parallel_loop3A_695 = arith.cmpi sge, %parallel_loop3A_693, %broadcast_in_dim3A_3 : vector<16xi32>
      %parallel_loop3A_696 = arith.select %parallel_loop3A_695, %broadcast_in_dim3A_5, %broadcast_in_dim3A_7 : vector<16xi1>, vector<16xi32>
      %parallel_loop3A_697 = arith.subi %parallel_loop3A_694, %parallel_loop3A_696 : vector<16xi32>
      %parallel_loop3A_698 = arith.constant 4 : i32
      %parallel_loop3A_699 = arith.index_cast %parallel_loop3A_109 : i32 to index
      %parallel_loop3A_700 = arith.index_cast %parallel_loop3A_698 : i32 to index
      %parallel_loop3A_701 = arith.constant 32 : index
      %parallel_loop3A_702 = tpu.vector_load %arg5[%parallel_loop3A_699, %parallel_loop3A_700, %parallel_loop3A_701] {strides = array<i32>} : memref<25x8x128xi32, #tpu.memory_space<vmem>>, vector<1x1x16xi32>,
      %parallel_loop3A_703 = vector.shape_cast %parallel_loop3A_702 : vector<1x1x16xi32> to vector<16xi32>
      %parallel_loop3A_704 = vector.shape_cast %parallel_loop3A_697 : vector<16xi32> to vector<1x1x16xi32>
      tpu.vector_store %arg5[%parallel_loop3A_699, %parallel_loop3A_700, %parallel_loop3A_701], %parallel_loop3A_704 {strides = array<i32>} : memref<25x8x128xi32, #tpu.memory_space<vmem>>, vector<1x1x16xi32>,
      %parallel_loop3A_705 = arith.constant 4 : i32
      %parallel_loop3A_706 = arith.index_cast %parallel_loop3A_109 : i32 to index
      %parallel_loop3A_707 = arith.index_cast %parallel_loop3A_705 : i32 to index
      %parallel_loop3A_708 = arith.constant 48 : index
      %parallel_loop3A_709 = tpu.vector_load %arg5[%parallel_loop3A_706, %parallel_loop3A_707, %parallel_loop3A_708] {strides = array<i32>} : memref<25x8x128xi32, #tpu.memory_space<vmem>>, vector<1x1x16xi32>,
      %parallel_loop3A_710 = vector.shape_cast %parallel_loop3A_709 : vector<1x1x16xi32> to vector<16xi32>
      %parallel_loop3A_711 = arith.addi %parallel_loop3A_710, %parallel_loop3A_710 : vector<16xi32>
      %parallel_loop3A_712 = arith.cmpi sge, %parallel_loop3A_710, %broadcast_in_dim3A_3 : vector<16xi32>
      %parallel_loop3A_713 = arith.select %parallel_loop3A_712, %broadcast_in_dim3A_5, %broadcast_in_dim3A_7 : vector<16xi1>, vector<16xi32>
      %parallel_loop3A_714 = arith.subi %parallel_loop3A_711, %parallel_loop3A_713 : vector<16xi32>
      %parallel_loop3A_715 = arith.constant 4 : i32
      %parallel_loop3A_716 = arith.index_cast %parallel_loop3A_109 : i32 to index
      %parallel_loop3A_717 = arith.index_cast %parallel_loop3A_715 : i32 to index
      %parallel_loop3A_718 = arith.constant 48 : index
      %parallel_loop3A_719 = tpu.vector_load %arg5[%parallel_loop3A_716, %parallel_loop3A_717, %parallel_loop3A_718] {strides = array<i32>} : memref<25x8x128xi32, #tpu.memory_space<vmem>>, vector<1x1x16xi32>,
      %parallel_loop3A_720 = vector.shape_cast %parallel_loop3A_719 : vector<1x1x16xi32> to vector<16xi32>
      %parallel_loop3A_721 = vector.shape_cast %parallel_loop3A_714 : vector<16xi32> to vector<1x1x16xi32>
      tpu.vector_store %arg5[%parallel_loop3A_716, %parallel_loop3A_717, %parallel_loop3A_718], %parallel_loop3A_721 {strides = array<i32>} : memref<25x8x128xi32, #tpu.memory_space<vmem>>, vector<1x1x16xi32>,
      %parallel_loop3A_722 = arith.constant 4 : i32
      %parallel_loop3A_723 = arith.index_cast %parallel_loop3A_109 : i32 to index
      %parallel_loop3A_724 = arith.index_cast %parallel_loop3A_722 : i32 to index
      %parallel_loop3A_725 = arith.constant 64 : index
      %parallel_loop3A_726 = tpu.vector_load %arg5[%parallel_loop3A_723, %parallel_loop3A_724, %parallel_loop3A_725] {strides = array<i32>} : memref<25x8x128xi32, #tpu.memory_space<vmem>>, vector<1x1x16xi32>,
      %parallel_loop3A_727 = vector.shape_cast %parallel_loop3A_726 : vector<1x1x16xi32> to vector<16xi32>
      %parallel_loop3A_728 = arith.addi %parallel_loop3A_727, %parallel_loop3A_727 : vector<16xi32>
      %parallel_loop3A_729 = arith.cmpi sge, %parallel_loop3A_727, %broadcast_in_dim3A_3 : vector<16xi32>
      %parallel_loop3A_730 = arith.select %parallel_loop3A_729, %broadcast_in_dim3A_5, %broadcast_in_dim3A_7 : vector<16xi1>, vector<16xi32>
      %parallel_loop3A_731 = arith.subi %parallel_loop3A_728, %parallel_loop3A_730 : vector<16xi32>
      %parallel_loop3A_732 = arith.constant 4 : i32
      %parallel_loop3A_733 = arith.index_cast %parallel_loop3A_109 : i32 to index
      %parallel_loop3A_734 = arith.index_cast %parallel_loop3A_732 : i32 to index
      %parallel_loop3A_735 = arith.constant 64 : index
      %parallel_loop3A_736 = tpu.vector_load %arg5[%parallel_loop3A_733, %parallel_loop3A_734, %parallel_loop3A_735] {strides = array<i32>} : memref<25x8x128xi32, #tpu.memory_space<vmem>>, vector<1x1x16xi32>,
      %parallel_loop3A_737 = vector.shape_cast %parallel_loop3A_736 : vector<1x1x16xi32> to vector<16xi32>
      %parallel_loop3A_738 = vector.shape_cast %parallel_loop3A_731 : vector<16xi32> to vector<1x1x16xi32>
      tpu.vector_store %arg5[%parallel_loop3A_733, %parallel_loop3A_734, %parallel_loop3A_735], %parallel_loop3A_738 {strides = array<i32>} : memref<25x8x128xi32, #tpu.memory_space<vmem>>, vector<1x1x16xi32>,
      %parallel_loop3A_739 = arith.constant 4 : i32
      %parallel_loop3A_740 = arith.index_cast %parallel_loop3A_109 : i32 to index
      %parallel_loop3A_741 = arith.index_cast %parallel_loop3A_739 : i32 to index
      %parallel_loop3A_742 = arith.constant 80 : index
      %parallel_loop3A_743 = tpu.vector_load %arg5[%parallel_loop3A_740, %parallel_loop3A_741, %parallel_loop3A_742] {strides = array<i32>} : memref<25x8x128xi32, #tpu.memory_space<vmem>>, vector<1x1x16xi32>,
      %parallel_loop3A_744 = vector.shape_cast %parallel_loop3A_743 : vector<1x1x16xi32> to vector<16xi32>
      %parallel_loop3A_745 = arith.addi %parallel_loop3A_744, %parallel_loop3A_744 : vector<16xi32>
      %parallel_loop3A_746 = arith.cmpi sge, %parallel_loop3A_744, %broadcast_in_dim3A_3 : vector<16xi32>
      %parallel_loop3A_747 = arith.select %parallel_loop3A_746, %broadcast_in_dim3A_5, %broadcast_in_dim3A_7 : vector<16xi1>, vector<16xi32>
      %parallel_loop3A_748 = arith.subi %parallel_loop3A_745, %parallel_loop3A_747 : vector<16xi32>
      %parallel_loop3A_749 = arith.constant 4 : i32
      %parallel_loop3A_750 = arith.index_cast %parallel_loop3A_109 : i32 to index
      %parallel_loop3A_751 = arith.index_cast %parallel_loop3A_749 : i32 to index
      %parallel_loop3A_752 = arith.constant 80 : index
      %parallel_loop3A_753 = tpu.vector_load %arg5[%parallel_loop3A_750, %parallel_loop3A_751, %parallel_loop3A_752] {strides = array<i32>} : memref<25x8x128xi32, #tpu.memory_space<vmem>>, vector<1x1x16xi32>,
      %parallel_loop3A_754 = vector.shape_cast %parallel_loop3A_753 : vector<1x1x16xi32> to vector<16xi32>
      %parallel_loop3A_755 = vector.shape_cast %parallel_loop3A_748 : vector<16xi32> to vector<1x1x16xi32>
      tpu.vector_store %arg5[%parallel_loop3A_750, %parallel_loop3A_751, %parallel_loop3A_752], %parallel_loop3A_755 {strides = array<i32>} : memref<25x8x128xi32, #tpu.memory_space<vmem>>, vector<1x1x16xi32>,
      %parallel_loop3A_756 = arith.constant 4 : i32
      %parallel_loop3A_757 = arith.index_cast %parallel_loop3A_109 : i32 to index
      %parallel_loop3A_758 = arith.index_cast %parallel_loop3A_756 : i32 to index
      %parallel_loop3A_759 = arith.constant 96 : index
      %parallel_loop3A_760 = tpu.vector_load %arg5[%parallel_loop3A_757, %parallel_loop3A_758, %parallel_loop3A_759] {strides = array<i32>} : memref<25x8x128xi32, #tpu.memory_space<vmem>>, vector<1x1x16xi32>,
      %parallel_loop3A_761 = vector.shape_cast %parallel_loop3A_760 : vector<1x1x16xi32> to vector<16xi32>
      %parallel_loop3A_762 = arith.addi %parallel_loop3A_761, %parallel_loop3A_761 : vector<16xi32>
      %parallel_loop3A_763 = arith.cmpi sge, %parallel_loop3A_761, %broadcast_in_dim3A_3 : vector<16xi32>
      %parallel_loop3A_764 = arith.select %parallel_loop3A_763, %broadcast_in_dim3A_5, %broadcast_in_dim3A_7 : vector<16xi1>, vector<16xi32>
      %parallel_loop3A_765 = arith.subi %parallel_loop3A_762, %parallel_loop3A_764 : vector<16xi32>
      %parallel_loop3A_766 = arith.constant 4 : i32
      %parallel_loop3A_767 = arith.index_cast %parallel_loop3A_109 : i32 to index
      %parallel_loop3A_768 = arith.index_cast %parallel_loop3A_766 : i32 to index
      %parallel_loop3A_769 = arith.constant 96 : index
      %parallel_loop3A_770 = tpu.vector_load %arg5[%parallel_loop3A_767, %parallel_loop3A_768, %parallel_loop3A_769] {strides = array<i32>} : memref<25x8x128xi32, #tpu.memory_space<vmem>>, vector<1x1x16xi32>,
      %parallel_loop3A_771 = vector.shape_cast %parallel_loop3A_770 : vector<1x1x16xi32> to vector<16xi32>
      %parallel_loop3A_772 = vector.shape_cast %parallel_loop3A_765 : vector<16xi32> to vector<1x1x16xi32>
      tpu.vector_store %arg5[%parallel_loop3A_767, %parallel_loop3A_768, %parallel_loop3A_769], %parallel_loop3A_772 {strides = array<i32>} : memref<25x8x128xi32, #tpu.memory_space<vmem>>, vector<1x1x16xi32>,
      %parallel_loop3A_773 = arith.constant 4 : i32
      %parallel_loop3A_774 = arith.index_cast %parallel_loop3A_109 : i32 to index
      %parallel_loop3A_775 = arith.index_cast %parallel_loop3A_773 : i32 to index
      %parallel_loop3A_776 = arith.constant 112 : index
      %parallel_loop3A_777 = tpu.vector_load %arg5[%parallel_loop3A_774, %parallel_loop3A_775, %parallel_loop3A_776] {strides = array<i32>} : memref<25x8x128xi32, #tpu.memory_space<vmem>>, vector<1x1x16xi32>,
      %parallel_loop3A_778 = vector.shape_cast %parallel_loop3A_777 : vector<1x1x16xi32> to vector<16xi32>
      %parallel_loop3A_779 = arith.addi %parallel_loop3A_778, %parallel_loop3A_778 : vector<16xi32>
      %parallel_loop3A_780 = arith.cmpi sge, %parallel_loop3A_778, %broadcast_in_dim3A_3 : vector<16xi32>
      %parallel_loop3A_781 = arith.select %parallel_loop3A_780, %broadcast_in_dim3A_5, %broadcast_in_dim3A_7 : vector<16xi1>, vector<16xi32>
      %parallel_loop3A_782 = arith.subi %parallel_loop3A_779, %parallel_loop3A_781 : vector<16xi32>
      %parallel_loop3A_783 = arith.constant 4 : i32
      %parallel_loop3A_784 = arith.index_cast %parallel_loop3A_109 : i32 to index
      %parallel_loop3A_785 = arith.index_cast %parallel_loop3A_783 : i32 to index
      %parallel_loop3A_786 = arith.constant 112 : index
      %parallel_loop3A_787 = tpu.vector_load %arg5[%parallel_loop3A_784, %parallel_loop3A_785, %parallel_loop3A_786] {strides = array<i32>} : memref<25x8x128xi32, #tpu.memory_space<vmem>>, vector<1x1x16xi32>,
      %parallel_loop3A_788 = vector.shape_cast %parallel_loop3A_787 : vector<1x1x16xi32> to vector<16xi32>
      %parallel_loop3A_789 = vector.shape_cast %parallel_loop3A_782 : vector<16xi32> to vector<1x1x16xi32>
      tpu.vector_store %arg5[%parallel_loop3A_784, %parallel_loop3A_785, %parallel_loop3A_786], %parallel_loop3A_789 {strides = array<i32>} : memref<25x8x128xi32, #tpu.memory_space<vmem>>, vector<1x1x16xi32>,
      %parallel_loop3A_790 = arith.constant 5 : i32
      %parallel_loop3A_791 = arith.index_cast %parallel_loop3A_109 : i32 to index
      %parallel_loop3A_792 = arith.index_cast %parallel_loop3A_790 : i32 to index
      %parallel_loop3A_793 = arith.constant 0 : index
      %parallel_loop3A_794 = tpu.vector_load %arg5[%parallel_loop3A_791, %parallel_loop3A_792, %parallel_loop3A_793] {strides = array<i32>} : memref<25x8x128xi32, #tpu.memory_space<vmem>>, vector<1x1x16xi32>,
      %parallel_loop3A_795 = vector.shape_cast %parallel_loop3A_794 : vector<1x1x16xi32> to vector<16xi32>
      %parallel_loop3A_796 = arith.addi %parallel_loop3A_795, %parallel_loop3A_795 : vector<16xi32>
      %parallel_loop3A_797 = arith.cmpi sge, %parallel_loop3A_795, %broadcast_in_dim3A_3 : vector<16xi32>
      %parallel_loop3A_798 = arith.select %parallel_loop3A_797, %broadcast_in_dim3A_5, %broadcast_in_dim3A_7 : vector<16xi1>, vector<16xi32>
      %parallel_loop3A_799 = arith.subi %parallel_loop3A_796, %parallel_loop3A_798 : vector<16xi32>
      %parallel_loop3A_800 = arith.constant 5 : i32
      %parallel_loop3A_801 = arith.index_cast %parallel_loop3A_109 : i32 to index
      %parallel_loop3A_802 = arith.index_cast %parallel_loop3A_800 : i32 to index
      %parallel_loop3A_803 = arith.constant 0 : index
      %parallel_loop3A_804 = tpu.vector_load %arg5[%parallel_loop3A_801, %parallel_loop3A_802, %parallel_loop3A_803] {strides = array<i32>} : memref<25x8x128xi32, #tpu.memory_space<vmem>>, vector<1x1x16xi32>,
      %parallel_loop3A_805 = vector.shape_cast %parallel_loop3A_804 : vector<1x1x16xi32> to vector<16xi32>
      %parallel_loop3A_806 = vector.shape_cast %parallel_loop3A_799 : vector<16xi32> to vector<1x1x16xi32>
      tpu.vector_store %arg5[%parallel_loop3A_801, %parallel_loop3A_802, %parallel_loop3A_803], %parallel_loop3A_806 {strides = array<i32>} : memref<25x8x128xi32, #tpu.memory_space<vmem>>, vector<1x1x16xi32>,
      %parallel_loop3A_807 = arith.constant 5 : i32
      %parallel_loop3A_808 = arith.index_cast %parallel_loop3A_109 : i32 to index
      %parallel_loop3A_809 = arith.index_cast %parallel_loop3A_807 : i32 to index
      %parallel_loop3A_810 = arith.constant 16 : index
      %parallel_loop3A_811 = tpu.vector_load %arg5[%parallel_loop3A_808, %parallel_loop3A_809, %parallel_loop3A_810] {strides = array<i32>} : memref<25x8x128xi32, #tpu.memory_space<vmem>>, vector<1x1x16xi32>,
      %parallel_loop3A_812 = vector.shape_cast %parallel_loop3A_811 : vector<1x1x16xi32> to vector<16xi32>
      %parallel_loop3A_813 = arith.addi %parallel_loop3A_812, %parallel_loop3A_812 : vector<16xi32>
      %parallel_loop3A_814 = arith.cmpi sge, %parallel_loop3A_812, %broadcast_in_dim3A_3 : vector<16xi32>
      %parallel_loop3A_815 = arith.select %parallel_loop3A_814, %broadcast_in_dim3A_5, %broadcast_in_dim3A_7 : vector<16xi1>, vector<16xi32>
      %parallel_loop3A_816 = arith.subi %parallel_loop3A_813, %parallel_loop3A_815 : vector<16xi32>
      %parallel_loop3A_817 = arith.constant 5 : i32
      %parallel_loop3A_818 = arith.index_cast %parallel_loop3A_109 : i32 to index
      %parallel_loop3A_819 = arith.index_cast %parallel_loop3A_817 : i32 to index
      %parallel_loop3A_820 = arith.constant 16 : index
      %parallel_loop3A_821 = tpu.vector_load %arg5[%parallel_loop3A_818, %parallel_loop3A_819, %parallel_loop3A_820] {strides = array<i32>} : memref<25x8x128xi32, #tpu.memory_space<vmem>>, vector<1x1x16xi32>,
      %parallel_loop3A_822 = vector.shape_cast %parallel_loop3A_821 : vector<1x1x16xi32> to vector<16xi32>
      %parallel_loop3A_823 = vector.shape_cast %parallel_loop3A_816 : vector<16xi32> to vector<1x1x16xi32>
      tpu.vector_store %arg5[%parallel_loop3A_818, %parallel_loop3A_819, %parallel_loop3A_820], %parallel_loop3A_823 {strides = array<i32>} : memref<25x8x128xi32, #tpu.memory_space<vmem>>, vector<1x1x16xi32>,
      %parallel_loop3A_824 = arith.constant 5 : i32
      %parallel_loop3A_825 = arith.index_cast %parallel_loop3A_109 : i32 to index
      %parallel_loop3A_826 = arith.index_cast %parallel_loop3A_824 : i32 to index
      %parallel_loop3A_827 = arith.constant 32 : index
      %parallel_loop3A_828 = tpu.vector_load %arg5[%parallel_loop3A_825, %parallel_loop3A_826, %parallel_loop3A_827] {strides = array<i32>} : memref<25x8x128xi32, #tpu.memory_space<vmem>>, vector<1x1x16xi32>,
      %parallel_loop3A_829 = vector.shape_cast %parallel_loop3A_828 : vector<1x1x16xi32> to vector<16xi32>
      %parallel_loop3A_830 = arith.addi %parallel_loop3A_829, %parallel_loop3A_829 : vector<16xi32>
      %parallel_loop3A_831 = arith.cmpi sge, %parallel_loop3A_829, %broadcast_in_dim3A_3 : vector<16xi32>
      %parallel_loop3A_832 = arith.select %parallel_loop3A_831, %broadcast_in_dim3A_5, %broadcast_in_dim3A_7 : vector<16xi1>, vector<16xi32>
      %parallel_loop3A_833 = arith.subi %parallel_loop3A_830, %parallel_loop3A_832 : vector<16xi32>
      %parallel_loop3A_834 = arith.constant 5 : i32
      %parallel_loop3A_835 = arith.index_cast %parallel_loop3A_109 : i32 to index
      %parallel_loop3A_836 = arith.index_cast %parallel_loop3A_834 : i32 to index
      %parallel_loop3A_837 = arith.constant 32 : index
      %parallel_loop3A_838 = tpu.vector_load %arg5[%parallel_loop3A_835, %parallel_loop3A_836, %parallel_loop3A_837] {strides = array<i32>} : memref<25x8x128xi32, #tpu.memory_space<vmem>>, vector<1x1x16xi32>,
      %parallel_loop3A_839 = vector.shape_cast %parallel_loop3A_838 : vector<1x1x16xi32> to vector<16xi32>
      %parallel_loop3A_840 = vector.shape_cast %parallel_loop3A_833 : vector<16xi32> to vector<1x1x16xi32>
      tpu.vector_store %arg5[%parallel_loop3A_835, %parallel_loop3A_836, %parallel_loop3A_837], %parallel_loop3A_840 {strides = array<i32>} : memref<25x8x128xi32, #tpu.memory_space<vmem>>, vector<1x1x16xi32>,
      %parallel_loop3A_841 = arith.constant 5 : i32
      %parallel_loop3A_842 = arith.index_cast %parallel_loop3A_109 : i32 to index
      %parallel_loop3A_843 = arith.index_cast %parallel_loop3A_841 : i32 to index
      %parallel_loop3A_844 = arith.constant 48 : index
      %parallel_loop3A_845 = tpu.vector_load %arg5[%parallel_loop3A_842, %parallel_loop3A_843, %parallel_loop3A_844] {strides = array<i32>} : memref<25x8x128xi32, #tpu.memory_space<vmem>>, vector<1x1x16xi32>,
      %parallel_loop3A_846 = vector.shape_cast %parallel_loop3A_845 : vector<1x1x16xi32> to vector<16xi32>
      %parallel_loop3A_847 = arith.addi %parallel_loop3A_846, %parallel_loop3A_846 : vector<16xi32>
      %parallel_loop3A_848 = arith.cmpi sge, %parallel_loop3A_846, %broadcast_in_dim3A_3 : vector<16xi32>
      %parallel_loop3A_849 = arith.select %parallel_loop3A_848, %broadcast_in_dim3A_5, %broadcast_in_dim3A_7 : vector<16xi1>, vector<16xi32>
      %parallel_loop3A_850 = arith.subi %parallel_loop3A_847, %parallel_loop3A_849 : vector<16xi32>
      %parallel_loop3A_851 = arith.constant 5 : i32
      %parallel_loop3A_852 = arith.index_cast %parallel_loop3A_109 : i32 to index
      %parallel_loop3A_853 = arith.index_cast %parallel_loop3A_851 : i32 to index
      %parallel_loop3A_854 = arith.constant 48 : index
      %parallel_loop3A_855 = tpu.vector_load %arg5[%parallel_loop3A_852, %parallel_loop3A_853, %parallel_loop3A_854] {strides = array<i32>} : memref<25x8x128xi32, #tpu.memory_space<vmem>>, vector<1x1x16xi32>,
      %parallel_loop3A_856 = vector.shape_cast %parallel_loop3A_855 : vector<1x1x16xi32> to vector<16xi32>
      %parallel_loop3A_857 = vector.shape_cast %parallel_loop3A_850 : vector<16xi32> to vector<1x1x16xi32>
      tpu.vector_store %arg5[%parallel_loop3A_852, %parallel_loop3A_853, %parallel_loop3A_854], %parallel_loop3A_857 {strides = array<i32>} : memref<25x8x128xi32, #tpu.memory_space<vmem>>, vector<1x1x16xi32>,
      %parallel_loop3A_858 = arith.constant 5 : i32
      %parallel_loop3A_859 = arith.index_cast %parallel_loop3A_109 : i32 to index
      %parallel_loop3A_860 = arith.index_cast %parallel_loop3A_858 : i32 to index
      %parallel_loop3A_861 = arith.constant 64 : index
      %parallel_loop3A_862 = tpu.vector_load %arg5[%parallel_loop3A_859, %parallel_loop3A_860, %parallel_loop3A_861] {strides = array<i32>} : memref<25x8x128xi32, #tpu.memory_space<vmem>>, vector<1x1x16xi32>,
      %parallel_loop3A_863 = vector.shape_cast %parallel_loop3A_862 : vector<1x1x16xi32> to vector<16xi32>
      %parallel_loop3A_864 = arith.addi %parallel_loop3A_863, %parallel_loop3A_863 : vector<16xi32>
      %parallel_loop3A_865 = arith.cmpi sge, %parallel_loop3A_863, %broadcast_in_dim3A_3 : vector<16xi32>
      %parallel_loop3A_866 = arith.select %parallel_loop3A_865, %broadcast_in_dim3A_5, %broadcast_in_dim3A_7 : vector<16xi1>, vector<16xi32>
      %parallel_loop3A_867 = arith.subi %parallel_loop3A_864, %parallel_loop3A_866 : vector<16xi32>
      %parallel_loop3A_868 = arith.constant 5 : i32
      %parallel_loop3A_869 = arith.index_cast %parallel_loop3A_109 : i32 to index
      %parallel_loop3A_870 = arith.index_cast %parallel_loop3A_868 : i32 to index
      %parallel_loop3A_871 = arith.constant 64 : index
      %parallel_loop3A_872 = tpu.vector_load %arg5[%parallel_loop3A_869, %parallel_loop3A_870, %parallel_loop3A_871] {strides = array<i32>} : memref<25x8x128xi32, #tpu.memory_space<vmem>>, vector<1x1x16xi32>,
      %parallel_loop3A_873 = vector.shape_cast %parallel_loop3A_872 : vector<1x1x16xi32> to vector<16xi32>
      %parallel_loop3A_874 = vector.shape_cast %parallel_loop3A_867 : vector<16xi32> to vector<1x1x16xi32>
      tpu.vector_store %arg5[%parallel_loop3A_869, %parallel_loop3A_870, %parallel_loop3A_871], %parallel_loop3A_874 {strides = array<i32>} : memref<25x8x128xi32, #tpu.memory_space<vmem>>, vector<1x1x16xi32>,
      %parallel_loop3A_875 = arith.constant 5 : i32
      %parallel_loop3A_876 = arith.index_cast %parallel_loop3A_109 : i32 to index
      %parallel_loop3A_877 = arith.index_cast %parallel_loop3A_875 : i32 to index
      %parallel_loop3A_878 = arith.constant 80 : index
      %parallel_loop3A_879 = tpu.vector_load %arg5[%parallel_loop3A_876, %parallel_loop3A_877, %parallel_loop3A_878] {strides = array<i32>} : memref<25x8x128xi32, #tpu.memory_space<vmem>>, vector<1x1x16xi32>,
      %parallel_loop3A_880 = vector.shape_cast %parallel_loop3A_879 : vector<1x1x16xi32> to vector<16xi32>
      %parallel_loop3A_881 = arith.addi %parallel_loop3A_880, %parallel_loop3A_880 : vector<16xi32>
      %parallel_loop3A_882 = arith.cmpi sge, %parallel_loop3A_880, %broadcast_in_dim3A_3 : vector<16xi32>
      %parallel_loop3A_883 = arith.select %parallel_loop3A_882, %broadcast_in_dim3A_5, %broadcast_in_dim3A_7 : vector<16xi1>, vector<16xi32>
      %parallel_loop3A_884 = arith.subi %parallel_loop3A_881, %parallel_loop3A_883 : vector<16xi32>
      %parallel_loop3A_885 = arith.constant 5 : i32
      %parallel_loop3A_886 = arith.index_cast %parallel_loop3A_109 : i32 to index
      %parallel_loop3A_887 = arith.index_cast %parallel_loop3A_885 : i32 to index
      %parallel_loop3A_888 = arith.constant 80 : index
      %parallel_loop3A_889 = tpu.vector_load %arg5[%parallel_loop3A_886, %parallel_loop3A_887, %parallel_loop3A_888] {strides = array<i32>} : memref<25x8x128xi32, #tpu.memory_space<vmem>>, vector<1x1x16xi32>,
      %parallel_loop3A_890 = vector.shape_cast %parallel_loop3A_889 : vector<1x1x16xi32> to vector<16xi32>
      %parallel_loop3A_891 = vector.shape_cast %parallel_loop3A_884 : vector<16xi32> to vector<1x1x16xi32>
      tpu.vector_store %arg5[%parallel_loop3A_886, %parallel_loop3A_887, %parallel_loop3A_888], %parallel_loop3A_891 {strides = array<i32>} : memref<25x8x128xi32, #tpu.memory_space<vmem>>, vector<1x1x16xi32>,
      %parallel_loop3A_892 = arith.constant 5 : i32
      %parallel_loop3A_893 = arith.index_cast %parallel_loop3A_109 : i32 to index
      %parallel_loop3A_894 = arith.index_cast %parallel_loop3A_892 : i32 to index
      %parallel_loop3A_895 = arith.constant 96 : index
      %parallel_loop3A_896 = tpu.vector_load %arg5[%parallel_loop3A_893, %parallel_loop3A_894, %parallel_loop3A_895] {strides = array<i32>} : memref<25x8x128xi32, #tpu.memory_space<vmem>>, vector<1x1x16xi32>,
      %parallel_loop3A_897 = vector.shape_cast %parallel_loop3A_896 : vector<1x1x16xi32> to vector<16xi32>
      %parallel_loop3A_898 = arith.addi %parallel_loop3A_897, %parallel_loop3A_897 : vector<16xi32>
      %parallel_loop3A_899 = arith.cmpi sge, %parallel_loop3A_897, %broadcast_in_dim3A_3 : vector<16xi32>
      %parallel_loop3A_900 = arith.select %parallel_loop3A_899, %broadcast_in_dim3A_5, %broadcast_in_dim3A_7 : vector<16xi1>, vector<16xi32>
      %parallel_loop3A_901 = arith.subi %parallel_loop3A_898, %parallel_loop3A_900 : vector<16xi32>
      %parallel_loop3A_902 = arith.constant 5 : i32
      %parallel_loop3A_903 = arith.index_cast %parallel_loop3A_109 : i32 to index
      %parallel_loop3A_904 = arith.index_cast %parallel_loop3A_902 : i32 to index
      %parallel_loop3A_905 = arith.constant 96 : index
      %parallel_loop3A_906 = tpu.vector_load %arg5[%parallel_loop3A_903, %parallel_loop3A_904, %parallel_loop3A_905] {strides = array<i32>} : memref<25x8x128xi32, #tpu.memory_space<vmem>>, vector<1x1x16xi32>,
      %parallel_loop3A_907 = vector.shape_cast %parallel_loop3A_906 : vector<1x1x16xi32> to vector<16xi32>
      %parallel_loop3A_908 = vector.shape_cast %parallel_loop3A_901 : vector<16xi32> to vector<1x1x16xi32>
      tpu.vector_store %arg5[%parallel_loop3A_903, %parallel_loop3A_904, %parallel_loop3A_905], %parallel_loop3A_908 {strides = array<i32>} : memref<25x8x128xi32, #tpu.memory_space<vmem>>, vector<1x1x16xi32>,
      %parallel_loop3A_909 = arith.constant 5 : i32
      %parallel_loop3A_910 = arith.index_cast %parallel_loop3A_109 : i32 to index
      %parallel_loop3A_911 = arith.index_cast %parallel_loop3A_909 : i32 to index
      %parallel_loop3A_912 = arith.constant 112 : index
      %parallel_loop3A_913 = tpu.vector_load %arg5[%parallel_loop3A_910, %parallel_loop3A_911, %parallel_loop3A_912] {strides = array<i32>} : memref<25x8x128xi32, #tpu.memory_space<vmem>>, vector<1x1x16xi32>,
      %parallel_loop3A_914 = vector.shape_cast %parallel_loop3A_913 : vector<1x1x16xi32> to vector<16xi32>
      %parallel_loop3A_915 = arith.addi %parallel_loop3A_914, %parallel_loop3A_914 : vector<16xi32>
      %parallel_loop3A_916 = arith.cmpi sge, %parallel_loop3A_914, %broadcast_in_dim3A_3 : vector<16xi32>
      %parallel_loop3A_917 = arith.select %parallel_loop3A_916, %broadcast_in_dim3A_5, %broadcast_in_dim3A_7 : vector<16xi1>, vector<16xi32>
      %parallel_loop3A_918 = arith.subi %parallel_loop3A_915, %parallel_loop3A_917 : vector<16xi32>
      %parallel_loop3A_919 = arith.constant 5 : i32
      %parallel_loop3A_920 = arith.index_cast %parallel_loop3A_109 : i32 to index
      %parallel_loop3A_921 = arith.index_cast %parallel_loop3A_919 : i32 to index
      %parallel_loop3A_922 = arith.constant 112 : index
      %parallel_loop3A_923 = tpu.vector_load %arg5[%parallel_loop3A_920, %parallel_loop3A_921, %parallel_loop3A_922] {strides = array<i32>} : memref<25x8x128xi32, #tpu.memory_space<vmem>>, vector<1x1x16xi32>,
      %parallel_loop3A_924 = vector.shape_cast %parallel_loop3A_923 : vector<1x1x16xi32> to vector<16xi32>
      %parallel_loop3A_925 = vector.shape_cast %parallel_loop3A_918 : vector<16xi32> to vector<1x1x16xi32>
      tpu.vector_store %arg5[%parallel_loop3A_920, %parallel_loop3A_921, %parallel_loop3A_922], %parallel_loop3A_925 {strides = array<i32>} : memref<25x8x128xi32, #tpu.memory_space<vmem>>, vector<1x1x16xi32>,
      %parallel_loop3A_926 = arith.constant 6 : i32
      %parallel_loop3A_927 = arith.index_cast %parallel_loop3A_109 : i32 to index
      %parallel_loop3A_928 = arith.index_cast %parallel_loop3A_926 : i32 to index
      %parallel_loop3A_929 = arith.constant 0 : index
      %parallel_loop3A_930 = tpu.vector_load %arg5[%parallel_loop3A_927, %parallel_loop3A_928, %parallel_loop3A_929] {strides = array<i32>} : memref<25x8x128xi32, #tpu.memory_space<vmem>>, vector<1x1x16xi32>,
      %parallel_loop3A_931 = vector.shape_cast %parallel_loop3A_930 : vector<1x1x16xi32> to vector<16xi32>
      %parallel_loop3A_932 = arith.addi %parallel_loop3A_931, %parallel_loop3A_931 : vector<16xi32>
      %parallel_loop3A_933 = arith.cmpi sge, %parallel_loop3A_931, %broadcast_in_dim3A_3 : vector<16xi32>
      %parallel_loop3A_934 = arith.select %parallel_loop3A_933, %broadcast_in_dim3A_5, %broadcast_in_dim3A_7 : vector<16xi1>, vector<16xi32>
      %parallel_loop3A_935 = arith.subi %parallel_loop3A_932, %parallel_loop3A_934 : vector<16xi32>
      %parallel_loop3A_936 = arith.constant 6 : i32
      %parallel_loop3A_937 = arith.index_cast %parallel_loop3A_109 : i32 to index
      %parallel_loop3A_938 = arith.index_cast %parallel_loop3A_936 : i32 to index
      %parallel_loop3A_939 = arith.constant 0 : index
      %parallel_loop3A_940 = tpu.vector_load %arg5[%parallel_loop3A_937, %parallel_loop3A_938, %parallel_loop3A_939] {strides = array<i32>} : memref<25x8x128xi32, #tpu.memory_space<vmem>>, vector<1x1x16xi32>,
      %parallel_loop3A_941 = vector.shape_cast %parallel_loop3A_940 : vector<1x1x16xi32> to vector<16xi32>
      %parallel_loop3A_942 = vector.shape_cast %parallel_loop3A_935 : vector<16xi32> to vector<1x1x16xi32>
      tpu.vector_store %arg5[%parallel_loop3A_937, %parallel_loop3A_938, %parallel_loop3A_939], %parallel_loop3A_942 {strides = array<i32>} : memref<25x8x128xi32, #tpu.memory_space<vmem>>, vector<1x1x16xi32>,
      %parallel_loop3A_943 = arith.constant 6 : i32
      %parallel_loop3A_944 = arith.index_cast %parallel_loop3A_109 : i32 to index
      %parallel_loop3A_945 = arith.index_cast %parallel_loop3A_943 : i32 to index
      %parallel_loop3A_946 = arith.constant 16 : index
      %parallel_loop3A_947 = tpu.vector_load %arg5[%parallel_loop3A_944, %parallel_loop3A_945, %parallel_loop3A_946] {strides = array<i32>} : memref<25x8x128xi32, #tpu.memory_space<vmem>>, vector<1x1x16xi32>,
      %parallel_loop3A_948 = vector.shape_cast %parallel_loop3A_947 : vector<1x1x16xi32> to vector<16xi32>
      %parallel_loop3A_949 = arith.addi %parallel_loop3A_948, %parallel_loop3A_948 : vector<16xi32>
      %parallel_loop3A_950 = arith.cmpi sge, %parallel_loop3A_948, %broadcast_in_dim3A_3 : vector<16xi32>
      %parallel_loop3A_951 = arith.select %parallel_loop3A_950, %broadcast_in_dim3A_5, %broadcast_in_dim3A_7 : vector<16xi1>, vector<16xi32>
      %parallel_loop3A_952 = arith.subi %parallel_loop3A_949, %parallel_loop3A_951 : vector<16xi32>
      %parallel_loop3A_953 = arith.constant 6 : i32
      %parallel_loop3A_954 = arith.index_cast %parallel_loop3A_109 : i32 to index
      %parallel_loop3A_955 = arith.index_cast %parallel_loop3A_953 : i32 to index
      %parallel_loop3A_956 = arith.constant 16 : index
      %parallel_loop3A_957 = tpu.vector_load %arg5[%parallel_loop3A_954, %parallel_loop3A_955, %parallel_loop3A_956] {strides = array<i32>} : memref<25x8x128xi32, #tpu.memory_space<vmem>>, vector<1x1x16xi32>,
      %parallel_loop3A_958 = vector.shape_cast %parallel_loop3A_957 : vector<1x1x16xi32> to vector<16xi32>
      %parallel_loop3A_959 = vector.shape_cast %parallel_loop3A_952 : vector<16xi32> to vector<1x1x16xi32>
      tpu.vector_store %arg5[%parallel_loop3A_954, %parallel_loop3A_955, %parallel_loop3A_956], %parallel_loop3A_959 {strides = array<i32>} : memref<25x8x128xi32, #tpu.memory_space<vmem>>, vector<1x1x16xi32>,
      %parallel_loop3A_960 = arith.constant 6 : i32
      %parallel_loop3A_961 = arith.index_cast %parallel_loop3A_109 : i32 to index
      %parallel_loop3A_962 = arith.index_cast %parallel_loop3A_960 : i32 to index
      %parallel_loop3A_963 = arith.constant 32 : index
      %parallel_loop3A_964 = tpu.vector_load %arg5[%parallel_loop3A_961, %parallel_loop3A_962, %parallel_loop3A_963] {strides = array<i32>} : memref<25x8x128xi32, #tpu.memory_space<vmem>>, vector<1x1x16xi32>,
      %parallel_loop3A_965 = vector.shape_cast %parallel_loop3A_964 : vector<1x1x16xi32> to vector<16xi32>
      %parallel_loop3A_966 = arith.addi %parallel_loop3A_965, %parallel_loop3A_965 : vector<16xi32>
      %parallel_loop3A_967 = arith.cmpi sge, %parallel_loop3A_965, %broadcast_in_dim3A_3 : vector<16xi32>
      %parallel_loop3A_968 = arith.select %parallel_loop3A_967, %broadcast_in_dim3A_5, %broadcast_in_dim3A_7 : vector<16xi1>, vector<16xi32>
      %parallel_loop3A_969 = arith.subi %parallel_loop3A_966, %parallel_loop3A_968 : vector<16xi32>
      %parallel_loop3A_970 = arith.constant 6 : i32
      %parallel_loop3A_971 = arith.index_cast %parallel_loop3A_109 : i32 to index
      %parallel_loop3A_972 = arith.index_cast %parallel_loop3A_970 : i32 to index
      %parallel_loop3A_973 = arith.constant 32 : index
      %parallel_loop3A_974 = tpu.vector_load %arg5[%parallel_loop3A_971, %parallel_loop3A_972, %parallel_loop3A_973] {strides = array<i32>} : memref<25x8x128xi32, #tpu.memory_space<vmem>>, vector<1x1x16xi32>,
      %parallel_loop3A_975 = vector.shape_cast %parallel_loop3A_974 : vector<1x1x16xi32> to vector<16xi32>
      %parallel_loop3A_976 = vector.shape_cast %parallel_loop3A_969 : vector<16xi32> to vector<1x1x16xi32>
      tpu.vector_store %arg5[%parallel_loop3A_971, %parallel_loop3A_972, %parallel_loop3A_973], %parallel_loop3A_976 {strides = array<i32>} : memref<25x8x128xi32, #tpu.memory_space<vmem>>, vector<1x1x16xi32>,
      %parallel_loop3A_977 = arith.constant 6 : i32
      %parallel_loop3A_978 = arith.index_cast %parallel_loop3A_109 : i32 to index
      %parallel_loop3A_979 = arith.index_cast %parallel_loop3A_977 : i32 to index
      %parallel_loop3A_980 = arith.constant 48 : index
      %parallel_loop3A_981 = tpu.vector_load %arg5[%parallel_loop3A_978, %parallel_loop3A_979, %parallel_loop3A_980] {strides = array<i32>} : memref<25x8x128xi32, #tpu.memory_space<vmem>>, vector<1x1x16xi32>,
      %parallel_loop3A_982 = vector.shape_cast %parallel_loop3A_981 : vector<1x1x16xi32> to vector<16xi32>
      %parallel_loop3A_983 = arith.addi %parallel_loop3A_982, %parallel_loop3A_982 : vector<16xi32>
      %parallel_loop3A_984 = arith.cmpi sge, %parallel_loop3A_982, %broadcast_in_dim3A_3 : vector<16xi32>
      %parallel_loop3A_985 = arith.select %parallel_loop3A_984, %broadcast_in_dim3A_5, %broadcast_in_dim3A_7 : vector<16xi1>, vector<16xi32>
      %parallel_loop3A_986 = arith.subi %parallel_loop3A_983, %parallel_loop3A_985 : vector<16xi32>
      %parallel_loop3A_987 = arith.constant 6 : i32
      %parallel_loop3A_988 = arith.index_cast %parallel_loop3A_109 : i32 to index
      %parallel_loop3A_989 = arith.index_cast %parallel_loop3A_987 : i32 to index
      %parallel_loop3A_990 = arith.constant 48 : index
      %parallel_loop3A_991 = tpu.vector_load %arg5[%parallel_loop3A_988, %parallel_loop3A_989, %parallel_loop3A_990] {strides = array<i32>} : memref<25x8x128xi32, #tpu.memory_space<vmem>>, vector<1x1x16xi32>,
      %parallel_loop3A_992 = vector.shape_cast %parallel_loop3A_991 : vector<1x1x16xi32> to vector<16xi32>
      %parallel_loop3A_993 = vector.shape_cast %parallel_loop3A_986 : vector<16xi32> to vector<1x1x16xi32>
      tpu.vector_store %arg5[%parallel_loop3A_988, %parallel_loop3A_989, %parallel_loop3A_990], %parallel_loop3A_993 {strides = array<i32>} : memref<25x8x128xi32, #tpu.memory_space<vmem>>, vector<1x1x16xi32>,
      %parallel_loop3A_994 = arith.constant 6 : i32
      %parallel_loop3A_995 = arith.index_cast %parallel_loop3A_109 : i32 to index
      %parallel_loop3A_996 = arith.index_cast %parallel_loop3A_994 : i32 to index
      %parallel_loop3A_997 = arith.constant 64 : index
      %parallel_loop3A_998 = tpu.vector_load %arg5[%parallel_loop3A_995, %parallel_loop3A_996, %parallel_loop3A_997] {strides = array<i32>} : memref<25x8x128xi32, #tpu.memory_space<vmem>>, vector<1x1x16xi32>,
      %parallel_loop3A_999 = vector.shape_cast %parallel_loop3A_998 : vector<1x1x16xi32> to vector<16xi32>
      %parallel_loop3A_1000 = arith.addi %parallel_loop3A_999, %parallel_loop3A_999 : vector<16xi32>
      %parallel_loop3A_1001 = arith.cmpi sge, %parallel_loop3A_999, %broadcast_in_dim3A_3 : vector<16xi32>
      %parallel_loop3A_1002 = arith.select %parallel_loop3A_1001, %broadcast_in_dim3A_5, %broadcast_in_dim3A_7 : vector<16xi1>, vector<16xi32>
      %parallel_loop3A_1003 = arith.subi %parallel_loop3A_1000, %parallel_loop3A_1002 : vector<16xi32>
      %parallel_loop3A_1004 = arith.constant 6 : i32
      %parallel_loop3A_1005 = arith.index_cast %parallel_loop3A_109 : i32 to index
      %parallel_loop3A_1006 = arith.index_cast %parallel_loop3A_1004 : i32 to index
      %parallel_loop3A_1007 = arith.constant 64 : index
      %parallel_loop3A_1008 = tpu.vector_load %arg5[%parallel_loop3A_1005, %parallel_loop3A_1006, %parallel_loop3A_1007] {strides = array<i32>} : memref<25x8x128xi32, #tpu.memory_space<vmem>>, vector<1x1x16xi32>,
      %parallel_loop3A_1009 = vector.shape_cast %parallel_loop3A_1008 : vector<1x1x16xi32> to vector<16xi32>
      %parallel_loop3A_1010 = vector.shape_cast %parallel_loop3A_1003 : vector<16xi32> to vector<1x1x16xi32>
      tpu.vector_store %arg5[%parallel_loop3A_1005, %parallel_loop3A_1006, %parallel_loop3A_1007], %parallel_loop3A_1010 {strides = array<i32>} : memref<25x8x128xi32, #tpu.memory_space<vmem>>, vector<1x1x16xi32>,
      %parallel_loop3A_1011 = arith.constant 6 : i32
      %parallel_loop3A_1012 = arith.index_cast %parallel_loop3A_109 : i32 to index
      %parallel_loop3A_1013 = arith.index_cast %parallel_loop3A_1011 : i32 to index
      %parallel_loop3A_1014 = arith.constant 80 : index
      %parallel_loop3A_1015 = tpu.vector_load %arg5[%parallel_loop3A_1012, %parallel_loop3A_1013, %parallel_loop3A_1014] {strides = array<i32>} : memref<25x8x128xi32, #tpu.memory_space<vmem>>, vector<1x1x16xi32>,
      %parallel_loop3A_1016 = vector.shape_cast %parallel_loop3A_1015 : vector<1x1x16xi32> to vector<16xi32>
      %parallel_loop3A_1017 = arith.addi %parallel_loop3A_1016, %parallel_loop3A_1016 : vector<16xi32>
      %parallel_loop3A_1018 = arith.cmpi sge, %parallel_loop3A_1016, %broadcast_in_dim3A_3 : vector<16xi32>
      %parallel_loop3A_1019 = arith.select %parallel_loop3A_1018, %broadcast_in_dim3A_5, %broadcast_in_dim3A_7 : vector<16xi1>, vector<16xi32>
      %parallel_loop3A_1020 = arith.subi %parallel_loop3A_1017, %parallel_loop3A_1019 : vector<16xi32>
      %parallel_loop3A_1021 = arith.constant 6 : i32
      %parallel_loop3A_1022 = arith.index_cast %parallel_loop3A_109 : i32 to index
      %parallel_loop3A_1023 = arith.index_cast %parallel_loop3A_1021 : i32 to index
      %parallel_loop3A_1024 = arith.constant 80 : index
      %parallel_loop3A_1025 = tpu.vector_load %arg5[%parallel_loop3A_1022, %parallel_loop3A_1023, %parallel_loop3A_1024] {strides = array<i32>} : memref<25x8x128xi32, #tpu.memory_space<vmem>>, vector<1x1x16xi32>,
      %parallel_loop3A_1026 = vector.shape_cast %parallel_loop3A_1025 : vector<1x1x16xi32> to vector<16xi32>
      %parallel_loop3A_1027 = vector.shape_cast %parallel_loop3A_1020 : vector<16xi32> to vector<1x1x16xi32>
      tpu.vector_store %arg5[%parallel_loop3A_1022, %parallel_loop3A_1023, %parallel_loop3A_1024], %parallel_loop3A_1027 {strides = array<i32>} : memref<25x8x128xi32, #tpu.memory_space<vmem>>, vector<1x1x16xi32>,
      %parallel_loop3A_1028 = arith.constant 6 : i32
      %parallel_loop3A_1029 = arith.index_cast %parallel_loop3A_109 : i32 to index
      %parallel_loop3A_1030 = arith.index_cast %parallel_loop3A_1028 : i32 to index
      %parallel_loop3A_1031 = arith.constant 96 : index
      %parallel_loop3A_1032 = tpu.vector_load %arg5[%parallel_loop3A_1029, %parallel_loop3A_1030, %parallel_loop3A_1031] {strides = array<i32>} : memref<25x8x128xi32, #tpu.memory_space<vmem>>, vector<1x1x16xi32>,
      %parallel_loop3A_1033 = vector.shape_cast %parallel_loop3A_1032 : vector<1x1x16xi32> to vector<16xi32>
      %parallel_loop3A_1034 = arith.addi %parallel_loop3A_1033, %parallel_loop3A_1033 : vector<16xi32>
      %parallel_loop3A_1035 = arith.cmpi sge, %parallel_loop3A_1033, %broadcast_in_dim3A_3 : vector<16xi32>
      %parallel_loop3A_1036 = arith.select %parallel_loop3A_1035, %broadcast_in_dim3A_5, %broadcast_in_dim3A_7 : vector<16xi1>, vector<16xi32>
      %parallel_loop3A_1037 = arith.subi %parallel_loop3A_1034, %parallel_loop3A_1036 : vector<16xi32>
      %parallel_loop3A_1038 = arith.constant 6 : i32
      %parallel_loop3A_1039 = arith.index_cast %parallel_loop3A_109 : i32 to index
      %parallel_loop3A_1040 = arith.index_cast %parallel_loop3A_1038 : i32 to index
      %parallel_loop3A_1041 = arith.constant 96 : index
      %parallel_loop3A_1042 = tpu.vector_load %arg5[%parallel_loop3A_1039, %parallel_loop3A_1040, %parallel_loop3A_1041] {strides = array<i32>} : memref<25x8x128xi32, #tpu.memory_space<vmem>>, vector<1x1x16xi32>,
      %parallel_loop3A_1043 = vector.shape_cast %parallel_loop3A_1042 : vector<1x1x16xi32> to vector<16xi32>
      %parallel_loop3A_1044 = vector.shape_cast %parallel_loop3A_1037 : vector<16xi32> to vector<1x1x16xi32>
      tpu.vector_store %arg5[%parallel_loop3A_1039, %parallel_loop3A_1040, %parallel_loop3A_1041], %parallel_loop3A_1044 {strides = array<i32>} : memref<25x8x128xi32, #tpu.memory_space<vmem>>, vector<1x1x16xi32>,
      %parallel_loop3A_1045 = arith.constant 6 : i32
      %parallel_loop3A_1046 = arith.index_cast %parallel_loop3A_109 : i32 to index
      %parallel_loop3A_1047 = arith.index_cast %parallel_loop3A_1045 : i32 to index
      %parallel_loop3A_1048 = arith.constant 112 : index
      %parallel_loop3A_1049 = tpu.vector_load %arg5[%parallel_loop3A_1046, %parallel_loop3A_1047, %parallel_loop3A_1048] {strides = array<i32>} : memref<25x8x128xi32, #tpu.memory_space<vmem>>, vector<1x1x16xi32>,
      %parallel_loop3A_1050 = vector.shape_cast %parallel_loop3A_1049 : vector<1x1x16xi32> to vector<16xi32>
      %parallel_loop3A_1051 = arith.addi %parallel_loop3A_1050, %parallel_loop3A_1050 : vector<16xi32>
      %parallel_loop3A_1052 = arith.cmpi sge, %parallel_loop3A_1050, %broadcast_in_dim3A_3 : vector<16xi32>
      %parallel_loop3A_1053 = arith.select %parallel_loop3A_1052, %broadcast_in_dim3A_5, %broadcast_in_dim3A_7 : vector<16xi1>, vector<16xi32>
      %parallel_loop3A_1054 = arith.subi %parallel_loop3A_1051, %parallel_loop3A_1053 : vector<16xi32>
      %parallel_loop3A_1055 = arith.constant 6 : i32
      %parallel_loop3A_1056 = arith.index_cast %parallel_loop3A_109 : i32 to index
      %parallel_loop3A_1057 = arith.index_cast %parallel_loop3A_1055 : i32 to index
      %parallel_loop3A_1058 = arith.constant 112 : index
      %parallel_loop3A_1059 = tpu.vector_load %arg5[%parallel_loop3A_1056, %parallel_loop3A_1057, %parallel_loop3A_1058] {strides = array<i32>} : memref<25x8x128xi32, #tpu.memory_space<vmem>>, vector<1x1x16xi32>,
      %parallel_loop3A_1060 = vector.shape_cast %parallel_loop3A_1059 : vector<1x1x16xi32> to vector<16xi32>
      %parallel_loop3A_1061 = vector.shape_cast %parallel_loop3A_1054 : vector<16xi32> to vector<1x1x16xi32>
      tpu.vector_store %arg5[%parallel_loop3A_1056, %parallel_loop3A_1057, %parallel_loop3A_1058], %parallel_loop3A_1061 {strides = array<i32>} : memref<25x8x128xi32, #tpu.memory_space<vmem>>, vector<1x1x16xi32>,
      %parallel_loop3A_1062 = arith.constant 7 : i32
      %parallel_loop3A_1063 = arith.index_cast %parallel_loop3A_109 : i32 to index
      %parallel_loop3A_1064 = arith.index_cast %parallel_loop3A_1062 : i32 to index
      %parallel_loop3A_1065 = arith.constant 0 : index
      %parallel_loop3A_1066 = tpu.vector_load %arg5[%parallel_loop3A_1063, %parallel_loop3A_1064, %parallel_loop3A_1065] {strides = array<i32>} : memref<25x8x128xi32, #tpu.memory_space<vmem>>, vector<1x1x16xi32>,
      %parallel_loop3A_1067 = vector.shape_cast %parallel_loop3A_1066 : vector<1x1x16xi32> to vector<16xi32>
      %parallel_loop3A_1068 = arith.addi %parallel_loop3A_1067, %parallel_loop3A_1067 : vector<16xi32>
      %parallel_loop3A_1069 = arith.cmpi sge, %parallel_loop3A_1067, %broadcast_in_dim3A_3 : vector<16xi32>
      %parallel_loop3A_1070 = arith.select %parallel_loop3A_1069, %broadcast_in_dim3A_5, %broadcast_in_dim3A_7 : vector<16xi1>, vector<16xi32>
      %parallel_loop3A_1071 = arith.subi %parallel_loop3A_1068, %parallel_loop3A_1070 : vector<16xi32>
      %parallel_loop3A_1072 = arith.constant 7 : i32
      %parallel_loop3A_1073 = arith.index_cast %parallel_loop3A_109 : i32 to index
      %parallel_loop3A_1074 = arith.index_cast %parallel_loop3A_1072 : i32 to index
      %parallel_loop3A_1075 = arith.constant 0 : index
      %parallel_loop3A_1076 = tpu.vector_load %arg5[%parallel_loop3A_1073, %parallel_loop3A_1074, %parallel_loop3A_1075] {strides = array<i32>} : memref<25x8x128xi32, #tpu.memory_space<vmem>>, vector<1x1x16xi32>,
      %parallel_loop3A_1077 = vector.shape_cast %parallel_loop3A_1076 : vector<1x1x16xi32> to vector<16xi32>
      %parallel_loop3A_1078 = vector.shape_cast %parallel_loop3A_1071 : vector<16xi32> to vector<1x1x16xi32>
      tpu.vector_store %arg5[%parallel_loop3A_1073, %parallel_loop3A_1074, %parallel_loop3A_1075], %parallel_loop3A_1078 {strides = array<i32>} : memref<25x8x128xi32, #tpu.memory_space<vmem>>, vector<1x1x16xi32>,
      %parallel_loop3A_1079 = arith.constant 7 : i32
      %parallel_loop3A_1080 = arith.index_cast %parallel_loop3A_109 : i32 to index
      %parallel_loop3A_1081 = arith.index_cast %parallel_loop3A_1079 : i32 to index
      %parallel_loop3A_1082 = arith.constant 16 : index
      %parallel_loop3A_1083 = tpu.vector_load %arg5[%parallel_loop3A_1080, %parallel_loop3A_1081, %parallel_loop3A_1082] {strides = array<i32>} : memref<25x8x128xi32, #tpu.memory_space<vmem>>, vector<1x1x16xi32>,
      %parallel_loop3A_1084 = vector.shape_cast %parallel_loop3A_1083 : vector<1x1x16xi32> to vector<16xi32>
      %parallel_loop3A_1085 = arith.addi %parallel_loop3A_1084, %parallel_loop3A_1084 : vector<16xi32>
      %parallel_loop3A_1086 = arith.cmpi sge, %parallel_loop3A_1084, %broadcast_in_dim3A_3 : vector<16xi32>
      %parallel_loop3A_1087 = arith.select %parallel_loop3A_1086, %broadcast_in_dim3A_5, %broadcast_in_dim3A_7 : vector<16xi1>, vector<16xi32>
      %parallel_loop3A_1088 = arith.subi %parallel_loop3A_1085, %parallel_loop3A_1087 : vector<16xi32>
      %parallel_loop3A_1089 = arith.constant 7 : i32
      %parallel_loop3A_1090 = arith.index_cast %parallel_loop3A_109 : i32 to index
      %parallel_loop3A_1091 = arith.index_cast %parallel_loop3A_1089 : i32 to index
      %parallel_loop3A_1092 = arith.constant 16 : index
      %parallel_loop3A_1093 = tpu.vector_load %arg5[%parallel_loop3A_1090, %parallel_loop3A_1091, %parallel_loop3A_1092] {strides = array<i32>} : memref<25x8x128xi32, #tpu.memory_space<vmem>>, vector<1x1x16xi32>,
      %parallel_loop3A_1094 = vector.shape_cast %parallel_loop3A_1093 : vector<1x1x16xi32> to vector<16xi32>
      %parallel_loop3A_1095 = vector.shape_cast %parallel_loop3A_1088 : vector<16xi32> to vector<1x1x16xi32>
      tpu.vector_store %arg5[%parallel_loop3A_1090, %parallel_loop3A_1091, %parallel_loop3A_1092], %parallel_loop3A_1095 {strides = array<i32>} : memref<25x8x128xi32, #tpu.memory_space<vmem>>, vector<1x1x16xi32>,
      %parallel_loop3A_1096 = arith.constant 7 : i32
      %parallel_loop3A_1097 = arith.index_cast %parallel_loop3A_109 : i32 to index
      %parallel_loop3A_1098 = arith.index_cast %parallel_loop3A_1096 : i32 to index
      %parallel_loop3A_1099 = arith.constant 32 : index
      %parallel_loop3A_1100 = tpu.vector_load %arg5[%parallel_loop3A_1097, %parallel_loop3A_1098, %parallel_loop3A_1099] {strides = array<i32>} : memref<25x8x128xi32, #tpu.memory_space<vmem>>, vector<1x1x16xi32>,
      %parallel_loop3A_1101 = vector.shape_cast %parallel_loop3A_1100 : vector<1x1x16xi32> to vector<16xi32>
      %parallel_loop3A_1102 = arith.addi %parallel_loop3A_1101, %parallel_loop3A_1101 : vector<16xi32>
      %parallel_loop3A_1103 = arith.cmpi sge, %parallel_loop3A_1101, %broadcast_in_dim3A_3 : vector<16xi32>
      %parallel_loop3A_1104 = arith.select %parallel_loop3A_1103, %broadcast_in_dim3A_5, %broadcast_in_dim3A_7 : vector<16xi1>, vector<16xi32>
      %parallel_loop3A_1105 = arith.subi %parallel_loop3A_1102, %parallel_loop3A_1104 : vector<16xi32>
      %parallel_loop3A_1106 = arith.constant 7 : i32
      %parallel_loop3A_1107 = arith.index_cast %parallel_loop3A_109 : i32 to index
      %parallel_loop3A_1108 = arith.index_cast %parallel_loop3A_1106 : i32 to index
      %parallel_loop3A_1109 = arith.constant 32 : index
      %parallel_loop3A_1110 = tpu.vector_load %arg5[%parallel_loop3A_1107, %parallel_loop3A_1108, %parallel_loop3A_1109] {strides = array<i32>} : memref<25x8x128xi32, #tpu.memory_space<vmem>>, vector<1x1x16xi32>,
      %parallel_loop3A_1111 = vector.shape_cast %parallel_loop3A_1110 : vector<1x1x16xi32> to vector<16xi32>
      %parallel_loop3A_1112 = vector.shape_cast %parallel_loop3A_1105 : vector<16xi32> to vector<1x1x16xi32>
      tpu.vector_store %arg5[%parallel_loop3A_1107, %parallel_loop3A_1108, %parallel_loop3A_1109], %parallel_loop3A_1112 {strides = array<i32>} : memref<25x8x128xi32, #tpu.memory_space<vmem>>, vector<1x1x16xi32>,
      %parallel_loop3A_1113 = arith.constant 7 : i32
      %parallel_loop3A_1114 = arith.index_cast %parallel_loop3A_109 : i32 to index
      %parallel_loop3A_1115 = arith.index_cast %parallel_loop3A_1113 : i32 to index
      %parallel_loop3A_1116 = arith.constant 48 : index
      %parallel_loop3A_1117 = tpu.vector_load %arg5[%parallel_loop3A_1114, %parallel_loop3A_1115, %parallel_loop3A_1116] {strides = array<i32>} : memref<25x8x128xi32, #tpu.memory_space<vmem>>, vector<1x1x16xi32>,
      %parallel_loop3A_1118 = vector.shape_cast %parallel_loop3A_1117 : vector<1x1x16xi32> to vector<16xi32>
      %parallel_loop3A_1119 = arith.addi %parallel_loop3A_1118, %parallel_loop3A_1118 : vector<16xi32>
      %parallel_loop3A_1120 = arith.cmpi sge, %parallel_loop3A_1118, %broadcast_in_dim3A_3 : vector<16xi32>
      %parallel_loop3A_1121 = arith.select %parallel_loop3A_1120, %broadcast_in_dim3A_5, %broadcast_in_dim3A_7 : vector<16xi1>, vector<16xi32>
      %parallel_loop3A_1122 = arith.subi %parallel_loop3A_1119, %parallel_loop3A_1121 : vector<16xi32>
      %parallel_loop3A_1123 = arith.constant 7 : i32
      %parallel_loop3A_1124 = arith.index_cast %parallel_loop3A_109 : i32 to index
      %parallel_loop3A_1125 = arith.index_cast %parallel_loop3A_1123 : i32 to index
      %parallel_loop3A_1126 = arith.constant 48 : index
      %parallel_loop3A_1127 = tpu.vector_load %arg5[%parallel_loop3A_1124, %parallel_loop3A_1125, %parallel_loop3A_1126] {strides = array<i32>} : memref<25x8x128xi32, #tpu.memory_space<vmem>>, vector<1x1x16xi32>,
      %parallel_loop3A_1128 = vector.shape_cast %parallel_loop3A_1127 : vector<1x1x16xi32> to vector<16xi32>
      %parallel_loop3A_1129 = vector.shape_cast %parallel_loop3A_1122 : vector<16xi32> to vector<1x1x16xi32>
      tpu.vector_store %arg5[%parallel_loop3A_1124, %parallel_loop3A_1125, %parallel_loop3A_1126], %parallel_loop3A_1129 {strides = array<i32>} : memref<25x8x128xi32, #tpu.memory_space<vmem>>, vector<1x1x16xi32>,
      %parallel_loop3A_1130 = arith.constant 7 : i32
      %parallel_loop3A_1131 = arith.index_cast %parallel_loop3A_109 : i32 to index
      %parallel_loop3A_1132 = arith.index_cast %parallel_loop3A_1130 : i32 to index
      %parallel_loop3A_1133 = arith.constant 64 : index
      %parallel_loop3A_1134 = tpu.vector_load %arg5[%parallel_loop3A_1131, %parallel_loop3A_1132, %parallel_loop3A_1133] {strides = array<i32>} : memref<25x8x128xi32, #tpu.memory_space<vmem>>, vector<1x1x16xi32>,
      %parallel_loop3A_1135 = vector.shape_cast %parallel_loop3A_1134 : vector<1x1x16xi32> to vector<16xi32>
      %parallel_loop3A_1136 = arith.addi %parallel_loop3A_1135, %parallel_loop3A_1135 : vector<16xi32>
      %parallel_loop3A_1137 = arith.cmpi sge, %parallel_loop3A_1135, %broadcast_in_dim3A_3 : vector<16xi32>
      %parallel_loop3A_1138 = arith.select %parallel_loop3A_1137, %broadcast_in_dim3A_5, %broadcast_in_dim3A_7 : vector<16xi1>, vector<16xi32>
      %parallel_loop3A_1139 = arith.subi %parallel_loop3A_1136, %parallel_loop3A_1138 : vector<16xi32>
      %parallel_loop3A_1140 = arith.constant 7 : i32
      %parallel_loop3A_1141 = arith.index_cast %parallel_loop3A_109 : i32 to index
      %parallel_loop3A_1142 = arith.index_cast %parallel_loop3A_1140 : i32 to index
      %parallel_loop3A_1143 = arith.constant 64 : index
      %parallel_loop3A_1144 = tpu.vector_load %arg5[%parallel_loop3A_1141, %parallel_loop3A_1142, %parallel_loop3A_1143] {strides = array<i32>} : memref<25x8x128xi32, #tpu.memory_space<vmem>>, vector<1x1x16xi32>,
      %parallel_loop3A_1145 = vector.shape_cast %parallel_loop3A_1144 : vector<1x1x16xi32> to vector<16xi32>
      %parallel_loop3A_1146 = vector.shape_cast %parallel_loop3A_1139 : vector<16xi32> to vector<1x1x16xi32>
      tpu.vector_store %arg5[%parallel_loop3A_1141, %parallel_loop3A_1142, %parallel_loop3A_1143], %parallel_loop3A_1146 {strides = array<i32>} : memref<25x8x128xi32, #tpu.memory_space<vmem>>, vector<1x1x16xi32>,
      %parallel_loop3A_1147 = arith.constant 7 : i32
      %parallel_loop3A_1148 = arith.index_cast %parallel_loop3A_109 : i32 to index
      %parallel_loop3A_1149 = arith.index_cast %parallel_loop3A_1147 : i32 to index
      %parallel_loop3A_1150 = arith.constant 80 : index
      %parallel_loop3A_1151 = tpu.vector_load %arg5[%parallel_loop3A_1148, %parallel_loop3A_1149, %parallel_loop3A_1150] {strides = array<i32>} : memref<25x8x128xi32, #tpu.memory_space<vmem>>, vector<1x1x16xi32>,
      %parallel_loop3A_1152 = vector.shape_cast %parallel_loop3A_1151 : vector<1x1x16xi32> to vector<16xi32>
      %parallel_loop3A_1153 = arith.addi %parallel_loop3A_1152, %parallel_loop3A_1152 : vector<16xi32>
      %parallel_loop3A_1154 = arith.cmpi sge, %parallel_loop3A_1152, %broadcast_in_dim3A_3 : vector<16xi32>
      %parallel_loop3A_1155 = arith.select %parallel_loop3A_1154, %broadcast_in_dim3A_5, %broadcast_in_dim3A_7 : vector<16xi1>, vector<16xi32>
      %parallel_loop3A_1156 = arith.subi %parallel_loop3A_1153, %parallel_loop3A_1155 : vector<16xi32>
      %parallel_loop3A_1157 = arith.constant 7 : i32
      %parallel_loop3A_1158 = arith.index_cast %parallel_loop3A_109 : i32 to index
      %parallel_loop3A_1159 = arith.index_cast %parallel_loop3A_1157 : i32 to index
      %parallel_loop3A_1160 = arith.constant 80 : index
      %parallel_loop3A_1161 = tpu.vector_load %arg5[%parallel_loop3A_1158, %parallel_loop3A_1159, %parallel_loop3A_1160] {strides = array<i32>} : memref<25x8x128xi32, #tpu.memory_space<vmem>>, vector<1x1x16xi32>,
      %parallel_loop3A_1162 = vector.shape_cast %parallel_loop3A_1161 : vector<1x1x16xi32> to vector<16xi32>
      %parallel_loop3A_1163 = vector.shape_cast %parallel_loop3A_1156 : vector<16xi32> to vector<1x1x16xi32>
      tpu.vector_store %arg5[%parallel_loop3A_1158, %parallel_loop3A_1159, %parallel_loop3A_1160], %parallel_loop3A_1163 {strides = array<i32>} : memref<25x8x128xi32, #tpu.memory_space<vmem>>, vector<1x1x16xi32>,
      %parallel_loop3A_1164 = arith.constant 7 : i32
      %parallel_loop3A_1165 = arith.index_cast %parallel_loop3A_109 : i32 to index
      %parallel_loop3A_1166 = arith.index_cast %parallel_loop3A_1164 : i32 to index
      %parallel_loop3A_1167 = arith.constant 96 : index
      %parallel_loop3A_1168 = tpu.vector_load %arg5[%parallel_loop3A_1165, %parallel_loop3A_1166, %parallel_loop3A_1167] {strides = array<i32>} : memref<25x8x128xi32, #tpu.memory_space<vmem>>, vector<1x1x16xi32>,
      %parallel_loop3A_1169 = vector.shape_cast %parallel_loop3A_1168 : vector<1x1x16xi32> to vector<16xi32>
      %parallel_loop3A_1170 = arith.addi %parallel_loop3A_1169, %parallel_loop3A_1169 : vector<16xi32>
      %parallel_loop3A_1171 = arith.cmpi sge, %parallel_loop3A_1169, %broadcast_in_dim3A_3 : vector<16xi32>
      %parallel_loop3A_1172 = arith.select %parallel_loop3A_1171, %broadcast_in_dim3A_5, %broadcast_in_dim3A_7 : vector<16xi1>, vector<16xi32>
      %parallel_loop3A_1173 = arith.subi %parallel_loop3A_1170, %parallel_loop3A_1172 : vector<16xi32>
      %parallel_loop3A_1174 = arith.constant 7 : i32
      %parallel_loop3A_1175 = arith.index_cast %parallel_loop3A_109 : i32 to index
      %parallel_loop3A_1176 = arith.index_cast %parallel_loop3A_1174 : i32 to index
      %parallel_loop3A_1177 = arith.constant 96 : index
      %parallel_loop3A_1178 = tpu.vector_load %arg5[%parallel_loop3A_1175, %parallel_loop3A_1176, %parallel_loop3A_1177] {strides = array<i32>} : memref<25x8x128xi32, #tpu.memory_space<vmem>>, vector<1x1x16xi32>,
      %parallel_loop3A_1179 = vector.shape_cast %parallel_loop3A_1178 : vector<1x1x16xi32> to vector<16xi32>
      %parallel_loop3A_1180 = vector.shape_cast %parallel_loop3A_1173 : vector<16xi32> to vector<1x1x16xi32>
      tpu.vector_store %arg5[%parallel_loop3A_1175, %parallel_loop3A_1176, %parallel_loop3A_1177], %parallel_loop3A_1180 {strides = array<i32>} : memref<25x8x128xi32, #tpu.memory_space<vmem>>, vector<1x1x16xi32>,
      %parallel_loop3A_1181 = arith.constant 7 : i32
      %parallel_loop3A_1182 = arith.index_cast %parallel_loop3A_109 : i32 to index
      %parallel_loop3A_1183 = arith.index_cast %parallel_loop3A_1181 : i32 to index
      %parallel_loop3A_1184 = arith.constant 112 : index
      %parallel_loop3A_1185 = tpu.vector_load %arg5[%parallel_loop3A_1182, %parallel_loop3A_1183, %parallel_loop3A_1184] {strides = array<i32>} : memref<25x8x128xi32, #tpu.memory_space<vmem>>, vector<1x1x16xi32>,
      %parallel_loop3A_1186 = vector.shape_cast %parallel_loop3A_1185 : vector<1x1x16xi32> to vector<16xi32>
      %parallel_loop3A_1187 = arith.addi %parallel_loop3A_1186, %parallel_loop3A_1186 : vector<16xi32>
      %parallel_loop3A_1188 = arith.cmpi sge, %parallel_loop3A_1186, %broadcast_in_dim3A_3 : vector<16xi32>
      %parallel_loop3A_1189 = arith.select %parallel_loop3A_1188, %broadcast_in_dim3A_5, %broadcast_in_dim3A_7 : vector<16xi1>, vector<16xi32>
      %parallel_loop3A_1190 = arith.subi %parallel_loop3A_1187, %parallel_loop3A_1189 : vector<16xi32>
      %parallel_loop3A_1191 = arith.constant 7 : i32
      %parallel_loop3A_1192 = arith.index_cast %parallel_loop3A_109 : i32 to index
      %parallel_loop3A_1193 = arith.index_cast %parallel_loop3A_1191 : i32 to index
      %parallel_loop3A_1194 = arith.constant 112 : index
      %parallel_loop3A_1195 = tpu.vector_load %arg5[%parallel_loop3A_1192, %parallel_loop3A_1193, %parallel_loop3A_1194] {strides = array<i32>} : memref<25x8x128xi32, #tpu.memory_space<vmem>>, vector<1x1x16xi32>,
      %parallel_loop3A_1196 = vector.shape_cast %parallel_loop3A_1195 : vector<1x1x16xi32> to vector<16xi32>
      %parallel_loop3A_1197 = vector.shape_cast %parallel_loop3A_1190 : vector<16xi32> to vector<1x1x16xi32>
      tpu.vector_store %arg5[%parallel_loop3A_1192, %parallel_loop3A_1193, %parallel_loop3A_1194], %parallel_loop3A_1197 {strides = array<i32>} : memref<25x8x128xi32, #tpu.memory_space<vmem>>, vector<1x1x16xi32>,
    } {sc.loop_unroll_factor = 1 : i64, sc.parallel_access}
    %parallel_loop3A_10 = arith.constant 0 : i32
    %parallel_loop3A_11 = arith.constant 128 : i32
    %parallel_loop3A_12 = arith.constant 1 : i32
    scf.for %parallel_loop3A_109 = %parallel_loop3A_10 to %parallel_loop3A_11 step %parallel_loop3A_12  : i32 {
      %parallel_loop3A_110 = arith.constant 0.000000e+00 : f32
      %parallel_loop3A_111 = vector.broadcast %parallel_loop3A_110 : f32 to vector<16xf32>
      %parallel_loop3A_112 = arith.index_cast %parallel_loop3A_109 : i32 to index
      %parallel_loop3A_113 = arith.constant 0 : index
      %parallel_loop3A_114 = tpu.vector_load %arg7[%parallel_loop3A_112, %parallel_loop3A_113] {strides = array<i32>} : memref<128x64xf32, #tpu.memory_space<vmem>>, vector<1x16xf32>,
      %parallel_loop3A_115 = vector.shape_cast %parallel_loop3A_114 : vector<1x16xf32> to vector<16xf32>
      %parallel_loop3A_116 = vector.shape_cast %parallel_loop3A_111 : vector<16xf32> to vector<1x16xf32>
      tpu.vector_store %arg7[%parallel_loop3A_112, %parallel_loop3A_113], %parallel_loop3A_116 {strides = array<i32>} : memref<128x64xf32, #tpu.memory_space<vmem>>, vector<1x16xf32>,
      %parallel_loop3A_117 = arith.constant 0.000000e+00 : f32
      %parallel_loop3A_118 = vector.broadcast %parallel_loop3A_117 : f32 to vector<16xf32>
      %parallel_loop3A_119 = arith.index_cast %parallel_loop3A_109 : i32 to index
      %parallel_loop3A_120 = arith.constant 16 : index
      %parallel_loop3A_121 = tpu.vector_load %arg7[%parallel_loop3A_119, %parallel_loop3A_120] {strides = array<i32>} : memref<128x64xf32, #tpu.memory_space<vmem>>, vector<1x16xf32>,
      %parallel_loop3A_122 = vector.shape_cast %parallel_loop3A_121 : vector<1x16xf32> to vector<16xf32>
      %parallel_loop3A_123 = vector.shape_cast %parallel_loop3A_118 : vector<16xf32> to vector<1x16xf32>
      tpu.vector_store %arg7[%parallel_loop3A_119, %parallel_loop3A_120], %parallel_loop3A_123 {strides = array<i32>} : memref<128x64xf32, #tpu.memory_space<vmem>>, vector<1x16xf32>,
      %parallel_loop3A_124 = arith.constant 0.000000e+00 : f32
      %parallel_loop3A_125 = vector.broadcast %parallel_loop3A_124 : f32 to vector<16xf32>
      %parallel_loop3A_126 = arith.index_cast %parallel_loop3A_109 : i32 to index
      %parallel_loop3A_127 = arith.constant 32 : index
      %parallel_loop3A_128 = tpu.vector_load %arg7[%parallel_loop3A_126, %parallel_loop3A_127] {strides = array<i32>} : memref<128x64xf32, #tpu.memory_space<vmem>>, vector<1x16xf32>,
      %parallel_loop3A_129 = vector.shape_cast %parallel_loop3A_128 : vector<1x16xf32> to vector<16xf32>
      %parallel_loop3A_130 = vector.shape_cast %parallel_loop3A_125 : vector<16xf32> to vector<1x16xf32>
      tpu.vector_store %arg7[%parallel_loop3A_126, %parallel_loop3A_127], %parallel_loop3A_130 {strides = array<i32>} : memref<128x64xf32, #tpu.memory_space<vmem>>, vector<1x16xf32>,
      %parallel_loop3A_131 = arith.constant 0.000000e+00 : f32
      %parallel_loop3A_132 = vector.broadcast %parallel_loop3A_131 : f32 to vector<16xf32>
      %parallel_loop3A_133 = arith.index_cast %parallel_loop3A_109 : i32 to index
      %parallel_loop3A_134 = arith.constant 48 : index
      %parallel_loop3A_135 = tpu.vector_load %arg7[%parallel_loop3A_133, %parallel_loop3A_134] {strides = array<i32>} : memref<128x64xf32, #tpu.memory_space<vmem>>, vector<1x16xf32>,
      %parallel_loop3A_136 = vector.shape_cast %parallel_loop3A_135 : vector<1x16xf32> to vector<16xf32>
      %parallel_loop3A_137 = vector.shape_cast %parallel_loop3A_132 : vector<16xf32> to vector<1x16xf32>
      tpu.vector_store %arg7[%parallel_loop3A_133, %parallel_loop3A_134], %parallel_loop3A_137 {strides = array<i32>} : memref<128x64xf32, #tpu.memory_space<vmem>>, vector<1x16xf32>,
    } {sc.loop_unroll_factor = 8 : i64, sc.parallel_access}
    %dma_start3A = arith.constant 0 : i32
    %dma_start3A_13 = arith.constant 0 : i32
    %dma_start3A_14 = arith.constant 0 : i32
    %dma_start3A_15 = arith.constant 0 : i32
    %dma_start3A_16 = arith.constant 0 : i32
    %dma_start3A_17 = tpu.memref_slice %arg6[%dma_start3A_14, %dma_start3A_15, %dma_start3A_16] : memref<8x128x64xf32, #tpu.memory_space<vmem>> -> memref<1x128x64xf32, #tpu.memory_space<vmem>>
    %dma_start3A_18 = tpu.memref_squeeze %dma_start3A_17 : memref<1x128x64xf32, #tpu.memory_space<vmem>> -> memref<128x64xf32, #tpu.memory_space<vmem>>
    %dma_start3A_19 = arith.constant 0 : i32
    %dma_start3A_20 = tpu.memref_slice %arg5[%dma_start3A, %dma_start3A_13, %dma_start3A_19] : memref<25x8x128xi32, #tpu.memory_space<vmem>> -> memref<1x1x128xi32, #tpu.memory_space<vmem>>
    %dma_start3A_21 = tpu.memref_squeeze %dma_start3A_20 : memref<1x1x128xi32, #tpu.memory_space<vmem>> -> memref<128xi32, #tpu.memory_space<vmem>>
    %dma_start3A_22 = arith.constant 0 : i32
    %dma_start3A_23 = arith.constant 0 : i32
    %dma_start3A_24 = tpu.memref_slice %arg3[%dma_start3A_22, %dma_start3A_23] : memref<1000448x64xf32, #tpu.memory_space<hbm>> -> memref<1000448x64xf32, #tpu.memory_space<hbm>>
    tpu.enqueue_indirect_dma source(%dma_start3A_24 : memref<1000448x64xf32, #tpu.memory_space<hbm>>) target(%dma_start3A_18 : memref<128x64xf32, #tpu.memory_space<vmem>>) offsets(%dma_start3A_21 : memref<128xi32, #tpu.memory_space<vmem>>) semaphore(%arg8 : memref<!tpu.dma_semaphore, #tpu.memory_space<semaphore_mem>>)
    %dma_start3A_25 = arith.constant 0 : i32
    %dma_start3A_26 = arith.constant 1 : i32
    %dma_start3A_27 = arith.constant 1 : i32
    %dma_start3A_28 = arith.constant 0 : i32
    %dma_start3A_29 = arith.constant 0 : i32
    %dma_start3A_30 = tpu.memref_slice %arg6[%dma_start3A_27, %dma_start3A_28, %dma_start3A_29] : memref<8x128x64xf32, #tpu.memory_space<vmem>> -> memref<1x128x64xf32, #tpu.memory_space<vmem>>
    %dma_start3A_31 = tpu.memref_squeeze %dma_start3A_30 : memref<1x128x64xf32, #tpu.memory_space<vmem>> -> memref<128x64xf32, #tpu.memory_space<vmem>>
    %dma_start3A_32 = arith.constant 0 : i32
    %dma_start3A_33 = tpu.memref_slice %arg5[%dma_start3A_25, %dma_start3A_26, %dma_start3A_32] : memref<25x8x128xi32, #tpu.memory_space<vmem>> -> memref<1x1x128xi32, #tpu.memory_space<vmem>>
    %dma_start3A_34 = tpu.memref_squeeze %dma_start3A_33 : memref<1x1x128xi32, #tpu.memory_space<vmem>> -> memref<128xi32, #tpu.memory_space<vmem>>
    %dma_start3A_35 = arith.constant 0 : i32
    %dma_start3A_36 = arith.constant 0 : i32
    %dma_start3A_37 = tpu.memref_slice %arg3[%dma_start3A_35, %dma_start3A_36] : memref<1000448x64xf32, #tpu.memory_space<hbm>> -> memref<1000448x64xf32, #tpu.memory_space<hbm>>
    tpu.enqueue_indirect_dma source(%dma_start3A_37 : memref<1000448x64xf32, #tpu.memory_space<hbm>>) target(%dma_start3A_31 : memref<128x64xf32, #tpu.memory_space<vmem>>) offsets(%dma_start3A_34 : memref<128xi32, #tpu.memory_space<vmem>>) semaphore(%arg9 : memref<!tpu.dma_semaphore, #tpu.memory_space<semaphore_mem>>)
    %dma_start3A_38 = arith.constant 0 : i32
    %dma_start3A_39 = arith.constant 2 : i32
    %dma_start3A_40 = arith.constant 2 : i32
    %dma_start3A_41 = arith.constant 0 : i32
    %dma_start3A_42 = arith.constant 0 : i32
    %dma_start3A_43 = tpu.memref_slice %arg6[%dma_start3A_40, %dma_start3A_41, %dma_start3A_42] : memref<8x128x64xf32, #tpu.memory_space<vmem>> -> memref<1x128x64xf32, #tpu.memory_space<vmem>>
    %dma_start3A_44 = tpu.memref_squeeze %dma_start3A_43 : memref<1x128x64xf32, #tpu.memory_space<vmem>> -> memref<128x64xf32, #tpu.memory_space<vmem>>
    %dma_start3A_45 = arith.constant 0 : i32
    %dma_start3A_46 = tpu.memref_slice %arg5[%dma_start3A_38, %dma_start3A_39, %dma_start3A_45] : memref<25x8x128xi32, #tpu.memory_space<vmem>> -> memref<1x1x128xi32, #tpu.memory_space<vmem>>
    %dma_start3A_47 = tpu.memref_squeeze %dma_start3A_46 : memref<1x1x128xi32, #tpu.memory_space<vmem>> -> memref<128xi32, #tpu.memory_space<vmem>>
    %dma_start3A_48 = arith.constant 0 : i32
    %dma_start3A_49 = arith.constant 0 : i32
    %dma_start3A_50 = tpu.memref_slice %arg3[%dma_start3A_48, %dma_start3A_49] : memref<1000448x64xf32, #tpu.memory_space<hbm>> -> memref<1000448x64xf32, #tpu.memory_space<hbm>>
    tpu.enqueue_indirect_dma source(%dma_start3A_50 : memref<1000448x64xf32, #tpu.memory_space<hbm>>) target(%dma_start3A_44 : memref<128x64xf32, #tpu.memory_space<vmem>>) offsets(%dma_start3A_47 : memref<128xi32, #tpu.memory_space<vmem>>) semaphore(%arg10 : memref<!tpu.dma_semaphore, #tpu.memory_space<semaphore_mem>>)
    %dma_start3A_51 = arith.constant 0 : i32
    %dma_start3A_52 = arith.constant 3 : i32
    %dma_start3A_53 = arith.constant 3 : i32
    %dma_start3A_54 = arith.constant 0 : i32
    %dma_start3A_55 = arith.constant 0 : i32
    %dma_start3A_56 = tpu.memref_slice %arg6[%dma_start3A_53, %dma_start3A_54, %dma_start3A_55] : memref<8x128x64xf32, #tpu.memory_space<vmem>> -> memref<1x128x64xf32, #tpu.memory_space<vmem>>
    %dma_start3A_57 = tpu.memref_squeeze %dma_start3A_56 : memref<1x128x64xf32, #tpu.memory_space<vmem>> -> memref<128x64xf32, #tpu.memory_space<vmem>>
    %dma_start3A_58 = arith.constant 0 : i32
    %dma_start3A_59 = tpu.memref_slice %arg5[%dma_start3A_51, %dma_start3A_52, %dma_start3A_58] : memref<25x8x128xi32, #tpu.memory_space<vmem>> -> memref<1x1x128xi32, #tpu.memory_space<vmem>>
    %dma_start3A_60 = tpu.memref_squeeze %dma_start3A_59 : memref<1x1x128xi32, #tpu.memory_space<vmem>> -> memref<128xi32, #tpu.memory_space<vmem>>
    %dma_start3A_61 = arith.constant 0 : i32
    %dma_start3A_62 = arith.constant 0 : i32
    %dma_start3A_63 = tpu.memref_slice %arg3[%dma_start3A_61, %dma_start3A_62] : memref<1000448x64xf32, #tpu.memory_space<hbm>> -> memref<1000448x64xf32, #tpu.memory_space<hbm>>
    tpu.enqueue_indirect_dma source(%dma_start3A_63 : memref<1000448x64xf32, #tpu.memory_space<hbm>>) target(%dma_start3A_57 : memref<128x64xf32, #tpu.memory_space<vmem>>) offsets(%dma_start3A_60 : memref<128xi32, #tpu.memory_space<vmem>>) semaphore(%arg11 : memref<!tpu.dma_semaphore, #tpu.memory_space<semaphore_mem>>)
    %dma_start3A_64 = arith.constant 0 : i32
    %dma_start3A_65 = arith.constant 4 : i32
    %dma_start3A_66 = arith.constant 4 : i32
    %dma_start3A_67 = arith.constant 0 : i32
    %dma_start3A_68 = arith.constant 0 : i32
    %dma_start3A_69 = tpu.memref_slice %arg6[%dma_start3A_66, %dma_start3A_67, %dma_start3A_68] : memref<8x128x64xf32, #tpu.memory_space<vmem>> -> memref<1x128x64xf32, #tpu.memory_space<vmem>>
    %dma_start3A_70 = tpu.memref_squeeze %dma_start3A_69 : memref<1x128x64xf32, #tpu.memory_space<vmem>> -> memref<128x64xf32, #tpu.memory_space<vmem>>
    %dma_start3A_71 = arith.constant 0 : i32
    %dma_start3A_72 = tpu.memref_slice %arg5[%dma_start3A_64, %dma_start3A_65, %dma_start3A_71] : memref<25x8x128xi32, #tpu.memory_space<vmem>> -> memref<1x1x128xi32, #tpu.memory_space<vmem>>
    %dma_start3A_73 = tpu.memref_squeeze %dma_start3A_72 : memref<1x1x128xi32, #tpu.memory_space<vmem>> -> memref<128xi32, #tpu.memory_space<vmem>>
    %dma_start3A_74 = arith.constant 0 : i32
    %dma_start3A_75 = arith.constant 0 : i32
    %dma_start3A_76 = tpu.memref_slice %arg3[%dma_start3A_74, %dma_start3A_75] : memref<1000448x64xf32, #tpu.memory_space<hbm>> -> memref<1000448x64xf32, #tpu.memory_space<hbm>>
    tpu.enqueue_indirect_dma source(%dma_start3A_76 : memref<1000448x64xf32, #tpu.memory_space<hbm>>) target(%dma_start3A_70 : memref<128x64xf32, #tpu.memory_space<vmem>>) offsets(%dma_start3A_73 : memref<128xi32, #tpu.memory_space<vmem>>) semaphore(%arg12 : memref<!tpu.dma_semaphore, #tpu.memory_space<semaphore_mem>>)
    %dma_start3A_77 = arith.constant 0 : i32
    %dma_start3A_78 = arith.constant 5 : i32
    %dma_start3A_79 = arith.constant 5 : i32
    %dma_start3A_80 = arith.constant 0 : i32
    %dma_start3A_81 = arith.constant 0 : i32
    %dma_start3A_82 = tpu.memref_slice %arg6[%dma_start3A_79, %dma_start3A_80, %dma_start3A_81] : memref<8x128x64xf32, #tpu.memory_space<vmem>> -> memref<1x128x64xf32, #tpu.memory_space<vmem>>
    %dma_start3A_83 = tpu.memref_squeeze %dma_start3A_82 : memref<1x128x64xf32, #tpu.memory_space<vmem>> -> memref<128x64xf32, #tpu.memory_space<vmem>>
    %dma_start3A_84 = arith.constant 0 : i32
    %dma_start3A_85 = tpu.memref_slice %arg5[%dma_start3A_77, %dma_start3A_78, %dma_start3A_84] : memref<25x8x128xi32, #tpu.memory_space<vmem>> -> memref<1x1x128xi32, #tpu.memory_space<vmem>>
    %dma_start3A_86 = tpu.memref_squeeze %dma_start3A_85 : memref<1x1x128xi32, #tpu.memory_space<vmem>> -> memref<128xi32, #tpu.memory_space<vmem>>
    %dma_start3A_87 = arith.constant 0 : i32
    %dma_start3A_88 = arith.constant 0 : i32
    %dma_start3A_89 = tpu.memref_slice %arg3[%dma_start3A_87, %dma_start3A_88] : memref<1000448x64xf32, #tpu.memory_space<hbm>> -> memref<1000448x64xf32, #tpu.memory_space<hbm>>
    tpu.enqueue_indirect_dma source(%dma_start3A_89 : memref<1000448x64xf32, #tpu.memory_space<hbm>>) target(%dma_start3A_83 : memref<128x64xf32, #tpu.memory_space<vmem>>) offsets(%dma_start3A_86 : memref<128xi32, #tpu.memory_space<vmem>>) semaphore(%arg13 : memref<!tpu.dma_semaphore, #tpu.memory_space<semaphore_mem>>)
    %dma_start3A_90 = arith.constant 0 : i32
    %dma_start3A_91 = arith.constant 6 : i32
    %dma_start3A_92 = arith.constant 6 : i32
    %dma_start3A_93 = arith.constant 0 : i32
    %dma_start3A_94 = arith.constant 0 : i32
    %dma_start3A_95 = tpu.memref_slice %arg6[%dma_start3A_92, %dma_start3A_93, %dma_start3A_94] : memref<8x128x64xf32, #tpu.memory_space<vmem>> -> memref<1x128x64xf32, #tpu.memory_space<vmem>>
    %dma_start3A_96 = tpu.memref_squeeze %dma_start3A_95 : memref<1x128x64xf32, #tpu.memory_space<vmem>> -> memref<128x64xf32, #tpu.memory_space<vmem>>
    %dma_start3A_97 = arith.constant 0 : i32
    %dma_start3A_98 = tpu.memref_slice %arg5[%dma_start3A_90, %dma_start3A_91, %dma_start3A_97] : memref<25x8x128xi32, #tpu.memory_space<vmem>> -> memref<1x1x128xi32, #tpu.memory_space<vmem>>
    %dma_start3A_99 = tpu.memref_squeeze %dma_start3A_98 : memref<1x1x128xi32, #tpu.memory_space<vmem>> -> memref<128xi32, #tpu.memory_space<vmem>>
    %dma_start3A_100 = arith.constant 0 : i32
    %dma_start3A_101 = arith.constant 0 : i32
    %dma_start3A_102 = tpu.memref_slice %arg3[%dma_start3A_100, %dma_start3A_101] : memref<1000448x64xf32, #tpu.memory_space<hbm>> -> memref<1000448x64xf32, #tpu.memory_space<hbm>>
    tpu.enqueue_indirect_dma source(%dma_start3A_102 : memref<1000448x64xf32, #tpu.memory_space<hbm>>) target(%dma_start3A_96 : memref<128x64xf32, #tpu.memory_space<vmem>>) offsets(%dma_start3A_99 : memref<128xi32, #tpu.memory_space<vmem>>) semaphore(%arg14 : memref<!tpu.dma_semaphore, #tpu.memory_space<semaphore_mem>>)
    %scan3A = arith.constant 0 : i32
    %scan3A_103 = arith.constant 0 : i32
    %scan3A_104 = arith.constant 25 : i32
    %scan3A_105 = arith.addi %scan3A_103, %scan3A_104 : i32
    %scan3A_106 = arith.constant 1 : i32
    %scan3A_107 = scf.for %scan3A_109 = %scan3A_103 to %scan3A_105 step %scan3A_106 iter_args(%scan3A_110 = %scan3A) -> (i32)  : i32 {
      %mul3A_111 = arith.constant 8 : i32
      %mul3A_112 = arith.muli %scan3A_109, %mul3A_111 : i32
      %add3A_113 = arith.constant 0 : i32
      %add3A_114 = arith.addi %mul3A_112, %add3A_113 : i32
      %dma_wait3A = arith.constant 0 : i32
      %dma_wait3A_115 = arith.constant 0 : i32
      %dma_wait3A_116 = arith.constant 0 : i32
      %dma_wait3A_117 = arith.constant 0 : i32
      %dma_wait3A_118 = arith.constant 0 : i32
      %dma_wait3A_119 = tpu.memref_slice %arg6[%dma_wait3A_116, %dma_wait3A_117, %dma_wait3A_118] : memref<8x128x64xf32, #tpu.memory_space<vmem>> -> memref<1x128x64xf32, #tpu.memory_space<vmem>>
      %dma_wait3A_120 = tpu.memref_squeeze %dma_wait3A_119 : memref<1x128x64xf32, #tpu.memory_space<vmem>> -> memref<128x64xf32, #tpu.memory_space<vmem>>
      %dma_wait3A_121 = arith.constant 0 : i32
      %dma_wait3A_122 = tpu.memref_slice %arg5[%dma_wait3A, %dma_wait3A_115, %dma_wait3A_121] : memref<25x8x128xi32, #tpu.memory_space<vmem>> -> memref<1x1x128xi32, #tpu.memory_space<vmem>>
      %dma_wait3A_123 = tpu.memref_squeeze %dma_wait3A_122 : memref<1x1x128xi32, #tpu.memory_space<vmem>> -> memref<128xi32, #tpu.memory_space<vmem>>
      %dma_wait3A_124 = arith.constant 0 : i32
      %dma_wait3A_125 = arith.constant 0 : i32
      %dma_wait3A_126 = tpu.memref_slice %arg3[%dma_wait3A_124, %dma_wait3A_125] : memref<1000448x64xf32, #tpu.memory_space<hbm>> -> memref<1000448x64xf32, #tpu.memory_space<hbm>>
      tpu.wait_indirect_dma semaphore(%arg8 : memref<!tpu.dma_semaphore, #tpu.memory_space<semaphore_mem>>) src(%dma_wait3A_126 : memref<1000448x64xf32, #tpu.memory_space<hbm>>) dst(%dma_wait3A_120 : memref<128x64xf32, #tpu.memory_space<vmem>>)
      %add3A_127 = arith.constant 8 : i32
      %add3A_128 = arith.addi %add3A_114, %add3A_127 : i32
      %sub3A = arith.constant 1 : i32
      %sub3A_129 = arith.subi %add3A_128, %sub3A : i32
      %lt3A = arith.constant 200 : i32
      %lt3A_130 = arith.cmpi slt, %sub3A_129, %lt3A : i32
      %convert_element_type3A = arith.extui %lt3A_130 : i1 to i32
      %cond3A = arith.constant 0 : i32
      %cond3A_131 = arith.cmpi ne, %convert_element_type3A, %cond3A : i32
      scf.if %cond3A_131 {
        %add3A_325 = arith.constant 8 : i32
        %add3A_326 = arith.addi %add3A_114, %add3A_325 : i32
        %sub3A_327 = arith.constant 1 : i32
        %sub3A_328 = arith.subi %add3A_326, %sub3A_327 : i32
        %jit3A = arith.constant 8 : i32
        %div3A = arith.divsi %sub3A_328, %jit3A : i32
        %sign3A = arith.constant 0 : i32
        %sign3A_329 = arith.cmpi sgt, %sub3A_328, %sign3A : i32
        %sign3A_330 = arith.extui %sign3A_329 : i1 to i32
        %sign3A_331 = arith.constant 0 : i32
        %sign3A_332 = arith.cmpi slt, %sub3A_328, %sign3A_331 : i32
        %sign3A_333 = arith.extui %sign3A_332 : i1 to i32
        %sign3A_334 = arith.subi %sign3A_330, %sign3A_333 : i32
        %sign3A_335 = arith.constant 0 : i32
        %sign3A_336 = arith.cmpi sgt, %jit3A, %sign3A_335 : i32
        %sign3A_337 = arith.extui %sign3A_336 : i1 to i32
        %sign3A_338 = arith.constant 0 : i32
        %sign3A_339 = arith.cmpi slt, %jit3A, %sign3A_338 : i32
        %sign3A_340 = arith.extui %sign3A_339 : i1 to i32
        %sign3A_341 = arith.subi %sign3A_337, %sign3A_340 : i32
        %ne3A = arith.cmpi ne, %sign3A_334, %sign3A_341 : i32
        %rem3A = arith.remsi %sub3A_328, %jit3A : i32
        %ne3A_342 = arith.constant 0 : i32
        %ne3A_343 = arith.cmpi ne, %rem3A, %ne3A_342 : i32
        %and3A = arith.andi %ne3A, %ne3A_343 : i1
        %sub3A_344 = arith.constant 1 : i32
        %sub3A_345 = arith.subi %div3A, %sub3A_344 : i32
        %select_n3A = arith.select %and3A, %sub3A_345, %div3A : i32
        %jit3A_346 = arith.constant 8 : i32
        %eq3A = arith.constant 0 : i32
        %eq3A_347 = arith.cmpi eq, %jit3A_346, %eq3A : i32
        %jit3A_348 = arith.constant 1 : i32
        %select_n3A_349 = arith.select %eq3A_347, %jit3A_348, %jit3A_346 : i32
        %rem3A_350 = arith.remsi %sub3A_328, %select_n3A_349 : i32
        %ne3A_351 = arith.constant 0 : i32
        %ne3A_352 = arith.cmpi ne, %rem3A_350, %ne3A_351 : i32
        %lt3A_353 = arith.constant 0 : i32
        %lt3A_354 = arith.cmpi slt, %rem3A_350, %lt3A_353 : i32
        %lt3A_355 = arith.constant 0 : i32
        %lt3A_356 = arith.cmpi slt, %select_n3A_349, %lt3A_355 : i32
        %ne3A_357 = arith.xori %lt3A_354, %lt3A_356 : i1
        %and3A_358 = arith.andi %ne3A_357, %ne3A_352 : i1
        %add3A_359 = arith.addi %rem3A_350, %select_n3A_349 : i32
        %select_n3A_360 = arith.select %and3A_358, %add3A_359, %rem3A_350 : i32
        %dma_start3A_361 = arith.constant 7 : i32
        %dma_start3A_362 = arith.constant 0 : i32
        %dma_start3A_363 = arith.constant 0 : i32
        %dma_start3A_364 = tpu.memref_slice %arg6[%dma_start3A_361, %dma_start3A_362, %dma_start3A_363] : memref<8x128x64xf32, #tpu.memory_space<vmem>> -> memref<1x128x64xf32, #tpu.memory_space<vmem>>
        %dma_start3A_365 = tpu.memref_squeeze %dma_start3A_364 : memref<1x128x64xf32, #tpu.memory_space<vmem>> -> memref<128x64xf32, #tpu.memory_space<vmem>>
        %dma_start3A_366 = arith.constant 0 : i32
        %dma_start3A_367 = tpu.memref_slice %arg5[%select_n3A, %select_n3A_360, %dma_start3A_366] : memref<25x8x128xi32, #tpu.memory_space<vmem>> -> memref<1x1x128xi32, #tpu.memory_space<vmem>>
        %dma_start3A_368 = tpu.memref_squeeze %dma_start3A_367 : memref<1x1x128xi32, #tpu.memory_space<vmem>> -> memref<128xi32, #tpu.memory_space<vmem>>
        %dma_start3A_369 = arith.constant 0 : i32
        %dma_start3A_370 = arith.constant 0 : i32
        %dma_start3A_371 = tpu.memref_slice %arg3[%dma_start3A_369, %dma_start3A_370] : memref<1000448x64xf32, #tpu.memory_space<hbm>> -> memref<1000448x64xf32, #tpu.memory_space<hbm>>
        tpu.enqueue_indirect_dma source(%dma_start3A_371 : memref<1000448x64xf32, #tpu.memory_space<hbm>>) target(%dma_start3A_365 : memref<128x64xf32, #tpu.memory_space<vmem>>) offsets(%dma_start3A_368 : memref<128xi32, #tpu.memory_space<vmem>>) semaphore(%arg15 : memref<!tpu.dma_semaphore, #tpu.memory_space<semaphore_mem>>)
      } else {
      }
      %parallel_loop3A_132 = arith.constant 0 : i32
      %parallel_loop3A_133 = arith.constant 128 : i32
      %parallel_loop3A_134 = arith.constant 1 : i32
      scf.for %parallel_loop3A_325 = %parallel_loop3A_132 to %parallel_loop3A_133 step %parallel_loop3A_134  : i32 {
        %parallel_loop3A_326 = arith.constant 0 : i32
        %parallel_loop3A_327 = arith.index_cast %parallel_loop3A_326 : i32 to index
        %parallel_loop3A_328 = arith.index_cast %parallel_loop3A_325 : i32 to index
        %parallel_loop3A_329 = arith.constant 0 : index
        %parallel_loop3A_330 = tpu.vector_load %arg6[%parallel_loop3A_327, %parallel_loop3A_328, %parallel_loop3A_329] {strides = array<i32>} : memref<8x128x64xf32, #tpu.memory_space<vmem>>, vector<1x1x16xf32>,
        %parallel_loop3A_331 = vector.shape_cast %parallel_loop3A_330 : vector<1x1x16xf32> to vector<16xf32>
        %parallel_loop3A_332 = arith.index_cast %parallel_loop3A_325 : i32 to index
        %parallel_loop3A_333 = arith.constant 0 : index
        %parallel_loop3A_334 = tpu.vector_load %arg7[%parallel_loop3A_332, %parallel_loop3A_333] {strides = array<i32>} : memref<128x64xf32, #tpu.memory_space<vmem>>, vector<1x16xf32>,
        %parallel_loop3A_335 = vector.shape_cast %parallel_loop3A_334 : vector<1x16xf32> to vector<16xf32>
        %parallel_loop3A_336 = vector.shape_cast %parallel_loop3A_331 : vector<16xf32> to vector<1x16xf32>
        tpu.vector_store %arg7[%parallel_loop3A_332, %parallel_loop3A_333], %parallel_loop3A_336 {add = true, strides = array<i32>} : memref<128x64xf32, #tpu.memory_space<vmem>>, vector<1x16xf32>,
        %parallel_loop3A_337 = arith.constant 0 : i32
        %parallel_loop3A_338 = arith.index_cast %parallel_loop3A_337 : i32 to index
        %parallel_loop3A_339 = arith.index_cast %parallel_loop3A_325 : i32 to index
        %parallel_loop3A_340 = arith.constant 16 : index
        %parallel_loop3A_341 = tpu.vector_load %arg6[%parallel_loop3A_338, %parallel_loop3A_339, %parallel_loop3A_340] {strides = array<i32>} : memref<8x128x64xf32, #tpu.memory_space<vmem>>, vector<1x1x16xf32>,
        %parallel_loop3A_342 = vector.shape_cast %parallel_loop3A_341 : vector<1x1x16xf32> to vector<16xf32>
        %parallel_loop3A_343 = arith.index_cast %parallel_loop3A_325 : i32 to index
        %parallel_loop3A_344 = arith.constant 16 : index
        %parallel_loop3A_345 = tpu.vector_load %arg7[%parallel_loop3A_343, %parallel_loop3A_344] {strides = array<i32>} : memref<128x64xf32, #tpu.memory_space<vmem>>, vector<1x16xf32>,
        %parallel_loop3A_346 = vector.shape_cast %parallel_loop3A_345 : vector<1x16xf32> to vector<16xf32>
        %parallel_loop3A_347 = vector.shape_cast %parallel_loop3A_342 : vector<16xf32> to vector<1x16xf32>
        tpu.vector_store %arg7[%parallel_loop3A_343, %parallel_loop3A_344], %parallel_loop3A_347 {add = true, strides = array<i32>} : memref<128x64xf32, #tpu.memory_space<vmem>>, vector<1x16xf32>,
        %parallel_loop3A_348 = arith.constant 0 : i32
        %parallel_loop3A_349 = arith.index_cast %parallel_loop3A_348 : i32 to index
        %parallel_loop3A_350 = arith.index_cast %parallel_loop3A_325 : i32 to index
        %parallel_loop3A_351 = arith.constant 32 : index
        %parallel_loop3A_352 = tpu.vector_load %arg6[%parallel_loop3A_349, %parallel_loop3A_350, %parallel_loop3A_351] {strides = array<i32>} : memref<8x128x64xf32, #tpu.memory_space<vmem>>, vector<1x1x16xf32>,
        %parallel_loop3A_353 = vector.shape_cast %parallel_loop3A_352 : vector<1x1x16xf32> to vector<16xf32>
        %parallel_loop3A_354 = arith.index_cast %parallel_loop3A_325 : i32 to index
        %parallel_loop3A_355 = arith.constant 32 : index
        %parallel_loop3A_356 = tpu.vector_load %arg7[%parallel_loop3A_354, %parallel_loop3A_355] {strides = array<i32>} : memref<128x64xf32, #tpu.memory_space<vmem>>, vector<1x16xf32>,
        %parallel_loop3A_357 = vector.shape_cast %parallel_loop3A_356 : vector<1x16xf32> to vector<16xf32>
        %parallel_loop3A_358 = vector.shape_cast %parallel_loop3A_353 : vector<16xf32> to vector<1x16xf32>
        tpu.vector_store %arg7[%parallel_loop3A_354, %parallel_loop3A_355], %parallel_loop3A_358 {add = true, strides = array<i32>} : memref<128x64xf32, #tpu.memory_space<vmem>>, vector<1x16xf32>,
        %parallel_loop3A_359 = arith.constant 0 : i32
        %parallel_loop3A_360 = arith.index_cast %parallel_loop3A_359 : i32 to index
        %parallel_loop3A_361 = arith.index_cast %parallel_loop3A_325 : i32 to index
        %parallel_loop3A_362 = arith.constant 48 : index
        %parallel_loop3A_363 = tpu.vector_load %arg6[%parallel_loop3A_360, %parallel_loop3A_361, %parallel_loop3A_362] {strides = array<i32>} : memref<8x128x64xf32, #tpu.memory_space<vmem>>, vector<1x1x16xf32>,
        %parallel_loop3A_364 = vector.shape_cast %parallel_loop3A_363 : vector<1x1x16xf32> to vector<16xf32>
        %parallel_loop3A_365 = arith.index_cast %parallel_loop3A_325 : i32 to index
        %parallel_loop3A_366 = arith.constant 48 : index
        %parallel_loop3A_367 = tpu.vector_load %arg7[%parallel_loop3A_365, %parallel_loop3A_366] {strides = array<i32>} : memref<128x64xf32, #tpu.memory_space<vmem>>, vector<1x16xf32>,
        %parallel_loop3A_368 = vector.shape_cast %parallel_loop3A_367 : vector<1x16xf32> to vector<16xf32>
        %parallel_loop3A_369 = vector.shape_cast %parallel_loop3A_364 : vector<16xf32> to vector<1x16xf32>
        tpu.vector_store %arg7[%parallel_loop3A_365, %parallel_loop3A_366], %parallel_loop3A_369 {add = true, strides = array<i32>} : memref<128x64xf32, #tpu.memory_space<vmem>>, vector<1x16xf32>,
      } {sc.loop_unroll_factor = 4 : i64, sc.parallel_access}
      %add3A_135 = arith.constant 1 : i32
      %add3A_136 = arith.addi %mul3A_112, %add3A_135 : i32
      %dma_wait3A_137 = arith.constant 0 : i32
      %dma_wait3A_138 = arith.constant 0 : i32
      %dma_wait3A_139 = arith.constant 1 : i32
      %dma_wait3A_140 = arith.constant 0 : i32
      %dma_wait3A_141 = arith.constant 0 : i32
      %dma_wait3A_142 = tpu.memref_slice %arg6[%dma_wait3A_139, %dma_wait3A_140, %dma_wait3A_141] : memref<8x128x64xf32, #tpu.memory_space<vmem>> -> memref<1x128x64xf32, #tpu.memory_space<vmem>>
      %dma_wait3A_143 = tpu.memref_squeeze %dma_wait3A_142 : memref<1x128x64xf32, #tpu.memory_space<vmem>> -> memref<128x64xf32, #tpu.memory_space<vmem>>
      %dma_wait3A_144 = arith.constant 0 : i32
      %dma_wait3A_145 = tpu.memref_slice %arg5[%dma_wait3A_137, %dma_wait3A_138, %dma_wait3A_144] : memref<25x8x128xi32, #tpu.memory_space<vmem>> -> memref<1x1x128xi32, #tpu.memory_space<vmem>>
      %dma_wait3A_146 = tpu.memref_squeeze %dma_wait3A_145 : memref<1x1x128xi32, #tpu.memory_space<vmem>> -> memref<128xi32, #tpu.memory_space<vmem>>
      %dma_wait3A_147 = arith.constant 0 : i32
      %dma_wait3A_148 = arith.constant 0 : i32
      %dma_wait3A_149 = tpu.memref_slice %arg3[%dma_wait3A_147, %dma_wait3A_148] : memref<1000448x64xf32, #tpu.memory_space<hbm>> -> memref<1000448x64xf32, #tpu.memory_space<hbm>>
      tpu.wait_indirect_dma semaphore(%arg9 : memref<!tpu.dma_semaphore, #tpu.memory_space<semaphore_mem>>) src(%dma_wait3A_149 : memref<1000448x64xf32, #tpu.memory_space<hbm>>) dst(%dma_wait3A_143 : memref<128x64xf32, #tpu.memory_space<vmem>>)
      %add3A_150 = arith.constant 8 : i32
      %add3A_151 = arith.addi %add3A_136, %add3A_150 : i32
      %sub3A_152 = arith.constant 1 : i32
      %sub3A_153 = arith.subi %add3A_151, %sub3A_152 : i32
      %lt3A_154 = arith.constant 200 : i32
      %lt3A_155 = arith.cmpi slt, %sub3A_153, %lt3A_154 : i32
      %convert_element_type3A_156 = arith.extui %lt3A_155 : i1 to i32
      %cond3A_157 = arith.constant 0 : i32
      %cond3A_158 = arith.cmpi ne, %convert_element_type3A_156, %cond3A_157 : i32
      scf.if %cond3A_158 {
        %add3A_325 = arith.constant 8 : i32
        %add3A_326 = arith.addi %add3A_136, %add3A_325 : i32
        %sub3A_327 = arith.constant 1 : i32
        %sub3A_328 = arith.subi %add3A_326, %sub3A_327 : i32
        %jit3A = arith.constant 8 : i32
        %div3A = arith.divsi %sub3A_328, %jit3A : i32
        %sign3A = arith.constant 0 : i32
        %sign3A_329 = arith.cmpi sgt, %sub3A_328, %sign3A : i32
        %sign3A_330 = arith.extui %sign3A_329 : i1 to i32
        %sign3A_331 = arith.constant 0 : i32
        %sign3A_332 = arith.cmpi slt, %sub3A_328, %sign3A_331 : i32
        %sign3A_333 = arith.extui %sign3A_332 : i1 to i32
        %sign3A_334 = arith.subi %sign3A_330, %sign3A_333 : i32
        %sign3A_335 = arith.constant 0 : i32
        %sign3A_336 = arith.cmpi sgt, %jit3A, %sign3A_335 : i32
        %sign3A_337 = arith.extui %sign3A_336 : i1 to i32
        %sign3A_338 = arith.constant 0 : i32
        %sign3A_339 = arith.cmpi slt, %jit3A, %sign3A_338 : i32
        %sign3A_340 = arith.extui %sign3A_339 : i1 to i32
        %sign3A_341 = arith.subi %sign3A_337, %sign3A_340 : i32
        %ne3A = arith.cmpi ne, %sign3A_334, %sign3A_341 : i32
        %rem3A = arith.remsi %sub3A_328, %jit3A : i32
        %ne3A_342 = arith.constant 0 : i32
        %ne3A_343 = arith.cmpi ne, %rem3A, %ne3A_342 : i32
        %and3A = arith.andi %ne3A, %ne3A_343 : i1
        %sub3A_344 = arith.constant 1 : i32
        %sub3A_345 = arith.subi %div3A, %sub3A_344 : i32
        %select_n3A = arith.select %and3A, %sub3A_345, %div3A : i32
        %jit3A_346 = arith.constant 8 : i32
        %eq3A = arith.constant 0 : i32
        %eq3A_347 = arith.cmpi eq, %jit3A_346, %eq3A : i32
        %jit3A_348 = arith.constant 1 : i32
        %select_n3A_349 = arith.select %eq3A_347, %jit3A_348, %jit3A_346 : i32
        %rem3A_350 = arith.remsi %sub3A_328, %select_n3A_349 : i32
        %ne3A_351 = arith.constant 0 : i32
        %ne3A_352 = arith.cmpi ne, %rem3A_350, %ne3A_351 : i32
        %lt3A_353 = arith.constant 0 : i32
        %lt3A_354 = arith.cmpi slt, %rem3A_350, %lt3A_353 : i32
        %lt3A_355 = arith.constant 0 : i32
        %lt3A_356 = arith.cmpi slt, %select_n3A_349, %lt3A_355 : i32
        %ne3A_357 = arith.xori %lt3A_354, %lt3A_356 : i1
        %and3A_358 = arith.andi %ne3A_357, %ne3A_352 : i1
        %add3A_359 = arith.addi %rem3A_350, %select_n3A_349 : i32
        %select_n3A_360 = arith.select %and3A_358, %add3A_359, %rem3A_350 : i32
        %dma_start3A_361 = arith.constant 0 : i32
        %dma_start3A_362 = arith.constant 0 : i32
        %dma_start3A_363 = arith.constant 0 : i32
        %dma_start3A_364 = tpu.memref_slice %arg6[%dma_start3A_361, %dma_start3A_362, %dma_start3A_363] : memref<8x128x64xf32, #tpu.memory_space<vmem>> -> memref<1x128x64xf32, #tpu.memory_space<vmem>>
        %dma_start3A_365 = tpu.memref_squeeze %dma_start3A_364 : memref<1x128x64xf32, #tpu.memory_space<vmem>> -> memref<128x64xf32, #tpu.memory_space<vmem>>
        %dma_start3A_366 = arith.constant 0 : i32
        %dma_start3A_367 = tpu.memref_slice %arg5[%select_n3A, %select_n3A_360, %dma_start3A_366] : memref<25x8x128xi32, #tpu.memory_space<vmem>> -> memref<1x1x128xi32, #tpu.memory_space<vmem>>
        %dma_start3A_368 = tpu.memref_squeeze %dma_start3A_367 : memref<1x1x128xi32, #tpu.memory_space<vmem>> -> memref<128xi32, #tpu.memory_space<vmem>>
        %dma_start3A_369 = arith.constant 0 : i32
        %dma_start3A_370 = arith.constant 0 : i32
        %dma_start3A_371 = tpu.memref_slice %arg3[%dma_start3A_369, %dma_start3A_370] : memref<1000448x64xf32, #tpu.memory_space<hbm>> -> memref<1000448x64xf32, #tpu.memory_space<hbm>>
        tpu.enqueue_indirect_dma source(%dma_start3A_371 : memref<1000448x64xf32, #tpu.memory_space<hbm>>) target(%dma_start3A_365 : memref<128x64xf32, #tpu.memory_space<vmem>>) offsets(%dma_start3A_368 : memref<128xi32, #tpu.memory_space<vmem>>) semaphore(%arg8 : memref<!tpu.dma_semaphore, #tpu.memory_space<semaphore_mem>>)
      } else {
      }
      %parallel_loop3A_159 = arith.constant 0 : i32
      %parallel_loop3A_160 = arith.constant 128 : i32
      %parallel_loop3A_161 = arith.constant 1 : i32
      scf.for %parallel_loop3A_325 = %parallel_loop3A_159 to %parallel_loop3A_160 step %parallel_loop3A_161  : i32 {
        %parallel_loop3A_326 = arith.constant 1 : i32
        %parallel_loop3A_327 = arith.index_cast %parallel_loop3A_326 : i32 to index
        %parallel_loop3A_328 = arith.index_cast %parallel_loop3A_325 : i32 to index
        %parallel_loop3A_329 = arith.constant 0 : index
        %parallel_loop3A_330 = tpu.vector_load %arg6[%parallel_loop3A_327, %parallel_loop3A_328, %parallel_loop3A_329] {strides = array<i32>} : memref<8x128x64xf32, #tpu.memory_space<vmem>>, vector<1x1x16xf32>,
        %parallel_loop3A_331 = vector.shape_cast %parallel_loop3A_330 : vector<1x1x16xf32> to vector<16xf32>
        %parallel_loop3A_332 = arith.index_cast %parallel_loop3A_325 : i32 to index
        %parallel_loop3A_333 = arith.constant 0 : index
        %parallel_loop3A_334 = tpu.vector_load %arg7[%parallel_loop3A_332, %parallel_loop3A_333] {strides = array<i32>} : memref<128x64xf32, #tpu.memory_space<vmem>>, vector<1x16xf32>,
        %parallel_loop3A_335 = vector.shape_cast %parallel_loop3A_334 : vector<1x16xf32> to vector<16xf32>
        %parallel_loop3A_336 = vector.shape_cast %parallel_loop3A_331 : vector<16xf32> to vector<1x16xf32>
        tpu.vector_store %arg7[%parallel_loop3A_332, %parallel_loop3A_333], %parallel_loop3A_336 {add = true, strides = array<i32>} : memref<128x64xf32, #tpu.memory_space<vmem>>, vector<1x16xf32>,
        %parallel_loop3A_337 = arith.constant 1 : i32
        %parallel_loop3A_338 = arith.index_cast %parallel_loop3A_337 : i32 to index
        %parallel_loop3A_339 = arith.index_cast %parallel_loop3A_325 : i32 to index
        %parallel_loop3A_340 = arith.constant 16 : index
        %parallel_loop3A_341 = tpu.vector_load %arg6[%parallel_loop3A_338, %parallel_loop3A_339, %parallel_loop3A_340] {strides = array<i32>} : memref<8x128x64xf32, #tpu.memory_space<vmem>>, vector<1x1x16xf32>,
        %parallel_loop3A_342 = vector.shape_cast %parallel_loop3A_341 : vector<1x1x16xf32> to vector<16xf32>
        %parallel_loop3A_343 = arith.index_cast %parallel_loop3A_325 : i32 to index
        %parallel_loop3A_344 = arith.constant 16 : index
        %parallel_loop3A_345 = tpu.vector_load %arg7[%parallel_loop3A_343, %parallel_loop3A_344] {strides = array<i32>} : memref<128x64xf32, #tpu.memory_space<vmem>>, vector<1x16xf32>,
        %parallel_loop3A_346 = vector.shape_cast %parallel_loop3A_345 : vector<1x16xf32> to vector<16xf32>
        %parallel_loop3A_347 = vector.shape_cast %parallel_loop3A_342 : vector<16xf32> to vector<1x16xf32>
        tpu.vector_store %arg7[%parallel_loop3A_343, %parallel_loop3A_344], %parallel_loop3A_347 {add = true, strides = array<i32>} : memref<128x64xf32, #tpu.memory_space<vmem>>, vector<1x16xf32>,
        %parallel_loop3A_348 = arith.constant 1 : i32
        %parallel_loop3A_349 = arith.index_cast %parallel_loop3A_348 : i32 to index
        %parallel_loop3A_350 = arith.index_cast %parallel_loop3A_325 : i32 to index
        %parallel_loop3A_351 = arith.constant 32 : index
        %parallel_loop3A_352 = tpu.vector_load %arg6[%parallel_loop3A_349, %parallel_loop3A_350, %parallel_loop3A_351] {strides = array<i32>} : memref<8x128x64xf32, #tpu.memory_space<vmem>>, vector<1x1x16xf32>,
        %parallel_loop3A_353 = vector.shape_cast %parallel_loop3A_352 : vector<1x1x16xf32> to vector<16xf32>
        %parallel_loop3A_354 = arith.index_cast %parallel_loop3A_325 : i32 to index
        %parallel_loop3A_355 = arith.constant 32 : index
        %parallel_loop3A_356 = tpu.vector_load %arg7[%parallel_loop3A_354, %parallel_loop3A_355] {strides = array<i32>} : memref<128x64xf32, #tpu.memory_space<vmem>>, vector<1x16xf32>,
        %parallel_loop3A_357 = vector.shape_cast %parallel_loop3A_356 : vector<1x16xf32> to vector<16xf32>
        %parallel_loop3A_358 = vector.shape_cast %parallel_loop3A_353 : vector<16xf32> to vector<1x16xf32>
        tpu.vector_store %arg7[%parallel_loop3A_354, %parallel_loop3A_355], %parallel_loop3A_358 {add = true, strides = array<i32>} : memref<128x64xf32, #tpu.memory_space<vmem>>, vector<1x16xf32>,
        %parallel_loop3A_359 = arith.constant 1 : i32
        %parallel_loop3A_360 = arith.index_cast %parallel_loop3A_359 : i32 to index
        %parallel_loop3A_361 = arith.index_cast %parallel_loop3A_325 : i32 to index
        %parallel_loop3A_362 = arith.constant 48 : index
        %parallel_loop3A_363 = tpu.vector_load %arg6[%parallel_loop3A_360, %parallel_loop3A_361, %parallel_loop3A_362] {strides = array<i32>} : memref<8x128x64xf32, #tpu.memory_space<vmem>>, vector<1x1x16xf32>,
        %parallel_loop3A_364 = vector.shape_cast %parallel_loop3A_363 : vector<1x1x16xf32> to vector<16xf32>
        %parallel_loop3A_365 = arith.index_cast %parallel_loop3A_325 : i32 to index
        %parallel_loop3A_366 = arith.constant 48 : index
        %parallel_loop3A_367 = tpu.vector_load %arg7[%parallel_loop3A_365, %parallel_loop3A_366] {strides = array<i32>} : memref<128x64xf32, #tpu.memory_space<vmem>>, vector<1x16xf32>,
        %parallel_loop3A_368 = vector.shape_cast %parallel_loop3A_367 : vector<1x16xf32> to vector<16xf32>
        %parallel_loop3A_369 = vector.shape_cast %parallel_loop3A_364 : vector<16xf32> to vector<1x16xf32>
        tpu.vector_store %arg7[%parallel_loop3A_365, %parallel_loop3A_366], %parallel_loop3A_369 {add = true, strides = array<i32>} : memref<128x64xf32, #tpu.memory_space<vmem>>, vector<1x16xf32>,
      } {sc.loop_unroll_factor = 4 : i64, sc.parallel_access}
      %add3A_162 = arith.constant 2 : i32
      %add3A_163 = arith.addi %mul3A_112, %add3A_162 : i32
      %dma_wait3A_164 = arith.constant 0 : i32
      %dma_wait3A_165 = arith.constant 0 : i32
      %dma_wait3A_166 = arith.constant 2 : i32
      %dma_wait3A_167 = arith.constant 0 : i32
      %dma_wait3A_168 = arith.constant 0 : i32
      %dma_wait3A_169 = tpu.memref_slice %arg6[%dma_wait3A_166, %dma_wait3A_167, %dma_wait3A_168] : memref<8x128x64xf32, #tpu.memory_space<vmem>> -> memref<1x128x64xf32, #tpu.memory_space<vmem>>
      %dma_wait3A_170 = tpu.memref_squeeze %dma_wait3A_169 : memref<1x128x64xf32, #tpu.memory_space<vmem>> -> memref<128x64xf32, #tpu.memory_space<vmem>>
      %dma_wait3A_171 = arith.constant 0 : i32
      %dma_wait3A_172 = tpu.memref_slice %arg5[%dma_wait3A_164, %dma_wait3A_165, %dma_wait3A_171] : memref<25x8x128xi32, #tpu.memory_space<vmem>> -> memref<1x1x128xi32, #tpu.memory_space<vmem>>
      %dma_wait3A_173 = tpu.memref_squeeze %dma_wait3A_172 : memref<1x1x128xi32, #tpu.memory_space<vmem>> -> memref<128xi32, #tpu.memory_space<vmem>>
      %dma_wait3A_174 = arith.constant 0 : i32
      %dma_wait3A_175 = arith.constant 0 : i32
      %dma_wait3A_176 = tpu.memref_slice %arg3[%dma_wait3A_174, %dma_wait3A_175] : memref<1000448x64xf32, #tpu.memory_space<hbm>> -> memref<1000448x64xf32, #tpu.memory_space<hbm>>
      tpu.wait_indirect_dma semaphore(%arg10 : memref<!tpu.dma_semaphore, #tpu.memory_space<semaphore_mem>>) src(%dma_wait3A_176 : memref<1000448x64xf32, #tpu.memory_space<hbm>>) dst(%dma_wait3A_170 : memref<128x64xf32, #tpu.memory_space<vmem>>)
      %add3A_177 = arith.constant 8 : i32
      %add3A_178 = arith.addi %add3A_163, %add3A_177 : i32
      %sub3A_179 = arith.constant 1 : i32
      %sub3A_180 = arith.subi %add3A_178, %sub3A_179 : i32
      %lt3A_181 = arith.constant 200 : i32
      %lt3A_182 = arith.cmpi slt, %sub3A_180, %lt3A_181 : i32
      %convert_element_type3A_183 = arith.extui %lt3A_182 : i1 to i32
      %cond3A_184 = arith.constant 0 : i32
      %cond3A_185 = arith.cmpi ne, %convert_element_type3A_183, %cond3A_184 : i32
      scf.if %cond3A_185 {
        %add3A_325 = arith.constant 8 : i32
        %add3A_326 = arith.addi %add3A_163, %add3A_325 : i32
        %sub3A_327 = arith.constant 1 : i32
        %sub3A_328 = arith.subi %add3A_326, %sub3A_327 : i32
        %jit3A = arith.constant 8 : i32
        %div3A = arith.divsi %sub3A_328, %jit3A : i32
        %sign3A = arith.constant 0 : i32
        %sign3A_329 = arith.cmpi sgt, %sub3A_328, %sign3A : i32
        %sign3A_330 = arith.extui %sign3A_329 : i1 to i32
        %sign3A_331 = arith.constant 0 : i32
        %sign3A_332 = arith.cmpi slt, %sub3A_328, %sign3A_331 : i32
        %sign3A_333 = arith.extui %sign3A_332 : i1 to i32
        %sign3A_334 = arith.subi %sign3A_330, %sign3A_333 : i32
        %sign3A_335 = arith.constant 0 : i32
        %sign3A_336 = arith.cmpi sgt, %jit3A, %sign3A_335 : i32
        %sign3A_337 = arith.extui %sign3A_336 : i1 to i32
        %sign3A_338 = arith.constant 0 : i32
        %sign3A_339 = arith.cmpi slt, %jit3A, %sign3A_338 : i32
        %sign3A_340 = arith.extui %sign3A_339 : i1 to i32
        %sign3A_341 = arith.subi %sign3A_337, %sign3A_340 : i32
        %ne3A = arith.cmpi ne, %sign3A_334, %sign3A_341 : i32
        %rem3A = arith.remsi %sub3A_328, %jit3A : i32
        %ne3A_342 = arith.constant 0 : i32
        %ne3A_343 = arith.cmpi ne, %rem3A, %ne3A_342 : i32
        %and3A = arith.andi %ne3A, %ne3A_343 : i1
        %sub3A_344 = arith.constant 1 : i32
        %sub3A_345 = arith.subi %div3A, %sub3A_344 : i32
        %select_n3A = arith.select %and3A, %sub3A_345, %div3A : i32
        %jit3A_346 = arith.constant 8 : i32
        %eq3A = arith.constant 0 : i32
        %eq3A_347 = arith.cmpi eq, %jit3A_346, %eq3A : i32
        %jit3A_348 = arith.constant 1 : i32
        %select_n3A_349 = arith.select %eq3A_347, %jit3A_348, %jit3A_346 : i32
        %rem3A_350 = arith.remsi %sub3A_328, %select_n3A_349 : i32
        %ne3A_351 = arith.constant 0 : i32
        %ne3A_352 = arith.cmpi ne, %rem3A_350, %ne3A_351 : i32
        %lt3A_353 = arith.constant 0 : i32
        %lt3A_354 = arith.cmpi slt, %rem3A_350, %lt3A_353 : i32
        %lt3A_355 = arith.constant 0 : i32
        %lt3A_356 = arith.cmpi slt, %select_n3A_349, %lt3A_355 : i32
        %ne3A_357 = arith.xori %lt3A_354, %lt3A_356 : i1
        %and3A_358 = arith.andi %ne3A_357, %ne3A_352 : i1
        %add3A_359 = arith.addi %rem3A_350, %select_n3A_349 : i32
        %select_n3A_360 = arith.select %and3A_358, %add3A_359, %rem3A_350 : i32
        %dma_start3A_361 = arith.constant 1 : i32
        %dma_start3A_362 = arith.constant 0 : i32
        %dma_start3A_363 = arith.constant 0 : i32
        %dma_start3A_364 = tpu.memref_slice %arg6[%dma_start3A_361, %dma_start3A_362, %dma_start3A_363] : memref<8x128x64xf32, #tpu.memory_space<vmem>> -> memref<1x128x64xf32, #tpu.memory_space<vmem>>
        %dma_start3A_365 = tpu.memref_squeeze %dma_start3A_364 : memref<1x128x64xf32, #tpu.memory_space<vmem>> -> memref<128x64xf32, #tpu.memory_space<vmem>>
        %dma_start3A_366 = arith.constant 0 : i32
        %dma_start3A_367 = tpu.memref_slice %arg5[%select_n3A, %select_n3A_360, %dma_start3A_366] : memref<25x8x128xi32, #tpu.memory_space<vmem>> -> memref<1x1x128xi32, #tpu.memory_space<vmem>>
        %dma_start3A_368 = tpu.memref_squeeze %dma_start3A_367 : memref<1x1x128xi32, #tpu.memory_space<vmem>> -> memref<128xi32, #tpu.memory_space<vmem>>
        %dma_start3A_369 = arith.constant 0 : i32
        %dma_start3A_370 = arith.constant 0 : i32
        %dma_start3A_371 = tpu.memref_slice %arg3[%dma_start3A_369, %dma_start3A_370] : memref<1000448x64xf32, #tpu.memory_space<hbm>> -> memref<1000448x64xf32, #tpu.memory_space<hbm>>
        tpu.enqueue_indirect_dma source(%dma_start3A_371 : memref<1000448x64xf32, #tpu.memory_space<hbm>>) target(%dma_start3A_365 : memref<128x64xf32, #tpu.memory_space<vmem>>) offsets(%dma_start3A_368 : memref<128xi32, #tpu.memory_space<vmem>>) semaphore(%arg9 : memref<!tpu.dma_semaphore, #tpu.memory_space<semaphore_mem>>)
      } else {
      }
      %parallel_loop3A_186 = arith.constant 0 : i32
      %parallel_loop3A_187 = arith.constant 128 : i32
      %parallel_loop3A_188 = arith.constant 1 : i32
      scf.for %parallel_loop3A_325 = %parallel_loop3A_186 to %parallel_loop3A_187 step %parallel_loop3A_188  : i32 {
        %parallel_loop3A_326 = arith.constant 2 : i32
        %parallel_loop3A_327 = arith.index_cast %parallel_loop3A_326 : i32 to index
        %parallel_loop3A_328 = arith.index_cast %parallel_loop3A_325 : i32 to index
        %parallel_loop3A_329 = arith.constant 0 : index
        %parallel_loop3A_330 = tpu.vector_load %arg6[%parallel_loop3A_327, %parallel_loop3A_328, %parallel_loop3A_329] {strides = array<i32>} : memref<8x128x64xf32, #tpu.memory_space<vmem>>, vector<1x1x16xf32>,
        %parallel_loop3A_331 = vector.shape_cast %parallel_loop3A_330 : vector<1x1x16xf32> to vector<16xf32>
        %parallel_loop3A_332 = arith.index_cast %parallel_loop3A_325 : i32 to index
        %parallel_loop3A_333 = arith.constant 0 : index
        %parallel_loop3A_334 = tpu.vector_load %arg7[%parallel_loop3A_332, %parallel_loop3A_333] {strides = array<i32>} : memref<128x64xf32, #tpu.memory_space<vmem>>, vector<1x16xf32>,
        %parallel_loop3A_335 = vector.shape_cast %parallel_loop3A_334 : vector<1x16xf32> to vector<16xf32>
        %parallel_loop3A_336 = vector.shape_cast %parallel_loop3A_331 : vector<16xf32> to vector<1x16xf32>
        tpu.vector_store %arg7[%parallel_loop3A_332, %parallel_loop3A_333], %parallel_loop3A_336 {add = true, strides = array<i32>} : memref<128x64xf32, #tpu.memory_space<vmem>>, vector<1x16xf32>,
        %parallel_loop3A_337 = arith.constant 2 : i32
        %parallel_loop3A_338 = arith.index_cast %parallel_loop3A_337 : i32 to index
        %parallel_loop3A_339 = arith.index_cast %parallel_loop3A_325 : i32 to index
        %parallel_loop3A_340 = arith.constant 16 : index
        %parallel_loop3A_341 = tpu.vector_load %arg6[%parallel_loop3A_338, %parallel_loop3A_339, %parallel_loop3A_340] {strides = array<i32>} : memref<8x128x64xf32, #tpu.memory_space<vmem>>, vector<1x1x16xf32>,
        %parallel_loop3A_342 = vector.shape_cast %parallel_loop3A_341 : vector<1x1x16xf32> to vector<16xf32>
        %parallel_loop3A_343 = arith.index_cast %parallel_loop3A_325 : i32 to index
        %parallel_loop3A_344 = arith.constant 16 : index
        %parallel_loop3A_345 = tpu.vector_load %arg7[%parallel_loop3A_343, %parallel_loop3A_344] {strides = array<i32>} : memref<128x64xf32, #tpu.memory_space<vmem>>, vector<1x16xf32>,
        %parallel_loop3A_346 = vector.shape_cast %parallel_loop3A_345 : vector<1x16xf32> to vector<16xf32>
        %parallel_loop3A_347 = vector.shape_cast %parallel_loop3A_342 : vector<16xf32> to vector<1x16xf32>
        tpu.vector_store %arg7[%parallel_loop3A_343, %parallel_loop3A_344], %parallel_loop3A_347 {add = true, strides = array<i32>} : memref<128x64xf32, #tpu.memory_space<vmem>>, vector<1x16xf32>,
        %parallel_loop3A_348 = arith.constant 2 : i32
        %parallel_loop3A_349 = arith.index_cast %parallel_loop3A_348 : i32 to index
        %parallel_loop3A_350 = arith.index_cast %parallel_loop3A_325 : i32 to index
        %parallel_loop3A_351 = arith.constant 32 : index
        %parallel_loop3A_352 = tpu.vector_load %arg6[%parallel_loop3A_349, %parallel_loop3A_350, %parallel_loop3A_351] {strides = array<i32>} : memref<8x128x64xf32, #tpu.memory_space<vmem>>, vector<1x1x16xf32>,
        %parallel_loop3A_353 = vector.shape_cast %parallel_loop3A_352 : vector<1x1x16xf32> to vector<16xf32>
        %parallel_loop3A_354 = arith.index_cast %parallel_loop3A_325 : i32 to index
        %parallel_loop3A_355 = arith.constant 32 : index
        %parallel_loop3A_356 = tpu.vector_load %arg7[%parallel_loop3A_354, %parallel_loop3A_355] {strides = array<i32>} : memref<128x64xf32, #tpu.memory_space<vmem>>, vector<1x16xf32>,
        %parallel_loop3A_357 = vector.shape_cast %parallel_loop3A_356 : vector<1x16xf32> to vector<16xf32>
        %parallel_loop3A_358 = vector.shape_cast %parallel_loop3A_353 : vector<16xf32> to vector<1x16xf32>
        tpu.vector_store %arg7[%parallel_loop3A_354, %parallel_loop3A_355], %parallel_loop3A_358 {add = true, strides = array<i32>} : memref<128x64xf32, #tpu.memory_space<vmem>>, vector<1x16xf32>,
        %parallel_loop3A_359 = arith.constant 2 : i32
        %parallel_loop3A_360 = arith.index_cast %parallel_loop3A_359 : i32 to index
        %parallel_loop3A_361 = arith.index_cast %parallel_loop3A_325 : i32 to index
        %parallel_loop3A_362 = arith.constant 48 : index
        %parallel_loop3A_363 = tpu.vector_load %arg6[%parallel_loop3A_360, %parallel_loop3A_361, %parallel_loop3A_362] {strides = array<i32>} : memref<8x128x64xf32, #tpu.memory_space<vmem>>, vector<1x1x16xf32>,
        %parallel_loop3A_364 = vector.shape_cast %parallel_loop3A_363 : vector<1x1x16xf32> to vector<16xf32>
        %parallel_loop3A_365 = arith.index_cast %parallel_loop3A_325 : i32 to index
        %parallel_loop3A_366 = arith.constant 48 : index
        %parallel_loop3A_367 = tpu.vector_load %arg7[%parallel_loop3A_365, %parallel_loop3A_366] {strides = array<i32>} : memref<128x64xf32, #tpu.memory_space<vmem>>, vector<1x16xf32>,
        %parallel_loop3A_368 = vector.shape_cast %parallel_loop3A_367 : vector<1x16xf32> to vector<16xf32>
        %parallel_loop3A_369 = vector.shape_cast %parallel_loop3A_364 : vector<16xf32> to vector<1x16xf32>
        tpu.vector_store %arg7[%parallel_loop3A_365, %parallel_loop3A_366], %parallel_loop3A_369 {add = true, strides = array<i32>} : memref<128x64xf32, #tpu.memory_space<vmem>>, vector<1x16xf32>,
      } {sc.loop_unroll_factor = 4 : i64, sc.parallel_access}
      %add3A_189 = arith.constant 3 : i32
      %add3A_190 = arith.addi %mul3A_112, %add3A_189 : i32
      %dma_wait3A_191 = arith.constant 0 : i32
      %dma_wait3A_192 = arith.constant 0 : i32
      %dma_wait3A_193 = arith.constant 3 : i32
      %dma_wait3A_194 = arith.constant 0 : i32
      %dma_wait3A_195 = arith.constant 0 : i32
      %dma_wait3A_196 = tpu.memref_slice %arg6[%dma_wait3A_193, %dma_wait3A_194, %dma_wait3A_195] : memref<8x128x64xf32, #tpu.memory_space<vmem>> -> memref<1x128x64xf32, #tpu.memory_space<vmem>>
      %dma_wait3A_197 = tpu.memref_squeeze %dma_wait3A_196 : memref<1x128x64xf32, #tpu.memory_space<vmem>> -> memref<128x64xf32, #tpu.memory_space<vmem>>
      %dma_wait3A_198 = arith.constant 0 : i32
      %dma_wait3A_199 = tpu.memref_slice %arg5[%dma_wait3A_191, %dma_wait3A_192, %dma_wait3A_198] : memref<25x8x128xi32, #tpu.memory_space<vmem>> -> memref<1x1x128xi32, #tpu.memory_space<vmem>>
      %dma_wait3A_200 = tpu.memref_squeeze %dma_wait3A_199 : memref<1x1x128xi32, #tpu.memory_space<vmem>> -> memref<128xi32, #tpu.memory_space<vmem>>
      %dma_wait3A_201 = arith.constant 0 : i32
      %dma_wait3A_202 = arith.constant 0 : i32
      %dma_wait3A_203 = tpu.memref_slice %arg3[%dma_wait3A_201, %dma_wait3A_202] : memref<1000448x64xf32, #tpu.memory_space<hbm>> -> memref<1000448x64xf32, #tpu.memory_space<hbm>>
      tpu.wait_indirect_dma semaphore(%arg11 : memref<!tpu.dma_semaphore, #tpu.memory_space<semaphore_mem>>) src(%dma_wait3A_203 : memref<1000448x64xf32, #tpu.memory_space<hbm>>) dst(%dma_wait3A_197 : memref<128x64xf32, #tpu.memory_space<vmem>>)
      %add3A_204 = arith.constant 8 : i32
      %add3A_205 = arith.addi %add3A_190, %add3A_204 : i32
      %sub3A_206 = arith.constant 1 : i32
      %sub3A_207 = arith.subi %add3A_205, %sub3A_206 : i32
      %lt3A_208 = arith.constant 200 : i32
      %lt3A_209 = arith.cmpi slt, %sub3A_207, %lt3A_208 : i32
      %convert_element_type3A_210 = arith.extui %lt3A_209 : i1 to i32
      %cond3A_211 = arith.constant 0 : i32
      %cond3A_212 = arith.cmpi ne, %convert_element_type3A_210, %cond3A_211 : i32
      scf.if %cond3A_212 {
        %add3A_325 = arith.constant 8 : i32
        %add3A_326 = arith.addi %add3A_190, %add3A_325 : i32
        %sub3A_327 = arith.constant 1 : i32
        %sub3A_328 = arith.subi %add3A_326, %sub3A_327 : i32
        %jit3A = arith.constant 8 : i32
        %div3A = arith.divsi %sub3A_328, %jit3A : i32
        %sign3A = arith.constant 0 : i32
        %sign3A_329 = arith.cmpi sgt, %sub3A_328, %sign3A : i32
        %sign3A_330 = arith.extui %sign3A_329 : i1 to i32
        %sign3A_331 = arith.constant 0 : i32
        %sign3A_332 = arith.cmpi slt, %sub3A_328, %sign3A_331 : i32
        %sign3A_333 = arith.extui %sign3A_332 : i1 to i32
        %sign3A_334 = arith.subi %sign3A_330, %sign3A_333 : i32
        %sign3A_335 = arith.constant 0 : i32
        %sign3A_336 = arith.cmpi sgt, %jit3A, %sign3A_335 : i32
        %sign3A_337 = arith.extui %sign3A_336 : i1 to i32
        %sign3A_338 = arith.constant 0 : i32
        %sign3A_339 = arith.cmpi slt, %jit3A, %sign3A_338 : i32
        %sign3A_340 = arith.extui %sign3A_339 : i1 to i32
        %sign3A_341 = arith.subi %sign3A_337, %sign3A_340 : i32
        %ne3A = arith.cmpi ne, %sign3A_334, %sign3A_341 : i32
        %rem3A = arith.remsi %sub3A_328, %jit3A : i32
        %ne3A_342 = arith.constant 0 : i32
        %ne3A_343 = arith.cmpi ne, %rem3A, %ne3A_342 : i32
        %and3A = arith.andi %ne3A, %ne3A_343 : i1
        %sub3A_344 = arith.constant 1 : i32
        %sub3A_345 = arith.subi %div3A, %sub3A_344 : i32
        %select_n3A = arith.select %and3A, %sub3A_345, %div3A : i32
        %jit3A_346 = arith.constant 8 : i32
        %eq3A = arith.constant 0 : i32
        %eq3A_347 = arith.cmpi eq, %jit3A_346, %eq3A : i32
        %jit3A_348 = arith.constant 1 : i32
        %select_n3A_349 = arith.select %eq3A_347, %jit3A_348, %jit3A_346 : i32
        %rem3A_350 = arith.remsi %sub3A_328, %select_n3A_349 : i32
        %ne3A_351 = arith.constant 0 : i32
        %ne3A_352 = arith.cmpi ne, %rem3A_350, %ne3A_351 : i32
        %lt3A_353 = arith.constant 0 : i32
        %lt3A_354 = arith.cmpi slt, %rem3A_350, %lt3A_353 : i32
        %lt3A_355 = arith.constant 0 : i32
        %lt3A_356 = arith.cmpi slt, %select_n3A_349, %lt3A_355 : i32
        %ne3A_357 = arith.xori %lt3A_354, %lt3A_356 : i1
        %and3A_358 = arith.andi %ne3A_357, %ne3A_352 : i1
        %add3A_359 = arith.addi %rem3A_350, %select_n3A_349 : i32
        %select_n3A_360 = arith.select %and3A_358, %add3A_359, %rem3A_350 : i32
        %dma_start3A_361 = arith.constant 2 : i32
        %dma_start3A_362 = arith.constant 0 : i32
        %dma_start3A_363 = arith.constant 0 : i32
        %dma_start3A_364 = tpu.memref_slice %arg6[%dma_start3A_361, %dma_start3A_362, %dma_start3A_363] : memref<8x128x64xf32, #tpu.memory_space<vmem>> -> memref<1x128x64xf32, #tpu.memory_space<vmem>>
        %dma_start3A_365 = tpu.memref_squeeze %dma_start3A_364 : memref<1x128x64xf32, #tpu.memory_space<vmem>> -> memref<128x64xf32, #tpu.memory_space<vmem>>
        %dma_start3A_366 = arith.constant 0 : i32
        %dma_start3A_367 = tpu.memref_slice %arg5[%select_n3A, %select_n3A_360, %dma_start3A_366] : memref<25x8x128xi32, #tpu.memory_space<vmem>> -> memref<1x1x128xi32, #tpu.memory_space<vmem>>
        %dma_start3A_368 = tpu.memref_squeeze %dma_start3A_367 : memref<1x1x128xi32, #tpu.memory_space<vmem>> -> memref<128xi32, #tpu.memory_space<vmem>>
        %dma_start3A_369 = arith.constant 0 : i32
        %dma_start3A_370 = arith.constant 0 : i32
        %dma_start3A_371 = tpu.memref_slice %arg3[%dma_start3A_369, %dma_start3A_370] : memref<1000448x64xf32, #tpu.memory_space<hbm>> -> memref<1000448x64xf32, #tpu.memory_space<hbm>>
        tpu.enqueue_indirect_dma source(%dma_start3A_371 : memref<1000448x64xf32, #tpu.memory_space<hbm>>) target(%dma_start3A_365 : memref<128x64xf32, #tpu.memory_space<vmem>>) offsets(%dma_start3A_368 : memref<128xi32, #tpu.memory_space<vmem>>) semaphore(%arg10 : memref<!tpu.dma_semaphore, #tpu.memory_space<semaphore_mem>>)
      } else {
      }
      %parallel_loop3A_213 = arith.constant 0 : i32
      %parallel_loop3A_214 = arith.constant 128 : i32
      %parallel_loop3A_215 = arith.constant 1 : i32
      scf.for %parallel_loop3A_325 = %parallel_loop3A_213 to %parallel_loop3A_214 step %parallel_loop3A_215  : i32 {
        %parallel_loop3A_326 = arith.constant 3 : i32
        %parallel_loop3A_327 = arith.index_cast %parallel_loop3A_326 : i32 to index
        %parallel_loop3A_328 = arith.index_cast %parallel_loop3A_325 : i32 to index
        %parallel_loop3A_329 = arith.constant 0 : index
        %parallel_loop3A_330 = tpu.vector_load %arg6[%parallel_loop3A_327, %parallel_loop3A_328, %parallel_loop3A_329] {strides = array<i32>} : memref<8x128x64xf32, #tpu.memory_space<vmem>>, vector<1x1x16xf32>,
        %parallel_loop3A_331 = vector.shape_cast %parallel_loop3A_330 : vector<1x1x16xf32> to vector<16xf32>
        %parallel_loop3A_332 = arith.index_cast %parallel_loop3A_325 : i32 to index
        %parallel_loop3A_333 = arith.constant 0 : index
        %parallel_loop3A_334 = tpu.vector_load %arg7[%parallel_loop3A_332, %parallel_loop3A_333] {strides = array<i32>} : memref<128x64xf32, #tpu.memory_space<vmem>>, vector<1x16xf32>,
        %parallel_loop3A_335 = vector.shape_cast %parallel_loop3A_334 : vector<1x16xf32> to vector<16xf32>
        %parallel_loop3A_336 = vector.shape_cast %parallel_loop3A_331 : vector<16xf32> to vector<1x16xf32>
        tpu.vector_store %arg7[%parallel_loop3A_332, %parallel_loop3A_333], %parallel_loop3A_336 {add = true, strides = array<i32>} : memref<128x64xf32, #tpu.memory_space<vmem>>, vector<1x16xf32>,
        %parallel_loop3A_337 = arith.constant 3 : i32
        %parallel_loop3A_338 = arith.index_cast %parallel_loop3A_337 : i32 to index
        %parallel_loop3A_339 = arith.index_cast %parallel_loop3A_325 : i32 to index
        %parallel_loop3A_340 = arith.constant 16 : index
        %parallel_loop3A_341 = tpu.vector_load %arg6[%parallel_loop3A_338, %parallel_loop3A_339, %parallel_loop3A_340] {strides = array<i32>} : memref<8x128x64xf32, #tpu.memory_space<vmem>>, vector<1x1x16xf32>,
        %parallel_loop3A_342 = vector.shape_cast %parallel_loop3A_341 : vector<1x1x16xf32> to vector<16xf32>
        %parallel_loop3A_343 = arith.index_cast %parallel_loop3A_325 : i32 to index
        %parallel_loop3A_344 = arith.constant 16 : index
        %parallel_loop3A_345 = tpu.vector_load %arg7[%parallel_loop3A_343, %parallel_loop3A_344] {strides = array<i32>} : memref<128x64xf32, #tpu.memory_space<vmem>>, vector<1x16xf32>,
        %parallel_loop3A_346 = vector.shape_cast %parallel_loop3A_345 : vector<1x16xf32> to vector<16xf32>
        %parallel_loop3A_347 = vector.shape_cast %parallel_loop3A_342 : vector<16xf32> to vector<1x16xf32>
        tpu.vector_store %arg7[%parallel_loop3A_343, %parallel_loop3A_344], %parallel_loop3A_347 {add = true, strides = array<i32>} : memref<128x64xf32, #tpu.memory_space<vmem>>, vector<1x16xf32>,
        %parallel_loop3A_348 = arith.constant 3 : i32
        %parallel_loop3A_349 = arith.index_cast %parallel_loop3A_348 : i32 to index
        %parallel_loop3A_350 = arith.index_cast %parallel_loop3A_325 : i32 to index
        %parallel_loop3A_351 = arith.constant 32 : index
        %parallel_loop3A_352 = tpu.vector_load %arg6[%parallel_loop3A_349, %parallel_loop3A_350, %parallel_loop3A_351] {strides = array<i32>} : memref<8x128x64xf32, #tpu.memory_space<vmem>>, vector<1x1x16xf32>,
        %parallel_loop3A_353 = vector.shape_cast %parallel_loop3A_352 : vector<1x1x16xf32> to vector<16xf32>
        %parallel_loop3A_354 = arith.index_cast %parallel_loop3A_325 : i32 to index
        %parallel_loop3A_355 = arith.constant 32 : index
        %parallel_loop3A_356 = tpu.vector_load %arg7[%parallel_loop3A_354, %parallel_loop3A_355] {strides = array<i32>} : memref<128x64xf32, #tpu.memory_space<vmem>>, vector<1x16xf32>,
        %parallel_loop3A_357 = vector.shape_cast %parallel_loop3A_356 : vector<1x16xf32> to vector<16xf32>
        %parallel_loop3A_358 = vector.shape_cast %parallel_loop3A_353 : vector<16xf32> to vector<1x16xf32>
        tpu.vector_store %arg7[%parallel_loop3A_354, %parallel_loop3A_355], %parallel_loop3A_358 {add = true, strides = array<i32>} : memref<128x64xf32, #tpu.memory_space<vmem>>, vector<1x16xf32>,
        %parallel_loop3A_359 = arith.constant 3 : i32
        %parallel_loop3A_360 = arith.index_cast %parallel_loop3A_359 : i32 to index
        %parallel_loop3A_361 = arith.index_cast %parallel_loop3A_325 : i32 to index
        %parallel_loop3A_362 = arith.constant 48 : index
        %parallel_loop3A_363 = tpu.vector_load %arg6[%parallel_loop3A_360, %parallel_loop3A_361, %parallel_loop3A_362] {strides = array<i32>} : memref<8x128x64xf32, #tpu.memory_space<vmem>>, vector<1x1x16xf32>,
        %parallel_loop3A_364 = vector.shape_cast %parallel_loop3A_363 : vector<1x1x16xf32> to vector<16xf32>
        %parallel_loop3A_365 = arith.index_cast %parallel_loop3A_325 : i32 to index
        %parallel_loop3A_366 = arith.constant 48 : index
        %parallel_loop3A_367 = tpu.vector_load %arg7[%parallel_loop3A_365, %parallel_loop3A_366] {strides = array<i32>} : memref<128x64xf32, #tpu.memory_space<vmem>>, vector<1x16xf32>,
        %parallel_loop3A_368 = vector.shape_cast %parallel_loop3A_367 : vector<1x16xf32> to vector<16xf32>
        %parallel_loop3A_369 = vector.shape_cast %parallel_loop3A_364 : vector<16xf32> to vector<1x16xf32>
        tpu.vector_store %arg7[%parallel_loop3A_365, %parallel_loop3A_366], %parallel_loop3A_369 {add = true, strides = array<i32>} : memref<128x64xf32, #tpu.memory_space<vmem>>, vector<1x16xf32>,
      } {sc.loop_unroll_factor = 4 : i64, sc.parallel_access}
      %add3A_216 = arith.constant 4 : i32
      %add3A_217 = arith.addi %mul3A_112, %add3A_216 : i32
      %dma_wait3A_218 = arith.constant 0 : i32
      %dma_wait3A_219 = arith.constant 0 : i32
      %dma_wait3A_220 = arith.constant 4 : i32
      %dma_wait3A_221 = arith.constant 0 : i32
      %dma_wait3A_222 = arith.constant 0 : i32
      %dma_wait3A_223 = tpu.memref_slice %arg6[%dma_wait3A_220, %dma_wait3A_221, %dma_wait3A_222] : memref<8x128x64xf32, #tpu.memory_space<vmem>> -> memref<1x128x64xf32, #tpu.memory_space<vmem>>
      %dma_wait3A_224 = tpu.memref_squeeze %dma_wait3A_223 : memref<1x128x64xf32, #tpu.memory_space<vmem>> -> memref<128x64xf32, #tpu.memory_space<vmem>>
      %dma_wait3A_225 = arith.constant 0 : i32
      %dma_wait3A_226 = tpu.memref_slice %arg5[%dma_wait3A_218, %dma_wait3A_219, %dma_wait3A_225] : memref<25x8x128xi32, #tpu.memory_space<vmem>> -> memref<1x1x128xi32, #tpu.memory_space<vmem>>
      %dma_wait3A_227 = tpu.memref_squeeze %dma_wait3A_226 : memref<1x1x128xi32, #tpu.memory_space<vmem>> -> memref<128xi32, #tpu.memory_space<vmem>>
      %dma_wait3A_228 = arith.constant 0 : i32
      %dma_wait3A_229 = arith.constant 0 : i32
      %dma_wait3A_230 = tpu.memref_slice %arg3[%dma_wait3A_228, %dma_wait3A_229] : memref<1000448x64xf32, #tpu.memory_space<hbm>> -> memref<1000448x64xf32, #tpu.memory_space<hbm>>
      tpu.wait_indirect_dma semaphore(%arg12 : memref<!tpu.dma_semaphore, #tpu.memory_space<semaphore_mem>>) src(%dma_wait3A_230 : memref<1000448x64xf32, #tpu.memory_space<hbm>>) dst(%dma_wait3A_224 : memref<128x64xf32, #tpu.memory_space<vmem>>)
      %add3A_231 = arith.constant 8 : i32
      %add3A_232 = arith.addi %add3A_217, %add3A_231 : i32
      %sub3A_233 = arith.constant 1 : i32
      %sub3A_234 = arith.subi %add3A_232, %sub3A_233 : i32
      %lt3A_235 = arith.constant 200 : i32
      %lt3A_236 = arith.cmpi slt, %sub3A_234, %lt3A_235 : i32
      %convert_element_type3A_237 = arith.extui %lt3A_236 : i1 to i32
      %cond3A_238 = arith.constant 0 : i32
      %cond3A_239 = arith.cmpi ne, %convert_element_type3A_237, %cond3A_238 : i32
      scf.if %cond3A_239 {
        %add3A_325 = arith.constant 8 : i32
        %add3A_326 = arith.addi %add3A_217, %add3A_325 : i32
        %sub3A_327 = arith.constant 1 : i32
        %sub3A_328 = arith.subi %add3A_326, %sub3A_327 : i32
        %jit3A = arith.constant 8 : i32
        %div3A = arith.divsi %sub3A_328, %jit3A : i32
        %sign3A = arith.constant 0 : i32
        %sign3A_329 = arith.cmpi sgt, %sub3A_328, %sign3A : i32
        %sign3A_330 = arith.extui %sign3A_329 : i1 to i32
        %sign3A_331 = arith.constant 0 : i32
        %sign3A_332 = arith.cmpi slt, %sub3A_328, %sign3A_331 : i32
        %sign3A_333 = arith.extui %sign3A_332 : i1 to i32
        %sign3A_334 = arith.subi %sign3A_330, %sign3A_333 : i32
        %sign3A_335 = arith.constant 0 : i32
        %sign3A_336 = arith.cmpi sgt, %jit3A, %sign3A_335 : i32
        %sign3A_337 = arith.extui %sign3A_336 : i1 to i32
        %sign3A_338 = arith.constant 0 : i32
        %sign3A_339 = arith.cmpi slt, %jit3A, %sign3A_338 : i32
        %sign3A_340 = arith.extui %sign3A_339 : i1 to i32
        %sign3A_341 = arith.subi %sign3A_337, %sign3A_340 : i32
        %ne3A = arith.cmpi ne, %sign3A_334, %sign3A_341 : i32
        %rem3A = arith.remsi %sub3A_328, %jit3A : i32
        %ne3A_342 = arith.constant 0 : i32
        %ne3A_343 = arith.cmpi ne, %rem3A, %ne3A_342 : i32
        %and3A = arith.andi %ne3A, %ne3A_343 : i1
        %sub3A_344 = arith.constant 1 : i32
        %sub3A_345 = arith.subi %div3A, %sub3A_344 : i32
        %select_n3A = arith.select %and3A, %sub3A_345, %div3A : i32
        %jit3A_346 = arith.constant 8 : i32
        %eq3A = arith.constant 0 : i32
        %eq3A_347 = arith.cmpi eq, %jit3A_346, %eq3A : i32
        %jit3A_348 = arith.constant 1 : i32
        %select_n3A_349 = arith.select %eq3A_347, %jit3A_348, %jit3A_346 : i32
        %rem3A_350 = arith.remsi %sub3A_328, %select_n3A_349 : i32
        %ne3A_351 = arith.constant 0 : i32
        %ne3A_352 = arith.cmpi ne, %rem3A_350, %ne3A_351 : i32
        %lt3A_353 = arith.constant 0 : i32
        %lt3A_354 = arith.cmpi slt, %rem3A_350, %lt3A_353 : i32
        %lt3A_355 = arith.constant 0 : i32
        %lt3A_356 = arith.cmpi slt, %select_n3A_349, %lt3A_355 : i32
        %ne3A_357 = arith.xori %lt3A_354, %lt3A_356 : i1
        %and3A_358 = arith.andi %ne3A_357, %ne3A_352 : i1
        %add3A_359 = arith.addi %rem3A_350, %select_n3A_349 : i32
        %select_n3A_360 = arith.select %and3A_358, %add3A_359, %rem3A_350 : i32
        %dma_start3A_361 = arith.constant 3 : i32
        %dma_start3A_362 = arith.constant 0 : i32
        %dma_start3A_363 = arith.constant 0 : i32
        %dma_start3A_364 = tpu.memref_slice %arg6[%dma_start3A_361, %dma_start3A_362, %dma_start3A_363] : memref<8x128x64xf32, #tpu.memory_space<vmem>> -> memref<1x128x64xf32, #tpu.memory_space<vmem>>
        %dma_start3A_365 = tpu.memref_squeeze %dma_start3A_364 : memref<1x128x64xf32, #tpu.memory_space<vmem>> -> memref<128x64xf32, #tpu.memory_space<vmem>>
        %dma_start3A_366 = arith.constant 0 : i32
        %dma_start3A_367 = tpu.memref_slice %arg5[%select_n3A, %select_n3A_360, %dma_start3A_366] : memref<25x8x128xi32, #tpu.memory_space<vmem>> -> memref<1x1x128xi32, #tpu.memory_space<vmem>>
        %dma_start3A_368 = tpu.memref_squeeze %dma_start3A_367 : memref<1x1x128xi32, #tpu.memory_space<vmem>> -> memref<128xi32, #tpu.memory_space<vmem>>
        %dma_start3A_369 = arith.constant 0 : i32
        %dma_start3A_370 = arith.constant 0 : i32
        %dma_start3A_371 = tpu.memref_slice %arg3[%dma_start3A_369, %dma_start3A_370] : memref<1000448x64xf32, #tpu.memory_space<hbm>> -> memref<1000448x64xf32, #tpu.memory_space<hbm>>
        tpu.enqueue_indirect_dma source(%dma_start3A_371 : memref<1000448x64xf32, #tpu.memory_space<hbm>>) target(%dma_start3A_365 : memref<128x64xf32, #tpu.memory_space<vmem>>) offsets(%dma_start3A_368 : memref<128xi32, #tpu.memory_space<vmem>>) semaphore(%arg11 : memref<!tpu.dma_semaphore, #tpu.memory_space<semaphore_mem>>)
      } else {
      }
      %parallel_loop3A_240 = arith.constant 0 : i32
      %parallel_loop3A_241 = arith.constant 128 : i32
      %parallel_loop3A_242 = arith.constant 1 : i32
      scf.for %parallel_loop3A_325 = %parallel_loop3A_240 to %parallel_loop3A_241 step %parallel_loop3A_242  : i32 {
        %parallel_loop3A_326 = arith.constant 4 : i32
        %parallel_loop3A_327 = arith.index_cast %parallel_loop3A_326 : i32 to index
        %parallel_loop3A_328 = arith.index_cast %parallel_loop3A_325 : i32 to index
        %parallel_loop3A_329 = arith.constant 0 : index
        %parallel_loop3A_330 = tpu.vector_load %arg6[%parallel_loop3A_327, %parallel_loop3A_328, %parallel_loop3A_329] {strides = array<i32>} : memref<8x128x64xf32, #tpu.memory_space<vmem>>, vector<1x1x16xf32>,
        %parallel_loop3A_331 = vector.shape_cast %parallel_loop3A_330 : vector<1x1x16xf32> to vector<16xf32>
        %parallel_loop3A_332 = arith.index_cast %parallel_loop3A_325 : i32 to index
        %parallel_loop3A_333 = arith.constant 0 : index
        %parallel_loop3A_334 = tpu.vector_load %arg7[%parallel_loop3A_332, %parallel_loop3A_333] {strides = array<i32>} : memref<128x64xf32, #tpu.memory_space<vmem>>, vector<1x16xf32>,
        %parallel_loop3A_335 = vector.shape_cast %parallel_loop3A_334 : vector<1x16xf32> to vector<16xf32>
        %parallel_loop3A_336 = vector.shape_cast %parallel_loop3A_331 : vector<16xf32> to vector<1x16xf32>
        tpu.vector_store %arg7[%parallel_loop3A_332, %parallel_loop3A_333], %parallel_loop3A_336 {add = true, strides = array<i32>} : memref<128x64xf32, #tpu.memory_space<vmem>>, vector<1x16xf32>,
        %parallel_loop3A_337 = arith.constant 4 : i32
        %parallel_loop3A_338 = arith.index_cast %parallel_loop3A_337 : i32 to index
        %parallel_loop3A_339 = arith.index_cast %parallel_loop3A_325 : i32 to index
        %parallel_loop3A_340 = arith.constant 16 : index
        %parallel_loop3A_341 = tpu.vector_load %arg6[%parallel_loop3A_338, %parallel_loop3A_339, %parallel_loop3A_340] {strides = array<i32>} : memref<8x128x64xf32, #tpu.memory_space<vmem>>, vector<1x1x16xf32>,
        %parallel_loop3A_342 = vector.shape_cast %parallel_loop3A_341 : vector<1x1x16xf32> to vector<16xf32>
        %parallel_loop3A_343 = arith.index_cast %parallel_loop3A_325 : i32 to index
        %parallel_loop3A_344 = arith.constant 16 : index
        %parallel_loop3A_345 = tpu.vector_load %arg7[%parallel_loop3A_343, %parallel_loop3A_344] {strides = array<i32>} : memref<128x64xf32, #tpu.memory_space<vmem>>, vector<1x16xf32>,
        %parallel_loop3A_346 = vector.shape_cast %parallel_loop3A_345 : vector<1x16xf32> to vector<16xf32>
        %parallel_loop3A_347 = vector.shape_cast %parallel_loop3A_342 : vector<16xf32> to vector<1x16xf32>
        tpu.vector_store %arg7[%parallel_loop3A_343, %parallel_loop3A_344], %parallel_loop3A_347 {add = true, strides = array<i32>} : memref<128x64xf32, #tpu.memory_space<vmem>>, vector<1x16xf32>,
        %parallel_loop3A_348 = arith.constant 4 : i32
        %parallel_loop3A_349 = arith.index_cast %parallel_loop3A_348 : i32 to index
        %parallel_loop3A_350 = arith.index_cast %parallel_loop3A_325 : i32 to index
        %parallel_loop3A_351 = arith.constant 32 : index
        %parallel_loop3A_352 = tpu.vector_load %arg6[%parallel_loop3A_349, %parallel_loop3A_350, %parallel_loop3A_351] {strides = array<i32>} : memref<8x128x64xf32, #tpu.memory_space<vmem>>, vector<1x1x16xf32>,
        %parallel_loop3A_353 = vector.shape_cast %parallel_loop3A_352 : vector<1x1x16xf32> to vector<16xf32>
        %parallel_loop3A_354 = arith.index_cast %parallel_loop3A_325 : i32 to index
        %parallel_loop3A_355 = arith.constant 32 : index
        %parallel_loop3A_356 = tpu.vector_load %arg7[%parallel_loop3A_354, %parallel_loop3A_355] {strides = array<i32>} : memref<128x64xf32, #tpu.memory_space<vmem>>, vector<1x16xf32>,
        %parallel_loop3A_357 = vector.shape_cast %parallel_loop3A_356 : vector<1x16xf32> to vector<16xf32>
        %parallel_loop3A_358 = vector.shape_cast %parallel_loop3A_353 : vector<16xf32> to vector<1x16xf32>
        tpu.vector_store %arg7[%parallel_loop3A_354, %parallel_loop3A_355], %parallel_loop3A_358 {add = true, strides = array<i32>} : memref<128x64xf32, #tpu.memory_space<vmem>>, vector<1x16xf32>,
        %parallel_loop3A_359 = arith.constant 4 : i32
        %parallel_loop3A_360 = arith.index_cast %parallel_loop3A_359 : i32 to index
        %parallel_loop3A_361 = arith.index_cast %parallel_loop3A_325 : i32 to index
        %parallel_loop3A_362 = arith.constant 48 : index
        %parallel_loop3A_363 = tpu.vector_load %arg6[%parallel_loop3A_360, %parallel_loop3A_361, %parallel_loop3A_362] {strides = array<i32>} : memref<8x128x64xf32, #tpu.memory_space<vmem>>, vector<1x1x16xf32>,
        %parallel_loop3A_364 = vector.shape_cast %parallel_loop3A_363 : vector<1x1x16xf32> to vector<16xf32>
        %parallel_loop3A_365 = arith.index_cast %parallel_loop3A_325 : i32 to index
        %parallel_loop3A_366 = arith.constant 48 : index
        %parallel_loop3A_367 = tpu.vector_load %arg7[%parallel_loop3A_365, %parallel_loop3A_366] {strides = array<i32>} : memref<128x64xf32, #tpu.memory_space<vmem>>, vector<1x16xf32>,
        %parallel_loop3A_368 = vector.shape_cast %parallel_loop3A_367 : vector<1x16xf32> to vector<16xf32>
        %parallel_loop3A_369 = vector.shape_cast %parallel_loop3A_364 : vector<16xf32> to vector<1x16xf32>
        tpu.vector_store %arg7[%parallel_loop3A_365, %parallel_loop3A_366], %parallel_loop3A_369 {add = true, strides = array<i32>} : memref<128x64xf32, #tpu.memory_space<vmem>>, vector<1x16xf32>,
      } {sc.loop_unroll_factor = 4 : i64, sc.parallel_access}
      %add3A_243 = arith.constant 5 : i32
      %add3A_244 = arith.addi %mul3A_112, %add3A_243 : i32
      %dma_wait3A_245 = arith.constant 0 : i32
      %dma_wait3A_246 = arith.constant 0 : i32
      %dma_wait3A_247 = arith.constant 5 : i32
      %dma_wait3A_248 = arith.constant 0 : i32
      %dma_wait3A_249 = arith.constant 0 : i32
      %dma_wait3A_250 = tpu.memref_slice %arg6[%dma_wait3A_247, %dma_wait3A_248, %dma_wait3A_249] : memref<8x128x64xf32, #tpu.memory_space<vmem>> -> memref<1x128x64xf32, #tpu.memory_space<vmem>>
      %dma_wait3A_251 = tpu.memref_squeeze %dma_wait3A_250 : memref<1x128x64xf32, #tpu.memory_space<vmem>> -> memref<128x64xf32, #tpu.memory_space<vmem>>
      %dma_wait3A_252 = arith.constant 0 : i32
      %dma_wait3A_253 = tpu.memref_slice %arg5[%dma_wait3A_245, %dma_wait3A_246, %dma_wait3A_252] : memref<25x8x128xi32, #tpu.memory_space<vmem>> -> memref<1x1x128xi32, #tpu.memory_space<vmem>>
      %dma_wait3A_254 = tpu.memref_squeeze %dma_wait3A_253 : memref<1x1x128xi32, #tpu.memory_space<vmem>> -> memref<128xi32, #tpu.memory_space<vmem>>
      %dma_wait3A_255 = arith.constant 0 : i32
      %dma_wait3A_256 = arith.constant 0 : i32
      %dma_wait3A_257 = tpu.memref_slice %arg3[%dma_wait3A_255, %dma_wait3A_256] : memref<1000448x64xf32, #tpu.memory_space<hbm>> -> memref<1000448x64xf32, #tpu.memory_space<hbm>>
      tpu.wait_indirect_dma semaphore(%arg13 : memref<!tpu.dma_semaphore, #tpu.memory_space<semaphore_mem>>) src(%dma_wait3A_257 : memref<1000448x64xf32, #tpu.memory_space<hbm>>) dst(%dma_wait3A_251 : memref<128x64xf32, #tpu.memory_space<vmem>>)
      %add3A_258 = arith.constant 8 : i32
      %add3A_259 = arith.addi %add3A_244, %add3A_258 : i32
      %sub3A_260 = arith.constant 1 : i32
      %sub3A_261 = arith.subi %add3A_259, %sub3A_260 : i32
      %lt3A_262 = arith.constant 200 : i32
      %lt3A_263 = arith.cmpi slt, %sub3A_261, %lt3A_262 : i32
      %convert_element_type3A_264 = arith.extui %lt3A_263 : i1 to i32
      %cond3A_265 = arith.constant 0 : i32
      %cond3A_266 = arith.cmpi ne, %convert_element_type3A_264, %cond3A_265 : i32
      scf.if %cond3A_266 {
        %add3A_325 = arith.constant 8 : i32
        %add3A_326 = arith.addi %add3A_244, %add3A_325 : i32
        %sub3A_327 = arith.constant 1 : i32
        %sub3A_328 = arith.subi %add3A_326, %sub3A_327 : i32
        %jit3A = arith.constant 8 : i32
        %div3A = arith.divsi %sub3A_328, %jit3A : i32
        %sign3A = arith.constant 0 : i32
        %sign3A_329 = arith.cmpi sgt, %sub3A_328, %sign3A : i32
        %sign3A_330 = arith.extui %sign3A_329 : i1 to i32
        %sign3A_331 = arith.constant 0 : i32
        %sign3A_332 = arith.cmpi slt, %sub3A_328, %sign3A_331 : i32
        %sign3A_333 = arith.extui %sign3A_332 : i1 to i32
        %sign3A_334 = arith.subi %sign3A_330, %sign3A_333 : i32
        %sign3A_335 = arith.constant 0 : i32
        %sign3A_336 = arith.cmpi sgt, %jit3A, %sign3A_335 : i32
        %sign3A_337 = arith.extui %sign3A_336 : i1 to i32
        %sign3A_338 = arith.constant 0 : i32
        %sign3A_339 = arith.cmpi slt, %jit3A, %sign3A_338 : i32
        %sign3A_340 = arith.extui %sign3A_339 : i1 to i32
        %sign3A_341 = arith.subi %sign3A_337, %sign3A_340 : i32
        %ne3A = arith.cmpi ne, %sign3A_334, %sign3A_341 : i32
        %rem3A = arith.remsi %sub3A_328, %jit3A : i32
        %ne3A_342 = arith.constant 0 : i32
        %ne3A_343 = arith.cmpi ne, %rem3A, %ne3A_342 : i32
        %and3A = arith.andi %ne3A, %ne3A_343 : i1
        %sub3A_344 = arith.constant 1 : i32
        %sub3A_345 = arith.subi %div3A, %sub3A_344 : i32
        %select_n3A = arith.select %and3A, %sub3A_345, %div3A : i32
        %jit3A_346 = arith.constant 8 : i32
        %eq3A = arith.constant 0 : i32
        %eq3A_347 = arith.cmpi eq, %jit3A_346, %eq3A : i32
        %jit3A_348 = arith.constant 1 : i32
        %select_n3A_349 = arith.select %eq3A_347, %jit3A_348, %jit3A_346 : i32
        %rem3A_350 = arith.remsi %sub3A_328, %select_n3A_349 : i32
        %ne3A_351 = arith.constant 0 : i32
        %ne3A_352 = arith.cmpi ne, %rem3A_350, %ne3A_351 : i32
        %lt3A_353 = arith.constant 0 : i32
        %lt3A_354 = arith.cmpi slt, %rem3A_350, %lt3A_353 : i32
        %lt3A_355 = arith.constant 0 : i32
        %lt3A_356 = arith.cmpi slt, %select_n3A_349, %lt3A_355 : i32
        %ne3A_357 = arith.xori %lt3A_354, %lt3A_356 : i1
        %and3A_358 = arith.andi %ne3A_357, %ne3A_352 : i1
        %add3A_359 = arith.addi %rem3A_350, %select_n3A_349 : i32
        %select_n3A_360 = arith.select %and3A_358, %add3A_359, %rem3A_350 : i32
        %dma_start3A_361 = arith.constant 4 : i32
        %dma_start3A_362 = arith.constant 0 : i32
        %dma_start3A_363 = arith.constant 0 : i32
        %dma_start3A_364 = tpu.memref_slice %arg6[%dma_start3A_361, %dma_start3A_362, %dma_start3A_363] : memref<8x128x64xf32, #tpu.memory_space<vmem>> -> memref<1x128x64xf32, #tpu.memory_space<vmem>>
        %dma_start3A_365 = tpu.memref_squeeze %dma_start3A_364 : memref<1x128x64xf32, #tpu.memory_space<vmem>> -> memref<128x64xf32, #tpu.memory_space<vmem>>
        %dma_start3A_366 = arith.constant 0 : i32
        %dma_start3A_367 = tpu.memref_slice %arg5[%select_n3A, %select_n3A_360, %dma_start3A_366] : memref<25x8x128xi32, #tpu.memory_space<vmem>> -> memref<1x1x128xi32, #tpu.memory_space<vmem>>
        %dma_start3A_368 = tpu.memref_squeeze %dma_start3A_367 : memref<1x1x128xi32, #tpu.memory_space<vmem>> -> memref<128xi32, #tpu.memory_space<vmem>>
        %dma_start3A_369 = arith.constant 0 : i32
        %dma_start3A_370 = arith.constant 0 : i32
        %dma_start3A_371 = tpu.memref_slice %arg3[%dma_start3A_369, %dma_start3A_370] : memref<1000448x64xf32, #tpu.memory_space<hbm>> -> memref<1000448x64xf32, #tpu.memory_space<hbm>>
        tpu.enqueue_indirect_dma source(%dma_start3A_371 : memref<1000448x64xf32, #tpu.memory_space<hbm>>) target(%dma_start3A_365 : memref<128x64xf32, #tpu.memory_space<vmem>>) offsets(%dma_start3A_368 : memref<128xi32, #tpu.memory_space<vmem>>) semaphore(%arg12 : memref<!tpu.dma_semaphore, #tpu.memory_space<semaphore_mem>>)
      } else {
      }
      %parallel_loop3A_267 = arith.constant 0 : i32
      %parallel_loop3A_268 = arith.constant 128 : i32
      %parallel_loop3A_269 = arith.constant 1 : i32
      scf.for %parallel_loop3A_325 = %parallel_loop3A_267 to %parallel_loop3A_268 step %parallel_loop3A_269  : i32 {
        %parallel_loop3A_326 = arith.constant 5 : i32
        %parallel_loop3A_327 = arith.index_cast %parallel_loop3A_326 : i32 to index
        %parallel_loop3A_328 = arith.index_cast %parallel_loop3A_325 : i32 to index
        %parallel_loop3A_329 = arith.constant 0 : index
        %parallel_loop3A_330 = tpu.vector_load %arg6[%parallel_loop3A_327, %parallel_loop3A_328, %parallel_loop3A_329] {strides = array<i32>} : memref<8x128x64xf32, #tpu.memory_space<vmem>>, vector<1x1x16xf32>,
        %parallel_loop3A_331 = vector.shape_cast %parallel_loop3A_330 : vector<1x1x16xf32> to vector<16xf32>
        %parallel_loop3A_332 = arith.index_cast %parallel_loop3A_325 : i32 to index
        %parallel_loop3A_333 = arith.constant 0 : index
        %parallel_loop3A_334 = tpu.vector_load %arg7[%parallel_loop3A_332, %parallel_loop3A_333] {strides = array<i32>} : memref<128x64xf32, #tpu.memory_space<vmem>>, vector<1x16xf32>,
        %parallel_loop3A_335 = vector.shape_cast %parallel_loop3A_334 : vector<1x16xf32> to vector<16xf32>
        %parallel_loop3A_336 = vector.shape_cast %parallel_loop3A_331 : vector<16xf32> to vector<1x16xf32>
        tpu.vector_store %arg7[%parallel_loop3A_332, %parallel_loop3A_333], %parallel_loop3A_336 {add = true, strides = array<i32>} : memref<128x64xf32, #tpu.memory_space<vmem>>, vector<1x16xf32>,
        %parallel_loop3A_337 = arith.constant 5 : i32
        %parallel_loop3A_338 = arith.index_cast %parallel_loop3A_337 : i32 to index
        %parallel_loop3A_339 = arith.index_cast %parallel_loop3A_325 : i32 to index
        %parallel_loop3A_340 = arith.constant 16 : index
        %parallel_loop3A_341 = tpu.vector_load %arg6[%parallel_loop3A_338, %parallel_loop3A_339, %parallel_loop3A_340] {strides = array<i32>} : memref<8x128x64xf32, #tpu.memory_space<vmem>>, vector<1x1x16xf32>,
        %parallel_loop3A_342 = vector.shape_cast %parallel_loop3A_341 : vector<1x1x16xf32> to vector<16xf32>
        %parallel_loop3A_343 = arith.index_cast %parallel_loop3A_325 : i32 to index
        %parallel_loop3A_344 = arith.constant 16 : index
        %parallel_loop3A_345 = tpu.vector_load %arg7[%parallel_loop3A_343, %parallel_loop3A_344] {strides = array<i32>} : memref<128x64xf32, #tpu.memory_space<vmem>>, vector<1x16xf32>,
        %parallel_loop3A_346 = vector.shape_cast %parallel_loop3A_345 : vector<1x16xf32> to vector<16xf32>
        %parallel_loop3A_347 = vector.shape_cast %parallel_loop3A_342 : vector<16xf32> to vector<1x16xf32>
        tpu.vector_store %arg7[%parallel_loop3A_343, %parallel_loop3A_344], %parallel_loop3A_347 {add = true, strides = array<i32>} : memref<128x64xf32, #tpu.memory_space<vmem>>, vector<1x16xf32>,
        %parallel_loop3A_348 = arith.constant 5 : i32
        %parallel_loop3A_349 = arith.index_cast %parallel_loop3A_348 : i32 to index
        %parallel_loop3A_350 = arith.index_cast %parallel_loop3A_325 : i32 to index
        %parallel_loop3A_351 = arith.constant 32 : index
        %parallel_loop3A_352 = tpu.vector_load %arg6[%parallel_loop3A_349, %parallel_loop3A_350, %parallel_loop3A_351] {strides = array<i32>} : memref<8x128x64xf32, #tpu.memory_space<vmem>>, vector<1x1x16xf32>,
        %parallel_loop3A_353 = vector.shape_cast %parallel_loop3A_352 : vector<1x1x16xf32> to vector<16xf32>
        %parallel_loop3A_354 = arith.index_cast %parallel_loop3A_325 : i32 to index
        %parallel_loop3A_355 = arith.constant 32 : index
        %parallel_loop3A_356 = tpu.vector_load %arg7[%parallel_loop3A_354, %parallel_loop3A_355] {strides = array<i32>} : memref<128x64xf32, #tpu.memory_space<vmem>>, vector<1x16xf32>,
        %parallel_loop3A_357 = vector.shape_cast %parallel_loop3A_356 : vector<1x16xf32> to vector<16xf32>
        %parallel_loop3A_358 = vector.shape_cast %parallel_loop3A_353 : vector<16xf32> to vector<1x16xf32>
        tpu.vector_store %arg7[%parallel_loop3A_354, %parallel_loop3A_355], %parallel_loop3A_358 {add = true, strides = array<i32>} : memref<128x64xf32, #tpu.memory_space<vmem>>, vector<1x16xf32>,
        %parallel_loop3A_359 = arith.constant 5 : i32
        %parallel_loop3A_360 = arith.index_cast %parallel_loop3A_359 : i32 to index
        %parallel_loop3A_361 = arith.index_cast %parallel_loop3A_325 : i32 to index
        %parallel_loop3A_362 = arith.constant 48 : index
        %parallel_loop3A_363 = tpu.vector_load %arg6[%parallel_loop3A_360, %parallel_loop3A_361, %parallel_loop3A_362] {strides = array<i32>} : memref<8x128x64xf32, #tpu.memory_space<vmem>>, vector<1x1x16xf32>,
        %parallel_loop3A_364 = vector.shape_cast %parallel_loop3A_363 : vector<1x1x16xf32> to vector<16xf32>
        %parallel_loop3A_365 = arith.index_cast %parallel_loop3A_325 : i32 to index
        %parallel_loop3A_366 = arith.constant 48 : index
        %parallel_loop3A_367 = tpu.vector_load %arg7[%parallel_loop3A_365, %parallel_loop3A_366] {strides = array<i32>} : memref<128x64xf32, #tpu.memory_space<vmem>>, vector<1x16xf32>,
        %parallel_loop3A_368 = vector.shape_cast %parallel_loop3A_367 : vector<1x16xf32> to vector<16xf32>
        %parallel_loop3A_369 = vector.shape_cast %parallel_loop3A_364 : vector<16xf32> to vector<1x16xf32>
        tpu.vector_store %arg7[%parallel_loop3A_365, %parallel_loop3A_366], %parallel_loop3A_369 {add = true, strides = array<i32>} : memref<128x64xf32, #tpu.memory_space<vmem>>, vector<1x16xf32>,
      } {sc.loop_unroll_factor = 4 : i64, sc.parallel_access}
      %add3A_270 = arith.constant 6 : i32
      %add3A_271 = arith.addi %mul3A_112, %add3A_270 : i32
      %dma_wait3A_272 = arith.constant 0 : i32
      %dma_wait3A_273 = arith.constant 0 : i32
      %dma_wait3A_274 = arith.constant 6 : i32
      %dma_wait3A_275 = arith.constant 0 : i32
      %dma_wait3A_276 = arith.constant 0 : i32
      %dma_wait3A_277 = tpu.memref_slice %arg6[%dma_wait3A_274, %dma_wait3A_275, %dma_wait3A_276] : memref<8x128x64xf32, #tpu.memory_space<vmem>> -> memref<1x128x64xf32, #tpu.memory_space<vmem>>
      %dma_wait3A_278 = tpu.memref_squeeze %dma_wait3A_277 : memref<1x128x64xf32, #tpu.memory_space<vmem>> -> memref<128x64xf32, #tpu.memory_space<vmem>>
      %dma_wait3A_279 = arith.constant 0 : i32
      %dma_wait3A_280 = tpu.memref_slice %arg5[%dma_wait3A_272, %dma_wait3A_273, %dma_wait3A_279] : memref<25x8x128xi32, #tpu.memory_space<vmem>> -> memref<1x1x128xi32, #tpu.memory_space<vmem>>
      %dma_wait3A_281 = tpu.memref_squeeze %dma_wait3A_280 : memref<1x1x128xi32, #tpu.memory_space<vmem>> -> memref<128xi32, #tpu.memory_space<vmem>>
      %dma_wait3A_282 = arith.constant 0 : i32
      %dma_wait3A_283 = arith.constant 0 : i32
      %dma_wait3A_284 = tpu.memref_slice %arg3[%dma_wait3A_282, %dma_wait3A_283] : memref<1000448x64xf32, #tpu.memory_space<hbm>> -> memref<1000448x64xf32, #tpu.memory_space<hbm>>
      tpu.wait_indirect_dma semaphore(%arg14 : memref<!tpu.dma_semaphore, #tpu.memory_space<semaphore_mem>>) src(%dma_wait3A_284 : memref<1000448x64xf32, #tpu.memory_space<hbm>>) dst(%dma_wait3A_278 : memref<128x64xf32, #tpu.memory_space<vmem>>)
      %add3A_285 = arith.constant 8 : i32
      %add3A_286 = arith.addi %add3A_271, %add3A_285 : i32
      %sub3A_287 = arith.constant 1 : i32
      %sub3A_288 = arith.subi %add3A_286, %sub3A_287 : i32
      %lt3A_289 = arith.constant 200 : i32
      %lt3A_290 = arith.cmpi slt, %sub3A_288, %lt3A_289 : i32
      %convert_element_type3A_291 = arith.extui %lt3A_290 : i1 to i32
      %cond3A_292 = arith.constant 0 : i32
      %cond3A_293 = arith.cmpi ne, %convert_element_type3A_291, %cond3A_292 : i32
      scf.if %cond3A_293 {
        %add3A_325 = arith.constant 8 : i32
        %add3A_326 = arith.addi %add3A_271, %add3A_325 : i32
        %sub3A_327 = arith.constant 1 : i32
        %sub3A_328 = arith.subi %add3A_326, %sub3A_327 : i32
        %jit3A = arith.constant 8 : i32
        %div3A = arith.divsi %sub3A_328, %jit3A : i32
        %sign3A = arith.constant 0 : i32
        %sign3A_329 = arith.cmpi sgt, %sub3A_328, %sign3A : i32
        %sign3A_330 = arith.extui %sign3A_329 : i1 to i32
        %sign3A_331 = arith.constant 0 : i32
        %sign3A_332 = arith.cmpi slt, %sub3A_328, %sign3A_331 : i32
        %sign3A_333 = arith.extui %sign3A_332 : i1 to i32
        %sign3A_334 = arith.subi %sign3A_330, %sign3A_333 : i32
        %sign3A_335 = arith.constant 0 : i32
        %sign3A_336 = arith.cmpi sgt, %jit3A, %sign3A_335 : i32
        %sign3A_337 = arith.extui %sign3A_336 : i1 to i32
        %sign3A_338 = arith.constant 0 : i32
        %sign3A_339 = arith.cmpi slt, %jit3A, %sign3A_338 : i32
        %sign3A_340 = arith.extui %sign3A_339 : i1 to i32
        %sign3A_341 = arith.subi %sign3A_337, %sign3A_340 : i32
        %ne3A = arith.cmpi ne, %sign3A_334, %sign3A_341 : i32
        %rem3A = arith.remsi %sub3A_328, %jit3A : i32
        %ne3A_342 = arith.constant 0 : i32
        %ne3A_343 = arith.cmpi ne, %rem3A, %ne3A_342 : i32
        %and3A = arith.andi %ne3A, %ne3A_343 : i1
        %sub3A_344 = arith.constant 1 : i32
        %sub3A_345 = arith.subi %div3A, %sub3A_344 : i32
        %select_n3A = arith.select %and3A, %sub3A_345, %div3A : i32
        %jit3A_346 = arith.constant 8 : i32
        %eq3A = arith.constant 0 : i32
        %eq3A_347 = arith.cmpi eq, %jit3A_346, %eq3A : i32
        %jit3A_348 = arith.constant 1 : i32
        %select_n3A_349 = arith.select %eq3A_347, %jit3A_348, %jit3A_346 : i32
        %rem3A_350 = arith.remsi %sub3A_328, %select_n3A_349 : i32
        %ne3A_351 = arith.constant 0 : i32
        %ne3A_352 = arith.cmpi ne, %rem3A_350, %ne3A_351 : i32
        %lt3A_353 = arith.constant 0 : i32
        %lt3A_354 = arith.cmpi slt, %rem3A_350, %lt3A_353 : i32
        %lt3A_355 = arith.constant 0 : i32
        %lt3A_356 = arith.cmpi slt, %select_n3A_349, %lt3A_355 : i32
        %ne3A_357 = arith.xori %lt3A_354, %lt3A_356 : i1
        %and3A_358 = arith.andi %ne3A_357, %ne3A_352 : i1
        %add3A_359 = arith.addi %rem3A_350, %select_n3A_349 : i32
        %select_n3A_360 = arith.select %and3A_358, %add3A_359, %rem3A_350 : i32
        %dma_start3A_361 = arith.constant 5 : i32
        %dma_start3A_362 = arith.constant 0 : i32
        %dma_start3A_363 = arith.constant 0 : i32
        %dma_start3A_364 = tpu.memref_slice %arg6[%dma_start3A_361, %dma_start3A_362, %dma_start3A_363] : memref<8x128x64xf32, #tpu.memory_space<vmem>> -> memref<1x128x64xf32, #tpu.memory_space<vmem>>
        %dma_start3A_365 = tpu.memref_squeeze %dma_start3A_364 : memref<1x128x64xf32, #tpu.memory_space<vmem>> -> memref<128x64xf32, #tpu.memory_space<vmem>>
        %dma_start3A_366 = arith.constant 0 : i32
        %dma_start3A_367 = tpu.memref_slice %arg5[%select_n3A, %select_n3A_360, %dma_start3A_366] : memref<25x8x128xi32, #tpu.memory_space<vmem>> -> memref<1x1x128xi32, #tpu.memory_space<vmem>>
        %dma_start3A_368 = tpu.memref_squeeze %dma_start3A_367 : memref<1x1x128xi32, #tpu.memory_space<vmem>> -> memref<128xi32, #tpu.memory_space<vmem>>
        %dma_start3A_369 = arith.constant 0 : i32
        %dma_start3A_370 = arith.constant 0 : i32
        %dma_start3A_371 = tpu.memref_slice %arg3[%dma_start3A_369, %dma_start3A_370] : memref<1000448x64xf32, #tpu.memory_space<hbm>> -> memref<1000448x64xf32, #tpu.memory_space<hbm>>
        tpu.enqueue_indirect_dma source(%dma_start3A_371 : memref<1000448x64xf32, #tpu.memory_space<hbm>>) target(%dma_start3A_365 : memref<128x64xf32, #tpu.memory_space<vmem>>) offsets(%dma_start3A_368 : memref<128xi32, #tpu.memory_space<vmem>>) semaphore(%arg13 : memref<!tpu.dma_semaphore, #tpu.memory_space<semaphore_mem>>)
      } else {
      }
      %parallel_loop3A_294 = arith.constant 0 : i32
      %parallel_loop3A_295 = arith.constant 128 : i32
      %parallel_loop3A_296 = arith.constant 1 : i32
      scf.for %parallel_loop3A_325 = %parallel_loop3A_294 to %parallel_loop3A_295 step %parallel_loop3A_296  : i32 {
        %parallel_loop3A_326 = arith.constant 6 : i32
        %parallel_loop3A_327 = arith.index_cast %parallel_loop3A_326 : i32 to index
        %parallel_loop3A_328 = arith.index_cast %parallel_loop3A_325 : i32 to index
        %parallel_loop3A_329 = arith.constant 0 : index
        %parallel_loop3A_330 = tpu.vector_load %arg6[%parallel_loop3A_327, %parallel_loop3A_328, %parallel_loop3A_329] {strides = array<i32>} : memref<8x128x64xf32, #tpu.memory_space<vmem>>, vector<1x1x16xf32>,
        %parallel_loop3A_331 = vector.shape_cast %parallel_loop3A_330 : vector<1x1x16xf32> to vector<16xf32>
        %parallel_loop3A_332 = arith.index_cast %parallel_loop3A_325 : i32 to index
        %parallel_loop3A_333 = arith.constant 0 : index
        %parallel_loop3A_334 = tpu.vector_load %arg7[%parallel_loop3A_332, %parallel_loop3A_333] {strides = array<i32>} : memref<128x64xf32, #tpu.memory_space<vmem>>, vector<1x16xf32>,
        %parallel_loop3A_335 = vector.shape_cast %parallel_loop3A_334 : vector<1x16xf32> to vector<16xf32>
        %parallel_loop3A_336 = vector.shape_cast %parallel_loop3A_331 : vector<16xf32> to vector<1x16xf32>
        tpu.vector_store %arg7[%parallel_loop3A_332, %parallel_loop3A_333], %parallel_loop3A_336 {add = true, strides = array<i32>} : memref<128x64xf32, #tpu.memory_space<vmem>>, vector<1x16xf32>,
        %parallel_loop3A_337 = arith.constant 6 : i32
        %parallel_loop3A_338 = arith.index_cast %parallel_loop3A_337 : i32 to index
        %parallel_loop3A_339 = arith.index_cast %parallel_loop3A_325 : i32 to index
        %parallel_loop3A_340 = arith.constant 16 : index
        %parallel_loop3A_341 = tpu.vector_load %arg6[%parallel_loop3A_338, %parallel_loop3A_339, %parallel_loop3A_340] {strides = array<i32>} : memref<8x128x64xf32, #tpu.memory_space<vmem>>, vector<1x1x16xf32>,
        %parallel_loop3A_342 = vector.shape_cast %parallel_loop3A_341 : vector<1x1x16xf32> to vector<16xf32>
        %parallel_loop3A_343 = arith.index_cast %parallel_loop3A_325 : i32 to index
        %parallel_loop3A_344 = arith.constant 16 : index
        %parallel_loop3A_345 = tpu.vector_load %arg7[%parallel_loop3A_343, %parallel_loop3A_344] {strides = array<i32>} : memref<128x64xf32, #tpu.memory_space<vmem>>, vector<1x16xf32>,
        %parallel_loop3A_346 = vector.shape_cast %parallel_loop3A_345 : vector<1x16xf32> to vector<16xf32>
        %parallel_loop3A_347 = vector.shape_cast %parallel_loop3A_342 : vector<16xf32> to vector<1x16xf32>
        tpu.vector_store %arg7[%parallel_loop3A_343, %parallel_loop3A_344], %parallel_loop3A_347 {add = true, strides = array<i32>} : memref<128x64xf32, #tpu.memory_space<vmem>>, vector<1x16xf32>,
        %parallel_loop3A_348 = arith.constant 6 : i32
        %parallel_loop3A_349 = arith.index_cast %parallel_loop3A_348 : i32 to index
        %parallel_loop3A_350 = arith.index_cast %parallel_loop3A_325 : i32 to index
        %parallel_loop3A_351 = arith.constant 32 : index
        %parallel_loop3A_352 = tpu.vector_load %arg6[%parallel_loop3A_349, %parallel_loop3A_350, %parallel_loop3A_351] {strides = array<i32>} : memref<8x128x64xf32, #tpu.memory_space<vmem>>, vector<1x1x16xf32>,
        %parallel_loop3A_353 = vector.shape_cast %parallel_loop3A_352 : vector<1x1x16xf32> to vector<16xf32>
        %parallel_loop3A_354 = arith.index_cast %parallel_loop3A_325 : i32 to index
        %parallel_loop3A_355 = arith.constant 32 : index
        %parallel_loop3A_356 = tpu.vector_load %arg7[%parallel_loop3A_354, %parallel_loop3A_355] {strides = array<i32>} : memref<128x64xf32, #tpu.memory_space<vmem>>, vector<1x16xf32>,
        %parallel_loop3A_357 = vector.shape_cast %parallel_loop3A_356 : vector<1x16xf32> to vector<16xf32>
        %parallel_loop3A_358 = vector.shape_cast %parallel_loop3A_353 : vector<16xf32> to vector<1x16xf32>
        tpu.vector_store %arg7[%parallel_loop3A_354, %parallel_loop3A_355], %parallel_loop3A_358 {add = true, strides = array<i32>} : memref<128x64xf32, #tpu.memory_space<vmem>>, vector<1x16xf32>,
        %parallel_loop3A_359 = arith.constant 6 : i32
        %parallel_loop3A_360 = arith.index_cast %parallel_loop3A_359 : i32 to index
        %parallel_loop3A_361 = arith.index_cast %parallel_loop3A_325 : i32 to index
        %parallel_loop3A_362 = arith.constant 48 : index
        %parallel_loop3A_363 = tpu.vector_load %arg6[%parallel_loop3A_360, %parallel_loop3A_361, %parallel_loop3A_362] {strides = array<i32>} : memref<8x128x64xf32, #tpu.memory_space<vmem>>, vector<1x1x16xf32>,
        %parallel_loop3A_364 = vector.shape_cast %parallel_loop3A_363 : vector<1x1x16xf32> to vector<16xf32>
        %parallel_loop3A_365 = arith.index_cast %parallel_loop3A_325 : i32 to index
        %parallel_loop3A_366 = arith.constant 48 : index
        %parallel_loop3A_367 = tpu.vector_load %arg7[%parallel_loop3A_365, %parallel_loop3A_366] {strides = array<i32>} : memref<128x64xf32, #tpu.memory_space<vmem>>, vector<1x16xf32>,
        %parallel_loop3A_368 = vector.shape_cast %parallel_loop3A_367 : vector<1x16xf32> to vector<16xf32>
        %parallel_loop3A_369 = vector.shape_cast %parallel_loop3A_364 : vector<16xf32> to vector<1x16xf32>
        tpu.vector_store %arg7[%parallel_loop3A_365, %parallel_loop3A_366], %parallel_loop3A_369 {add = true, strides = array<i32>} : memref<128x64xf32, #tpu.memory_space<vmem>>, vector<1x16xf32>,
      } {sc.loop_unroll_factor = 4 : i64, sc.parallel_access}
      %add3A_297 = arith.constant 7 : i32
      %add3A_298 = arith.addi %mul3A_112, %add3A_297 : i32
      %dma_wait3A_299 = arith.constant 0 : i32
      %dma_wait3A_300 = arith.constant 0 : i32
      %dma_wait3A_301 = arith.constant 7 : i32
      %dma_wait3A_302 = arith.constant 0 : i32
      %dma_wait3A_303 = arith.constant 0 : i32
      %dma_wait3A_304 = tpu.memref_slice %arg6[%dma_wait3A_301, %dma_wait3A_302, %dma_wait3A_303] : memref<8x128x64xf32, #tpu.memory_space<vmem>> -> memref<1x128x64xf32, #tpu.memory_space<vmem>>
      %dma_wait3A_305 = tpu.memref_squeeze %dma_wait3A_304 : memref<1x128x64xf32, #tpu.memory_space<vmem>> -> memref<128x64xf32, #tpu.memory_space<vmem>>
      %dma_wait3A_306 = arith.constant 0 : i32
      %dma_wait3A_307 = tpu.memref_slice %arg5[%dma_wait3A_299, %dma_wait3A_300, %dma_wait3A_306] : memref<25x8x128xi32, #tpu.memory_space<vmem>> -> memref<1x1x128xi32, #tpu.memory_space<vmem>>
      %dma_wait3A_308 = tpu.memref_squeeze %dma_wait3A_307 : memref<1x1x128xi32, #tpu.memory_space<vmem>> -> memref<128xi32, #tpu.memory_space<vmem>>
      %dma_wait3A_309 = arith.constant 0 : i32
      %dma_wait3A_310 = arith.constant 0 : i32
      %dma_wait3A_311 = tpu.memref_slice %arg3[%dma_wait3A_309, %dma_wait3A_310] : memref<1000448x64xf32, #tpu.memory_space<hbm>> -> memref<1000448x64xf32, #tpu.memory_space<hbm>>
      tpu.wait_indirect_dma semaphore(%arg15 : memref<!tpu.dma_semaphore, #tpu.memory_space<semaphore_mem>>) src(%dma_wait3A_311 : memref<1000448x64xf32, #tpu.memory_space<hbm>>) dst(%dma_wait3A_305 : memref<128x64xf32, #tpu.memory_space<vmem>>)
      %add3A_312 = arith.constant 8 : i32
      %add3A_313 = arith.addi %add3A_298, %add3A_312 : i32
      %sub3A_314 = arith.constant 1 : i32
      %sub3A_315 = arith.subi %add3A_313, %sub3A_314 : i32
      %lt3A_316 = arith.constant 200 : i32
      %lt3A_317 = arith.cmpi slt, %sub3A_315, %lt3A_316 : i32
      %convert_element_type3A_318 = arith.extui %lt3A_317 : i1 to i32
      %cond3A_319 = arith.constant 0 : i32
      %cond3A_320 = arith.cmpi ne, %convert_element_type3A_318, %cond3A_319 : i32
      scf.if %cond3A_320 {
        %add3A_325 = arith.constant 8 : i32
        %add3A_326 = arith.addi %add3A_298, %add3A_325 : i32
        %sub3A_327 = arith.constant 1 : i32
        %sub3A_328 = arith.subi %add3A_326, %sub3A_327 : i32
        %jit3A = arith.constant 8 : i32
        %div3A = arith.divsi %sub3A_328, %jit3A : i32
        %sign3A = arith.constant 0 : i32
        %sign3A_329 = arith.cmpi sgt, %sub3A_328, %sign3A : i32
        %sign3A_330 = arith.extui %sign3A_329 : i1 to i32
        %sign3A_331 = arith.constant 0 : i32
        %sign3A_332 = arith.cmpi slt, %sub3A_328, %sign3A_331 : i32
        %sign3A_333 = arith.extui %sign3A_332 : i1 to i32
        %sign3A_334 = arith.subi %sign3A_330, %sign3A_333 : i32
        %sign3A_335 = arith.constant 0 : i32
        %sign3A_336 = arith.cmpi sgt, %jit3A, %sign3A_335 : i32
        %sign3A_337 = arith.extui %sign3A_336 : i1 to i32
        %sign3A_338 = arith.constant 0 : i32
        %sign3A_339 = arith.cmpi slt, %jit3A, %sign3A_338 : i32
        %sign3A_340 = arith.extui %sign3A_339 : i1 to i32
        %sign3A_341 = arith.subi %sign3A_337, %sign3A_340 : i32
        %ne3A = arith.cmpi ne, %sign3A_334, %sign3A_341 : i32
        %rem3A = arith.remsi %sub3A_328, %jit3A : i32
        %ne3A_342 = arith.constant 0 : i32
        %ne3A_343 = arith.cmpi ne, %rem3A, %ne3A_342 : i32
        %and3A = arith.andi %ne3A, %ne3A_343 : i1
        %sub3A_344 = arith.constant 1 : i32
        %sub3A_345 = arith.subi %div3A, %sub3A_344 : i32
        %select_n3A = arith.select %and3A, %sub3A_345, %div3A : i32
        %jit3A_346 = arith.constant 8 : i32
        %eq3A = arith.constant 0 : i32
        %eq3A_347 = arith.cmpi eq, %jit3A_346, %eq3A : i32
        %jit3A_348 = arith.constant 1 : i32
        %select_n3A_349 = arith.select %eq3A_347, %jit3A_348, %jit3A_346 : i32
        %rem3A_350 = arith.remsi %sub3A_328, %select_n3A_349 : i32
        %ne3A_351 = arith.constant 0 : i32
        %ne3A_352 = arith.cmpi ne, %rem3A_350, %ne3A_351 : i32
        %lt3A_353 = arith.constant 0 : i32
        %lt3A_354 = arith.cmpi slt, %rem3A_350, %lt3A_353 : i32
        %lt3A_355 = arith.constant 0 : i32
        %lt3A_356 = arith.cmpi slt, %select_n3A_349, %lt3A_355 : i32
        %ne3A_357 = arith.xori %lt3A_354, %lt3A_356 : i1
        %and3A_358 = arith.andi %ne3A_357, %ne3A_352 : i1
        %add3A_359 = arith.addi %rem3A_350, %select_n3A_349 : i32
        %select_n3A_360 = arith.select %and3A_358, %add3A_359, %rem3A_350 : i32
        %dma_start3A_361 = arith.constant 6 : i32
        %dma_start3A_362 = arith.constant 0 : i32
        %dma_start3A_363 = arith.constant 0 : i32
        %dma_start3A_364 = tpu.memref_slice %arg6[%dma_start3A_361, %dma_start3A_362, %dma_start3A_363] : memref<8x128x64xf32, #tpu.memory_space<vmem>> -> memref<1x128x64xf32, #tpu.memory_space<vmem>>
        %dma_start3A_365 = tpu.memref_squeeze %dma_start3A_364 : memref<1x128x64xf32, #tpu.memory_space<vmem>> -> memref<128x64xf32, #tpu.memory_space<vmem>>
        %dma_start3A_366 = arith.constant 0 : i32
        %dma_start3A_367 = tpu.memref_slice %arg5[%select_n3A, %select_n3A_360, %dma_start3A_366] : memref<25x8x128xi32, #tpu.memory_space<vmem>> -> memref<1x1x128xi32, #tpu.memory_space<vmem>>
        %dma_start3A_368 = tpu.memref_squeeze %dma_start3A_367 : memref<1x1x128xi32, #tpu.memory_space<vmem>> -> memref<128xi32, #tpu.memory_space<vmem>>
        %dma_start3A_369 = arith.constant 0 : i32
        %dma_start3A_370 = arith.constant 0 : i32
        %dma_start3A_371 = tpu.memref_slice %arg3[%dma_start3A_369, %dma_start3A_370] : memref<1000448x64xf32, #tpu.memory_space<hbm>> -> memref<1000448x64xf32, #tpu.memory_space<hbm>>
        tpu.enqueue_indirect_dma source(%dma_start3A_371 : memref<1000448x64xf32, #tpu.memory_space<hbm>>) target(%dma_start3A_365 : memref<128x64xf32, #tpu.memory_space<vmem>>) offsets(%dma_start3A_368 : memref<128xi32, #tpu.memory_space<vmem>>) semaphore(%arg14 : memref<!tpu.dma_semaphore, #tpu.memory_space<semaphore_mem>>)
      } else {
      }
      %parallel_loop3A_321 = arith.constant 0 : i32
      %parallel_loop3A_322 = arith.constant 128 : i32
      %parallel_loop3A_323 = arith.constant 1 : i32
      scf.for %parallel_loop3A_325 = %parallel_loop3A_321 to %parallel_loop3A_322 step %parallel_loop3A_323  : i32 {
        %parallel_loop3A_326 = arith.constant 7 : i32
        %parallel_loop3A_327 = arith.index_cast %parallel_loop3A_326 : i32 to index
        %parallel_loop3A_328 = arith.index_cast %parallel_loop3A_325 : i32 to index
        %parallel_loop3A_329 = arith.constant 0 : index
        %parallel_loop3A_330 = tpu.vector_load %arg6[%parallel_loop3A_327, %parallel_loop3A_328, %parallel_loop3A_329] {strides = array<i32>} : memref<8x128x64xf32, #tpu.memory_space<vmem>>, vector<1x1x16xf32>,
        %parallel_loop3A_331 = vector.shape_cast %parallel_loop3A_330 : vector<1x1x16xf32> to vector<16xf32>
        %parallel_loop3A_332 = arith.index_cast %parallel_loop3A_325 : i32 to index
        %parallel_loop3A_333 = arith.constant 0 : index
        %parallel_loop3A_334 = tpu.vector_load %arg7[%parallel_loop3A_332, %parallel_loop3A_333] {strides = array<i32>} : memref<128x64xf32, #tpu.memory_space<vmem>>, vector<1x16xf32>,
        %parallel_loop3A_335 = vector.shape_cast %parallel_loop3A_334 : vector<1x16xf32> to vector<16xf32>
        %parallel_loop3A_336 = vector.shape_cast %parallel_loop3A_331 : vector<16xf32> to vector<1x16xf32>
        tpu.vector_store %arg7[%parallel_loop3A_332, %parallel_loop3A_333], %parallel_loop3A_336 {add = true, strides = array<i32>} : memref<128x64xf32, #tpu.memory_space<vmem>>, vector<1x16xf32>,
        %parallel_loop3A_337 = arith.constant 7 : i32
        %parallel_loop3A_338 = arith.index_cast %parallel_loop3A_337 : i32 to index
        %parallel_loop3A_339 = arith.index_cast %parallel_loop3A_325 : i32 to index
        %parallel_loop3A_340 = arith.constant 16 : index
        %parallel_loop3A_341 = tpu.vector_load %arg6[%parallel_loop3A_338, %parallel_loop3A_339, %parallel_loop3A_340] {strides = array<i32>} : memref<8x128x64xf32, #tpu.memory_space<vmem>>, vector<1x1x16xf32>,
        %parallel_loop3A_342 = vector.shape_cast %parallel_loop3A_341 : vector<1x1x16xf32> to vector<16xf32>
        %parallel_loop3A_343 = arith.index_cast %parallel_loop3A_325 : i32 to index
        %parallel_loop3A_344 = arith.constant 16 : index
        %parallel_loop3A_345 = tpu.vector_load %arg7[%parallel_loop3A_343, %parallel_loop3A_344] {strides = array<i32>} : memref<128x64xf32, #tpu.memory_space<vmem>>, vector<1x16xf32>,
        %parallel_loop3A_346 = vector.shape_cast %parallel_loop3A_345 : vector<1x16xf32> to vector<16xf32>
        %parallel_loop3A_347 = vector.shape_cast %parallel_loop3A_342 : vector<16xf32> to vector<1x16xf32>
        tpu.vector_store %arg7[%parallel_loop3A_343, %parallel_loop3A_344], %parallel_loop3A_347 {add = true, strides = array<i32>} : memref<128x64xf32, #tpu.memory_space<vmem>>, vector<1x16xf32>,
        %parallel_loop3A_348 = arith.constant 7 : i32
        %parallel_loop3A_349 = arith.index_cast %parallel_loop3A_348 : i32 to index
        %parallel_loop3A_350 = arith.index_cast %parallel_loop3A_325 : i32 to index
        %parallel_loop3A_351 = arith.constant 32 : index
        %parallel_loop3A_352 = tpu.vector_load %arg6[%parallel_loop3A_349, %parallel_loop3A_350, %parallel_loop3A_351] {strides = array<i32>} : memref<8x128x64xf32, #tpu.memory_space<vmem>>, vector<1x1x16xf32>,
        %parallel_loop3A_353 = vector.shape_cast %parallel_loop3A_352 : vector<1x1x16xf32> to vector<16xf32>
        %parallel_loop3A_354 = arith.index_cast %parallel_loop3A_325 : i32 to index
        %parallel_loop3A_355 = arith.constant 32 : index
        %parallel_loop3A_356 = tpu.vector_load %arg7[%parallel_loop3A_354, %parallel_loop3A_355] {strides = array<i32>} : memref<128x64xf32, #tpu.memory_space<vmem>>, vector<1x16xf32>,
        %parallel_loop3A_357 = vector.shape_cast %parallel_loop3A_356 : vector<1x16xf32> to vector<16xf32>
        %parallel_loop3A_358 = vector.shape_cast %parallel_loop3A_353 : vector<16xf32> to vector<1x16xf32>
        tpu.vector_store %arg7[%parallel_loop3A_354, %parallel_loop3A_355], %parallel_loop3A_358 {add = true, strides = array<i32>} : memref<128x64xf32, #tpu.memory_space<vmem>>, vector<1x16xf32>,
        %parallel_loop3A_359 = arith.constant 7 : i32
        %parallel_loop3A_360 = arith.index_cast %parallel_loop3A_359 : i32 to index
        %parallel_loop3A_361 = arith.index_cast %parallel_loop3A_325 : i32 to index
        %parallel_loop3A_362 = arith.constant 48 : index
        %parallel_loop3A_363 = tpu.vector_load %arg6[%parallel_loop3A_360, %parallel_loop3A_361, %parallel_loop3A_362] {strides = array<i32>} : memref<8x128x64xf32, #tpu.memory_space<vmem>>, vector<1x1x16xf32>,
        %parallel_loop3A_364 = vector.shape_cast %parallel_loop3A_363 : vector<1x1x16xf32> to vector<16xf32>
        %parallel_loop3A_365 = arith.index_cast %parallel_loop3A_325 : i32 to index
        %parallel_loop3A_366 = arith.constant 48 : index
        %parallel_loop3A_367 = tpu.vector_load %arg7[%parallel_loop3A_365, %parallel_loop3A_366] {strides = array<i32>} : memref<128x64xf32, #tpu.memory_space<vmem>>, vector<1x16xf32>,
        %parallel_loop3A_368 = vector.shape_cast %parallel_loop3A_367 : vector<1x16xf32> to vector<16xf32>
        %parallel_loop3A_369 = vector.shape_cast %parallel_loop3A_364 : vector<16xf32> to vector<1x16xf32>
        tpu.vector_store %arg7[%parallel_loop3A_365, %parallel_loop3A_366], %parallel_loop3A_369 {add = true, strides = array<i32>} : memref<128x64xf32, #tpu.memory_space<vmem>>, vector<1x16xf32>,
      } {sc.loop_unroll_factor = 4 : i64, sc.parallel_access}
      %scan3A_324 = arith.constant 0 : i32
      scf.yield %scan3A_324 : i32
    }
    %scan3A_108 = arith.constant 25 : i32
    "tpu.region"() ({
      %run_scoped3A = tpu.sem_alloc : memref<!tpu.dma_semaphore, #tpu.memory_space<semaphore_mem>>
      %dma_start3A_109 = arith.constant 0 : i32
      %dma_start3A_110 = tpu.memref_slice %arg4[%mul3A_2, %dma_start3A_109] : memref<4096x64xf32, #tpu.memory_space<hbm>> -> memref<128x64xf32, #tpu.memory_space<hbm>>
      %dma_start3A_111 = arith.constant 0 : i32
      %dma_start3A_112 = tpu.memref_slice %arg4[%mul3A_2, %dma_start3A_111] : memref<4096x64xf32, #tpu.memory_space<hbm>> -> memref<128x64xf32, #tpu.memory_space<hbm>>
      tpu.enqueue_dma source(%arg7 : memref<128x64xf32, #tpu.memory_space<vmem>>) target(%dma_start3A_112 : memref<128x64xf32, #tpu.memory_space<hbm>>) target_semaphore(%run_scoped3A : memref<!tpu.dma_semaphore, #tpu.memory_space<semaphore_mem>>)
      %dma_wait3A = arith.constant 0 : i32
      %dma_wait3A_113 = tpu.memref_slice %arg4[%mul3A_2, %dma_wait3A] : memref<4096x64xf32, #tpu.memory_space<hbm>> -> memref<128x64xf32, #tpu.memory_space<hbm>>
      %dma_wait3A_114 = arith.constant 0 : i32
      %dma_wait3A_115 = tpu.memref_slice %arg4[%mul3A_2, %dma_wait3A_114] : memref<4096x64xf32, #tpu.memory_space<hbm>> -> memref<128x64xf32, #tpu.memory_space<hbm>>
      tpu.wait_dma2 semaphore(%run_scoped3A : memref<!tpu.dma_semaphore, #tpu.memory_space<semaphore_mem>>) src(%arg7 : memref<128x64xf32, #tpu.memory_space<vmem>>) dst(%dma_wait3A_115 : memref<128x64xf32, #tpu.memory_space<hbm>>)
      tpu.yield
    }) : () -> ()
    return
  }
}

module attributes {stable_mosaic.version = 14 : i64} {
  func.func @_tc_transpose_kernel(%arg0: i32, %arg1: memref<64x8192xf32, #tpu.memory_space<vmem>>, %arg2: memref<64x8192xf32, #tpu.memory_space<vmem>>, %arg3: memref<8192x128xf32, #tpu.memory_space<vmem>>) attributes {dimension_semantics = [#tpu.dimension_semantics<arbitrary>], iteration_bounds = array<i64: 61>, scalar_prefetch = 0 : i64, scratch_operands = 0 : i64, tpu.core_type = #tpu.core_type<tc>, window_params = [{transform_indices = @transform_0, window_bounds = array<i64: 64, 8192>, window_kind = #tpu.element_window<[0, 0], [0, 0]>}, {transform_indices = @transform_1, window_bounds = array<i64: 64, 8192>, window_kind = #tpu.element_window<[0, 0], [0, 0]>}, {transform_indices = @transform_2, window_bounds = array<i64: 8192, 128>}]} {
    %get3A = arith.constant 0 : index
    %get3A_0 = arith.constant 0 : index
    %get3A_1 = vector.load %arg1[%get3A, %get3A_0] : memref<64x8192xf32, #tpu.memory_space<vmem>>, vector<64x8192xf32>
    %convert_element_type3A = arith.truncf %get3A_1 : vector<64x8192xf32> to vector<64x8192xbf16>
    %convert_element_type3A_2 = arith.extf %convert_element_type3A : vector<64x8192xbf16> to vector<64x8192xf32>
    %sub3A = arith.subf %get3A_1, %convert_element_type3A_2 : vector<64x8192xf32>
    %iota3A = tpu.iota {dimensions = array<i32: 0>} : vector<64x64xi32>
    %iota3A_3 = tpu.iota {dimensions = array<i32: 1>} : vector<64x64xi32>
    %eq3A = arith.cmpi eq, %iota3A, %iota3A_3 : vector<64x64xi32>
    %jit3A = arith.constant 1.000000e+00 : f32
    %jit3A_4 = arith.constant 0.000000e+00 : f32
    %broadcast_in_dim3A = vector.broadcast %jit3A : f32 to vector<64x64xf32>
    %broadcast_in_dim3A_5 = vector.broadcast %jit3A_4 : f32 to vector<64x64xf32>
    %select_n3A = arith.select %eq3A, %broadcast_in_dim3A, %broadcast_in_dim3A_5 : vector<64x64xi1>, vector<64x64xf32>
    %dot_general3A = arith.constant dense<0.000000e+00> : vector<8192x64xf32>
    %dot_general3A_6 = tpu.matmul %convert_element_type3A_2, %select_n3A, %dot_general3A {dimension_numbers = #tpu.dot_dimension_numbers<[0], [0], [1], [1], [0, 1, 1, 1], [], []>, transpose_lhs_hint = false} : vector<64x8192xf32>, vector<64x64xf32>, vector<8192x64xf32> -> vector<8192x64xf32>
    %dot_general3A_7 = arith.constant dense<0.000000e+00> : vector<8192x64xf32>
    %dot_general3A_8 = tpu.matmul %sub3A, %select_n3A, %dot_general3A_7 {dimension_numbers = #tpu.dot_dimension_numbers<[0], [0], [1], [1], [0, 1, 1, 1], [], []>, transpose_lhs_hint = false} : vector<64x8192xf32>, vector<64x64xf32>, vector<8192x64xf32> -> vector<8192x64xf32>
    %add3A = arith.addf %dot_general3A_6, %dot_general3A_8 : vector<8192x64xf32>
    %get3A_9 = arith.constant 0 : index
    %get3A_10 = arith.constant 0 : index
    %get3A_11 = vector.load %arg2[%get3A_9, %get3A_10] : memref<64x8192xf32, #tpu.memory_space<vmem>>, vector<64x8192xf32>
    %convert_element_type3A_12 = arith.truncf %get3A_11 : vector<64x8192xf32> to vector<64x8192xbf16>
    %convert_element_type3A_13 = arith.extf %convert_element_type3A_12 : vector<64x8192xbf16> to vector<64x8192xf32>
    %sub3A_14 = arith.subf %get3A_11, %convert_element_type3A_13 : vector<64x8192xf32>
    %iota3A_15 = tpu.iota {dimensions = array<i32: 0>} : vector<64x64xi32>
    %iota3A_16 = tpu.iota {dimensions = array<i32: 1>} : vector<64x64xi32>
    %eq3A_17 = arith.cmpi eq, %iota3A_15, %iota3A_16 : vector<64x64xi32>
    %jit3A_18 = arith.constant 1.000000e+00 : f32
    %jit3A_19 = arith.constant 0.000000e+00 : f32
    %broadcast_in_dim3A_20 = vector.broadcast %jit3A_18 : f32 to vector<64x64xf32>
    %broadcast_in_dim3A_21 = vector.broadcast %jit3A_19 : f32 to vector<64x64xf32>
    %select_n3A_22 = arith.select %eq3A_17, %broadcast_in_dim3A_20, %broadcast_in_dim3A_21 : vector<64x64xi1>, vector<64x64xf32>
    %dot_general3A_23 = arith.constant dense<0.000000e+00> : vector<8192x64xf32>
    %dot_general3A_24 = tpu.matmul %convert_element_type3A_13, %select_n3A_22, %dot_general3A_23 {dimension_numbers = #tpu.dot_dimension_numbers<[0], [0], [1], [1], [0, 1, 1, 1], [], []>, transpose_lhs_hint = false} : vector<64x8192xf32>, vector<64x64xf32>, vector<8192x64xf32> -> vector<8192x64xf32>
    %dot_general3A_25 = arith.constant dense<0.000000e+00> : vector<8192x64xf32>
    %dot_general3A_26 = tpu.matmul %sub3A_14, %select_n3A_22, %dot_general3A_25 {dimension_numbers = #tpu.dot_dimension_numbers<[0], [0], [1], [1], [0, 1, 1, 1], [], []>, transpose_lhs_hint = false} : vector<64x8192xf32>, vector<64x64xf32>, vector<8192x64xf32> -> vector<8192x64xf32>
    %add3A_27 = arith.addf %dot_general3A_24, %dot_general3A_26 : vector<8192x64xf32>
    %concatenate3A = tpu.concatenate %add3A, %add3A_27 in 1 : vector<8192x64xf32>, vector<8192x64xf32> -> vector<8192x128xf32>
    %swap3A = arith.constant 0 : index
    %swap3A_28 = arith.constant 0 : index
    %swap3A_29 = vector.load %arg3[%swap3A, %swap3A_28] : memref<8192x128xf32, #tpu.memory_space<vmem>>, vector<8192x128xf32>
    tpu.vector_store %arg3[%swap3A, %swap3A_28], %concatenate3A {strides = array<i32>} : memref<8192x128xf32, #tpu.memory_space<vmem>>, vector<8192x128xf32>,
    return
  }
  func.func @transform_0(%arg0: i32) -> (i32, i32) {
    %mul3A = arith.constant 8192 : i32
    %mul3A_0 = arith.muli %arg0, %mul3A : i32
    %multiple_of3A = tpu.assume_multiple %mul3A_0, 128 : i32
    %c0_i32 = arith.constant 0 : i32
    %c0_i32_1 = arith.constant 0 : i32
    return %c0_i32, %multiple_of3A : i32, i32
  }
  func.func @transform_1(%arg0: i32) -> (i32, i32) {
    %mul3A = arith.constant 8192 : i32
    %mul3A_0 = arith.muli %arg0, %mul3A : i32
    %add3A = arith.constant 500224 : i32
    %add3A_1 = arith.addi %add3A, %mul3A_0 : i32
    %multiple_of3A = tpu.assume_multiple %add3A_1, 128 : i32
    %c0_i32 = arith.constant 0 : i32
    %c0_i32_2 = arith.constant 0 : i32
    return %c0_i32, %multiple_of3A : i32, i32
  }
  func.func @transform_2(%arg0: i32) -> (i32, i32) {
    %c0_i32 = arith.constant 0 : i32
    %c0_i32_0 = arith.constant 0 : i32
    return %arg0, %c0_i32 : i32, i32
  }
}

module attributes {stable_mosaic.version = 14 : i64} {
  func.func @_tc_patch_kernel(%arg0: i32, %arg1: memref<512x128xf32, #tpu.memory_space<vmem>>, %arg2: memref<64x512xf32, #tpu.memory_space<vmem>>, %arg3: memref<64x64xf32, #tpu.memory_space<vmem>>, %arg4: memref<512x128xf32, #tpu.memory_space<vmem>>) attributes {dimension_semantics = [#tpu.dimension_semantics<arbitrary>], iteration_bounds = array<i64: 1>, scalar_prefetch = 0 : i64, scratch_operands = 0 : i64, tpu.core_type = #tpu.core_type<tc>, window_params = [{transform_indices = @transform_0, window_bounds = array<i64: 512, 128>}, {transform_indices = @transform_1, window_bounds = array<i64: 64, 512>}, {pipeline_mode = #tpu.pipeline_mode<synchronous>, transform_indices = @transform_2, window_bounds = array<i64: 64, 64>}, {transform_indices = @transform_3, window_bounds = array<i64: 512, 128>}]} {
    %get3A = arith.constant 0 : index
    %get3A_0 = arith.constant 0 : index
    %get3A_1 = vector.load %arg3[%get3A, %get3A_0] : memref<64x64xf32, #tpu.memory_space<vmem>>, vector<64x64xf32>
    %broadcast_in_dim3A = arith.constant 0.000000e+00 : f32
    %broadcast_in_dim3A_2 = vector.broadcast %broadcast_in_dim3A : f32 to vector<448x64xf32>
    %concatenate3A = tpu.concatenate %get3A_1, %broadcast_in_dim3A_2 in 0 : vector<64x64xf32>, vector<448x64xf32> -> vector<512x64xf32>
    %get3A_3 = arith.constant 0 : index
    %get3A_4 = arith.constant 0 : index
    %get3A_5 = vector.load %arg2[%get3A_3, %get3A_4] : memref<64x512xf32, #tpu.memory_space<vmem>>, vector<64x512xf32>
    %convert_element_type3A = arith.truncf %get3A_5 : vector<64x512xf32> to vector<64x512xbf16>
    %convert_element_type3A_6 = arith.extf %convert_element_type3A : vector<64x512xbf16> to vector<64x512xf32>
    %sub3A = arith.subf %get3A_5, %convert_element_type3A_6 : vector<64x512xf32>
    %iota3A = tpu.iota {dimensions = array<i32: 0>} : vector<64x64xi32>
    %iota3A_7 = tpu.iota {dimensions = array<i32: 1>} : vector<64x64xi32>
    %eq3A = arith.cmpi eq, %iota3A, %iota3A_7 : vector<64x64xi32>
    %jit3A = arith.constant 1.000000e+00 : f32
    %jit3A_8 = arith.constant 0.000000e+00 : f32
    %broadcast_in_dim3A_9 = vector.broadcast %jit3A : f32 to vector<64x64xf32>
    %broadcast_in_dim3A_10 = vector.broadcast %jit3A_8 : f32 to vector<64x64xf32>
    %select_n3A = arith.select %eq3A, %broadcast_in_dim3A_9, %broadcast_in_dim3A_10 : vector<64x64xi1>, vector<64x64xf32>
    %dot_general3A = arith.constant dense<0.000000e+00> : vector<512x64xf32>
    %dot_general3A_11 = tpu.matmul %convert_element_type3A_6, %select_n3A, %dot_general3A {dimension_numbers = #tpu.dot_dimension_numbers<[0], [0], [1], [1], [0, 1, 1, 1], [], []>, transpose_lhs_hint = false} : vector<64x512xf32>, vector<64x64xf32>, vector<512x64xf32> -> vector<512x64xf32>
    %dot_general3A_12 = arith.constant dense<0.000000e+00> : vector<512x64xf32>
    %dot_general3A_13 = tpu.matmul %sub3A, %select_n3A, %dot_general3A_12 {dimension_numbers = #tpu.dot_dimension_numbers<[0], [0], [1], [1], [0, 1, 1, 1], [], []>, transpose_lhs_hint = false} : vector<64x512xf32>, vector<64x64xf32>, vector<512x64xf32> -> vector<512x64xf32>
    %add3A = arith.addf %dot_general3A_11, %dot_general3A_13 : vector<512x64xf32>
    %concatenate3A_14 = tpu.concatenate %add3A, %concatenate3A in 1 : vector<512x64xf32>, vector<512x64xf32> -> vector<512x128xf32>
    %swap3A = arith.constant 0 : index
    %swap3A_15 = arith.constant 0 : index
    %swap3A_16 = vector.load %arg4[%swap3A, %swap3A_15] : memref<512x128xf32, #tpu.memory_space<vmem>>, vector<512x128xf32>
    tpu.vector_store %arg4[%swap3A, %swap3A_15], %concatenate3A_14 {strides = array<i32>} : memref<512x128xf32, #tpu.memory_space<vmem>>, vector<512x128xf32>,
    return
  }
  func.func @transform_0(%arg0: i32) -> (i32, i32) {
    %c976_i32 = arith.constant 976 : i32
    %c0_i32 = arith.constant 0 : i32
    %c0_i32_0 = arith.constant 0 : i32
    return %c976_i32, %c0_i32 : i32, i32
  }
  func.func @transform_1(%arg0: i32) -> (i32, i32) {
    %c0_i32 = arith.constant 0 : i32
    %c976_i32 = arith.constant 976 : i32
    %c0_i32_0 = arith.constant 0 : i32
    return %c0_i32, %c976_i32 : i32, i32
  }
  func.func @transform_2(%arg0: i32) -> (i32, i32) {
    %c0_i32 = arith.constant 0 : i32
    %c0_i32_0 = arith.constant 0 : i32
    %c0_i32_1 = arith.constant 0 : i32
    return %c0_i32, %c0_i32_0 : i32, i32
  }
  func.func @transform_3(%arg0: i32) -> (i32, i32) {
    %c976_i32 = arith.constant 976 : i32
    %c0_i32 = arith.constant 0 : i32
    %c0_i32_0 = arith.constant 0 : i32
    return %c976_i32, %c0_i32 : i32, i32
  }
}

module attributes {stable_mosaic.version = 14 : i64} {
  func.func @_tc_head_kernel(%arg0: i32, %arg1: memref<512x64xf32, #tpu.memory_space<vmem>>, %arg2: memref<64x64xf32, #tpu.memory_space<vmem>>, %arg3: memref<1x64xf32, #tpu.memory_space<vmem>>, %arg4: memref<1x64xf32, #tpu.memory_space<vmem>>, %arg5: memref<1x64xf32, #tpu.memory_space<vmem>>, %arg6: memref<1x64xf32, #tpu.memory_space<vmem>>, %arg7: memref<1x64xf32, #tpu.memory_space<vmem>>, %arg8: memref<1x64xf32, #tpu.memory_space<vmem>>, %arg9: memref<1x64xf32, #tpu.memory_space<vmem>>, %arg10: memref<512x64xf32, #tpu.memory_space<vmem>>) attributes {dimension_semantics = [#tpu.dimension_semantics<arbitrary>], iteration_bounds = array<i64: 8>, scalar_prefetch = 0 : i64, scratch_operands = 0 : i64, tpu.core_type = #tpu.core_type<tc>, window_params = [{transform_indices = @transform_0, window_bounds = array<i64: 512, 64>}, {pipeline_mode = #tpu.pipeline_mode<synchronous>, transform_indices = @transform_1, window_bounds = array<i64: 64, 64>}, {pipeline_mode = #tpu.pipeline_mode<synchronous>, transform_indices = @transform_2, window_bounds = array<i64: 1, 64>}, {pipeline_mode = #tpu.pipeline_mode<synchronous>, transform_indices = @transform_3, window_bounds = array<i64: 1, 64>}, {pipeline_mode = #tpu.pipeline_mode<synchronous>, transform_indices = @transform_4, window_bounds = array<i64: 1, 64>}, {pipeline_mode = #tpu.pipeline_mode<synchronous>, transform_indices = @transform_5, window_bounds = array<i64: 1, 64>}, {pipeline_mode = #tpu.pipeline_mode<synchronous>, transform_indices = @transform_6, window_bounds = array<i64: 1, 64>}, {pipeline_mode = #tpu.pipeline_mode<synchronous>, transform_indices = @transform_7, window_bounds = array<i64: 1, 64>}, {pipeline_mode = #tpu.pipeline_mode<synchronous>, transform_indices = @transform_8, window_bounds = array<i64: 1, 64>}, {transform_indices = @transform_9, window_bounds = array<i64: 512, 64>}]} {
    %get3A = arith.constant 0 : index
    %get3A_0 = arith.constant 0 : index
    %get3A_1 = vector.load %arg1[%get3A, %get3A_0] : memref<512x64xf32, #tpu.memory_space<vmem>>, vector<512x64xf32>
    %mul3A = arith.constant 5.000000e-03 : f32
    %mul3A_2 = vector.broadcast %mul3A : f32 to vector<512x64xf32>
    %mul3A_3 = arith.mulf %get3A_1, %mul3A_2 : vector<512x64xf32>
    %get3A_4 = arith.constant 0 : index
    %get3A_5 = arith.constant 0 : index
    %get3A_6 = vector.load %arg2[%get3A_4, %get3A_5] : memref<64x64xf32, #tpu.memory_space<vmem>>, vector<64x64xf32>
    %dot_general3A = arith.constant dense<0.000000e+00> : vector<512x64xf32>
    %dot_general3A_7 = tpu.matmul %mul3A_3, %get3A_6, %dot_general3A {dimension_numbers = #tpu.dot_dimension_numbers<[1], [0], [0], [1], [0, 0, 1, 1], [], []>, transpose_lhs_hint = false} : vector<512x64xf32>, vector<64x64xf32>, vector<512x64xf32> -> vector<512x64xf32>
    %get3A_8 = arith.constant 0 : index
    %get3A_9 = arith.constant 0 : index
    %get3A_10 = vector.load %arg3[%get3A_8, %get3A_9] : memref<1x64xf32, #tpu.memory_space<vmem>>, vector<1x64xf32>
    %add3A = vector.broadcast %get3A_10 : vector<1x64xf32> to vector<512x64xf32>
    %add3A_11 = arith.addf %dot_general3A_7, %add3A : vector<512x64xf32>
    %get3A_12 = arith.constant 0 : index
    %get3A_13 = arith.constant 0 : index
    %get3A_14 = vector.load %arg7[%get3A_12, %get3A_13] : memref<1x64xf32, #tpu.memory_space<vmem>>, vector<1x64xf32>
    %add3A_15 = arith.constant 1.000000e-03 : f32
    %add3A_16 = vector.broadcast %add3A_15 : f32 to vector<1x64xf32>
    %add3A_17 = arith.addf %get3A_14, %add3A_16 : vector<1x64xf32>
    %rsqrt3A = math.rsqrt %add3A_17 : vector<1x64xf32>
    %get3A_18 = arith.constant 0 : index
    %get3A_19 = arith.constant 0 : index
    %get3A_20 = vector.load %arg6[%get3A_18, %get3A_19] : memref<1x64xf32, #tpu.memory_space<vmem>>, vector<1x64xf32>
    %sub3A = vector.broadcast %get3A_20 : vector<1x64xf32> to vector<512x64xf32>
    %sub3A_21 = arith.subf %add3A_11, %sub3A : vector<512x64xf32>
    %mul3A_22 = vector.broadcast %rsqrt3A : vector<1x64xf32> to vector<512x64xf32>
    %mul3A_23 = arith.mulf %sub3A_21, %mul3A_22 : vector<512x64xf32>
    %get3A_24 = arith.constant 0 : index
    %get3A_25 = arith.constant 0 : index
    %get3A_26 = vector.load %arg4[%get3A_24, %get3A_25] : memref<1x64xf32, #tpu.memory_space<vmem>>, vector<1x64xf32>
    %mul3A_27 = vector.broadcast %get3A_26 : vector<1x64xf32> to vector<512x64xf32>
    %mul3A_28 = arith.mulf %mul3A_23, %mul3A_27 : vector<512x64xf32>
    %get3A_29 = arith.constant 0 : index
    %get3A_30 = arith.constant 0 : index
    %get3A_31 = vector.load %arg5[%get3A_29, %get3A_30] : memref<1x64xf32, #tpu.memory_space<vmem>>, vector<1x64xf32>
    %add3A_32 = vector.broadcast %get3A_31 : vector<1x64xf32> to vector<512x64xf32>
    %add3A_33 = arith.addf %mul3A_28, %add3A_32 : vector<512x64xf32>
    %reduce_sum3A = arith.constant dense<0.000000e+00> : vector<512xf32>
    %reduce_sum3A_34 = vector.multi_reduction <add>, %add3A_33, %reduce_sum3A [1] : vector<512x64xf32> to vector<512xf32>
    %broadcast_in_dim3A = vector.shape_cast %reduce_sum3A_34 : vector<512xf32> to vector<512x1xf32>
    %div3A = arith.constant 6.400000e+01 : f32
    %div3A_35 = vector.broadcast %div3A : f32 to vector<512x1xf32>
    %div3A_36 = arith.divf %broadcast_in_dim3A, %div3A_35 : vector<512x1xf32>
    %sub3A_37 = vector.broadcast %div3A_36 : vector<512x1xf32> to vector<512x64xf32>
    %sub3A_38 = arith.subf %add3A_33, %sub3A_37 : vector<512x64xf32>
    %mul3A_39 = arith.mulf %sub3A_38, %sub3A_38 : vector<512x64xf32>
    %reduce_sum3A_40 = arith.constant dense<0.000000e+00> : vector<512xf32>
    %reduce_sum3A_41 = vector.multi_reduction <add>, %mul3A_39, %reduce_sum3A_40 [1] : vector<512x64xf32> to vector<512xf32>
    %broadcast_in_dim3A_42 = vector.shape_cast %reduce_sum3A_41 : vector<512xf32> to vector<512x1xf32>
    %div3A_43 = arith.constant 6.400000e+01 : f32
    %div3A_44 = vector.broadcast %div3A_43 : f32 to vector<512x1xf32>
    %div3A_45 = arith.divf %broadcast_in_dim3A_42, %div3A_44 : vector<512x1xf32>
    %add3A_46 = arith.constant 1.000000e-03 : f32
    %add3A_47 = vector.broadcast %add3A_46 : f32 to vector<512x1xf32>
    %add3A_48 = arith.addf %div3A_45, %add3A_47 : vector<512x1xf32>
    %rsqrt3A_49 = math.rsqrt %add3A_48 : vector<512x1xf32>
    %mul3A_50 = vector.broadcast %rsqrt3A_49 : vector<512x1xf32> to vector<512x64xf32>
    %mul3A_51 = arith.mulf %sub3A_38, %mul3A_50 : vector<512x64xf32>
    %get3A_52 = arith.constant 0 : index
    %get3A_53 = arith.constant 0 : index
    %get3A_54 = vector.load %arg8[%get3A_52, %get3A_53] : memref<1x64xf32, #tpu.memory_space<vmem>>, vector<1x64xf32>
    %mul3A_55 = vector.broadcast %get3A_54 : vector<1x64xf32> to vector<512x64xf32>
    %mul3A_56 = arith.mulf %mul3A_51, %mul3A_55 : vector<512x64xf32>
    %get3A_57 = arith.constant 0 : index
    %get3A_58 = arith.constant 0 : index
    %get3A_59 = vector.load %arg9[%get3A_57, %get3A_58] : memref<1x64xf32, #tpu.memory_space<vmem>>, vector<1x64xf32>
    %add3A_60 = vector.broadcast %get3A_59 : vector<1x64xf32> to vector<512x64xf32>
    %add3A_61 = arith.addf %mul3A_56, %add3A_60 : vector<512x64xf32>
    %swap3A = arith.constant 0 : index
    %swap3A_62 = arith.constant 0 : index
    %swap3A_63 = vector.load %arg10[%swap3A, %swap3A_62] : memref<512x64xf32, #tpu.memory_space<vmem>>, vector<512x64xf32>
    tpu.vector_store %arg10[%swap3A, %swap3A_62], %add3A_61 {strides = array<i32>} : memref<512x64xf32, #tpu.memory_space<vmem>>, vector<512x64xf32>,
    return
  }
  func.func @transform_0(%arg0: i32) -> (i32, i32) {
    %c0_i32 = arith.constant 0 : i32
    %c0_i32_0 = arith.constant 0 : i32
    return %arg0, %c0_i32 : i32, i32
  }
  func.func @transform_1(%arg0: i32) -> (i32, i32) {
    %c0_i32 = arith.constant 0 : i32
    %c0_i32_0 = arith.constant 0 : i32
    %c0_i32_1 = arith.constant 0 : i32
    return %c0_i32, %c0_i32_0 : i32, i32
  }
  func.func @transform_2(%arg0: i32) -> (i32, i32) {
    %c0_i32 = arith.constant 0 : i32
    %c0_i32_0 = arith.constant 0 : i32
    %c0_i32_1 = arith.constant 0 : i32
    return %c0_i32, %c0_i32_0 : i32, i32
  }
  func.func @transform_3(%arg0: i32) -> (i32, i32) {
    %c0_i32 = arith.constant 0 : i32
    %c0_i32_0 = arith.constant 0 : i32
    %c0_i32_1 = arith.constant 0 : i32
    return %c0_i32, %c0_i32_0 : i32, i32
  }
  func.func @transform_4(%arg0: i32) -> (i32, i32) {
    %c0_i32 = arith.constant 0 : i32
    %c0_i32_0 = arith.constant 0 : i32
    %c0_i32_1 = arith.constant 0 : i32
    return %c0_i32, %c0_i32_0 : i32, i32
  }
  func.func @transform_5(%arg0: i32) -> (i32, i32) {
    %c0_i32 = arith.constant 0 : i32
    %c0_i32_0 = arith.constant 0 : i32
    %c0_i32_1 = arith.constant 0 : i32
    return %c0_i32, %c0_i32_0 : i32, i32
  }
  func.func @transform_6(%arg0: i32) -> (i32, i32) {
    %c0_i32 = arith.constant 0 : i32
    %c0_i32_0 = arith.constant 0 : i32
    %c0_i32_1 = arith.constant 0 : i32
    return %c0_i32, %c0_i32_0 : i32, i32
  }
  func.func @transform_7(%arg0: i32) -> (i32, i32) {
    %c0_i32 = arith.constant 0 : i32
    %c0_i32_0 = arith.constant 0 : i32
    %c0_i32_1 = arith.constant 0 : i32
    return %c0_i32, %c0_i32_0 : i32, i32
  }
  func.func @transform_8(%arg0: i32) -> (i32, i32) {
    %c0_i32 = arith.constant 0 : i32
    %c0_i32_0 = arith.constant 0 : i32
    %c0_i32_1 = arith.constant 0 : i32
    return %c0_i32, %c0_i32_0 : i32, i32
  }
  func.func @transform_9(%arg0: i32) -> (i32, i32) {
    %c0_i32 = arith.constant 0 : i32
    %c0_i32_0 = arith.constant 0 : i32
    return %arg0, %c0_i32 : i32, i32
  }
}

</mosaic_0001>

<sc_bundles>
// kernel: kernel.6.cloned.1.call-start
scs
__scs_entry_jumppad:
0x0: {  	(pc) =	sbr.rel $0x88, $3  }
0x1: {  	(tag) =	ssettag $0x0;
	lr =	simm.s32 $0x1  }
0x2: {  	[smem:$0x3F97] =	sst lr;
	_ =	strace $0xD0000000  }
0x3: {  	_ = 	snop  }
0x4: {  	_ = 	snop  }
0x5: {  	_ = 	snop  }
0x6: {  	_ = 	snop  }
0x7: {  	_ = 	snop  }
__scs_overlays_trampoline_lowered:
0x8: {  	[smem:$0x3FA6] =	sst s0  }
0x9: {  	[smem:$0x3FA7] =	sst s1  }
0xa: {  	[smem:$0x3FA8] =	sst s2  }
0xb: {  	[smem:$0x3FA9] =	sst s3  }
0xc: {  	[smem:$0x3FAA] =	sst s4  }
0xd: {  	[smem:$0x3FAB] =	sst s5  }
0xe: {  	[smem:$0x3FAC] =	sst s6  }
0xf: {  	[smem:$0x3FAD] =	sst s7  }
0x10: {  	[smem:$0x3FAE] =	sst s8  }
0x11: {  	[smem:$0x3FAF] =	sst s9;
	s0 =	simm.s32 @!p0 $0x0  }
0x12: {  	s1 =	sld [smem:$0x3F95];
	s0 =	simm.s32 @p0 $0x1  }
0x13: {  	[smem:$0x3FB0] =	sst s0;
	s0 =	simm.s32 @!p1 $0x0  }
0x14: {  	s2 =	sld [smem:$0x3F94];
	s0 =	simm.s32 @p1 $0x1  }
0x15: {  	[smem:$0x3FB1] =	sst s0;
	s0 =	simm.s32 @!p2 $0x0  }
0x16: {  	s3 =	sld [smem:$0x3FDB];
	s0 =	simm.s32 @p2 $0x1  }
0x17: {  	s4 =	simm.s32 $0x1BF5;
	[smem:$0x3FB3] =	sst s0  }
0x18: {  	s0 =	sld [smem:$0x3F96];
	_ =	swait.ge [sflag:s4], $0x0  }
0x19: {  	s7 =	sld [smem:$0x3F97]  }
0x1a: {  	s8 =	sadd.s32 $0xFFFFE003, lr  }
0x1b: {  	s9 =	sadd.s32 $0xFFFFFEF7, lr;
	s5 =	simm.s32 $0xFFFFFFFF;
	p2 =	slt.u32 s8, $0xFFFFF086  }
0x1c: {  	p1 =	slt.u32 s9, $0xF7A;
	s5 =	simm.s32 @!p2 $0x0  }
0x1d: {  	s5 =	simm.s32 @p1 $0x1;
	p0 =	seq.s32 s7, s2  }
0x1e: {  	s7 =	smul.u32 @!p0 $0xF7A, s2;
	p2 =	seq.s32 @!p0 s5, $0x0  }
0x1f: {  	s9 =	smul.u32 $0xF7A, s1;
	s8 =	simm.s32 @!p0 $0x1BF5;
	p2 =	por !p2, p0  }
0x20: {  	[sflag:s8] =	ssyncset.s32 @!p0 $0xFFFFF086;
	s6 =	sadd.s32 @!p0 s3, s7;
	s7 =	simm.s32 @!p0 $0x108  }
0x21: {  	s3 =	sadd.s32 s3, s9;
	s6 =	sadd.s32 @!p0 $0x88, s6;
	s7 =	simm.s32 @p2 $0x1082  }
0x22: {  	[simem:s7], [sflag:s8] =	dma.local @!p0 [hbm:s6], $0xF7A  }
0x23: {  	s9 =	sor.u32 $0xD0000000, s2;
	s6 =	simm.s32 $0x108;
	_ =	swait.ge @!p0 [sflag:s8], $0x0  }
0x24: {  	s3 =	sadd.s32 $0x88, s3;
	s6 =	simm.s32 @!p1 $0x1082;
	[sflag:s4] =	ssyncset.s32 $0xFFFFF086  }
0x25: {  	[simem:s6], [sflag:s4] =	dma.local [hbm:s3], $0xF7A  }
0x26: {  	[smem:$0x3F97] =	sst s1;
	(tag) =	ssettag s2;
	_ =	strace s9  }
0x27: {  	s1 =	sld [smem:$0x3FA7]  }
0x28: {  	s2 =	sld [smem:$0x3FA8]  }
0x29: {  	s4 =	sld [smem:$0x3FAA]  }
0x2a: {  	p0 =	seq.s32 s5, $0x0;
	s5 =	sld [smem:$0x3FAB]  }
0x2b: {  	s6 =	sld [smem:$0x3FAC]  }
0x2c: {  	s7 =	sld [smem:$0x3FAD]  }
0x2d: {  	s3 =	simm.s32 $0x108;
	s8 =	sld [smem:$0x3FAE]  }
0x2e: {  	s3 =	simm.s32 @!p0 $0x1082;
	s9 =	sld [smem:$0x3FAF]  }
0x2f: {  	lr =	sadd.s32 s0, s3;
	s0 =	sld [smem:$0x3FA6]  }
0x30: {  	s3 =	sld [smem:$0x3FA9]  }
0x31: {  	[smem:$0x3FB2] =	sst s10  }
0x32: {  	s10 =	sld [smem:$0x3FB0];
	_ =	sdelay $0x3  }
0x33: {  	p0 =	seq.s32 s10, $0x1;
	s10 =	sld [smem:$0x3FB2];
	_ =	sdelay $0x3  }
0x34: {  	[smem:$0x3FB2] =	sst s10  }
0x35: {  	s10 =	sld [smem:$0x3FB1];
	_ =	sdelay $0x3  }
0x36: {  	p1 =	seq.s32 s10, $0x1;
	s10 =	sld [smem:$0x3FB2];
	_ =	sdelay $0x3  }
0x37: {  	[smem:$0x3FB2] =	sst s10  }
0x38: {  	s10 =	sld [smem:$0x3FB3]  }
0x39: {  	_ = 	snop;
	(pc) =	sbr.ind lr, $3  }
0x3a: {  	_ = 	snop  }
0x3b: {  	_ = 	snop  }
0x3c: {  	p2 =	seq.s32 s10, $0x1;
	s10 =	sld [smem:$0x3FB2]  }
0x3d: {  	_ =	shalt  }
0x3e: {  	_ =	shalt  }
0x3f: {  	_ =	shalt  }
0x40: {  	_ =	shalt  }
0x41: {  	_ =	shalt  }
0x42: {  	_ =	shalt  }
0x43: {  	_ =	shalt  }
0x44: {  	_ =	shalt  }
0x45: {  	_ =	shalt  }
0x46: {  	_ =	shalt  }
0x47: {  	_ =	shalt  }
0x48: {  	_ =	shalt  }
0x49: {  	_ =	shalt  }
0x4a: {  	_ =	shalt  }
0x4b: {  	_ =	shalt  }
0x4c: {  	_ =	shalt  }
0x4d: {  	_ =	shalt  }
0x4e: {  	_ =	shalt  }
0x4f: {  	_ =	shalt  }
0x50: {  	_ =	shalt  }
0x51: {  	_ =	shalt  }
0x52: {  	_ =	shalt  }
0x53: {  	_ =	shalt  }
0x54: {  	_ =	shalt  }
0x55: {  	_ =	shalt  }
0x56: {  	_ =	shalt  }
0x57: {  	_ =	shalt  }
0x58: {  	_ =	shalt  }
0x59: {  	_ =	shalt  }
0x5a: {  	_ =	shalt  }
0x5b: {  	_ =	shalt  }
0x5c: {  	_ =	shalt  }
0x5d: {  	_ =	shalt  }
0x5e: {  	_ =	shalt  }
0x5f: {  	_ =	shalt  }
0x60: {  	_ =	shalt  }
0x61: {  	_ =	shalt  }
0x62: {  	_ =	shalt  }
0x63: {  	_ =	shalt  }
0x64: {  	_ =	shalt  }
0x65: {  	_ =	shalt  }
0x66: {  	_ =	shalt  }
0x67: {  	_ =	shalt  }
0x68: {  	_ =	shalt  }
0x69: {  	_ =	shalt  }
0x6a: {  	_ =	shalt  }
0x6b: {  	_ =	shalt  }
0x6c: {  	_ =	shalt  }
0x6d: {  	_ =	shalt  }
0x6e: {  	_ =	shalt  }
0x6f: {  	_ =	shalt  }
0x70: {  	_ =	shalt  }
0x71: {  	_ =	shalt  }
0x72: {  	_ =	shalt  }
0x73: {  	_ =	shalt  }
0x74: {  	_ =	shalt  }
0x75: {  	_ =	shalt  }
0x76: {  	_ =	shalt  }
0x77: {  	_ =	shalt  }
0x78: {  	_ =	shalt  }
0x79: {  	_ =	shalt  }
0x7a: {  	_ =	shalt  }
0x7b: {  	_ =	shalt  }
0x7c: {  	_ =	shalt  }
0x7d: {  	_ =	shalt  }
0x7e: {  	_ =	shalt  }
0x7f: {  	_ =	shalt  }
0x80: {  	_ =	shalt  }
0x81: {  	_ =	shalt  }
0x82: {  	_ =	shalt  }
0x83: {  	_ =	shalt  }
0x84: {  	_ =	shalt  }
0x85: {  	_ =	shalt  }
0x86: {  	_ =	shalt  }
0x87: {  	_ =	shalt  }
.Lfunc_end0:
.L_simem_size_0:
called_computation_lowered:
.L_overlay_start_0:
0x88: {  	s2 =	sld [smem:$0x3FD9]  }
0x89: {  	s3 =	sld [smem:$0x3FFE];
	_ =	sdelay $0x1  }
0x8a: {  	s1 =	srdreg.scid  }
0x8b: {  	s0 =	sand.u32 $0x1, s1  }
0x8c: {  	s17 =	sshll.u32 s0, $0xA;
	s2 =	sadd.s32 s3, s2  }
0x8d: {  	s2 =	sadd.s32 s2, s17  }
0x8e: {  	[smem:$0x3FBE] =	sst s2  }
0x8f: {  	_ = 	snop  }
0x90: {  	s2 =	sld [smem:$0x3FC9]  }
0x91: {  	s18 =	sld [smem:$0x3FD0];
	(tm) =	ssettm $0x1  }
0x92: {  	s4 =	sld [smem:$0x3FFB];
	_ =	sdelay $0x3  }
0x93: {  	_ =	strace s4  }
0x94: {  	s4 =	sld [smem:$0x3FFC];
	_ =	sdelay $0x3  }
0x95: {  	_ =	strace s4  }
0x96: {  	s4 =	sld [smem:$0x3FFD];
	_ =	sdelay $0x3  }
0x97: {  	_ =	strace s4  }
0x98: {  	_ =	strace $0x8FFFFFFF  }
0x99: {  	s19 =	sld [smem:$0x3FDB];
	_ =	sdelay $0x1  }
0x9a: {  	s5 =	simm.s32 $_scs_section_size  }
0x9b: {  	s6 =	simm.s32 $_size__tile_overlayer_lowered;
	s7 =	simm.s32 $_tile_overlayer_lowered  }
0x9c: {  	s22 =	simm.s32 $0x1BFF;
	s21 =	sshll.u32 s7, $0x1;
	s4 =	sadd.s32 s5, s19  }
0x9d: {  	s8 =	simm.s32 $0x0;
	s20 =	sshll.u32 s6, $0x1;
	s6 =	sadd.s32 s21, s4  }
0x9e: {  	[timem:s8], [sflag:s22] =	dma.local [hbm:s6], s20  }
0x9f: {  	_ =	swait.ge [sflag:s22], s20  }
0xa0: {  	s5 =	ssub.s32 $0x0, s20;
	[sflag:s22] =	ssyncset.done $0x0  }
0xa1: {  	[sflag:s22] =	ssyncadd.s32 s5;
	_ =	sdelay $0x1  }
0xa2: {  	s23 =	simm.s32 $0x1B8B  }
0xa3: {  	_ =	swait.ge [sflag:s23], $0x1  }
0xa4: {  	[sflag:s23] =	ssyncset.done $0x0  }
0xa5: {  	s25 =	simm.s32 $0x1B8E;
	s24 =	sld [smem:$0x3FFE];
	[sflag:s23] =	ssyncadd.s32 $0xFFFFFFFF  }
0xa6: {  	s26 =	simm.s32 $execute0_lowered;
	[smem:$0x3FD2] =	sst s25  }
0xa7: {  	s6 =	sshll.u32 s26, $0x1;
	_ =	strace $0x80000046;
	[dreg:$0x1] =	wrdreg $0xFFFFFFFF  }
0xa8: {  	s28 =	simm.s32 $_size_execute0_lowered;
	s4 =	sadd.s32 s4, s6;
	[dreg:$0x0] =	wrdreg $0x0  }
0xa9: {  	s6 =	sshll.u32 s28, $0x1;
	[dreg:$0x2] =	wrdreg s4  }
0xaa: {  	[dreg:$0x3] =	wrdreg s6  }
0xab: {  	[dreg:$0x4] =	wrdreg $0xC0  }
0xac: {  	_ =	task [dreg:s8], $0x5FFFF  }
0xad: {  	[dreg:$0x1] =	wrdreg $0xFFFFFFFF  }
0xae: {  	[dreg:$0x0] =	wrdreg $0x60  }
0xaf: {  	[dreg:$0x2] =	wrdreg s2  }
0xb0: {  	[dreg:$0x3] =	wrdreg s24  }
0xb1: {  	[dreg:$0x4] =	wrdreg s18  }
0xb2: {  	[dreg:$0x5] =	wrdreg $0x9  }
0xb3: {  	_ =	task.clear_ibuf [dreg:s8], $0x6FFFF;
	_ =	strace $0x90000046  }
0xb4: {  	s29 =	simm.s32 $0x9;
	_ =	strace $0x80000048  }
0xb5: {  	_ =	swait.ge [sflag:s29], $0x1  }
0xb6: {  	[sflag:s29] =	ssyncadd.s32 $0xFFFFFFFF  }
0xb7: {  	_ =	strace $0x90000048  }
0xb8: {  	_ =	sfence  }
0xb9: {  	s30 =	sld [smem:$0x0];
	_ =	sdelay $0x2  }
0xba: {  	s31 =	sshll.u32 s1, $0xD;
	s1 =	sshrl.u32 s1, $0x2  }
0xbb: {  	s3 =	sand.u32 $0x4000, s31;
	s1 =	sadd.s32 s1, s30  }
0xbc: {  	s0 =	sor.u32 s3, s0;
	s1 =	sshll.u32 s1, $0x11  }
0xbd: {  	s0 =	sor.u32 s1, s0  }
0xbe: {  	s0 =	sadd.s32 $0x8F2B, s0  }
0xbf: {  	[sflag:s0] =	ssyncadd.remote.s32 $0x1  }
0xc0: {  	_ =	sfence.sel $0xFFFF  }
0xc1: {  	[dreg:$0x0] =	wrdreg $0xFFFFFFFF;
	(pc) =	sbr.abs _section_cstart, $3  }
0xc2: {  	[dreg:$0x1] =	wrdreg $0xFFFFFFFF  }
0xc3: {  	_ =	task.clear_ibuf [dreg:s8], $0x2FFFF;
	_ =	strace $0x9FFFFFFF  }
0xc4: {  	(tm) =	ssettm $0x7FFFFFFF  }
0xc5: {  	_ =	shalt  }
tec
execute0_lowered:
.L_overlay_start_1:
0x0: {  	(tag) =	ssettag $0x1  }
0x1: {  	s0 =	rddreg [dreg:$0x0]  }
0x2: {  	s1 =	rddreg [dreg:$0x1]  }
0x3: {  	s5 =	rddreg [dreg:$0x2];
	s2 =	simm.s32 $0x0;
	s3 =	srdreg.scid  }
0x4: {  	s7 =	stileid.u32;
	s9 =	simm.s32 $0x9;
	s10 =	simm.s32 $0x80  }
0x5: {  	s15 =	simm.s32 $0x180;
	s16 =	simm.s32 $0xC400;
	s17 =	simm.s32 $0x200  }
0x6: {  	s18 =	simm.s32 $0xE400;
	s19 =	simm.s32 $0x280;
	s20 =	simm.s32 $0x10400  }
0x7: {  	s21 =	simm.s32 $0x300;
	s22 =	simm.s32 $0x12400;
	s23 =	simm.s32 $0x1  }
0x8: {  	s24 =	simm.s32 $0x14400;
	s28 =	simm.s32 $0x4;
	s29 =	simm.s32 $0x5  }
0x9: {  	s30 =	simm.s32 $0x6;
	s31 =	simm.s32 $0x7;
	[smem:$0x7FF] =	sst s2  }
0xa: {  	s4 =	sand.u32 $0x1, s3;
	s7 =	sshll.u32 s7, $0x1;
	s3 =	sadd.s32 $0x1600, s1  }
0xb: {  	_ =	strace $0x80000047;
	s6 =	ssub.s32 $0x2, s4;
	s4 =	sor.u32 s4, s7  }
0xc: {  	s25 =	sshrl.u32 s6, $0x1;
	s26 =	sshll.u32 s4, $0x7;
	s7 =	sshll.u32 s4, $0xA  }
0xd: {  	s1 =	ssub.s32 s6, s25;
	s4 =	sadd.s32 s0, s26;
	s5 =	sadd.s32 s5, s7  }
0xe: {  	s25 =	simm.s32 $0x2;
	s26 =	simm.s32 $0x3;
	s0 =	simm.s32 $0x8  }
0xf: {  	v0 =	vimm.s32 $0x0;
	s7 =	simm.s32 $0x0;
	s6 =	smax.u32 s1, $0x1;
	s1 =	simm.s32 $0x16400  }
.LBB2_1:
0x10: {  	s8 =	simm.s32 $0x400;
	s11 =	simm.s32 $0x8000  }
0x11: {  	[tilespmem:s2], [sflag:$0x9] =	stream.strided.gather [hbm4b:s4+s8], $0x6400, s11, s8, $0x38;
	[tilespmem:$0x18400] =	vst v63  }
0x12: {  	_ =	swait.ge [sflag:s9], $0x6400  }
0x13: {  	[sflag:s9] =	ssyncset.done $0x0  }
0x14: {  	s8 =	simm.s32 $0x0;
	[sflag:s9] =	ssyncadd.s32 $0xFFFF9C00  }
0x15: {  	v1 =	vld [tilespmem:s8+$0x3F0]  }
0x16: {  	v2 =	vld [tilespmem:s8+$0x0]  }
0x17: {  	v3 =	vld [tilespmem:s8+$0x10]  }
0x18: {  	v4 =	vld [tilespmem:s8+$0x20]  }
0x19: {  	v5 =	vld [tilespmem:s8+$0x30]  }
0x1a: {  	v6 =	vld [tilespmem:s8+$0x40]  }
0x1b: {  	v7 =	vld [tilespmem:s8+$0x50];
	vm0 =	vgt.s32 v1, $0x7A1FF;
	vm1 =	vgt.s32 v2, $0x7A1FF;
	v1 =	vshll.u32 v1, $0x1  }
0x1c: {  	v9 =	vld [tilespmem:s8+$0x60];
	vm14 =	vgt.s32 v3, $0x7A1FF;
	v2 =	vshll.u32 v2, $0x1;
	v8 =	vsel vm0, $0xFFF0BC01, v0  }
0x1d: {  	v1 =	vadd.s32 v1, v8;
	v8 =	vld [tilespmem:s8+$0x70];
	[tilespmem:$0x1FE50] =	vst v2;
	v2 =	vsel vm14, $0xFFF0BC01, v0  }
0x1e: {  	[tilespmem:$0x1FE60] =	vst v2  }
0x1f: {  	vm4 =	vgt.s32 v5, $0x7A1FF;
	[tilespmem:s8+$0x3F0] =	vst v1;
	v1 =	vshll.u32 v4, $0x1  }
0x20: {  	vm5 =	vgt.s32 v6, $0x7A1FF;
	v12 =	vld [tilespmem:s8+$0x80];
	[tilespmem:$0x1FE70] =	vst v1;
	v1 =	vsel vm4, $0xFFF0BC01, v0  }
0x21: {  	vm6 =	vgt.s32 v7, $0x7A1FF;
	[tilespmem:$0x1FE80] =	vst v1;
	v1 =	vsel vm5, $0xFFF0BC01, v0  }
0x22: {  	vm7 =	vgt.s32 v9, $0x7A1FF;
	v2 =	vsel vm6, $0xFFF0BC01, v0;
	v14 =	vld [tilespmem:s8+$0x90];
	[tilespmem:$0x1FE90] =	vst v1;
	v1 =	vshll.u32 v6, $0x1  }
0x23: {  	v6 =	vshll.u32 v7, $0x1;
	vm8 =	vgt.s32 v8, $0x7A1FF;
	v7 =	vshll.u32 v8, $0x1;
	v8 =	vld [tilespmem:$0x1FE50]  }
0x24: {  	v16 =	vld [tilespmem:s8+$0xA0];
	[tilespmem:$0x1FEA0] =	vst v2;
	v2 =	vsel vm7, $0xFFF0BC01, v0  }
0x25: {  	v18 =	vld [tilespmem:s8+$0xB0];
	[tilespmem:$0x1FEB0] =	vst v2;
	vm9 =	vgt.s32 v12, $0x7A1FF  }
0x26: {  	v19 =	vld [tilespmem:s8+$0xC0];
	v2 =	vsel vm9, $0xFFF0BC01, v0  }
0x27: {  	v22 =	vld [tilespmem:s8+$0xD0];
	[tilespmem:$0x1FEC0] =	vst v2  }
0x28: {  	v24 =	vld [tilespmem:s8+$0xE0]  }
0x29: {  	v26 =	vld [tilespmem:s8+$0xF0]  }
0x2a: {  	v28 =	vld [tilespmem:s8+$0x100]  }
0x2b: {  	v30 =	vld [tilespmem:s8+$0x110]  }
0x2c: {  	v32 =	vld [tilespmem:s8+$0x120]  }
0x2d: {  	v33 =	vld [tilespmem:s8+$0x150]  }
0x2e: {  	v35 =	vld [tilespmem:s8+$0x160]  }
0x2f: {  	vm15 =	vgt.s32 v4, $0x7A1FF;
	v11 =	vshll.u32 v3, $0x1;
	vm10 =	vgt.s32 v14, $0x7A1FF;
	v41 =	vld [tilespmem:s8+$0x170]  }
0x30: {  	v15 =	vshll.u32 v5, $0x1;
	v13 =	vsel vm1, $0xFFF0BC01, v0;
	v42 =	vld [tilespmem:s8+$0x190];
	v25 =	vsel vm10, $0xFFF0BC01, v0  }
0x31: {  	vm11 =	vgt.s32 v16, $0x7A1FF;
	vm14 =	vgt.s32 v22, $0x7A1FF;
	v37 =	vshll.u32 v22, $0x1;
	v22 =	vld [tilespmem:s8+$0x140]  }
0x32: {  	vm12 =	vgt.s32 v18, $0x7A1FF;
	vm10 =	vgt.s32 v33, $0x7A1FF;
	v52 =	vshll.u32 v33, $0x1;
	v33 =	vld [tilespmem:s8+$0x1C0]  }
0x33: {  	v5 =	vsel vm8, $0xFFF0BC01, v0;
	v44 =	vld [tilespmem:s8+$0x200];
	v27 =	vsel vm11, $0xFFF0BC01, v0;
	v4 =	vsel vm12, $0xFFF0BC01, v0  }
0x34: {  	vm13 =	vgt.s32 v19, $0x7A1FF;
	v34 =	vshll.u32 v19, $0x1;
	v19 =	vld [tilespmem:s8+$0x130];
	vm5 =	vgt.s32 v28, $0x7A1FF  }
0x35: {  	vm6 =	vgt.s32 v30, $0x7A1FF;
	v21 =	vshll.u32 v28, $0x1;
	v45 =	vshll.u32 v30, $0x1;
	v30 =	vld [tilespmem:s8+$0x180]  }
0x36: {  	v40 =	vsel vm5, $0xFFF0BC01, v0;
	vm9 =	vgt.s32 v22, $0x7A1FF;
	v50 =	vshll.u32 v22, $0x1;
	v22 =	vld [tilespmem:s8+$0x1B0]  }
0x37: {  	vm5 =	vgt.s32 v33, $0x7A1FF;
	v28 =	vshll.u32 v33, $0x1;
	v33 =	vadd.s32 v8, v13;
	v8 =	vld [tilespmem:$0x1FE60]  }
0x38: {  	v31 =	vsel vm13, $0xFFF0BC01, v0;
	vm11 =	vgt.s32 v35, $0x7A1FF;
	v54 =	vshll.u32 v35, $0x1;
	v35 =	vld [tilespmem:s8+$0x1D0]  }
0x39: {  	vm4 =	vgt.s32 v26, $0x7A1FF;
	vm12 =	vgt.s32 v41, $0x7A1FF;
	v56 =	vshll.u32 v41, $0x1;
	v41 =	vld [tilespmem:s8+$0x1E0]  }
0x3a: {  	v2 =	vshll.u32 v26, $0x1;
	vm8 =	vgt.s32 v19, $0x7A1FF;
	v48 =	vshll.u32 v19, $0x1;
	v19 =	vld [tilespmem:s8+$0x1A0]  }
0x3b: {  	v39 =	vsel vm4, $0xFFF0BC01, v0;
	vm13 =	vgt.s32 v30, $0x7A1FF;
	v58 =	vshll.u32 v30, $0x1;
	v30 =	vld [tilespmem:s8+$0x1F0]  }
0x3c: {  	vm4 =	vgt.s32 v22, $0x7A1FF;
	v26 =	vshll.u32 v22, $0x1;
	v22 =	vld [tilespmem:s8+$0x210];
	v8 =	vadd.s32 v11, v8  }
0x3d: {  	[tilespmem:$0x1FF10] =	vst v8;
	v8 =	vld [tilespmem:$0x1FE70];
	_ =	sdelay $0x3  }
0x3e: {  	v17 =	vsel vm15, $0xFFF0BC01, v0  }
0x3f: {  	v11 =	vld [tilespmem:s8+$0x220];
	v8 =	vadd.s32 v8, v17  }
0x40: {  	[tilespmem:$0x1FF20] =	vst v8;
	v8 =	vld [tilespmem:$0x1FE80];
	_ =	sdelay $0x4  }
0x41: {  	v8 =	vadd.s32 v15, v8  }
0x42: {  	[tilespmem:$0x1FF30] =	vst v8;
	v8 =	vld [tilespmem:$0x1FE90];
	_ =	sdelay $0x4  }
0x43: {  	v1 =	vadd.s32 v1, v8;
	v8 =	vld [tilespmem:$0x1FEA0];
	_ =	sdelay $0x3  }
0x44: {  	v15 =	vld [tilespmem:s8+$0x230];
	[tilespmem:$0x1FF40] =	vst v1  }
0x45: {  	v20 =	vshll.u32 v9, $0x1;
	v1 =	vld [tilespmem:s8+$0x240];
	v6 =	vadd.s32 v6, v8  }
0x46: {  	v9 =	vshll.u32 v12, $0x1;
	v5 =	vadd.s32 v7, v5;
	v3 =	vshll.u32 v14, $0x1;
	[tilespmem:$0x1FF50] =	vst v6;
	v6 =	vld [tilespmem:$0x1FEB0]  }
0x47: {  	v16 =	vshll.u32 v16, $0x1;
	v18 =	vshll.u32 v18, $0x1;
	v3 =	vadd.s32 v3, v25;
	[tilespmem:$0x1FF70] =	vst v5;
	v5 =	vld [tilespmem:$0x1FEC0]  }
0x48: {  	v36 =	vsel vm14, $0xFFF0BC01, v0;
	vm15 =	vgt.s32 v24, $0x7A1FF;
	v23 =	vshll.u32 v24, $0x1  }
0x49: {  	vm7 =	vgt.s32 v32, $0x7A1FF;
	v10 =	vshll.u32 v32, $0x1;
	vm14 =	vgt.s32 v42, $0x7A1FF  }
0x4a: {  	v60 =	vshll.u32 v42, $0x1;
	v12 =	vshll.u32 v44, $0x1;
	v38 =	vsel vm15, $0xFFF0BC01, v0  }
0x4b: {  	v43 =	vsel vm6, $0xFFF0BC01, v0;
	v46 =	vsel vm7, $0xFFF0BC01, v0;
	v6 =	vadd.s32 v20, v6  }
0x4c: {  	v51 =	vsel vm10, $0xFFF0BC01, v0;
	v53 =	vsel vm11, $0xFFF0BC01, v0;
	v5 =	vadd.s32 v9, v5;
	[tilespmem:$0x1FF60] =	vst v6  }
0x4d: {  	v55 =	vsel vm12, $0xFFF0BC01, v0;
	v59 =	vsel vm14, $0xFFF0BC01, v0;
	v25 =	vadd.s32 v10, v46;
	v7 =	vld [tilespmem:s8+$0x250];
	[tilespmem:$0x1FF80] =	vst v5  }
0x4e: {  	v47 =	vsel vm8, $0xFFF0BC01, v0;
	v49 =	vsel vm9, $0xFFF0BC01, v0;
	[tilespmem:$0x1FF90] =	vst v3;
	v3 =	vadd.s32 v16, v27  }
0x4f: {  	vm9 =	vgt.s32 v44, $0x7A1FF;
	v44 =	vadd.s32 v2, v39;
	v9 =	vld [tilespmem:s8+$0x260];
	[tilespmem:$0x1FFA0] =	vst v3;
	v3 =	vadd.s32 v18, v4  }
0x50: {  	v39 =	vadd.s32 v21, v40;
	v21 =	vadd.s32 v60, v59;
	[tilespmem:$0x1FFB0] =	vst v3;
	v3 =	vadd.s32 v34, v31  }
0x51: {  	vm6 =	vgt.s32 v35, $0x7A1FF;
	vm7 =	vgt.s32 v41, $0x7A1FF;
	v18 =	vld [tilespmem:s8+$0x270];
	[tilespmem:$0x1FFC0] =	vst v3;
	v3 =	vadd.s32 v37, v36  }
0x52: {  	vm12 =	vgt.s32 v15, $0x7A1FF;
	v4 =	vshll.u32 v15, $0x1;
	v15 =	vadd.s32 v23, v38;
	[tilespmem:$0x1FFD0] =	vst v3  }
0x53: {  	v24 =	vshll.u32 v35, $0x1;
	v14 =	vshll.u32 v41, $0x1;
	v13 =	vsel vm9, $0xFFF0BC01, v0;
	v31 =	vld [tilespmem:s8+$0x280];
	[tilespmem:$0x1FFF0] =	vst v15  }
0x54: {  	v10 =	vadd.s32 v50, v49;
	v57 =	vsel vm13, $0xFFF0BC01, v0;
	v29 =	vsel vm5, $0xFFF0BC01, v0;
	v34 =	vld [tilespmem:s8+$0x290]  }
0x55: {  	v32 =	vsel vm6, $0xFFF0BC01, v0;
	v40 =	vadd.s32 v12, v13;
	vm15 =	vgt.s32 v19, $0x7A1FF;
	v36 =	vld [tilespmem:s8+$0x2A0]  }
0x56: {  	v62 =	vshll.u32 v19, $0x1;
	v19 =	vsel vm7, $0xFFF0BC01, v0;
	v27 =	vadd.s32 v45, v43;
	v43 =	vld [tilespmem:s8+$0x2B0]  }
0x57: {  	v61 =	vsel vm15, $0xFFF0BC01, v0;
	v63 =	vsel vm4, $0xFFF0BC01, v0;
	v16 =	vadd.s32 v48, v47;
	v47 =	vld [tilespmem:s8+$0x2C0]  }
0x58: {  	vm8 =	vgt.s32 v30, $0x7A1FF;
	v26 =	vadd.s32 v26, v63;
	vm10 =	vgt.s32 v22, $0x7A1FF;
	v50 =	vld [tilespmem:s8+$0x2D0]  }
0x59: {  	vm14 =	vgt.s32 v7, $0x7A1FF;
	v45 =	vshll.u32 v7, $0x1;
	v7 =	vadd.s32 v52, v51;
	v52 =	vld [tilespmem:s8+$0x2E0]  }
0x5a: {  	vm15 =	vgt.s32 v9, $0x7A1FF;
	v48 =	vshll.u32 v9, $0x1;
	v9 =	vadd.s32 v54, v53;
	v54 =	vld [tilespmem:s8+$0x2F0]  }
0x5b: {  	v17 =	vsel vm8, $0xFFF0BC01, v0;
	vm13 =	vgt.s32 v1, $0x7A1FF;
	v15 =	vadd.s32 v56, v55;
	v56 =	vld [tilespmem:s8+$0x300]  }
0x5c: {  	v1 =	vshll.u32 v1, $0x1;
	v20 =	vsel vm10, $0xFFF0BC01, v0;
	v6 =	vshll.u32 v22, $0x1;
	v60 =	vld [tilespmem:s8+$0x320]  }
0x5d: {  	v5 =	vsel vm12, $0xFFF0BC01, v0;
	v23 =	vadd.s32 v62, v61;
	v37 =	vadd.s32 v6, v20;
	v63 =	vld [tilespmem:s8+$0x340]  }
0x5e: {  	v3 =	vsel vm13, $0xFFF0BC01, v0;
	v2 =	vsel vm14, $0xFFF0BC01, v0;
	v20 =	vld [tilespmem:s8+$0x350];
	vm4 =	vgt.s32 v18, $0x7A1FF  }
0x5f: {  	v6 =	vld [tilespmem:s8+$0x360];
	v51 =	vshll.u32 v18, $0x1;
	v18 =	vadd.s32 v58, v57;
	vm5 =	vgt.s32 v31, $0x7A1FF  }
0x60: {  	v41 =	vld [tilespmem:s8+$0x370];
	v55 =	vshll.u32 v31, $0x1;
	v31 =	vadd.s32 v4, v5;
	v5 =	vadd.s32 v1, v3  }
0x61: {  	v58 =	vld [tilespmem:s8+$0x310];
	vm6 =	vgt.s32 v34, $0x7A1FF;
	vm7 =	vgt.s32 v36, $0x7A1FF;
	v59 =	vshll.u32 v34, $0x1  }
0x62: {  	v34 =	vadd.s32 v14, v19;
	v19 =	vld [tilespmem:s8+$0x330];
	vm8 =	vgt.s32 v43, $0x7A1FF;
	v35 =	vshll.u32 v36, $0x1  }
0x63: {  	vm9 =	vgt.s32 v47, $0x7A1FF;
	v14 =	vadd.s32 v45, v2;
	v2 =	vld [tilespmem:s8+$0x380];
	v57 =	vsel vm6, $0xFFF0BC01, v0  }
0x64: {  	v13 =	vshll.u32 v43, $0x1;
	v45 =	vld [tilespmem:s8+$0x390];
	v61 =	vsel vm7, $0xFFF0BC01, v0;
	v1 =	vadd.s32 v59, v57  }
0x65: {  	v3 =	vshll.u32 v47, $0x1;
	v47 =	vld [tilespmem:s8+$0x3A0];
	v12 =	vsel vm8, $0xFFF0BC01, v0;
	[tilespmem:$0x1FED0] =	vst v1;
	v1 =	vadd.s32 v35, v61  }
0x66: {  	v4 =	vsel vm9, $0xFFF0BC01, v0;
	v12 =	vadd.s32 v13, v12;
	[tilespmem:$0x1FEE0] =	vst v1  }
0x67: {  	v30 =	vshll.u32 v30, $0x1;
	vm12 =	vgt.s32 v54, $0x7A1FF;
	v3 =	vadd.s32 v3, v4;
	v22 =	vld [tilespmem:s8+$0x3B0];
	[tilespmem:$0x1FEF0] =	vst v12  }
0x68: {  	vm11 =	vgt.s32 v11, $0x7A1FF;
	v11 =	vshll.u32 v11, $0x1;
	v35 =	vld [tilespmem:s8+$0x3C0];
	[tilespmem:$0x1FF00] =	vst v3;
	v3 =	vsel vm12, $0xFFF0BC01, v0  }
0x69: {  	v8 =	vsel vm11, $0xFFF0BC01, v0;
	v38 =	vadd.s32 v30, v17;
	vm10 =	vgt.s32 v50, $0x7A1FF;
	[tilespmem:$0x1FFE0] =	vst v3  }
0x6a: {  	v36 =	vadd.s32 v11, v8;
	v30 =	vshll.u32 v50, $0x1;
	v8 =	vsel vm10, $0xFFF0BC01, v0;
	[tilespmem:s8+$0x0] =	vst v33  }
0x6b: {  	v32 =	vadd.s32 v24, v32;
	v24 =	vadd.s32 v30, v8;
	v8 =	vld [tilespmem:$0x1FF10];
	_ =	sdelay $0x4  }
0x6c: {  	[tilespmem:s8+$0x10] =	vst v8  }
0x6d: {  	v8 =	vld [tilespmem:$0x1FF20];
	_ =	sdelay $0x4  }
0x6e: {  	[tilespmem:s8+$0x20] =	vst v8  }
0x6f: {  	v8 =	vld [tilespmem:$0x1FF30];
	_ =	sdelay $0x4  }
0x70: {  	[tilespmem:s8+$0x30] =	vst v8  }
0x71: {  	v8 =	vld [tilespmem:$0x1FF40];
	_ =	sdelay $0x4  }
0x72: {  	[tilespmem:s8+$0x40] =	vst v8  }
0x73: {  	v8 =	vld [tilespmem:$0x1FF50];
	_ =	sdelay $0x4  }
0x74: {  	[tilespmem:s8+$0x50] =	vst v8  }
0x75: {  	v8 =	vld [tilespmem:$0x1FF60];
	_ =	sdelay $0x4  }
0x76: {  	[tilespmem:s8+$0x60] =	vst v8  }
0x77: {  	vm7 =	vgt.s32 v6, $0x7A1FF;
	v30 =	vshll.u32 v6, $0x1;
	v6 =	vld [tilespmem:$0x1FF70];
	_ =	sdelay $0x4  }
0x78: {  	[tilespmem:s8+$0x70] =	vst v6  }
0x79: {  	v6 =	vld [tilespmem:$0x1FF80];
	_ =	sdelay $0x4  }
0x7a: {  	v49 =	vsel vm4, $0xFFF0BC01, v0;
	[tilespmem:s8+$0x80] =	vst v6  }
0x7b: {  	v11 =	vadd.s32 v51, v49;
	vm9 =	vgt.s32 v2, $0x7A1FF;
	v51 =	vshll.u32 v2, $0x1;
	v2 =	vld [tilespmem:$0x1FF90];
	_ =	sdelay $0x4  }
0x7c: {  	[tilespmem:s8+$0x90] =	vst v2  }
0x7d: {  	v2 =	vld [tilespmem:$0x1FFA0];
	_ =	sdelay $0x4  }
0x7e: {  	[tilespmem:s8+$0xA0] =	vst v2  }
0x7f: {  	v2 =	vld [tilespmem:$0x1FFB0];
	_ =	sdelay $0x4  }
0x80: {  	[tilespmem:s8+$0xB0] =	vst v2  }
0x81: {  	v2 =	vld [tilespmem:$0x1FFC0];
	_ =	sdelay $0x4  }
0x82: {  	v46 =	vsel vm15, $0xFFF0BC01, v0;
	[tilespmem:s8+$0xC0] =	vst v2  }
0x83: {  	v29 =	vadd.s32 v28, v29;
	v17 =	vadd.s32 v48, v46;
	v53 =	vsel vm5, $0xFFF0BC01, v0;
	v2 =	vld [tilespmem:$0x1FFD0]  }
0x84: {  	vm11 =	vgt.s32 v52, $0x7A1FF;
	vm13 =	vgt.s32 v56, $0x7A1FF;
	v42 =	vshll.u32 v54, $0x1  }
0x85: {  	v49 =	vshll.u32 v56, $0x1;
	vm15 =	vgt.s32 v60, $0x7A1FF;
	v56 =	vshll.u32 v60, $0x1  }
0x86: {  	vm5 =	vgt.s32 v63, $0x7A1FF;
	v63 =	vshll.u32 v63, $0x1;
	v43 =	vshll.u32 v41, $0x1  }
0x87: {  	v46 =	vadd.s32 v55, v53;
	v28 =	vsel vm13, $0xFFF0BC01, v0;
	v60 =	vsel vm5, $0xFFF0BC01, v0  }
0x88: {  	vm6 =	vgt.s32 v20, $0x7A1FF;
	vm8 =	vgt.s32 v41, $0x7A1FF;
	v59 =	vsel vm11, $0xFFF0BC01, v0;
	[tilespmem:s8+$0xD0] =	vst v2  }
0x89: {  	vm14 =	vgt.s32 v58, $0x7A1FF;
	v53 =	vshll.u32 v58, $0x1;
	v62 =	vsel vm6, $0xFFF0BC01, v0;
	v2 =	vld [tilespmem:$0x1FFE0]  }
0x8a: {  	v13 =	vsel vm7, $0xFFF0BC01, v0;
	v50 =	vsel vm14, $0xFFF0BC01, v0;
	v1 =	vshll.u32 v52, $0x1  }
0x8b: {  	v52 =	vsel vm15, $0xFFF0BC01, v0;
	v4 =	vadd.s32 v1, v59;
	vm4 =	vgt.s32 v19, $0x7A1FF  }
0x8c: {  	v59 =	vshll.u32 v19, $0x1;
	v19 =	vshll.u32 v20, $0x1;
	vm10 =	vgt.s32 v45, $0x7A1FF;
	v3 =	vld [tilespmem:s8+$0x3D0]  }
0x8d: {  	vm11 =	vgt.s32 v47, $0x7A1FF;
	v54 =	vshll.u32 v45, $0x1;
	v61 =	vshll.u32 v47, $0x1;
	v1 =	vld [tilespmem:s8+$0x3E0]  }
0x8e: {  	v55 =	vsel vm4, $0xFFF0BC01, v0;
	v41 =	vsel vm9, $0xFFF0BC01, v0;
	v20 =	vadd.s32 v42, v2;
	v2 =	vld [tilespmem:$0x1FFF0]  }
0x8f: {  	v48 =	vsel vm10, $0xFFF0BC01, v0;
	v57 =	vsel vm11, $0xFFF0BC01, v0;
	v33 =	vsel vm8, $0xFFF0BC01, v0  }
0x90: {  	vm12 =	vgt.s32 v22, $0x7A1FF;
	v22 =	vshll.u32 v22, $0x1;
	vm13 =	vgt.s32 v35, $0x7A1FF  }
0x91: {  	v58 =	vsel vm12, $0xFFF0BC01, v0;
	v35 =	vshll.u32 v35, $0x1;
	v12 =	vsel vm13, $0xFFF0BC01, v0  }
0x92: {  	vm14 =	vgt.s32 v3, $0x7A1FF;
	vm15 =	vgt.s32 v1, $0x7A1FF;
	v47 =	vshll.u32 v3, $0x1  }
0x93: {  	s12 =	simm.s32 $0x2000;
	s11 =	simm.s32 $0x400;
	v45 =	vshll.u32 v1, $0x1;
	v1 =	vsel vm15, $0xFFF0BC01, v0;
	v42 =	vsel vm14, $0xFFF0BC01, v0;
	[tilespmem:s8+$0xE0] =	vst v2  }
.LBB2_2:
0x94: {  	v2 =	vld [tilespmem:s11+$0x3F0];
	[tilespmem:s8+$0xF0] =	vst v44  }
0x95: {  	v3 =	vld [tilespmem:s11+$0x0];
	[tilespmem:s8+$0x100] =	vst v39  }
0x96: {  	v6 =	vld [tilespmem:s11+$0x10];
	[tilespmem:s8+$0x110] =	vst v27  }
0x97: {  	v8 =	vld [tilespmem:s11+$0x20];
	[tilespmem:s8+$0x120] =	vst v25  }
0x98: {  	v39 =	vadd.s32 v59, v55;
	v25 =	vld [tilespmem:s11+$0x30];
	[tilespmem:s8+$0x130] =	vst v16  }
0x99: {  	v59 =	vadd.s32 v63, v60;
	v63 =	vadd.s32 v35, v12;
	v12 =	vadd.s32 v45, v1;
	v1 =	vld [tilespmem:s11+$0x40];
	[tilespmem:s8+$0x140] =	vst v10  }
0x9a: {  	vm1 =	vgt.s32 v3, $0x7A1FF;
	v10 =	vld [tilespmem:s11+$0x50];
	[tilespmem:s8+$0x150] =	vst v7;
	v3 =	vshll.u32 v3, $0x1  }
0x9b: {  	v7 =	vsel vm1, $0xFFF0BC01, v0;
	[tilespmem:$0x1F9A0] =	vst v3  }
0x9c: {  	vm0 =	vgt.s32 v2, $0x7A1FF;
	vm14 =	vgt.s32 v6, $0x7A1FF;
	[tilespmem:$0x1F990] =	vst v7  }
0x9d: {  	v2 =	vshll.u32 v2, $0x1;
	v16 =	vsel vm0, $0xFFF0BC01, v0;
	v7 =	vld [tilespmem:s11+$0x60];
	[tilespmem:s8+$0x160] =	vst v9;
	v3 =	vsel vm14, $0xFFF0BC01, v0  }
0x9e: {  	v2 =	vadd.s32 v2, v16;
	[tilespmem:$0x1F9B0] =	vst v3  }
0x9f: {  	[tilespmem:s11+$0x3F0] =	vst v2;
	v2 =	vshll.u32 v6, $0x1  }
0xa0: {  	v6 =	vshll.u32 v8, $0x1;
	[tilespmem:$0x1F9C0] =	vst v2  }
0xa1: {  	vm15 =	vgt.s32 v8, $0x7A1FF;
	v8 =	vshll.u32 v25, $0x1;
	[tilespmem:$0x1F9E0] =	vst v6  }
0xa2: {  	v2 =	vsel vm15, $0xFFF0BC01, v0;
	[tilespmem:$0x1FA00] =	vst v8  }
0xa3: {  	v3 =	vld [tilespmem:s11+$0x70];
	vm4 =	vgt.s32 v25, $0x7A1FF;
	[tilespmem:$0x1F9D0] =	vst v2  }
0xa4: {  	v6 =	vsel vm4, $0xFFF0BC01, v0;
	v2 =	vld [tilespmem:s11+$0x80];
	[tilespmem:s8+$0x170] =	vst v15  }
0xa5: {  	vm5 =	vgt.s32 v1, $0x7A1FF;
	v1 =	vshll.u32 v1, $0x1;
	[tilespmem:$0x1F9F0] =	vst v6  }
0xa6: {  	[tilespmem:$0x1FA20] =	vst v1  }
0xa7: {  	v8 =	vsel vm5, $0xFFF0BC01, v0;
	v6 =	vld [tilespmem:s11+$0x90];
	[tilespmem:s8+$0x180] =	vst v18  }
0xa8: {  	v9 =	vshll.u32 v10, $0x1;
	[tilespmem:$0x1FA10] =	vst v8  }
0xa9: {  	vm6 =	vgt.s32 v10, $0x7A1FF;
	[tilespmem:$0x1FA40] =	vst v9  }
0xaa: {  	v1 =	vsel vm6, $0xFFF0BC01, v0;
	v8 =	vld [tilespmem:s11+$0xA0];
	[tilespmem:s8+$0x190] =	vst v21  }
0xab: {  	[tilespmem:$0x1FA30] =	vst v1  }
0xac: {  	vm7 =	vgt.s32 v7, $0x7A1FF;
	v7 =	vshll.u32 v7, $0x1;
	v1 =	vld [tilespmem:s11+$0xB0];
	[tilespmem:s8+$0x1A0] =	vst v23  }
0xad: {  	v9 =	vsel vm7, $0xFFF0BC01, v0;
	[tilespmem:$0x1FA60] =	vst v7  }
0xae: {  	[tilespmem:$0x1FA50] =	vst v9  }
0xaf: {  	vm8 =	vgt.s32 v3, $0x7A1FF;
	v3 =	vshll.u32 v3, $0x1;
	v9 =	vld [tilespmem:s11+$0xC0];
	[tilespmem:s8+$0x1B0] =	vst v26  }
0xb0: {  	v7 =	vsel vm8, $0xFFF0BC01, v0;
	[tilespmem:$0x1FA80] =	vst v3  }
0xb1: {  	[tilespmem:$0x1FA70] =	vst v7  }
0xb2: {  	vm9 =	vgt.s32 v2, $0x7A1FF;
	v7 =	vld [tilespmem:s11+$0xD0];
	[tilespmem:s8+$0x1C0] =	vst v29;
	v2 =	vshll.u32 v2, $0x1  }
0xb3: {  	v3 =	vsel vm9, $0xFFF0BC01, v0;
	[tilespmem:$0x1FAA0] =	vst v2  }
0xb4: {  	[tilespmem:$0x1FA90] =	vst v3  }
0xb5: {  	vm10 =	vgt.s32 v6, $0x7A1FF;
	v6 =	vshll.u32 v6, $0x1;
	v3 =	vld [tilespmem:s11+$0xE0];
	[tilespmem:s8+$0x1D0] =	vst v32  }
0xb6: {  	v2 =	vsel vm10, $0xFFF0BC01, v0;
	[tilespmem:$0x1FAC0] =	vst v6  }
0xb7: {  	[tilespmem:$0x1FAB0] =	vst v2  }
0xb8: {  	vm11 =	vgt.s32 v8, $0x7A1FF;
	v8 =	vshll.u32 v8, $0x1;
	v2 =	vld [tilespmem:s11+$0xF0];
	[tilespmem:s8+$0x1E0] =	vst v34  }
0xb9: {  	v6 =	vsel vm11, $0xFFF0BC01, v0;
	[tilespmem:$0x1FAE0] =	vst v8  }
0xba: {  	[tilespmem:$0x1FAD0] =	vst v6  }
0xbb: {  	vm12 =	vgt.s32 v1, $0x7A1FF;
	v1 =	vshll.u32 v1, $0x1;
	v6 =	vld [tilespmem:s11+$0x100];
	[tilespmem:s8+$0x1F0] =	vst v38  }
0xbc: {  	v8 =	vsel vm12, $0xFFF0BC01, v0;
	[tilespmem:$0x1FB00] =	vst v1  }
0xbd: {  	[tilespmem:$0x1FAF0] =	vst v8  }
0xbe: {  	vm13 =	vgt.s32 v9, $0x7A1FF;
	v9 =	vshll.u32 v9, $0x1;
	v8 =	vld [tilespmem:s11+$0x110];
	[tilespmem:s8+$0x200] =	vst v40  }
0xbf: {  	v1 =	vsel vm13, $0xFFF0BC01, v0;
	[tilespmem:$0x1FB20] =	vst v9  }
0xc0: {  	[tilespmem:$0x1FB10] =	vst v1  }
0xc1: {  	vm14 =	vgt.s32 v7, $0x7A1FF;
	v7 =	vshll.u32 v7, $0x1;
	v1 =	vld [tilespmem:s11+$0x120];
	[tilespmem:s8+$0x210] =	vst v37  }
0xc2: {  	v9 =	vsel vm14, $0xFFF0BC01, v0;
	[tilespmem:$0x1FB40] =	vst v7  }
0xc3: {  	[tilespmem:$0x1FB30] =	vst v9  }
0xc4: {  	vm15 =	vgt.s32 v3, $0x7A1FF;
	v9 =	vld [tilespmem:s11+$0x130];
	[tilespmem:s8+$0x220] =	vst v36;
	v3 =	vshll.u32 v3, $0x1  }
0xc5: {  	v7 =	vsel vm15, $0xFFF0BC01, v0;
	[tilespmem:$0x1FB60] =	vst v3  }
0xc6: {  	[tilespmem:$0x1FB50] =	vst v7  }
0xc7: {  	vm4 =	vgt.s32 v2, $0x7A1FF;
	v2 =	vshll.u32 v2, $0x1;
	v7 =	vld [tilespmem:s11+$0x140];
	[tilespmem:s8+$0x230] =	vst v31  }
0xc8: {  	v3 =	vsel vm4, $0xFFF0BC01, v0;
	[tilespmem:$0x1FB80] =	vst v2  }
0xc9: {  	vm5 =	vgt.s32 v6, $0x7A1FF;
	[tilespmem:$0x1FB70] =	vst v3  }
0xca: {  	v3 =	vld [tilespmem:s11+$0x150];
	[tilespmem:s8+$0x240] =	vst v5;
	v2 =	vsel vm5, $0xFFF0BC01, v0  }
0xcb: {  	[tilespmem:$0x1FB90] =	vst v2  }
0xcc: {  	vm6 =	vgt.s32 v8, $0x7A1FF;
	v5 =	vshll.u32 v6, $0x1;
	v2 =	vld [tilespmem:s11+$0x160];
	[tilespmem:s8+$0x250] =	vst v14  }
0xcd: {  	[tilespmem:$0x1FBA0] =	vst v5;
	v5 =	vsel vm6, $0xFFF0BC01, v0;
	vm7 =	vgt.s32 v1, $0x7A1FF  }
0xce: {  	[tilespmem:$0x1FBB0] =	vst v5;
	v5 =	vsel vm7, $0xFFF0BC01, v0;
	vm9 =	vgt.s32 v7, $0x7A1FF  }
0xcf: {  	[tilespmem:$0x1FBC0] =	vst v5;
	v5 =	vsel vm9, $0xFFF0BC01, v0  }
0xd0: {  	[tilespmem:$0x1FBE0] =	vst v5;
	v5 =	vld [tilespmem:$0x1FED0]  }
0xd1: {  	v6 =	vld [tilespmem:s11+$0x170];
	[tilespmem:s8+$0x260] =	vst v17;
	vm8 =	vgt.s32 v9, $0x7A1FF  }
0xd2: {  	v27 =	vshll.u32 v8, $0x1;
	v25 =	vshll.u32 v1, $0x1;
	v8 =	vld [tilespmem:s11+$0x180];
	[tilespmem:s8+$0x270] =	vst v11;
	v1 =	vsel vm8, $0xFFF0BC01, v0  }
0xd3: {  	[tilespmem:$0x1FBD0] =	vst v1  }
0xd4: {  	v1 =	vld [tilespmem:s11+$0x190];
	[tilespmem:s8+$0x280] =	vst v46;
	vm10 =	vgt.s32 v3, $0x7A1FF  }
0xd5: {  	v11 =	vld [tilespmem:s11+$0x1A0];
	[tilespmem:s8+$0x290] =	vst v5;
	v5 =	vsel vm10, $0xFFF0BC01, v0  }
0xd6: {  	[tilespmem:$0x1FBF0] =	vst v5;
	v5 =	vld [tilespmem:$0x1FEE0];
	_ =	sdelay $0x3  }
0xd7: {  	v14 =	vld [tilespmem:s11+$0x1B0]  }
0xd8: {  	vm11 =	vgt.s32 v2, $0x7A1FF;
	[tilespmem:s8+$0x2A0] =	vst v5;
	v5 =	vld [tilespmem:$0x1FEF0]  }
0xd9: {  	v10 =	vshll.u32 v7, $0x1;
	v7 =	vshll.u32 v3, $0x1;
	v3 =	vsel vm11, $0xFFF0BC01, v0  }
0xda: {  	[tilespmem:$0x1FC00] =	vst v3;
	v3 =	vld [tilespmem:s11+$0x1C0];
	_ =	sdelay $0x2  }
0xdb: {  	v16 =	vshll.u32 v9, $0x1;
	v9 =	vshll.u32 v2, $0x1;
	vm12 =	vgt.s32 v6, $0x7A1FF;
	[tilespmem:s8+$0x2B0] =	vst v5;
	v5 =	vld [tilespmem:$0x1FF00]  }
0xdc: {  	v2 =	vsel vm12, $0xFFF0BC01, v0;
	vm14 =	vgt.s32 v1, $0x7A1FF;
	vm15 =	vgt.s32 v11, $0x7A1FF  }
0xdd: {  	[tilespmem:$0x1FC10] =	vst v2;
	v21 =	vshll.u32 v1, $0x1;
	v1 =	vsel vm15, $0xFFF0BC01, v0;
	vm5 =	vgt.s32 v3, $0x7A1FF  }
0xde: {  	vm13 =	vgt.s32 v8, $0x7A1FF;
	v18 =	vshll.u32 v8, $0x1;
	[tilespmem:$0x1FC40] =	vst v1;
	v8 =	vsel vm5, $0xFFF0BC01, v0  }
0xdf: {  	[tilespmem:$0x1FC60] =	vst v8  }
0xe0: {  	v2 =	vld [tilespmem:s11+$0x1D0];
	[tilespmem:s8+$0x2C0] =	vst v5;
	v5 =	vsel vm13, $0xFFF0BC01, v0  }
0xe1: {  	[tilespmem:$0x1FC20] =	vst v5  }
0xe2: {  	v15 =	vshll.u32 v6, $0x1;
	v6 =	vld [tilespmem:s11+$0x1E0];
	[tilespmem:s8+$0x2D0] =	vst v24;
	v5 =	vsel vm14, $0xFFF0BC01, v0  }
0xe3: {  	[tilespmem:$0x1FC30] =	vst v5  }
0xe4: {  	vm4 =	vgt.s32 v14, $0x7A1FF;
	v5 =	vld [tilespmem:s11+$0x1F0];
	[tilespmem:s8+$0x2E0] =	vst v4  }
0xe5: {  	vm6 =	vgt.s32 v2, $0x7A1FF;
	v4 =	vsel vm4, $0xFFF0BC01, v0;
	v1 =	vld [tilespmem:s11+$0x200];
	[tilespmem:s8+$0x2F0] =	vst v20  }
0xe6: {  	v29 =	vshll.u32 v3, $0x1;
	v3 =	vsel vm6, $0xFFF0BC01, v0;
	[tilespmem:$0x1FC50] =	vst v4  }
0xe7: {  	v49 =	vadd.s32 v49, v28;
	[tilespmem:$0x1FC70] =	vst v3  }
0xe8: {  	v50 =	vadd.s32 v53, v50;
	v4 =	vld [tilespmem:s11+$0x210];
	[tilespmem:s8+$0x300] =	vst v49  }
0xe9: {  	v44 =	vadd.s32 v56, v52;
	v8 =	vld [tilespmem:s11+$0x220];
	[tilespmem:s8+$0x310] =	vst v50;
	vm7 =	vgt.s32 v6, $0x7A1FF  }
0xea: {  	v32 =	vshll.u32 v2, $0x1;
	v3 =	vld [tilespmem:s11+$0x230];
	[tilespmem:s8+$0x320] =	vst v44;
	v2 =	vsel vm7, $0xFFF0BC01, v0  }
0xeb: {  	vm8 =	vgt.s32 v5, $0x7A1FF;
	[tilespmem:$0x1FC80] =	vst v2  }
0xec: {  	v34 =	vshll.u32 v6, $0x1;
	v2 =	vld [tilespmem:s11+$0x240];
	[tilespmem:s8+$0x330] =	vst v39;
	v6 =	vsel vm8, $0xFFF0BC01, v0  }
0xed: {  	vm9 =	vgt.s32 v1, $0x7A1FF;
	[tilespmem:$0x1FC90] =	vst v6  }
0xee: {  	v38 =	vshll.u32 v5, $0x1;
	v6 =	vld [tilespmem:s11+$0x250];
	[tilespmem:s8+$0x340] =	vst v59;
	v5 =	vsel vm9, $0xFFF0BC01, v0  }
0xef: {  	v56 =	vadd.s32 v19, v62;
	vm10 =	vgt.s32 v4, $0x7A1FF;
	[tilespmem:$0x1FCA0] =	vst v5  }
0xf0: {  	v40 =	vshll.u32 v1, $0x1;
	v5 =	vld [tilespmem:s11+$0x260];
	[tilespmem:s8+$0x350] =	vst v56;
	v1 =	vsel vm10, $0xFFF0BC01, v0  }
0xf1: {  	v60 =	vadd.s32 v30, v13;
	vm11 =	vgt.s32 v8, $0x7A1FF;
	[tilespmem:$0x1FCB0] =	vst v1  }
0xf2: {  	v37 =	vshll.u32 v4, $0x1;
	v1 =	vld [tilespmem:s11+$0x270];
	[tilespmem:s8+$0x360] =	vst v60;
	v4 =	vsel vm11, $0xFFF0BC01, v0  }
0xf3: {  	v30 =	vadd.s32 v43, v33;
	vm12 =	vgt.s32 v3, $0x7A1FF;
	[tilespmem:$0x1FCC0] =	vst v4  }
0xf4: {  	v36 =	vshll.u32 v8, $0x1;
	v4 =	vld [tilespmem:s11+$0x280];
	[tilespmem:s8+$0x370] =	vst v30;
	v8 =	vsel vm12, $0xFFF0BC01, v0  }
0xf5: {  	v19 =	vadd.s32 v51, v41;
	[tilespmem:$0x1FCD0] =	vst v8  }
0xf6: {  	vm13 =	vgt.s32 v2, $0x7A1FF;
	v8 =	vld [tilespmem:s11+$0x290];
	[tilespmem:s8+$0x380] =	vst v19;
	v2 =	vshll.u32 v2, $0x1  }
0xf7: {  	v31 =	vshll.u32 v3, $0x1;
	v3 =	vsel vm13, $0xFFF0BC01, v0;
	[tilespmem:$0x1FCF0] =	vst v2  }
0xf8: {  	v13 =	vadd.s32 v54, v48;
	[tilespmem:$0x1FCE0] =	vst v3  }
0xf9: {  	vm14 =	vgt.s32 v6, $0x7A1FF;
	v6 =	vshll.u32 v6, $0x1;
	v3 =	vld [tilespmem:s11+$0x2A0];
	[tilespmem:s8+$0x390] =	vst v13  }
0xfa: {  	v2 =	vsel vm14, $0xFFF0BC01, v0;
	[tilespmem:$0x1FD10] =	vst v6  }
0xfb: {  	v61 =	vadd.s32 v61, v57;
	vm15 =	vgt.s32 v5, $0x7A1FF;
	[tilespmem:$0x1FD00] =	vst v2  }
0xfc: {  	v2 =	vld [tilespmem:s11+$0x2B0];
	[tilespmem:s8+$0x3A0] =	vst v61;
	v6 =	vsel vm15, $0xFFF0BC01, v0  }
0xfd: {  	v62 =	vadd.s32 v22, v58;
	[tilespmem:$0x1FD20] =	vst v6  }
0xfe: {  	vm4 =	vgt.s32 v1, $0x7A1FF;
	v1 =	vshll.u32 v1, $0x1;
	v6 =	vld [tilespmem:s11+$0x2C0];
	[tilespmem:s8+$0x3B0] =	vst v62  }
0xff: {  	[tilespmem:$0x1FD50] =	vst v1  }
0x100: {  	vm5 =	vgt.s32 v4, $0x7A1FF;
	v4 =	vshll.u32 v4, $0x1;
	v13 =	vld [tilespmem:s11+$0x2D0];
	[tilespmem:s8+$0x3C0] =	vst v63  }
0x101: {  	v1 =	vsel vm5, $0xFFF0BC01, v0;
	[tilespmem:$0x1FD70] =	vst v4  }
0x102: {  	v22 =	vadd.s32 v47, v42;
	vm6 =	vgt.s32 v8, $0x7A1FF;
	[tilespmem:$0x1FD60] =	vst v1  }
0x103: {  	v1 =	vld [tilespmem:s11+$0x2E0];
	[tilespmem:s8+$0x3D0] =	vst v22;
	v4 =	vsel vm6, $0xFFF0BC01, v0  }
0x104: {  	[tilespmem:$0x1FD80] =	vst v4  }
0x105: {  	v19 =	vld [tilespmem:s11+$0x2F0];
	[tilespmem:s8+$0x3E0] =	vst v12;
	v4 =	vshll.u32 v8, $0x1  }
0x106: {  	vm7 =	vgt.s32 v3, $0x7A1FF;
	s8 =	smov.u32 s11;
	v3 =	vshll.u32 v3, $0x1;
	[tilespmem:$0x1FD90] =	vst v4  }
0x107: {  	v4 =	vsel vm7, $0xFFF0BC01, v0;
	vm8 =	vgt.s32 v2, $0x7A1FF;
	[tilespmem:$0x1FDB0] =	vst v3;
	v39 =	vld [tilespmem:s8+$0x390]  }
0x108: {  	[tilespmem:$0x1FDA0] =	vst v4;
	v3 =	vsel vm8, $0xFFF0BC01, v0;
	v4 =	vld [tilespmem:$0x1F9A0]  }
0x109: {  	[tilespmem:$0x1FDC0] =	vst v3;
	v3 =	vld [tilespmem:$0x1F990]  }
0x10a: {  	v2 =	vshll.u32 v2, $0x1;
	vm9 =	vgt.s32 v6, $0x7A1FF  }
0x10b: {  	[tilespmem:$0x1FDD0] =	vst v2;
	v2 =	vsel vm9, $0xFFF0BC01, v0  }
0x10c: {  	vm10 =	vgt.s32 v13, $0x7A1FF;
	[tilespmem:$0x1FDE0] =	vst v2;
	v2 =	vshll.u32 v6, $0x1  }
0x10d: {  	v22 =	vld [tilespmem:s8+$0x310];
	[tilespmem:$0x1FDF0] =	vst v2;
	v2 =	vsel vm10, $0xFFF0BC01, v0  }
0x10e: {  	vm10 =	vgt.s32 v39, $0x7A1FF;
	v54 =	vshll.u32 v39, $0x1;
	v39 =	vadd.s32 v4, v3;
	v3 =	vld [tilespmem:$0x1F9B0]  }
0x10f: {  	v4 =	vld [tilespmem:$0x1F9C0]  }
0x110: {  	v30 =	vld [tilespmem:s8+$0x320]  }
0x111: {  	v45 =	vld [tilespmem:s8+$0x3B0]  }
0x112: {  	v46 =	vld [tilespmem:s8+$0x3E0]  }
0x113: {  	vm14 =	vgt.s32 v22, $0x7A1FF;
	v53 =	vshll.u32 v22, $0x1;
	v22 =	vld [tilespmem:s8+$0x380]  }
0x114: {  	v44 =	vadd.s32 v4, v3;
	v3 =	vld [tilespmem:$0x1F9D0]  }
0x115: {  	v4 =	vld [tilespmem:$0x1F9E0]  }
0x116: {  	vm11 =	vgt.s32 v1, $0x7A1FF  }
0x117: {  	v1 =	vshll.u32 v1, $0x1;
	vm12 =	vgt.s32 v19, $0x7A1FF;
	vm15 =	vgt.s32 v30, $0x7A1FF  }
0x118: {  	[tilespmem:$0x1FE30] =	vst v1;
	v1 =	vsel vm12, $0xFFF0BC01, v0;
	vm12 =	vgt.s32 v45, $0x7A1FF;
	v52 =	vsel vm15, $0xFFF0BC01, v0  }
0x119: {  	vm15 =	vgt.s32 v46, $0x7A1FF;
	vm9 =	vgt.s32 v22, $0x7A1FF;
	v51 =	vshll.u32 v22, $0x1  }
0x11a: {  	v22 =	vshll.u32 v45, $0x1;
	v45 =	vshll.u32 v46, $0x1;
	v46 =	vadd.s32 v4, v3;
	v3 =	vld [tilespmem:$0x1F9F0]  }
0x11b: {  	v4 =	vld [tilespmem:$0x1FA00];
	_ =	sdelay $0x4  }
0x11c: {  	[tilespmem:s8+$0x0] =	vst v39;
	v39 =	vadd.s32 v4, v3;
	v3 =	vld [tilespmem:$0x1FA10]  }
0x11d: {  	v4 =	vld [tilespmem:$0x1FA20];
	_ =	sdelay $0x4  }
0x11e: {  	v23 =	vshll.u32 v11, $0x1;
	v11 =	vadd.s32 v4, v3;
	v3 =	vld [tilespmem:$0x1FA30]  }
0x11f: {  	v4 =	vld [tilespmem:$0x1FA40];
	_ =	sdelay $0x4  }
0x120: {  	v26 =	vshll.u32 v14, $0x1;
	v14 =	vadd.s32 v4, v3;
	v3 =	vld [tilespmem:$0x1FA50]  }
0x121: {  	v4 =	vld [tilespmem:$0x1FA60];
	_ =	sdelay $0x2  }
0x122: {  	v5 =	vshll.u32 v5, $0x1  }
0x123: {  	[tilespmem:$0x1FD30] =	vst v5;
	v5 =	vsel vm4, $0xFFF0BC01, v0  }
0x124: {  	[tilespmem:$0x1FD40] =	vst v5;
	v5 =	vadd.s32 v4, v3  }
0x125: {  	[tilespmem:s8+$0x60] =	vst v5;
	v5 =	vld [tilespmem:$0x1FBF0];
	_ =	sdelay $0x4  }
0x126: {  	v7 =	vadd.s32 v7, v5;
	v5 =	vld [tilespmem:$0x1FC00];
	_ =	sdelay $0x4  }
0x127: {  	v9 =	vadd.s32 v9, v5;
	v5 =	vld [tilespmem:$0x1FC10];
	_ =	sdelay $0x4  }
0x128: {  	v15 =	vadd.s32 v15, v5;
	v5 =	vld [tilespmem:$0x1FC20];
	_ =	sdelay $0x1  }
0x129: {  	v3 =	vld [tilespmem:$0x1FA70]  }
0x12a: {  	v4 =	vld [tilespmem:$0x1FA80];
	_ =	sdelay $0x1  }
0x12b: {  	v18 =	vadd.s32 v18, v5;
	v5 =	vld [tilespmem:$0x1FC30];
	_ =	sdelay $0x2  }
0x12c: {  	v6 =	vadd.s32 v4, v3;
	v3 =	vld [tilespmem:$0x1FA90]  }
0x12d: {  	v4 =	vld [tilespmem:$0x1FAA0]  }
0x12e: {  	v21 =	vadd.s32 v21, v5;
	v5 =	vld [tilespmem:$0x1FC40];
	_ =	sdelay $0x3  }
0x12f: {  	v8 =	vadd.s32 v4, v3;
	v3 =	vld [tilespmem:$0x1FAB0]  }
0x130: {  	v23 =	vadd.s32 v23, v5;
	v5 =	vld [tilespmem:$0x1FC50]  }
0x131: {  	v4 =	vld [tilespmem:$0x1FAC0];
	_ =	sdelay $0x3  }
0x132: {  	v26 =	vadd.s32 v26, v5;
	v5 =	vld [tilespmem:$0x1FC60]  }
0x133: {  	[tilespmem:s8+$0x20] =	vst v46;
	v46 =	vadd.s32 v4, v3;
	v3 =	vld [tilespmem:$0x1FAD0]  }
0x134: {  	v4 =	vld [tilespmem:$0x1FAE0];
	_ =	sdelay $0x2  }
0x135: {  	v29 =	vadd.s32 v29, v5;
	v5 =	vld [tilespmem:$0x1FC70];
	_ =	sdelay $0x1  }
0x136: {  	v17 =	vadd.s32 v4, v3;
	v3 =	vld [tilespmem:$0x1FAF0]  }
0x137: {  	v4 =	vld [tilespmem:$0x1FB00];
	_ =	sdelay $0x1  }
0x138: {  	v32 =	vadd.s32 v32, v5;
	v5 =	vld [tilespmem:$0x1FC80];
	_ =	sdelay $0x2  }
0x139: {  	v20 =	vadd.s32 v4, v3;
	v3 =	vld [tilespmem:$0x1FB10]  }
0x13a: {  	v4 =	vld [tilespmem:$0x1FB20]  }
0x13b: {  	v34 =	vadd.s32 v34, v5;
	v5 =	vld [tilespmem:$0x1FC90];
	_ =	sdelay $0x2  }
0x13c: {  	v24 =	vld [tilespmem:$0x1FB40]  }
0x13d: {  	v3 =	vadd.s32 v4, v3;
	v4 =	vld [tilespmem:$0x1FB30]  }
0x13e: {  	v38 =	vadd.s32 v38, v5;
	v5 =	vld [tilespmem:$0x1FCA0];
	_ =	sdelay $0x2  }
0x13f: {  	[tilespmem:s8+$0x10] =	vst v44;
	v44 =	vld [tilespmem:$0x1FB60]  }
0x140: {  	v4 =	vadd.s32 v24, v4;
	v24 =	vld [tilespmem:$0x1FB50]  }
0x141: {  	v40 =	vadd.s32 v40, v5;
	v5 =	vld [tilespmem:$0x1FCB0];
	_ =	sdelay $0x2  }
0x142: {  	[tilespmem:s8+$0x40] =	vst v11;
	v11 =	vld [tilespmem:$0x1FB70]  }
0x143: {  	v24 =	vadd.s32 v44, v24;
	v44 =	vld [tilespmem:$0x1FB80]  }
0x144: {  	v37 =	vadd.s32 v37, v5;
	v5 =	vld [tilespmem:$0x1FCC0];
	_ =	sdelay $0x2  }
0x145: {  	[tilespmem:s8+$0x30] =	vst v39;
	v39 =	vld [tilespmem:$0x1FBA0]  }
0x146: {  	v44 =	vadd.s32 v44, v11;
	v11 =	vld [tilespmem:$0x1FB90]  }
0x147: {  	v36 =	vadd.s32 v36, v5;
	v5 =	vld [tilespmem:$0x1FCD0];
	_ =	sdelay $0x2  }
0x148: {  	[tilespmem:s8+$0x70] =	vst v6;
	v6 =	vld [tilespmem:$0x1FCF0]  }
0x149: {  	v39 =	vadd.s32 v39, v11;
	v11 =	vld [tilespmem:$0x1FBB0]  }
0x14a: {  	v31 =	vadd.s32 v31, v5;
	v5 =	vld [tilespmem:$0x1FCE0];
	_ =	sdelay $0x2  }
0x14b: {  	[tilespmem:s8+$0x80] =	vst v8;
	v8 =	vld [tilespmem:$0x1FD10]  }
0x14c: {  	v27 =	vadd.s32 v27, v11;
	v11 =	vld [tilespmem:$0x1FBC0]  }
0x14d: {  	v5 =	vadd.s32 v6, v5;
	v6 =	vld [tilespmem:$0x1FD00];
	_ =	sdelay $0x3  }
0x14e: {  	v25 =	vadd.s32 v25, v11;
	v11 =	vld [tilespmem:$0x1FBD0]  }
0x14f: {  	[tilespmem:s8+$0x50] =	vst v14;
	v14 =	vadd.s32 v8, v6;
	v6 =	vld [tilespmem:$0x1FD20]  }
0x150: {  	v8 =	vld [tilespmem:$0x1FD30];
	_ =	sdelay $0x2  }
0x151: {  	[tilespmem:s8+$0xC0] =	vst v3;
	v3 =	vld [tilespmem:$0x1FD40]  }
0x152: {  	v16 =	vadd.s32 v16, v11;
	v11 =	vld [tilespmem:$0x1FBE0]  }
0x153: {  	[tilespmem:s8+$0xA0] =	vst v17;
	v17 =	vadd.s32 v8, v6;
	v6 =	vld [tilespmem:$0x1FD50];
	_ =	sdelay $0x4  }
0x154: {  	v10 =	vadd.s32 v10, v11;
	v11 =	vadd.s32 v6, v3;
	v3 =	vld [tilespmem:$0x1FD60]  }
0x155: {  	v6 =	vld [tilespmem:$0x1FD70];
	_ =	sdelay $0x4  }
0x156: {  	[tilespmem:s8+$0x90] =	vst v46;
	v46 =	vadd.s32 v6, v3;
	v3 =	vld [tilespmem:$0x1FD80]  }
0x157: {  	v6 =	vld [tilespmem:$0x1FD90];
	_ =	sdelay $0x4  }
0x158: {  	[tilespmem:s8+$0xD0] =	vst v4;
	v4 =	vld [tilespmem:$0x1FDB0];
	v3 =	vadd.s32 v6, v3  }
0x159: {  	[tilespmem:$0x1FED0] =	vst v3;
	v3 =	vld [tilespmem:$0x1FDA0];
	_ =	sdelay $0x4  }
0x15a: {  	v3 =	vadd.s32 v4, v3;
	v4 =	vld [tilespmem:$0x1FDD0]  }
0x15b: {  	[tilespmem:$0x1FEE0] =	vst v3;
	v3 =	vld [tilespmem:$0x1FDC0];
	_ =	sdelay $0x4  }
0x15c: {  	v3 =	vadd.s32 v4, v3;
	v4 =	vld [tilespmem:$0x1FDF0]  }
0x15d: {  	[tilespmem:$0x1FEF0] =	vst v3;
	v3 =	vld [tilespmem:$0x1FDE0];
	_ =	sdelay $0x2  }
0x15e: {  	v12 =	vld [tilespmem:s8+$0x300];
	[tilespmem:$0x1FE00] =	vst v2;
	v2 =	vshll.u32 v13, $0x1  }
0x15f: {  	v33 =	vld [tilespmem:s8+$0x330];
	[tilespmem:$0x1FE10] =	vst v2  }
0x160: {  	v3 =	vadd.s32 v4, v3;
	v4 =	vld [tilespmem:$0x1FE10]  }
0x161: {  	[tilespmem:$0x1FF00] =	vst v3;
	v3 =	vld [tilespmem:$0x1FE00]  }
0x162: {  	v35 =	vld [tilespmem:s8+$0x360]  }
0x163: {  	v42 =	vld [tilespmem:s8+$0x3A0]  }
0x164: {  	v47 =	vld [tilespmem:s8+$0x3D0];
	v2 =	vsel vm11, $0xFFF0BC01, v0;
	[tilespmem:$0x1FE40] =	vst v1  }
0x165: {  	vm13 =	vgt.s32 v12, $0x7A1FF;
	v1 =	vld [tilespmem:s8+$0x350];
	[tilespmem:$0x1FE20] =	vst v2  }
0x166: {  	v49 =	vshll.u32 v12, $0x1;
	vm4 =	vgt.s32 v33, $0x7A1FF;
	[tilespmem:s8+$0xE0] =	vst v24;
	v24 =	vadd.s32 v4, v3;
	v3 =	vld [tilespmem:$0x1FE20]  }
0x167: {  	v56 =	vshll.u32 v30, $0x1;
	v59 =	vshll.u32 v33, $0x1;
	vm7 =	vgt.s32 v35, $0x7A1FF;
	v4 =	vld [tilespmem:$0x1FE30]  }
0x168: {  	v13 =	vld [tilespmem:s8+$0x340];
	v30 =	vshll.u32 v35, $0x1;
	v61 =	vshll.u32 v42, $0x1;
	v28 =	vsel vm13, $0xFFF0BC01, v0  }
0x169: {  	v12 =	vld [tilespmem:s8+$0x370];
	v50 =	vsel vm14, $0xFFF0BC01, v0;
	v55 =	vsel vm4, $0xFFF0BC01, v0;
	v48 =	vsel vm10, $0xFFF0BC01, v0  }
0x16a: {  	vm11 =	vgt.s32 v42, $0x7A1FF;
	v58 =	vsel vm12, $0xFFF0BC01, v0;
	vm14 =	vgt.s32 v47, $0x7A1FF  }
0x16b: {  	v2 =	vshll.u32 v19, $0x1;
	vm6 =	vgt.s32 v1, $0x7A1FF;
	v19 =	vshll.u32 v1, $0x1;
	v1 =	vld [tilespmem:s8+$0x3C0]  }
0x16c: {  	p0 =	sne.s32 s12, $0x18000;
	v47 =	vshll.u32 v47, $0x1;
	v57 =	vsel vm11, $0xFFF0BC01, v0;
	v4 =	vadd.s32 v4, v3;
	v3 =	vld [tilespmem:$0x1FE40]  }
.Ltmp0:
0x16d: {  	v42 =	vsel vm14, $0xFFF0BC01, v0;
	vm5 =	vgt.s32 v13, $0x7A1FF;
	v63 =	vshll.u32 v13, $0x1;
	(pc) =	sbr.rel @p0 .LBB2_2-.Ltmp0, $4  }
0x16e: {  	v13 =	vsel vm7, $0xFFF0BC01, v0;
	vm8 =	vgt.s32 v12, $0x7A1FF;
	v43 =	vshll.u32 v12, $0x1  }
0x16f: {  	v60 =	vsel vm5, $0xFFF0BC01, v0;
	v33 =	vsel vm8, $0xFFF0BC01, v0;
	v41 =	vsel vm9, $0xFFF0BC01, v0  }
0x170: {  	v62 =	vsel vm6, $0xFFF0BC01, v0;
	vm13 =	vgt.s32 v1, $0x7A1FF;
	v35 =	vshll.u32 v1, $0x1  }
0x171: {  	s11 =	sshra.s32 s12, $0x2;
	s12 =	sadd.s32 $0x1000, s12;
	v1 =	vsel vm15, $0xFFF0BC01, v0;
	v12 =	vsel vm13, $0xFFF0BC01, v0;
	[tilespmem:s8+$0xB0] =	vst v20;
	v20 =	vadd.s32 v2, v3  }
0x172: {  	v2 =	vld [tilespmem:s11+$0x3F0];
	[tilespmem:$0x1F8C0] =	vst v4  }
0x173: {  	v4 =	vld [tilespmem:s11+$0x0];
	[tilespmem:$0x1F8B0] =	vst v24  }
0x174: {  	v3 =	vld [tilespmem:s11+$0x30];
	_ =	sdelay $0x3  }
0x175: {  	v24 =	vld [tilespmem:s11+$0x10]  }
0x176: {  	v6 =	vld [tilespmem:s11+$0x20];
	[tilespmem:$0x1F890] =	vst v3  }
0x177: {  	v3 =	vld [tilespmem:s11+$0x40];
	_ =	sdelay $0x4  }
0x178: {  	[tilespmem:$0x1F8A0] =	vst v3  }
0x179: {  	v3 =	vld [tilespmem:s11+$0x50];
	_ =	sdelay $0x4  }
0x17a: {  	[tilespmem:$0x1F8D0] =	vst v3  }
0x17b: {  	v8 =	vld [tilespmem:s11+$0x60];
	_ =	sdelay $0x2  }
0x17c: {  	vm0 =	vgt.s32 v2, $0x7A1FF  }
0x17d: {  	v3 =	vshll.u32 v2, $0x1;
	v2 =	vsel vm0, $0xFFF0BC01, v0  }
0x17e: {  	v2 =	vadd.s32 v3, v2;
	[tilespmem:$0x1F8E0] =	vst v8  }
0x17f: {  	[tilespmem:s11+$0x3F0] =	vst v2;
	v2 =	vld [tilespmem:s11+$0x80];
	_ =	sdelay $0x4  }
0x180: {  	v3 =	vld [tilespmem:s11+$0x70];
	[tilespmem:$0x1F8F0] =	vst v2  }
0x181: {  	v2 =	vld [tilespmem:s11+$0x90];
	_ =	sdelay $0x4  }
0x182: {  	[tilespmem:$0x1F900] =	vst v2  }
0x183: {  	v2 =	vld [tilespmem:s11+$0xA0];
	_ =	sdelay $0x4  }
0x184: {  	[tilespmem:$0x1F910] =	vst v2  }
0x185: {  	v2 =	vld [tilespmem:s11+$0xB0];
	_ =	sdelay $0x4  }
0x186: {  	[tilespmem:$0x1F920] =	vst v2  }
0x187: {  	v2 =	vld [tilespmem:s11+$0xC0];
	_ =	sdelay $0x4  }
0x188: {  	[tilespmem:$0x1F930] =	vst v2  }
0x189: {  	v2 =	vld [tilespmem:s11+$0xD0];
	_ =	sdelay $0x4  }
0x18a: {  	[tilespmem:$0x1F940] =	vst v2  }
0x18b: {  	v2 =	vld [tilespmem:s11+$0xE0];
	_ =	sdelay $0x4  }
0x18c: {  	[tilespmem:$0x1F950] =	vst v2  }
0x18d: {  	[tilespmem:s8+$0xF0] =	vst v44  }
0x18e: {  	[tilespmem:s8+$0x100] =	vst v39  }
0x18f: {  	[tilespmem:s8+$0x110] =	vst v27  }
0x190: {  	[tilespmem:s8+$0x120] =	vst v25  }
0x191: {  	[tilespmem:s8+$0x130] =	vst v16  }
0x192: {  	[tilespmem:s8+$0x140] =	vst v10  }
0x193: {  	[tilespmem:s8+$0x150] =	vst v7  }
0x194: {  	[tilespmem:s8+$0x160] =	vst v9  }
0x195: {  	[tilespmem:s8+$0x170] =	vst v15  }
0x196: {  	[tilespmem:s8+$0x180] =	vst v18  }
0x197: {  	[tilespmem:s8+$0x190] =	vst v21  }
0x198: {  	[tilespmem:s8+$0x1A0] =	vst v23  }
0x199: {  	[tilespmem:s8+$0x1B0] =	vst v26  }
0x19a: {  	[tilespmem:s8+$0x1C0] =	vst v29  }
0x19b: {  	[tilespmem:s8+$0x1D0] =	vst v32  }
0x19c: {  	v44 =	vld [tilespmem:s11+$0xF0];
	[tilespmem:s8+$0x1E0] =	vst v34  }
0x19d: {  	v39 =	vld [tilespmem:s11+$0x100];
	[tilespmem:s8+$0x1F0] =	vst v38  }
0x19e: {  	v27 =	vld [tilespmem:s11+$0x110];
	[tilespmem:s8+$0x200] =	vst v40  }
0x19f: {  	v25 =	vld [tilespmem:s11+$0x120];
	[tilespmem:s8+$0x210] =	vst v37  }
0x1a0: {  	v16 =	vld [tilespmem:s11+$0x130];
	[tilespmem:s8+$0x220] =	vst v36  }
0x1a1: {  	v10 =	vld [tilespmem:s11+$0x140];
	[tilespmem:s8+$0x230] =	vst v31  }
0x1a2: {  	v7 =	vld [tilespmem:s11+$0x150];
	[tilespmem:s8+$0x240] =	vst v5  }
0x1a3: {  	v9 =	vld [tilespmem:s11+$0x160];
	[tilespmem:s8+$0x250] =	vst v14  }
0x1a4: {  	v15 =	vld [tilespmem:s11+$0x170];
	[tilespmem:s8+$0x260] =	vst v17  }
0x1a5: {  	v18 =	vld [tilespmem:s11+$0x180];
	[tilespmem:s8+$0x270] =	vst v11  }
0x1a6: {  	v21 =	vld [tilespmem:s11+$0x190];
	[tilespmem:s8+$0x280] =	vst v46  }
0x1a7: {  	v11 =	vld [tilespmem:$0x1FED0]  }
0x1a8: {  	v23 =	vld [tilespmem:s11+$0x1A0]  }
0x1a9: {  	v26 =	vld [tilespmem:s11+$0x1B0]  }
0x1aa: {  	v29 =	vld [tilespmem:s11+$0x1C0]  }
0x1ab: {  	v32 =	vld [tilespmem:s11+$0x1D0]  }
0x1ac: {  	v34 =	vld [tilespmem:s11+$0x1E0];
	[tilespmem:s8+$0x290] =	vst v11  }
0x1ad: {  	v55 =	vadd.s32 v59, v55;
	v59 =	vadd.s32 v19, v62;
	v19 =	vld [tilespmem:$0x1FEE0]  }
0x1ae: {  	v38 =	vld [tilespmem:s11+$0x1F0]  }
0x1af: {  	v40 =	vld [tilespmem:s11+$0x200]  }
0x1b0: {  	v13 =	vadd.s32 v30, v13;
	v37 =	vld [tilespmem:s11+$0x210]  }
0x1b1: {  	v30 =	vadd.s32 v43, v33;
	v57 =	vadd.s32 v61, v57;
	vm14 =	vgt.s32 v4, $0x7A1FF;
	v36 =	vld [tilespmem:s11+$0x220]  }
0x1b2: {  	v61 =	vadd.s32 v45, v1;
	v4 =	vshll.u32 v4, $0x1;
	v1 =	vsel vm14, $0xFFF0BC01, v0;
	v31 =	vld [tilespmem:s11+$0x230];
	[tilespmem:s8+$0x2A0] =	vst v19  }
0x1b3: {  	vm1 =	vgt.s32 v24, $0x7A1FF;
	v33 =	vshll.u32 v24, $0x1;
	v24 =	vadd.s32 v4, v1;
	v1 =	vld [tilespmem:$0x1FEF0]  }
0x1b4: {  	v50 =	vadd.s32 v53, v50;
	v53 =	vadd.s32 v56, v52;
	v52 =	vld [tilespmem:s11+$0x240]  }
0x1b5: {  	v14 =	vld [tilespmem:s11+$0x250]  }
0x1b6: {  	v56 =	vadd.s32 v63, v60;
	v60 =	vadd.s32 v51, v41;
	v51 =	vld [tilespmem:s11+$0x260]  }
0x1b7: {  	v49 =	vadd.s32 v49, v28;
	v28 =	vld [tilespmem:s11+$0x270]  }
0x1b8: {  	v41 =	vld [tilespmem:s11+$0x280];
	[tilespmem:s8+$0x2B0] =	vst v1  }
0x1b9: {  	v63 =	vld [tilespmem:$0x1FF00]  }
0x1ba: {  	v2 =	vld [tilespmem:s11+$0x2C0]  }
0x1bb: {  	v54 =	vadd.s32 v54, v48;
	v48 =	vld [tilespmem:s11+$0x290]  }
0x1bc: {  	v43 =	vld [tilespmem:s11+$0x2A0]  }
0x1bd: {  	v19 =	vld [tilespmem:s11+$0x2B0]  }
0x1be: {  	v22 =	vadd.s32 v22, v58;
	v58 =	vadd.s32 v47, v42;
	v42 =	vld [tilespmem:$0x1F890];
	[tilespmem:s8+$0x2C0] =	vst v63  }
0x1bf: {  	[tilespmem:$0x1F960] =	vst v2;
	v2 =	vld [tilespmem:$0x1F8B0];
	_ =	sdelay $0x3  }
0x1c0: {  	vm15 =	vgt.s32 v6, $0x7A1FF  }
0x1c1: {  	v62 =	vshll.u32 v6, $0x1;
	v1 =	vsel vm15, $0xFFF0BC01, v0;
	v5 =	vld [tilespmem:$0x1F8A0];
	[tilespmem:s8+$0x2D0] =	vst v2  }
0x1c2: {  	v62 =	vadd.s32 v62, v1;
	v1 =	vld [tilespmem:$0x1F8C0];
	_ =	sdelay $0x4  }
0x1c3: {  	[tilespmem:s8+$0x2E0] =	vst v1  }
0x1c4: {  	v1 =	vld [tilespmem:$0x1F8D0];
	_ =	sdelay $0x4  }
0x1c5: {  	vm6 =	vgt.s32 v1, $0x7A1FF;
	v45 =	vshll.u32 v1, $0x1;
	v1 =	vld [tilespmem:s11+$0x2F0];
	_ =	sdelay $0x1  }
0x1c6: {  	v47 =	vsel vm1, $0xFFF0BC01, v0  }
0x1c7: {  	v46 =	vadd.s32 v33, v47;
	v47 =	vld [tilespmem:s11+$0x2D0];
	[tilespmem:s8+$0x2F0] =	vst v20  }
0x1c8: {  	v2 =	vld [tilespmem:$0x1F8E0]  }
0x1c9: {  	v11 =	vld [tilespmem:s11+$0x2E0];
	[tilespmem:$0x1F970] =	vst v1  }
0x1ca: {  	[tilespmem:s8+$0x300] =	vst v49  }
0x1cb: {  	[tilespmem:s8+$0x310] =	vst v50  }
0x1cc: {  	v35 =	vadd.s32 v35, v12;
	[tilespmem:s8+$0x320] =	vst v53  }
0x1cd: {  	vm8 =	vgt.s32 v3, $0x7A1FF;
	vm7 =	vgt.s32 v2, $0x7A1FF;
	v50 =	vshll.u32 v2, $0x1;
	v2 =	vld [tilespmem:$0x1F8F0];
	[tilespmem:s8+$0x330] =	vst v55  }
0x1ce: {  	v3 =	vshll.u32 v3, $0x1;
	vm4 =	vgt.s32 v42, $0x7A1FF;
	v49 =	vsel vm7, $0xFFF0BC01, v0;
	v1 =	vld [tilespmem:$0x1F900];
	[tilespmem:s8+$0x340] =	vst v56  }
0x1cf: {  	v8 =	vshll.u32 v42, $0x1;
	vm5 =	vgt.s32 v5, $0x7A1FF;
	v53 =	vadd.s32 v50, v49;
	v49 =	vld [tilespmem:$0x1F910]  }
0x1d0: {  	v17 =	vsel vm4, $0xFFF0BC01, v0;
	v42 =	vshll.u32 v5, $0x1;
	v33 =	vsel vm5, $0xFFF0BC01, v0  }
0x1d1: {  	v8 =	vadd.s32 v8, v17;
	v20 =	vadd.s32 v42, v33;
	v63 =	vsel vm6, $0xFFF0BC01, v0;
	v42 =	vld [tilespmem:s11+$0x300]  }
0x1d2: {  	v63 =	vadd.s32 v45, v63;
	v45 =	vsel vm8, $0xFFF0BC01, v0;
	v12 =	vld [tilespmem:s11+$0x310];
	[tilespmem:s8+$0x350] =	vst v59;
	vm9 =	vgt.s32 v2, $0x7A1FF  }
0x1d3: {  	v17 =	vld [tilespmem:s11+$0x330];
	v55 =	vadd.s32 v3, v45;
	[tilespmem:s8+$0x360] =	vst v13;
	v2 =	vshll.u32 v2, $0x1;
	v4 =	vsel vm9, $0xFFF0BC01, v0  }
0x1d4: {  	v5 =	vld [tilespmem:$0x1F920];
	[tilespmem:s8+$0x370] =	vst v30;
	vm10 =	vgt.s32 v1, $0x7A1FF;
	v45 =	vshll.u32 v1, $0x1;
	vm11 =	vgt.s32 v49, $0x7A1FF  }
0x1d5: {  	v56 =	vadd.s32 v2, v4;
	v4 =	vshll.u32 v49, $0x1;
	v2 =	vld [tilespmem:$0x1F930];
	v1 =	vsel vm11, $0xFFF0BC01, v0  }
0x1d6: {  	[tilespmem:s8+$0x380] =	vst v60;
	v60 =	vadd.s32 v4, v1;
	v1 =	vld [tilespmem:s11+$0x380]  }
0x1d7: {  	v33 =	vld [tilespmem:s11+$0x340]  }
0x1d8: {  	v6 =	vld [tilespmem:s11+$0x350]  }
0x1d9: {  	v50 =	vld [tilespmem:s11+$0x320]  }
0x1da: {  	v3 =	vsel vm10, $0xFFF0BC01, v0;
	v49 =	vld [tilespmem:s11+$0x370]  }
0x1db: {  	v59 =	vadd.s32 v45, v3;
	v45 =	vld [tilespmem:s11+$0x360];
	[tilespmem:$0x1F980] =	vst v1  }
0x1dc: {  	v3 =	vld [tilespmem:$0x1F940];
	[tilespmem:s8+$0x390] =	vst v54  }
0x1dd: {  	vm4 =	vgt.s32 v44, $0x7A1FF;
	[tilespmem:s8+$0x3A0] =	vst v57  }
0x1de: {  	vm5 =	vgt.s32 v39, $0x7A1FF;
	v39 =	vshll.u32 v39, $0x1;
	vm6 =	vgt.s32 v27, $0x7A1FF;
	v1 =	vld [tilespmem:$0x1F950];
	[tilespmem:s8+$0x3B0] =	vst v22  }
0x1df: {  	v27 =	vshll.u32 v27, $0x1;
	vm8 =	vgt.s32 v16, $0x7A1FF;
	v16 =	vshll.u32 v16, $0x1;
	[tilespmem:s8+$0x3C0] =	vst v35  }
0x1e0: {  	vm7 =	vgt.s32 v25, $0x7A1FF;
	v25 =	vshll.u32 v25, $0x1;
	vm9 =	vgt.s32 v10, $0x7A1FF;
	[tilespmem:s8+$0x3D0] =	vst v58  }
0x1e1: {  	v10 =	vshll.u32 v10, $0x1;
	vm10 =	vgt.s32 v7, $0x7A1FF;
	v7 =	vshll.u32 v7, $0x1;
	[tilespmem:s8+$0x3E0] =	vst v61  }
0x1e2: {  	vm12 =	vgt.s32 v5, $0x7A1FF;
	v30 =	vshll.u32 v5, $0x1;
	vm11 =	vgt.s32 v9, $0x7A1FF;
	[tilespmem:s11+$0x0] =	vst v24  }
0x1e3: {  	v9 =	vshll.u32 v9, $0x1;
	v13 =	vsel vm12, $0xFFF0BC01, v0;
	vm12 =	vgt.s32 v15, $0x7A1FF;
	[tilespmem:s11+$0x10] =	vst v46  }
0x1e4: {  	v15 =	vshll.u32 v15, $0x1;
	vm13 =	vgt.s32 v2, $0x7A1FF;
	v4 =	vshll.u32 v2, $0x1;
	[tilespmem:s11+$0x20] =	vst v62  }
0x1e5: {  	v5 =	vsel vm13, $0xFFF0BC01, v0;
	vm14 =	vgt.s32 v3, $0x7A1FF;
	vm13 =	vgt.s32 v18, $0x7A1FF;
	[tilespmem:s11+$0x30] =	vst v8  }
0x1e6: {  	v18 =	vshll.u32 v18, $0x1;
	v54 =	vadd.s32 v30, v13;
	v30 =	vsel vm14, $0xFFF0BC01, v0;
	[tilespmem:s11+$0x40] =	vst v20  }
0x1e7: {  	v57 =	vshll.u32 v3, $0x1;
	v3 =	vadd.s32 v4, v5;
	v5 =	vshll.u32 v44, $0x1;
	[tilespmem:s11+$0x50] =	vst v63  }
0x1e8: {  	vm14 =	vgt.s32 v21, $0x7A1FF;
	v57 =	vadd.s32 v57, v30;
	v30 =	vsel vm4, $0xFFF0BC01, v0;
	[tilespmem:s11+$0x60] =	vst v53  }
0x1e9: {  	v46 =	vsel vm7, $0xFFF0BC01, v0;
	v61 =	vsel vm8, $0xFFF0BC01, v0;
	v62 =	vsel vm9, $0xFFF0BC01, v0;
	[tilespmem:s11+$0x70] =	vst v55  }
0x1ea: {  	[tilespmem:s11+$0x80] =	vst v56;
	v53 =	vsel vm13, $0xFFF0BC01, v0;
	v55 =	vsel vm14, $0xFFF0BC01, v0;
	v56 =	vshll.u32 v21, $0x1  }
0x1eb: {  	[tilespmem:s11+$0x90] =	vst v59;
	vm4 =	vgt.s32 v26, $0x7A1FF;
	v59 =	vshll.u32 v23, $0x1;
	vm7 =	vgt.s32 v34, $0x7A1FF  }
0x1ec: {  	[tilespmem:s11+$0xA0] =	vst v60;
	v63 =	vshll.u32 v32, $0x1;
	vm8 =	vgt.s32 v38, $0x7A1FF;
	vm9 =	vgt.s32 v40, $0x7A1FF  }
0x1ed: {  	[tilespmem:s11+$0xB0] =	vst v54;
	v38 =	vshll.u32 v38, $0x1;
	v40 =	vshll.u32 v40, $0x1;
	vm13 =	vgt.s32 v52, $0x7A1FF  }
0x1ee: {  	[tilespmem:s11+$0xC0] =	vst v3;
	vm14 =	vgt.s32 v14, $0x7A1FF;
	v58 =	vadd.s32 v5, v30;
	v5 =	vsel vm6, $0xFFF0BC01, v0  }
0x1ef: {  	v25 =	vadd.s32 v25, v46;
	v8 =	vadd.s32 v16, v61;
	v10 =	vadd.s32 v10, v62;
	[tilespmem:s11+$0xD0] =	vst v57  }
0x1f0: {  	v46 =	vsel vm12, $0xFFF0BC01, v0;
	v16 =	vadd.s32 v18, v53;
	v18 =	vadd.s32 v56, v55;
	[tilespmem:s11+$0xF0] =	vst v58  }
0x1f1: {  	v60 =	vsel vm4, $0xFFF0BC01, v0;
	v61 =	vshll.u32 v26, $0x1;
	vm6 =	vgt.s32 v32, $0x7A1FF;
	[tilespmem:s11+$0x120] =	vst v25  }
0x1f2: {  	v62 =	vshll.u32 v29, $0x1;
	v53 =	vshll.u32 v37, $0x1;
	vm12 =	vgt.s32 v31, $0x7A1FF;
	[tilespmem:s11+$0x130] =	vst v8  }
0x1f3: {  	v56 =	vshll.u32 v36, $0x1;
	vm4 =	vgt.s32 v28, $0x7A1FF;
	v24 =	vadd.s32 v27, v5;
	[tilespmem:s11+$0x140] =	vst v10  }
0x1f4: {  	v27 =	vsel vm10, $0xFFF0BC01, v0;
	v15 =	vadd.s32 v15, v46;
	v20 =	vadd.s32 v61, v60;
	[tilespmem:s11+$0x180] =	vst v16  }
0x1f5: {  	v5 =	vsel vm7, $0xFFF0BC01, v0;
	vm10 =	vgt.s32 v37, $0x7A1FF;
	v57 =	vsel vm12, $0xFFF0BC01, v0;
	[tilespmem:s11+$0x190] =	vst v18  }
0x1f6: {  	v58 =	vshll.u32 v31, $0x1;
	v60 =	vshll.u32 v52, $0x1;
	vm7 =	vgt.s32 v43, $0x7A1FF;
	[tilespmem:s11+$0x110] =	vst v24  }
0x1f7: {  	v25 =	vshll.u32 v48, $0x1;
	v37 =	vshll.u32 v47, $0x1;
	v52 =	vshll.u32 v17, $0x1;
	[tilespmem:s11+$0x170] =	vst v15  }
0x1f8: {  	v7 =	vadd.s32 v7, v27;
	v46 =	vsel vm10, $0xFFF0BC01, v0;
	v15 =	vadd.s32 v58, v57;
	[tilespmem:s11+$0x1B0] =	vst v20  }
0x1f9: {  	v26 =	vsel vm7, $0xFFF0BC01, v0;
	v27 =	vshll.u32 v43, $0x1;
	[tilespmem:s11+$0x150] =	vst v7;
	vm15 =	vgt.s32 v1, $0x7A1FF  }
0x1fa: {  	v54 =	vadd.s32 v53, v46;
	[tilespmem:s11+$0x230] =	vst v15;
	v1 =	vshll.u32 v1, $0x1;
	v2 =	vsel vm15, $0xFFF0BC01, v0  }
0x1fb: {  	[tilespmem:s11+$0x210] =	vst v54;
	vm15 =	vgt.s32 v23, $0x7A1FF;
	v1 =	vadd.s32 v1, v2;
	v2 =	vsel vm5, $0xFFF0BC01, v0  }
0x1fc: {  	vm10 =	vgt.s32 v47, $0x7A1FF;
	v3 =	vsel vm15, $0xFFF0BC01, v0;
	v2 =	vadd.s32 v39, v2;
	[tilespmem:s11+$0xE0] =	vst v1  }
0x1fd: {  	vm5 =	vgt.s32 v29, $0x7A1FF;
	v29 =	vshll.u32 v34, $0x1;
	v3 =	vadd.s32 v59, v3;
	[tilespmem:s11+$0x100] =	vst v2  }
0x1fe: {  	v43 =	vshll.u32 v42, $0x1;
	v34 =	vsel vm8, $0xFFF0BC01, v0;
	v32 =	vadd.s32 v29, v5;
	[tilespmem:s11+$0x1A0] =	vst v3  }
0x1ff: {  	v23 =	vshll.u32 v41, $0x1;
	v39 =	vsel vm11, $0xFFF0BC01, v0;
	v8 =	vadd.s32 v38, v34;
	[tilespmem:s11+$0x1E0] =	vst v32  }
0x200: {  	vm15 =	vgt.s32 v51, $0x7A1FF;
	v1 =	vsel vm5, $0xFFF0BC01, v0;
	v9 =	vadd.s32 v9, v39;
	[tilespmem:s11+$0x1F0] =	vst v8  }
0x201: {  	vm8 =	vgt.s32 v19, $0x7A1FF;
	v1 =	vadd.s32 v62, v1;
	v2 =	vsel vm6, $0xFFF0BC01, v0;
	[tilespmem:s11+$0x160] =	vst v9  }
0x202: {  	vm11 =	vgt.s32 v36, $0x7A1FF;
	v39 =	vsel vm9, $0xFFF0BC01, v0;
	v2 =	vadd.s32 v63, v2;
	[tilespmem:s11+$0x1C0] =	vst v1  }
0x203: {  	v59 =	vsel vm13, $0xFFF0BC01, v0;
	v55 =	vsel vm11, $0xFFF0BC01, v0;
	v7 =	vadd.s32 v40, v39;
	[tilespmem:s11+$0x1D0] =	vst v2  }
0x204: {  	vm5 =	vgt.s32 v41, $0x7A1FF;
	v29 =	vsel vm8, $0xFFF0BC01, v0;
	v9 =	vadd.s32 v56, v55;
	[tilespmem:s11+$0x200] =	vst v7  }
0x205: {  	v61 =	vadd.s32 v60, v59;
	v3 =	vsel vm14, $0xFFF0BC01, v0;
	v62 =	vshll.u32 v14, $0x1;
	[tilespmem:s11+$0x220] =	vst v9  }
0x206: {  	v3 =	vadd.s32 v62, v3;
	v1 =	vsel vm15, $0xFFF0BC01, v0;
	v2 =	vshll.u32 v51, $0x1;
	v31 =	vld [tilespmem:$0x1F960];
	[tilespmem:s11+$0x240] =	vst v61  }
0x207: {  	v14 =	vshll.u32 v28, $0x1;
	v63 =	vsel vm4, $0xFFF0BC01, v0;
	v1 =	vadd.s32 v2, v1;
	[tilespmem:s11+$0x250] =	vst v3  }
0x208: {  	v21 =	vsel vm5, $0xFFF0BC01, v0;
	vm6 =	vgt.s32 v48, $0x7A1FF;
	v2 =	vadd.s32 v14, v63;
	[tilespmem:s11+$0x260] =	vst v1  }
0x209: {  	v36 =	vsel vm10, $0xFFF0BC01, v0;
	v5 =	vadd.s32 v23, v21;
	v24 =	vsel vm6, $0xFFF0BC01, v0;
	[tilespmem:s11+$0x270] =	vst v2  }
0x20a: {  	vm13 =	vgt.s32 v42, $0x7A1FF;
	v28 =	vadd.s32 v27, v26;
	v7 =	vadd.s32 v25, v24;
	v39 =	vld [tilespmem:$0x1F970];
	[tilespmem:s11+$0x280] =	vst v5  }
0x20b: {  	v32 =	vshll.u32 v19, $0x1;
	v38 =	vadd.s32 v37, v36;
	vm11 =	vgt.s32 v11, $0x7A1FF;
	[tilespmem:s11+$0x290] =	vst v7  }
0x20c: {  	v41 =	vsel vm13, $0xFFF0BC01, v0;
	vm14 =	vgt.s32 v12, $0x7A1FF;
	v9 =	vadd.s32 v32, v29;
	[tilespmem:s11+$0x2A0] =	vst v28  }
0x20d: {  	v48 =	vshll.u32 v12, $0x1;
	v46 =	vadd.s32 v43, v41;
	vm4 =	vgt.s32 v17, $0x7A1FF;
	[tilespmem:s11+$0x2B0] =	vst v9  }
0x20e: {  	v47 =	vsel vm14, $0xFFF0BC01, v0;
	vm15 =	vgt.s32 v50, $0x7A1FF;
	v51 =	vsel vm4, $0xFFF0BC01, v0;
	[tilespmem:s11+$0x2D0] =	vst v38  }
0x20f: {  	v53 =	vadd.s32 v52, v51;
	v1 =	vsel vm11, $0xFFF0BC01, v0;
	v2 =	vshll.u32 v11, $0x1;
	[tilespmem:s11+$0x300] =	vst v46  }
0x210: {  	v13 =	vld [tilespmem:s11+$0x390];
	v1 =	vadd.s32 v2, v1;
	v7 =	vadd.s32 v48, v47;
	[tilespmem:s11+$0x330] =	vst v53;
	vm9 =	vgt.s32 v31, $0x7A1FF  }
0x211: {  	[tilespmem:s11+$0x2E0] =	vst v1;
	v3 =	vshll.u32 v31, $0x1;
	v34 =	vsel vm9, $0xFFF0BC01, v0;
	vm12 =	vgt.s32 v39, $0x7A1FF  }
0x212: {  	v35 =	vld [tilespmem:s11+$0x3C0];
	[tilespmem:s11+$0x310] =	vst v7;
	v3 =	vadd.s32 v3, v34;
	v40 =	vshll.u32 v39, $0x1;
	v2 =	vsel vm12, $0xFFF0BC01, v0  }
0x213: {  	v44 =	vld [tilespmem:s11+$0x3D0];
	v50 =	vshll.u32 v50, $0x1;
	[tilespmem:s11+$0x2C0] =	vst v3;
	v3 =	vsel vm15, $0xFFF0BC01, v0;
	v2 =	vadd.s32 v40, v2  }
0x214: {  	vm7 =	vgt.s32 v45, $0x7A1FF;
	v3 =	vadd.s32 v50, v3;
	[tilespmem:s11+$0x2F0] =	vst v2  }
0x215: {  	v54 =	vshll.u32 v6, $0x1;
	vm8 =	vgt.s32 v49, $0x7A1FF;
	vm10 =	vgt.s32 v13, $0x7A1FF;
	[tilespmem:s11+$0x320] =	vst v3  }
0x216: {  	vm5 =	vgt.s32 v33, $0x7A1FF;
	v59 =	vshll.u32 v49, $0x1;
	v60 =	vsel vm10, $0xFFF0BC01, v0;
	v58 =	vld [tilespmem:$0x1F980]  }
0x217: {  	vm13 =	vgt.s32 v35, $0x7A1FF;
	vm6 =	vgt.s32 v6, $0x7A1FF;
	v55 =	vsel vm7, $0xFFF0BC01, v0  }
0x218: {  	v4 =	vld [tilespmem:s11+$0x3A0];
	v56 =	vshll.u32 v45, $0x1;
	v62 =	vsel vm13, $0xFFF0BC01, v0;
	vm14 =	vgt.s32 v44, $0x7A1FF  }
0x219: {  	v22 =	vld [tilespmem:s11+$0x3B0];
	v57 =	vadd.s32 v56, v55;
	v1 =	vsel vm5, $0xFFF0BC01, v0;
	v2 =	vshll.u32 v33, $0x1  }
0x21a: {  	v61 =	vshll.u32 v13, $0x1;
	v1 =	vadd.s32 v2, v1;
	v2 =	vsel vm6, $0xFFF0BC01, v0;
	[tilespmem:s11+$0x360] =	vst v57  }
0x21b: {  	v30 =	vld [tilespmem:s11+$0x3E0];
	v3 =	vsel vm8, $0xFFF0BC01, v0;
	v2 =	vadd.s32 v54, v2;
	[tilespmem:s11+$0x340] =	vst v1;
	vm9 =	vgt.s32 v58, $0x7A1FF  }
0x21c: {  	v3 =	vadd.s32 v59, v3;
	[tilespmem:s11+$0x350] =	vst v2;
	v2 =	vshll.u32 v58, $0x1;
	v1 =	vsel vm9, $0xFFF0BC01, v0  }
0x21d: {  	vm11 =	vgt.s32 v4, $0x7A1FF;
	v4 =	vshll.u32 v4, $0x1;
	[tilespmem:s11+$0x370] =	vst v3;
	v1 =	vadd.s32 v2, v1  }
0x21e: {  	vm12 =	vgt.s32 v22, $0x7A1FF;
	v3 =	vsel vm11, $0xFFF0BC01, v0;
	v2 =	vadd.s32 v61, v60;
	[tilespmem:s11+$0x380] =	vst v1  }
0x21f: {  	v3 =	vadd.s32 v4, v3;
	v1 =	vsel vm12, $0xFFF0BC01, v0;
	[tilespmem:s11+$0x390] =	vst v2;
	v2 =	vshll.u32 v22, $0x1  }
0x220: {  	v63 =	vshll.u32 v35, $0x1;
	vm15 =	vgt.s32 v30, $0x7A1FF;
	[tilespmem:s11+$0x3A0] =	vst v3;
	v1 =	vadd.s32 v2, v1  }
0x221: {  	v3 =	vshll.u32 v44, $0x1;
	v2 =	vadd.s32 v63, v62;
	[tilespmem:s11+$0x3B0] =	vst v1;
	v1 =	vsel vm14, $0xFFF0BC01, v0  }
0x222: {  	[tilespmem:s11+$0x3C0] =	vst v2;
	v2 =	vshll.u32 v30, $0x1;
	v1 =	vadd.s32 v3, v1;
	v3 =	vsel vm15, $0xFFF0BC01, v0  }
0x223: {  	v2 =	vadd.s32 v2, v3;
	[tilespmem:s11+$0x3D0] =	vst v1  }
0x224: {  	s8 =	simm.s32 $0x16500;
	v1 =	vimm.f32 $0.0e+00;
	[tilespmem:s11+$0x3E0] =	vst v2  }
0x225: {  	[tilespmem:s8+$0xFFFFFF00] =	vst v1  }
0x226: {  	[tilespmem:s8+$0xF0] =	vst v1  }
0x227: {  	[tilespmem:s8+$0xE0] =	vst v1  }
0x228: {  	[tilespmem:s8+$0xD0] =	vst v1  }
0x229: {  	[tilespmem:s8+$0xC0] =	vst v1  }
0x22a: {  	[tilespmem:s8+$0xB0] =	vst v1  }
0x22b: {  	[tilespmem:s8+$0xA0] =	vst v1  }
0x22c: {  	[tilespmem:s8+$0x90] =	vst v1  }
0x22d: {  	[tilespmem:s8+$0x80] =	vst v1  }
0x22e: {  	[tilespmem:s8+$0x70] =	vst v1  }
0x22f: {  	[tilespmem:s8+$0x60] =	vst v1  }
0x230: {  	[tilespmem:s8+$0x50] =	vst v1  }
0x231: {  	[tilespmem:s8+$0x40] =	vst v1  }
0x232: {  	[tilespmem:s8+$0x30] =	vst v1  }
0x233: {  	[tilespmem:s8+$0x20] =	vst v1  }
0x234: {  	[tilespmem:s8+$0x10] =	vst v1  }
0x235: {  	[tilespmem:s8+$0x0] =	vst v1  }
0x236: {  	[tilespmem:s8+$0xFFFFFFF0] =	vst v1  }
0x237: {  	[tilespmem:s8+$0xFFFFFFE0] =	vst v1  }
0x238: {  	[tilespmem:s8+$0xFFFFFFD0] =	vst v1  }
0x239: {  	[tilespmem:s8+$0xFFFFFFC0] =	vst v1  }
0x23a: {  	[tilespmem:s8+$0xFFFFFFB0] =	vst v1  }
0x23b: {  	[tilespmem:s8+$0xFFFFFFA0] =	vst v1  }
0x23c: {  	[tilespmem:s8+$0xFFFFFF90] =	vst v1  }
0x23d: {  	[tilespmem:s8+$0xFFFFFF80] =	vst v1  }
0x23e: {  	[tilespmem:s8+$0xFFFFFF70] =	vst v1  }
0x23f: {  	[tilespmem:s8+$0xFFFFFF60] =	vst v1  }
0x240: {  	[tilespmem:s8+$0xFFFFFF50] =	vst v1  }
0x241: {  	[tilespmem:s8+$0xFFFFFF40] =	vst v1  }
0x242: {  	[tilespmem:s8+$0xFFFFFF30] =	vst v1  }
0x243: {  	s11 =	simm.s32 $0x0;
	[tilespmem:s8+$0xFFFFFF20] =	vst v1  }
.LBB2_4:
0x244: {  	s11 =	sadd.s32 $0x8, s11;
	[tilespmem:s8+$0xFFFFFF10] =	vst v1;
	s8 =	sadd.s32 $0x200, s8  }
0x245: {  	[tilespmem:s8+$0xFFFFFF00] =	vst v1;
	p0 =	slt.u32 s11, $0x78  }
0x246: {  	[tilespmem:s8+$0xF0] =	vst v1  }
0x247: {  	[tilespmem:s8+$0xE0] =	vst v1  }
0x248: {  	[tilespmem:s8+$0xD0] =	vst v1  }
0x249: {  	[tilespmem:s8+$0xC0] =	vst v1  }
0x24a: {  	[tilespmem:s8+$0xB0] =	vst v1  }
0x24b: {  	[tilespmem:s8+$0xA0] =	vst v1  }
0x24c: {  	[tilespmem:s8+$0x90] =	vst v1  }
0x24d: {  	[tilespmem:s8+$0x80] =	vst v1  }
0x24e: {  	[tilespmem:s8+$0x70] =	vst v1  }
0x24f: {  	[tilespmem:s8+$0x60] =	vst v1  }
0x250: {  	[tilespmem:s8+$0x50] =	vst v1  }
0x251: {  	[tilespmem:s8+$0x40] =	vst v1  }
0x252: {  	[tilespmem:s8+$0x30] =	vst v1  }
0x253: {  	[tilespmem:s8+$0x20] =	vst v1  }
0x254: {  	[tilespmem:s8+$0x10] =	vst v1  }
0x255: {  	[tilespmem:s8+$0x0] =	vst v1  }
0x256: {  	[tilespmem:s8+$0xFFFFFFF0] =	vst v1  }
0x257: {  	[tilespmem:s8+$0xFFFFFFE0] =	vst v1  }
0x258: {  	[tilespmem:s8+$0xFFFFFFD0] =	vst v1  }
0x259: {  	[tilespmem:s8+$0xFFFFFFC0] =	vst v1  }
0x25a: {  	[tilespmem:s8+$0xFFFFFFB0] =	vst v1  }
0x25b: {  	[tilespmem:s8+$0xFFFFFFA0] =	vst v1  }
0x25c: {  	[tilespmem:s8+$0xFFFFFF90] =	vst v1  }
0x25d: {  	[tilespmem:s8+$0xFFFFFF80] =	vst v1  }
0x25e: {  	[tilespmem:s8+$0xFFFFFF70] =	vst v1  }
.Ltmp1:
0x25f: {  	[tilespmem:s8+$0xFFFFFF60] =	vst v1;
	(pc) =	sbr.rel @p0 .LBB2_4-.Ltmp1, $4  }
0x260: {  	[tilespmem:s8+$0xFFFFFF50] =	vst v1  }
0x261: {  	[tilespmem:s8+$0xFFFFFF40] =	vst v1  }
0x262: {  	[tilespmem:s8+$0xFFFFFF30] =	vst v1  }
0x263: {  	[tilespmem:s8+$0xFFFFFF20] =	vst v1  }
0x264: {  	[tilespmem:s8+$0xFFFFFF10] =	vst v1;
	s8 =	simm.s32 $0x0;
	s11 =	simm.s32 $0x6400  }
0x265: {  	[tilespmem:s11], [sflag:$0x1] =	stream.indirect.gather [hbm4b:s3+s10], $0x40, s8, s10, $0xb8;
	[tilespmem:$0x18400] =	vst v63  }
0x266: {  	s13 =	simm.s32 $0x8400  }
0x267: {  	[tilespmem:s13], [sflag:$0x2] =	stream.indirect.gather [hbm4b:s3+s10], $0x40, s10, s10, $0xb8;
	[tilespmem:$0x18400] =	vst v63  }
0x268: {  	s14 =	simm.s32 $0x100;
	s12 =	simm.s32 $0xA400  }
0x269: {  	[tilespmem:s12], [sflag:$0x3] =	stream.indirect.gather [hbm4b:s3+s10], $0x40, s14, s10, $0xb8;
	[tilespmem:$0x18400] =	vst v63  }
0x26a: {  	_ = 	snop  }
0x26b: {  	[tilespmem:s16], [sflag:$0x4] =	stream.indirect.gather [hbm4b:s3+s10], $0x40, s15, s10, $0xb8;
	[tilespmem:$0x18400] =	vst v63  }
0x26c: {  	_ = 	snop  }
0x26d: {  	[tilespmem:s18], [sflag:$0x5] =	stream.indirect.gather [hbm4b:s3+s10], $0x40, s17, s10, $0xb8;
	[tilespmem:$0x18400] =	vst v63  }
0x26e: {  	_ = 	snop  }
0x26f: {  	[tilespmem:s20], [sflag:$0x6] =	stream.indirect.gather [hbm4b:s3+s10], $0x40, s19, s10, $0xb8;
	[tilespmem:$0x18400] =	vst v63  }
0x270: {  	_ = 	snop  }
0x271: {  	[tilespmem:s22], [sflag:$0x7] =	stream.indirect.gather [hbm4b:s3+s10], $0x40, s21, s10, $0xb8;
	[tilespmem:$0x18400] =	vst v63  }
.LBB2_6:
0x272: {  	_ =	swait.ge [sflag:s23], $0x2000;
	s11 =	sshll.u32 s8, $0xA  }
0x273: {  	[sflag:s23] =	ssyncset.done $0x0;
	s11 =	sand.u32 $0x3FFFFC00, s11  }
0x274: {  	[sflag:s23] =	ssyncadd.s32 $0xFFFFE000;
	s12 =	sor.u32 $0x380, s11  }
0x275: {  	[tilespmem:s24], [sflag:$0x8] =	stream.indirect.gather [hbm4b:s3+s10], $0x40, s12, s10, $0xb8;
	[tilespmem:$0x18400] =	vst v63  }
0x276: {  	s12 =	simm.s32 $0x0  }
0x277: {  	v1 =	vld [tilespmem:s12+$0x64F0]  }
0x278: {  	v2 =	vld [tilespmem:s12+$0x6400]  }
0x279: {  	v3 =	vld [tilespmem:s12+$0x6410]  }
0x27a: {  	v4 =	vld [tilespmem:s12+$0x6420]  }
0x27b: {  	v5 =	vld [tilespmem:s12+$0x6430]  }
0x27c: {  	v6 =	vld [tilespmem:s12+$0x6440]  }
0x27d: {  	v7 =	vld [tilespmem:s12+$0x6450]  }
0x27e: {  	v8 =	vld [tilespmem:s12+$0x6460]  }
0x27f: {  	v9 =	vld [tilespmem:s12+$0x6470]  }
0x280: {  	v10 =	vld [tilespmem:s12+$0x6480]  }
0x281: {  	v11 =	vld [tilespmem:s12+$0x6490]  }
0x282: {  	v12 =	vld [tilespmem:s12+$0x64A0]  }
0x283: {  	v13 =	vld [tilespmem:s12+$0x64B0]  }
0x284: {  	v14 =	vld [tilespmem:s12+$0x64C0]  }
0x285: {  	v15 =	vld [tilespmem:s12+$0x64D0]  }
0x286: {  	[tilespmem:s12+$0x164F0] =	vst.add.f32.msk $0xffff, v1  }
0x287: {  	v1 =	vld [tilespmem:s12+$0x64E0]  }
0x288: {  	[tilespmem:s12+$0x16400] =	vst.add.f32.msk $0xffff, v2  }
0x289: {  	[tilespmem:s12+$0x16410] =	vst.add.f32.msk $0xffff, v3  }
0x28a: {  	[tilespmem:s12+$0x16420] =	vst.add.f32.msk $0xffff, v4  }
0x28b: {  	[tilespmem:s12+$0x16430] =	vst.add.f32.msk $0xffff, v5  }
0x28c: {  	[tilespmem:s12+$0x16440] =	vst.add.f32.msk $0xffff, v6  }
0x28d: {  	[tilespmem:s12+$0x16450] =	vst.add.f32.msk $0xffff, v7  }
0x28e: {  	[tilespmem:s12+$0x16460] =	vst.add.f32.msk $0xffff, v8  }
0x28f: {  	[tilespmem:s12+$0x16470] =	vst.add.f32.msk $0xffff, v9  }
0x290: {  	[tilespmem:s12+$0x16480] =	vst.add.f32.msk $0xffff, v10  }
0x291: {  	[tilespmem:s12+$0x16490] =	vst.add.f32.msk $0xffff, v11  }
0x292: {  	[tilespmem:s12+$0x164A0] =	vst.add.f32.msk $0xffff, v12  }
0x293: {  	[tilespmem:s12+$0x164B0] =	vst.add.f32.msk $0xffff, v13  }
0x294: {  	[tilespmem:s12+$0x164C0] =	vst.add.f32.msk $0xffff, v14  }
0x295: {  	s13 =	simm.s32 $0x0;
	s14 =	simm.s32 $0x400;
	[tilespmem:s12+$0x164D0] =	vst.add.f32.msk $0xffff, v15  }
.LBB2_7:
0x296: {  	s13 =	sadd.s32 $0x4, s13;
	[tilespmem:s12+$0x164E0] =	vst.add.f32.msk $0xffff, v1;
	s12 =	sshra.s32 s14, $0x2  }
0x297: {  	v1 =	vld [tilespmem:s12+$0x64F0];
	p0 =	slt.u32 s13, $0x7C  }
0x298: {  	v2 =	vld [tilespmem:s12+$0x6400]  }
0x299: {  	v3 =	vld [tilespmem:s12+$0x6410]  }
0x29a: {  	v4 =	vld [tilespmem:s12+$0x6420]  }
0x29b: {  	v5 =	vld [tilespmem:s12+$0x6430]  }
0x29c: {  	[tilespmem:s12+$0x164F0] =	vst.add.f32.msk $0xffff, v1  }
0x29d: {  	v6 =	vld [tilespmem:s12+$0x6440]  }
0x29e: {  	v7 =	vld [tilespmem:s12+$0x6450]  }
0x29f: {  	v8 =	vld [tilespmem:s12+$0x6460]  }
0x2a0: {  	v9 =	vld [tilespmem:s12+$0x6470]  }
0x2a1: {  	v10 =	vld [tilespmem:s12+$0x6480]  }
0x2a2: {  	v11 =	vld [tilespmem:s12+$0x6490]  }
0x2a3: {  	v12 =	vld [tilespmem:s12+$0x64A0]  }
0x2a4: {  	v13 =	vld [tilespmem:s12+$0x64B0]  }
0x2a5: {  	v14 =	vld [tilespmem:s12+$0x64C0]  }
0x2a6: {  	v15 =	vld [tilespmem:s12+$0x64D0]  }
0x2a7: {  	v1 =	vld [tilespmem:s12+$0x64E0]  }
0x2a8: {  	[tilespmem:s12+$0x16400] =	vst.add.f32.msk $0xffff, v2  }
0x2a9: {  	[tilespmem:s12+$0x16410] =	vst.add.f32.msk $0xffff, v3  }
0x2aa: {  	[tilespmem:s12+$0x16420] =	vst.add.f32.msk $0xffff, v4  }
0x2ab: {  	[tilespmem:s12+$0x16430] =	vst.add.f32.msk $0xffff, v5  }
0x2ac: {  	[tilespmem:s12+$0x16440] =	vst.add.f32.msk $0xffff, v6  }
0x2ad: {  	[tilespmem:s12+$0x16450] =	vst.add.f32.msk $0xffff, v7  }
0x2ae: {  	[tilespmem:s12+$0x16460] =	vst.add.f32.msk $0xffff, v8  }
0x2af: {  	[tilespmem:s12+$0x16470] =	vst.add.f32.msk $0xffff, v9  }
0x2b0: {  	[tilespmem:s12+$0x16480] =	vst.add.f32.msk $0xffff, v10  }
.Ltmp2:
0x2b1: {  	[tilespmem:s12+$0x16490] =	vst.add.f32.msk $0xffff, v11;
	(pc) =	sbr.rel @p0 .LBB2_7-.Ltmp2, $4  }
0x2b2: {  	[tilespmem:s12+$0x164A0] =	vst.add.f32.msk $0xffff, v12  }
0x2b3: {  	[tilespmem:s12+$0x164B0] =	vst.add.f32.msk $0xffff, v13  }
0x2b4: {  	[tilespmem:s12+$0x164C0] =	vst.add.f32.msk $0xffff, v14  }
0x2b5: {  	s14 =	sadd.s32 $0x400, s14;
	[tilespmem:s12+$0x164D0] =	vst.add.f32.msk $0xffff, v15  }
0x2b6: {  	[tilespmem:s12+$0x164E0] =	vst.add.f32.msk $0xffff, v1  }
0x2b7: {  	p0 =	seq.s32 s8, $0x18;
	_ =	swait.ge [sflag:s25], $0x2000  }
0x2b8: {  	s12 =	sadd.s32 @!p0 $0x400, s11;
	[sflag:s25] =	ssyncset.done $0x0  }
0x2b9: {  	s13 =	simm.s32 @!p0 $0x80;
	s14 =	simm.s32 @!p0 $0x6400;
	[sflag:s25] =	ssyncadd.s32 $0xFFFFE000  }
0x2ba: {  	[tilespmem:s14], [sflag:$0x1] =	stream.indirect.gather @!p0 [hbm4b:s3+s13], $0x40, s12, s13, $0xb8;
	[tilespmem:$0x18400] =	vst v63  }
0x2bb: {  	s12 =	simm.s32 $0x0  }
0x2bc: {  	v1 =	vld [tilespmem:s12+$0x84F0]  }
0x2bd: {  	v2 =	vld [tilespmem:s12+$0x8400]  }
0x2be: {  	v3 =	vld [tilespmem:s12+$0x8410]  }
0x2bf: {  	v4 =	vld [tilespmem:s12+$0x8420]  }
0x2c0: {  	v5 =	vld [tilespmem:s12+$0x8430]  }
0x2c1: {  	v6 =	vld [tilespmem:s12+$0x8440]  }
0x2c2: {  	v7 =	vld [tilespmem:s12+$0x8450]  }
0x2c3: {  	v8 =	vld [tilespmem:s12+$0x8460]  }
0x2c4: {  	v9 =	vld [tilespmem:s12+$0x8470]  }
0x2c5: {  	v10 =	vld [tilespmem:s12+$0x8480]  }
0x2c6: {  	v11 =	vld [tilespmem:s12+$0x8490]  }
0x2c7: {  	v12 =	vld [tilespmem:s12+$0x84A0]  }
0x2c8: {  	v13 =	vld [tilespmem:s12+$0x84B0]  }
0x2c9: {  	v14 =	vld [tilespmem:s12+$0x84C0]  }
0x2ca: {  	v15 =	vld [tilespmem:s12+$0x84D0]  }
0x2cb: {  	[tilespmem:s12+$0x164F0] =	vst.add.f32.msk $0xffff, v1  }
0x2cc: {  	v1 =	vld [tilespmem:s12+$0x84E0]  }
0x2cd: {  	[tilespmem:s12+$0x16400] =	vst.add.f32.msk $0xffff, v2  }
0x2ce: {  	[tilespmem:s12+$0x16410] =	vst.add.f32.msk $0xffff, v3  }
0x2cf: {  	[tilespmem:s12+$0x16420] =	vst.add.f32.msk $0xffff, v4  }
0x2d0: {  	[tilespmem:s12+$0x16430] =	vst.add.f32.msk $0xffff, v5  }
0x2d1: {  	[tilespmem:s12+$0x16440] =	vst.add.f32.msk $0xffff, v6  }
0x2d2: {  	[tilespmem:s12+$0x16450] =	vst.add.f32.msk $0xffff, v7  }
0x2d3: {  	[tilespmem:s12+$0x16460] =	vst.add.f32.msk $0xffff, v8  }
0x2d4: {  	[tilespmem:s12+$0x16470] =	vst.add.f32.msk $0xffff, v9  }
0x2d5: {  	[tilespmem:s12+$0x16480] =	vst.add.f32.msk $0xffff, v10  }
0x2d6: {  	[tilespmem:s12+$0x16490] =	vst.add.f32.msk $0xffff, v11  }
0x2d7: {  	[tilespmem:s12+$0x164A0] =	vst.add.f32.msk $0xffff, v12  }
0x2d8: {  	[tilespmem:s12+$0x164B0] =	vst.add.f32.msk $0xffff, v13  }
0x2d9: {  	[tilespmem:s12+$0x164C0] =	vst.add.f32.msk $0xffff, v14  }
0x2da: {  	s13 =	simm.s32 $0x0;
	s14 =	simm.s32 $0x400;
	[tilespmem:s12+$0x164D0] =	vst.add.f32.msk $0xffff, v15  }
.LBB2_9:
0x2db: {  	s13 =	sadd.s32 $0x4, s13;
	[tilespmem:s12+$0x164E0] =	vst.add.f32.msk $0xffff, v1;
	s12 =	sshra.s32 s14, $0x2  }
0x2dc: {  	v1 =	vld [tilespmem:s12+$0x84F0];
	p1 =	slt.u32 s13, $0x7C  }
0x2dd: {  	v2 =	vld [tilespmem:s12+$0x8400]  }
0x2de: {  	v3 =	vld [tilespmem:s12+$0x8410]  }
0x2df: {  	v4 =	vld [tilespmem:s12+$0x8420]  }
0x2e0: {  	v5 =	vld [tilespmem:s12+$0x8430]  }
0x2e1: {  	[tilespmem:s12+$0x164F0] =	vst.add.f32.msk $0xffff, v1  }
0x2e2: {  	v6 =	vld [tilespmem:s12+$0x8440]  }
0x2e3: {  	v7 =	vld [tilespmem:s12+$0x8450]  }
0x2e4: {  	v8 =	vld [tilespmem:s12+$0x8460]  }
0x2e5: {  	v9 =	vld [tilespmem:s12+$0x8470]  }
0x2e6: {  	v10 =	vld [tilespmem:s12+$0x8480]  }
0x2e7: {  	v11 =	vld [tilespmem:s12+$0x8490]  }
0x2e8: {  	v12 =	vld [tilespmem:s12+$0x84A0]  }
0x2e9: {  	v13 =	vld [tilespmem:s12+$0x84B0]  }
0x2ea: {  	v14 =	vld [tilespmem:s12+$0x84C0]  }
0x2eb: {  	v15 =	vld [tilespmem:s12+$0x84D0]  }
0x2ec: {  	v1 =	vld [tilespmem:s12+$0x84E0]  }
0x2ed: {  	[tilespmem:s12+$0x16400] =	vst.add.f32.msk $0xffff, v2  }
0x2ee: {  	[tilespmem:s12+$0x16410] =	vst.add.f32.msk $0xffff, v3  }
0x2ef: {  	[tilespmem:s12+$0x16420] =	vst.add.f32.msk $0xffff, v4  }
0x2f0: {  	[tilespmem:s12+$0x16430] =	vst.add.f32.msk $0xffff, v5  }
0x2f1: {  	[tilespmem:s12+$0x16440] =	vst.add.f32.msk $0xffff, v6  }
0x2f2: {  	[tilespmem:s12+$0x16450] =	vst.add.f32.msk $0xffff, v7  }
0x2f3: {  	[tilespmem:s12+$0x16460] =	vst.add.f32.msk $0xffff, v8  }
0x2f4: {  	[tilespmem:s12+$0x16470] =	vst.add.f32.msk $0xffff, v9  }
0x2f5: {  	[tilespmem:s12+$0x16480] =	vst.add.f32.msk $0xffff, v10  }
.Ltmp3:
0x2f6: {  	[tilespmem:s12+$0x16490] =	vst.add.f32.msk $0xffff, v11;
	(pc) =	sbr.rel @p1 .LBB2_9-.Ltmp3, $4  }
0x2f7: {  	[tilespmem:s12+$0x164A0] =	vst.add.f32.msk $0xffff, v12  }
0x2f8: {  	[tilespmem:s12+$0x164B0] =	vst.add.f32.msk $0xffff, v13  }
0x2f9: {  	[tilespmem:s12+$0x164C0] =	vst.add.f32.msk $0xffff, v14  }
0x2fa: {  	s14 =	sadd.s32 $0x400, s14;
	[tilespmem:s12+$0x164D0] =	vst.add.f32.msk $0xffff, v15  }
0x2fb: {  	[tilespmem:s12+$0x164E0] =	vst.add.f32.msk $0xffff, v1  }
0x2fc: {  	_ =	swait.ge [sflag:s26], $0x2000  }
0x2fd: {  	s12 =	sadd.s32 @!p0 $0x480, s11;
	[sflag:s26] =	ssyncset.done $0x0  }
0x2fe: {  	s13 =	simm.s32 @!p0 $0x80;
	s14 =	simm.s32 @!p0 $0x8400;
	[sflag:s26] =	ssyncadd.s32 $0xFFFFE000  }
0x2ff: {  	[tilespmem:s14], [sflag:$0x2] =	stream.indirect.gather @!p0 [hbm4b:s3+s13], $0x40, s12, s13, $0xb8;
	[tilespmem:$0x18400] =	vst v63  }
0x300: {  	s12 =	simm.s32 $0x0  }
0x301: {  	v1 =	vld [tilespmem:s12+$0xA4F0]  }
0x302: {  	v2 =	vld [tilespmem:s12+$0xA400]  }
0x303: {  	v3 =	vld [tilespmem:s12+$0xA410]  }
0x304: {  	v4 =	vld [tilespmem:s12+$0xA420]  }
0x305: {  	v5 =	vld [tilespmem:s12+$0xA430]  }
0x306: {  	v6 =	vld [tilespmem:s12+$0xA440]  }
0x307: {  	v7 =	vld [tilespmem:s12+$0xA450]  }
0x308: {  	v8 =	vld [tilespmem:s12+$0xA460]  }
0x309: {  	v9 =	vld [tilespmem:s12+$0xA470]  }
0x30a: {  	v10 =	vld [tilespmem:s12+$0xA480]  }
0x30b: {  	v11 =	vld [tilespmem:s12+$0xA490]  }
0x30c: {  	v12 =	vld [tilespmem:s12+$0xA4A0]  }
0x30d: {  	v13 =	vld [tilespmem:s12+$0xA4B0]  }
0x30e: {  	v14 =	vld [tilespmem:s12+$0xA4C0]  }
0x30f: {  	v15 =	vld [tilespmem:s12+$0xA4D0]  }
0x310: {  	[tilespmem:s12+$0x164F0] =	vst.add.f32.msk $0xffff, v1  }
0x311: {  	v1 =	vld [tilespmem:s12+$0xA4E0]  }
0x312: {  	[tilespmem:s12+$0x16400] =	vst.add.f32.msk $0xffff, v2  }
0x313: {  	[tilespmem:s12+$0x16410] =	vst.add.f32.msk $0xffff, v3  }
0x314: {  	[tilespmem:s12+$0x16420] =	vst.add.f32.msk $0xffff, v4  }
0x315: {  	[tilespmem:s12+$0x16430] =	vst.add.f32.msk $0xffff, v5  }
0x316: {  	[tilespmem:s12+$0x16440] =	vst.add.f32.msk $0xffff, v6  }
0x317: {  	[tilespmem:s12+$0x16450] =	vst.add.f32.msk $0xffff, v7  }
0x318: {  	[tilespmem:s12+$0x16460] =	vst.add.f32.msk $0xffff, v8  }
0x319: {  	[tilespmem:s12+$0x16470] =	vst.add.f32.msk $0xffff, v9  }
0x31a: {  	[tilespmem:s12+$0x16480] =	vst.add.f32.msk $0xffff, v10  }
0x31b: {  	[tilespmem:s12+$0x16490] =	vst.add.f32.msk $0xffff, v11  }
0x31c: {  	[tilespmem:s12+$0x164A0] =	vst.add.f32.msk $0xffff, v12  }
0x31d: {  	[tilespmem:s12+$0x164B0] =	vst.add.f32.msk $0xffff, v13  }
0x31e: {  	[tilespmem:s12+$0x164C0] =	vst.add.f32.msk $0xffff, v14  }
0x31f: {  	s13 =	simm.s32 $0x0;
	s14 =	simm.s32 $0x400;
	[tilespmem:s12+$0x164D0] =	vst.add.f32.msk $0xffff, v15  }
.LBB2_11:
0x320: {  	s13 =	sadd.s32 $0x4, s13;
	[tilespmem:s12+$0x164E0] =	vst.add.f32.msk $0xffff, v1;
	s12 =	sshra.s32 s14, $0x2  }
0x321: {  	v1 =	vld [tilespmem:s12+$0xA4F0];
	p1 =	slt.u32 s13, $0x7C  }
0x322: {  	v2 =	vld [tilespmem:s12+$0xA400]  }
0x323: {  	v3 =	vld [tilespmem:s12+$0xA410]  }
0x324: {  	v4 =	vld [tilespmem:s12+$0xA420]  }
0x325: {  	v5 =	vld [tilespmem:s12+$0xA430]  }
0x326: {  	[tilespmem:s12+$0x164F0] =	vst.add.f32.msk $0xffff, v1  }
0x327: {  	v6 =	vld [tilespmem:s12+$0xA440]  }
0x328: {  	v7 =	vld [tilespmem:s12+$0xA450]  }
0x329: {  	v8 =	vld [tilespmem:s12+$0xA460]  }
0x32a: {  	v9 =	vld [tilespmem:s12+$0xA470]  }
0x32b: {  	v10 =	vld [tilespmem:s12+$0xA480]  }
0x32c: {  	v11 =	vld [tilespmem:s12+$0xA490]  }
0x32d: {  	v12 =	vld [tilespmem:s12+$0xA4A0]  }
0x32e: {  	v13 =	vld [tilespmem:s12+$0xA4B0]  }
0x32f: {  	v14 =	vld [tilespmem:s12+$0xA4C0]  }
0x330: {  	v15 =	vld [tilespmem:s12+$0xA4D0]  }
0x331: {  	v1 =	vld [tilespmem:s12+$0xA4E0]  }
0x332: {  	[tilespmem:s12+$0x16400] =	vst.add.f32.msk $0xffff, v2  }
0x333: {  	[tilespmem:s12+$0x16410] =	vst.add.f32.msk $0xffff, v3  }
0x334: {  	[tilespmem:s12+$0x16420] =	vst.add.f32.msk $0xffff, v4  }
0x335: {  	[tilespmem:s12+$0x16430] =	vst.add.f32.msk $0xffff, v5  }
0x336: {  	[tilespmem:s12+$0x16440] =	vst.add.f32.msk $0xffff, v6  }
0x337: {  	[tilespmem:s12+$0x16450] =	vst.add.f32.msk $0xffff, v7  }
0x338: {  	[tilespmem:s12+$0x16460] =	vst.add.f32.msk $0xffff, v8  }
0x339: {  	[tilespmem:s12+$0x16470] =	vst.add.f32.msk $0xffff, v9  }
0x33a: {  	[tilespmem:s12+$0x16480] =	vst.add.f32.msk $0xffff, v10  }
.Ltmp4:
0x33b: {  	[tilespmem:s12+$0x16490] =	vst.add.f32.msk $0xffff, v11;
	(pc) =	sbr.rel @p1 .LBB2_11-.Ltmp4, $4  }
0x33c: {  	[tilespmem:s12+$0x164A0] =	vst.add.f32.msk $0xffff, v12  }
0x33d: {  	[tilespmem:s12+$0x164B0] =	vst.add.f32.msk $0xffff, v13  }
0x33e: {  	[tilespmem:s12+$0x164C0] =	vst.add.f32.msk $0xffff, v14  }
0x33f: {  	s14 =	sadd.s32 $0x400, s14;
	[tilespmem:s12+$0x164D0] =	vst.add.f32.msk $0xffff, v15  }
0x340: {  	[tilespmem:s12+$0x164E0] =	vst.add.f32.msk $0xffff, v1  }
0x341: {  	_ =	swait.ge [sflag:s28], $0x2000  }
0x342: {  	s12 =	sadd.s32 @!p0 $0x500, s11;
	[sflag:s28] =	ssyncset.done $0x0  }
0x343: {  	s13 =	simm.s32 @!p0 $0x80;
	s14 =	simm.s32 @!p0 $0xA400;
	[sflag:s28] =	ssyncadd.s32 $0xFFFFE000  }
0x344: {  	[tilespmem:s14], [sflag:$0x3] =	stream.indirect.gather @!p0 [hbm4b:s3+s13], $0x40, s12, s13, $0xb8;
	[tilespmem:$0x18400] =	vst v63  }
0x345: {  	s12 =	simm.s32 $0x0  }
0x346: {  	v1 =	vld [tilespmem:s12+$0xC4F0]  }
0x347: {  	v2 =	vld [tilespmem:s12+$0xC400]  }
0x348: {  	v3 =	vld [tilespmem:s12+$0xC410]  }
0x349: {  	v4 =	vld [tilespmem:s12+$0xC420]  }
0x34a: {  	v5 =	vld [tilespmem:s12+$0xC430]  }
0x34b: {  	v6 =	vld [tilespmem:s12+$0xC440]  }
0x34c: {  	v7 =	vld [tilespmem:s12+$0xC450]  }
0x34d: {  	v8 =	vld [tilespmem:s12+$0xC460]  }
0x34e: {  	v9 =	vld [tilespmem:s12+$0xC470]  }
0x34f: {  	v10 =	vld [tilespmem:s12+$0xC480]  }
0x350: {  	v11 =	vld [tilespmem:s12+$0xC490]  }
0x351: {  	v12 =	vld [tilespmem:s12+$0xC4A0]  }
0x352: {  	v13 =	vld [tilespmem:s12+$0xC4B0]  }
0x353: {  	v14 =	vld [tilespmem:s12+$0xC4C0]  }
0x354: {  	v15 =	vld [tilespmem:s12+$0xC4D0]  }
0x355: {  	[tilespmem:s12+$0x164F0] =	vst.add.f32.msk $0xffff, v1  }
0x356: {  	v1 =	vld [tilespmem:s12+$0xC4E0]  }
0x357: {  	[tilespmem:s12+$0x16400] =	vst.add.f32.msk $0xffff, v2  }
0x358: {  	[tilespmem:s12+$0x16410] =	vst.add.f32.msk $0xffff, v3  }
0x359: {  	[tilespmem:s12+$0x16420] =	vst.add.f32.msk $0xffff, v4  }
0x35a: {  	[tilespmem:s12+$0x16430] =	vst.add.f32.msk $0xffff, v5  }
0x35b: {  	[tilespmem:s12+$0x16440] =	vst.add.f32.msk $0xffff, v6  }
0x35c: {  	[tilespmem:s12+$0x16450] =	vst.add.f32.msk $0xffff, v7  }
0x35d: {  	[tilespmem:s12+$0x16460] =	vst.add.f32.msk $0xffff, v8  }
0x35e: {  	[tilespmem:s12+$0x16470] =	vst.add.f32.msk $0xffff, v9  }
0x35f: {  	[tilespmem:s12+$0x16480] =	vst.add.f32.msk $0xffff, v10  }
0x360: {  	[tilespmem:s12+$0x16490] =	vst.add.f32.msk $0xffff, v11  }
0x361: {  	[tilespmem:s12+$0x164A0] =	vst.add.f32.msk $0xffff, v12  }
0x362: {  	[tilespmem:s12+$0x164B0] =	vst.add.f32.msk $0xffff, v13  }
0x363: {  	[tilespmem:s12+$0x164C0] =	vst.add.f32.msk $0xffff, v14  }
0x364: {  	s13 =	simm.s32 $0x0;
	s14 =	simm.s32 $0x400;
	[tilespmem:s12+$0x164D0] =	vst.add.f32.msk $0xffff, v15  }
.LBB2_13:
0x365: {  	s13 =	sadd.s32 $0x4, s13;
	[tilespmem:s12+$0x164E0] =	vst.add.f32.msk $0xffff, v1;
	s12 =	sshra.s32 s14, $0x2  }
0x366: {  	v1 =	vld [tilespmem:s12+$0xC4F0];
	p1 =	slt.u32 s13, $0x7C  }
0x367: {  	v2 =	vld [tilespmem:s12+$0xC400]  }
0x368: {  	v3 =	vld [tilespmem:s12+$0xC410]  }
0x369: {  	v4 =	vld [tilespmem:s12+$0xC420]  }
0x36a: {  	v5 =	vld [tilespmem:s12+$0xC430]  }
0x36b: {  	[tilespmem:s12+$0x164F0] =	vst.add.f32.msk $0xffff, v1  }
0x36c: {  	v6 =	vld [tilespmem:s12+$0xC440]  }
0x36d: {  	v7 =	vld [tilespmem:s12+$0xC450]  }
0x36e: {  	v8 =	vld [tilespmem:s12+$0xC460]  }
0x36f: {  	v9 =	vld [tilespmem:s12+$0xC470]  }
0x370: {  	v10 =	vld [tilespmem:s12+$0xC480]  }
0x371: {  	v11 =	vld [tilespmem:s12+$0xC490]  }
0x372: {  	v12 =	vld [tilespmem:s12+$0xC4A0]  }
0x373: {  	v13 =	vld [tilespmem:s12+$0xC4B0]  }
0x374: {  	v14 =	vld [tilespmem:s12+$0xC4C0]  }
0x375: {  	v15 =	vld [tilespmem:s12+$0xC4D0]  }
0x376: {  	v1 =	vld [tilespmem:s12+$0xC4E0]  }
0x377: {  	[tilespmem:s12+$0x16400] =	vst.add.f32.msk $0xffff, v2  }
0x378: {  	[tilespmem:s12+$0x16410] =	vst.add.f32.msk $0xffff, v3  }
0x379: {  	[tilespmem:s12+$0x16420] =	vst.add.f32.msk $0xffff, v4  }
0x37a: {  	[tilespmem:s12+$0x16430] =	vst.add.f32.msk $0xffff, v5  }
0x37b: {  	[tilespmem:s12+$0x16440] =	vst.add.f32.msk $0xffff, v6  }
0x37c: {  	[tilespmem:s12+$0x16450] =	vst.add.f32.msk $0xffff, v7  }
0x37d: {  	[tilespmem:s12+$0x16460] =	vst.add.f32.msk $0xffff, v8  }
0x37e: {  	[tilespmem:s12+$0x16470] =	vst.add.f32.msk $0xffff, v9  }
0x37f: {  	[tilespmem:s12+$0x16480] =	vst.add.f32.msk $0xffff, v10  }
.Ltmp5:
0x380: {  	[tilespmem:s12+$0x16490] =	vst.add.f32.msk $0xffff, v11;
	(pc) =	sbr.rel @p1 .LBB2_13-.Ltmp5, $4  }
0x381: {  	[tilespmem:s12+$0x164A0] =	vst.add.f32.msk $0xffff, v12  }
0x382: {  	[tilespmem:s12+$0x164B0] =	vst.add.f32.msk $0xffff, v13  }
0x383: {  	[tilespmem:s12+$0x164C0] =	vst.add.f32.msk $0xffff, v14  }
0x384: {  	s14 =	sadd.s32 $0x400, s14;
	[tilespmem:s12+$0x164D0] =	vst.add.f32.msk $0xffff, v15  }
0x385: {  	[tilespmem:s12+$0x164E0] =	vst.add.f32.msk $0xffff, v1  }
0x386: {  	_ =	swait.ge [sflag:s29], $0x2000  }
0x387: {  	s12 =	sadd.s32 @!p0 $0x580, s11;
	[sflag:s29] =	ssyncset.done $0x0  }
0x388: {  	s13 =	simm.s32 @!p0 $0x80;
	s14 =	simm.s32 @!p0 $0xC400;
	[sflag:s29] =	ssyncadd.s32 $0xFFFFE000  }
0x389: {  	[tilespmem:s14], [sflag:$0x4] =	stream.indirect.gather @!p0 [hbm4b:s3+s13], $0x40, s12, s13, $0xb8;
	[tilespmem:$0x18400] =	vst v63  }
0x38a: {  	s12 =	simm.s32 $0x0  }
0x38b: {  	v1 =	vld [tilespmem:s12+$0xE4F0]  }
0x38c: {  	v2 =	vld [tilespmem:s12+$0xE400]  }
0x38d: {  	v3 =	vld [tilespmem:s12+$0xE410]  }
0x38e: {  	v4 =	vld [tilespmem:s12+$0xE420]  }
0x38f: {  	v5 =	vld [tilespmem:s12+$0xE430]  }
0x390: {  	v6 =	vld [tilespmem:s12+$0xE440]  }
0x391: {  	v7 =	vld [tilespmem:s12+$0xE450]  }
0x392: {  	v8 =	vld [tilespmem:s12+$0xE460]  }
0x393: {  	v9 =	vld [tilespmem:s12+$0xE470]  }
0x394: {  	v10 =	vld [tilespmem:s12+$0xE480]  }
0x395: {  	v11 =	vld [tilespmem:s12+$0xE490]  }
0x396: {  	v12 =	vld [tilespmem:s12+$0xE4A0]  }
0x397: {  	v13 =	vld [tilespmem:s12+$0xE4B0]  }
0x398: {  	v14 =	vld [tilespmem:s12+$0xE4C0]  }
0x399: {  	v15 =	vld [tilespmem:s12+$0xE4D0]  }
0x39a: {  	[tilespmem:s12+$0x164F0] =	vst.add.f32.msk $0xffff, v1  }
0x39b: {  	v1 =	vld [tilespmem:s12+$0xE4E0]  }
0x39c: {  	[tilespmem:s12+$0x16400] =	vst.add.f32.msk $0xffff, v2  }
0x39d: {  	[tilespmem:s12+$0x16410] =	vst.add.f32.msk $0xffff, v3  }
0x39e: {  	[tilespmem:s12+$0x16420] =	vst.add.f32.msk $0xffff, v4  }
0x39f: {  	[tilespmem:s12+$0x16430] =	vst.add.f32.msk $0xffff, v5  }
0x3a0: {  	[tilespmem:s12+$0x16440] =	vst.add.f32.msk $0xffff, v6  }
0x3a1: {  	[tilespmem:s12+$0x16450] =	vst.add.f32.msk $0xffff, v7  }
0x3a2: {  	[tilespmem:s12+$0x16460] =	vst.add.f32.msk $0xffff, v8  }
0x3a3: {  	[tilespmem:s12+$0x16470] =	vst.add.f32.msk $0xffff, v9  }
0x3a4: {  	[tilespmem:s12+$0x16480] =	vst.add.f32.msk $0xffff, v10  }
0x3a5: {  	[tilespmem:s12+$0x16490] =	vst.add.f32.msk $0xffff, v11  }
0x3a6: {  	[tilespmem:s12+$0x164A0] =	vst.add.f32.msk $0xffff, v12  }
0x3a7: {  	[tilespmem:s12+$0x164B0] =	vst.add.f32.msk $0xffff, v13  }
0x3a8: {  	[tilespmem:s12+$0x164C0] =	vst.add.f32.msk $0xffff, v14  }
0x3a9: {  	s13 =	simm.s32 $0x0;
	s14 =	simm.s32 $0x400;
	[tilespmem:s12+$0x164D0] =	vst.add.f32.msk $0xffff, v15  }
.LBB2_15:
0x3aa: {  	s13 =	sadd.s32 $0x4, s13;
	[tilespmem:s12+$0x164E0] =	vst.add.f32.msk $0xffff, v1;
	s12 =	sshra.s32 s14, $0x2  }
0x3ab: {  	v1 =	vld [tilespmem:s12+$0xE4F0];
	p1 =	slt.u32 s13, $0x7C  }
0x3ac: {  	v2 =	vld [tilespmem:s12+$0xE400]  }
0x3ad: {  	v3 =	vld [tilespmem:s12+$0xE410]  }
0x3ae: {  	v4 =	vld [tilespmem:s12+$0xE420]  }
0x3af: {  	v5 =	vld [tilespmem:s12+$0xE430]  }
0x3b0: {  	[tilespmem:s12+$0x164F0] =	vst.add.f32.msk $0xffff, v1  }
0x3b1: {  	v6 =	vld [tilespmem:s12+$0xE440]  }
0x3b2: {  	v7 =	vld [tilespmem:s12+$0xE450]  }
0x3b3: {  	v8 =	vld [tilespmem:s12+$0xE460]  }
0x3b4: {  	v9 =	vld [tilespmem:s12+$0xE470]  }
0x3b5: {  	v10 =	vld [tilespmem:s12+$0xE480]  }
0x3b6: {  	v11 =	vld [tilespmem:s12+$0xE490]  }
0x3b7: {  	v12 =	vld [tilespmem:s12+$0xE4A0]  }
0x3b8: {  	v13 =	vld [tilespmem:s12+$0xE4B0]  }
0x3b9: {  	v14 =	vld [tilespmem:s12+$0xE4C0]  }
0x3ba: {  	v15 =	vld [tilespmem:s12+$0xE4D0]  }
0x3bb: {  	v1 =	vld [tilespmem:s12+$0xE4E0]  }
0x3bc: {  	[tilespmem:s12+$0x16400] =	vst.add.f32.msk $0xffff, v2  }
0x3bd: {  	[tilespmem:s12+$0x16410] =	vst.add.f32.msk $0xffff, v3  }
0x3be: {  	[tilespmem:s12+$0x16420] =	vst.add.f32.msk $0xffff, v4  }
0x3bf: {  	[tilespmem:s12+$0x16430] =	vst.add.f32.msk $0xffff, v5  }
0x3c0: {  	[tilespmem:s12+$0x16440] =	vst.add.f32.msk $0xffff, v6  }
0x3c1: {  	[tilespmem:s12+$0x16450] =	vst.add.f32.msk $0xffff, v7  }
0x3c2: {  	[tilespmem:s12+$0x16460] =	vst.add.f32.msk $0xffff, v8  }
0x3c3: {  	[tilespmem:s12+$0x16470] =	vst.add.f32.msk $0xffff, v9  }
0x3c4: {  	[tilespmem:s12+$0x16480] =	vst.add.f32.msk $0xffff, v10  }
.Ltmp6:
0x3c5: {  	[tilespmem:s12+$0x16490] =	vst.add.f32.msk $0xffff, v11;
	(pc) =	sbr.rel @p1 .LBB2_15-.Ltmp6, $4  }
0x3c6: {  	[tilespmem:s12+$0x164A0] =	vst.add.f32.msk $0xffff, v12  }
0x3c7: {  	[tilespmem:s12+$0x164B0] =	vst.add.f32.msk $0xffff, v13  }
0x3c8: {  	[tilespmem:s12+$0x164C0] =	vst.add.f32.msk $0xffff, v14  }
0x3c9: {  	s14 =	sadd.s32 $0x400, s14;
	[tilespmem:s12+$0x164D0] =	vst.add.f32.msk $0xffff, v15  }
0x3ca: {  	[tilespmem:s12+$0x164E0] =	vst.add.f32.msk $0xffff, v1  }
0x3cb: {  	_ =	swait.ge [sflag:s30], $0x2000  }
0x3cc: {  	s12 =	sadd.s32 @!p0 $0x600, s11;
	[sflag:s30] =	ssyncset.done $0x0  }
0x3cd: {  	s13 =	simm.s32 @!p0 $0x80;
	s14 =	simm.s32 @!p0 $0xE400;
	[sflag:s30] =	ssyncadd.s32 $0xFFFFE000  }
0x3ce: {  	[tilespmem:s14], [sflag:$0x5] =	stream.indirect.gather @!p0 [hbm4b:s3+s13], $0x40, s12, s13, $0xb8;
	[tilespmem:$0x18400] =	vst v63  }
0x3cf: {  	s12 =	simm.s32 $0x0  }
0x3d0: {  	v1 =	vld [tilespmem:s12+$0x104F0]  }
0x3d1: {  	v2 =	vld [tilespmem:s12+$0x10400]  }
0x3d2: {  	v3 =	vld [tilespmem:s12+$0x10410]  }
0x3d3: {  	v4 =	vld [tilespmem:s12+$0x10420]  }
0x3d4: {  	v5 =	vld [tilespmem:s12+$0x10430]  }
0x3d5: {  	v6 =	vld [tilespmem:s12+$0x10440]  }
0x3d6: {  	v7 =	vld [tilespmem:s12+$0x10450]  }
0x3d7: {  	v8 =	vld [tilespmem:s12+$0x10460]  }
0x3d8: {  	v9 =	vld [tilespmem:s12+$0x10470]  }
0x3d9: {  	v10 =	vld [tilespmem:s12+$0x10480]  }
0x3da: {  	v11 =	vld [tilespmem:s12+$0x10490]  }
0x3db: {  	v12 =	vld [tilespmem:s12+$0x104A0]  }
0x3dc: {  	v13 =	vld [tilespmem:s12+$0x104B0]  }
0x3dd: {  	v14 =	vld [tilespmem:s12+$0x104C0]  }
0x3de: {  	v15 =	vld [tilespmem:s12+$0x104D0]  }
0x3df: {  	[tilespmem:s12+$0x164F0] =	vst.add.f32.msk $0xffff, v1  }
0x3e0: {  	v1 =	vld [tilespmem:s12+$0x104E0]  }
0x3e1: {  	[tilespmem:s12+$0x16400] =	vst.add.f32.msk $0xffff, v2  }
0x3e2: {  	[tilespmem:s12+$0x16410] =	vst.add.f32.msk $0xffff, v3  }
0x3e3: {  	[tilespmem:s12+$0x16420] =	vst.add.f32.msk $0xffff, v4  }
0x3e4: {  	[tilespmem:s12+$0x16430] =	vst.add.f32.msk $0xffff, v5  }
0x3e5: {  	[tilespmem:s12+$0x16440] =	vst.add.f32.msk $0xffff, v6  }
0x3e6: {  	[tilespmem:s12+$0x16450] =	vst.add.f32.msk $0xffff, v7  }
0x3e7: {  	[tilespmem:s12+$0x16460] =	vst.add.f32.msk $0xffff, v8  }
0x3e8: {  	[tilespmem:s12+$0x16470] =	vst.add.f32.msk $0xffff, v9  }
0x3e9: {  	[tilespmem:s12+$0x16480] =	vst.add.f32.msk $0xffff, v10  }
0x3ea: {  	[tilespmem:s12+$0x16490] =	vst.add.f32.msk $0xffff, v11  }
0x3eb: {  	[tilespmem:s12+$0x164A0] =	vst.add.f32.msk $0xffff, v12  }
0x3ec: {  	[tilespmem:s12+$0x164B0] =	vst.add.f32.msk $0xffff, v13  }
0x3ed: {  	[tilespmem:s12+$0x164C0] =	vst.add.f32.msk $0xffff, v14  }
0x3ee: {  	s13 =	simm.s32 $0x0;
	s14 =	simm.s32 $0x400;
	[tilespmem:s12+$0x164D0] =	vst.add.f32.msk $0xffff, v15  }
.LBB2_17:
0x3ef: {  	s13 =	sadd.s32 $0x4, s13;
	[tilespmem:s12+$0x164E0] =	vst.add.f32.msk $0xffff, v1;
	s12 =	sshra.s32 s14, $0x2  }
0x3f0: {  	v1 =	vld [tilespmem:s12+$0x104F0];
	p1 =	slt.u32 s13, $0x7C  }
0x3f1: {  	v2 =	vld [tilespmem:s12+$0x10400]  }
0x3f2: {  	v3 =	vld [tilespmem:s12+$0x10410]  }
0x3f3: {  	v4 =	vld [tilespmem:s12+$0x10420]  }
0x3f4: {  	v5 =	vld [tilespmem:s12+$0x10430]  }
0x3f5: {  	[tilespmem:s12+$0x164F0] =	vst.add.f32.msk $0xffff, v1  }
0x3f6: {  	v6 =	vld [tilespmem:s12+$0x10440]  }
0x3f7: {  	v7 =	vld [tilespmem:s12+$0x10450]  }
0x3f8: {  	v8 =	vld [tilespmem:s12+$0x10460]  }
0x3f9: {  	v9 =	vld [tilespmem:s12+$0x10470]  }
0x3fa: {  	v10 =	vld [tilespmem:s12+$0x10480]  }
0x3fb: {  	v11 =	vld [tilespmem:s12+$0x10490]  }
0x3fc: {  	v12 =	vld [tilespmem:s12+$0x104A0]  }
0x3fd: {  	v13 =	vld [tilespmem:s12+$0x104B0]  }
0x3fe: {  	v14 =	vld [tilespmem:s12+$0x104C0]  }
0x3ff: {  	v15 =	vld [tilespmem:s12+$0x104D0]  }
0x400: {  	v1 =	vld [tilespmem:s12+$0x104E0]  }
0x401: {  	[tilespmem:s12+$0x16400] =	vst.add.f32.msk $0xffff, v2  }
0x402: {  	[tilespmem:s12+$0x16410] =	vst.add.f32.msk $0xffff, v3  }
0x403: {  	[tilespmem:s12+$0x16420] =	vst.add.f32.msk $0xffff, v4  }
0x404: {  	[tilespmem:s12+$0x16430] =	vst.add.f32.msk $0xffff, v5  }
0x405: {  	[tilespmem:s12+$0x16440] =	vst.add.f32.msk $0xffff, v6  }
0x406: {  	[tilespmem:s12+$0x16450] =	vst.add.f32.msk $0xffff, v7  }
0x407: {  	[tilespmem:s12+$0x16460] =	vst.add.f32.msk $0xffff, v8  }
0x408: {  	[tilespmem:s12+$0x16470] =	vst.add.f32.msk $0xffff, v9  }
0x409: {  	[tilespmem:s12+$0x16480] =	vst.add.f32.msk $0xffff, v10  }
.Ltmp7:
0x40a: {  	[tilespmem:s12+$0x16490] =	vst.add.f32.msk $0xffff, v11;
	(pc) =	sbr.rel @p1 .LBB2_17-.Ltmp7, $4  }
0x40b: {  	[tilespmem:s12+$0x164A0] =	vst.add.f32.msk $0xffff, v12  }
0x40c: {  	[tilespmem:s12+$0x164B0] =	vst.add.f32.msk $0xffff, v13  }
0x40d: {  	[tilespmem:s12+$0x164C0] =	vst.add.f32.msk $0xffff, v14  }
0x40e: {  	s14 =	sadd.s32 $0x400, s14;
	[tilespmem:s12+$0x164D0] =	vst.add.f32.msk $0xffff, v15  }
0x40f: {  	[tilespmem:s12+$0x164E0] =	vst.add.f32.msk $0xffff, v1  }
0x410: {  	_ =	swait.ge [sflag:s31], $0x2000  }
0x411: {  	s12 =	sadd.s32 @!p0 $0x680, s11;
	[sflag:s31] =	ssyncset.done $0x0  }
0x412: {  	s13 =	simm.s32 @!p0 $0x80;
	s14 =	simm.s32 @!p0 $0x10400;
	[sflag:s31] =	ssyncadd.s32 $0xFFFFE000  }
0x413: {  	[tilespmem:s14], [sflag:$0x6] =	stream.indirect.gather @!p0 [hbm4b:s3+s13], $0x40, s12, s13, $0xb8;
	[tilespmem:$0x18400] =	vst v63  }
0x414: {  	s12 =	simm.s32 $0x0  }
0x415: {  	v1 =	vld [tilespmem:s12+$0x124F0]  }
0x416: {  	v2 =	vld [tilespmem:s12+$0x12400]  }
0x417: {  	v3 =	vld [tilespmem:s12+$0x12410]  }
0x418: {  	v4 =	vld [tilespmem:s12+$0x12420]  }
0x419: {  	v5 =	vld [tilespmem:s12+$0x12430]  }
0x41a: {  	v6 =	vld [tilespmem:s12+$0x12440]  }
0x41b: {  	v7 =	vld [tilespmem:s12+$0x12450]  }
0x41c: {  	v8 =	vld [tilespmem:s12+$0x12460]  }
0x41d: {  	v9 =	vld [tilespmem:s12+$0x12470]  }
0x41e: {  	v10 =	vld [tilespmem:s12+$0x12480]  }
0x41f: {  	v11 =	vld [tilespmem:s12+$0x12490]  }
0x420: {  	v12 =	vld [tilespmem:s12+$0x124A0]  }
0x421: {  	v13 =	vld [tilespmem:s12+$0x124B0]  }
0x422: {  	v14 =	vld [tilespmem:s12+$0x124C0]  }
0x423: {  	v15 =	vld [tilespmem:s12+$0x124D0]  }
0x424: {  	[tilespmem:s12+$0x164F0] =	vst.add.f32.msk $0xffff, v1  }
0x425: {  	v1 =	vld [tilespmem:s12+$0x124E0]  }
0x426: {  	[tilespmem:s12+$0x16400] =	vst.add.f32.msk $0xffff, v2  }
0x427: {  	[tilespmem:s12+$0x16410] =	vst.add.f32.msk $0xffff, v3  }
0x428: {  	[tilespmem:s12+$0x16420] =	vst.add.f32.msk $0xffff, v4  }
0x429: {  	[tilespmem:s12+$0x16430] =	vst.add.f32.msk $0xffff, v5  }
0x42a: {  	[tilespmem:s12+$0x16440] =	vst.add.f32.msk $0xffff, v6  }
0x42b: {  	[tilespmem:s12+$0x16450] =	vst.add.f32.msk $0xffff, v7  }
0x42c: {  	[tilespmem:s12+$0x16460] =	vst.add.f32.msk $0xffff, v8  }
0x42d: {  	[tilespmem:s12+$0x16470] =	vst.add.f32.msk $0xffff, v9  }
0x42e: {  	[tilespmem:s12+$0x16480] =	vst.add.f32.msk $0xffff, v10  }
0x42f: {  	[tilespmem:s12+$0x16490] =	vst.add.f32.msk $0xffff, v11  }
0x430: {  	[tilespmem:s12+$0x164A0] =	vst.add.f32.msk $0xffff, v12  }
0x431: {  	[tilespmem:s12+$0x164B0] =	vst.add.f32.msk $0xffff, v13  }
0x432: {  	[tilespmem:s12+$0x164C0] =	vst.add.f32.msk $0xffff, v14  }
0x433: {  	s13 =	simm.s32 $0x0;
	s14 =	simm.s32 $0x400;
	[tilespmem:s12+$0x164D0] =	vst.add.f32.msk $0xffff, v15  }
.LBB2_19:
0x434: {  	s13 =	sadd.s32 $0x4, s13;
	[tilespmem:s12+$0x164E0] =	vst.add.f32.msk $0xffff, v1;
	s12 =	sshra.s32 s14, $0x2  }
0x435: {  	v1 =	vld [tilespmem:s12+$0x124F0];
	p1 =	slt.u32 s13, $0x7C  }
0x436: {  	v2 =	vld [tilespmem:s12+$0x12400]  }
0x437: {  	v3 =	vld [tilespmem:s12+$0x12410]  }
0x438: {  	v4 =	vld [tilespmem:s12+$0x12420]  }
0x439: {  	v5 =	vld [tilespmem:s12+$0x12430]  }
0x43a: {  	[tilespmem:s12+$0x164F0] =	vst.add.f32.msk $0xffff, v1  }
0x43b: {  	v6 =	vld [tilespmem:s12+$0x12440]  }
0x43c: {  	v7 =	vld [tilespmem:s12+$0x12450]  }
0x43d: {  	v8 =	vld [tilespmem:s12+$0x12460]  }
0x43e: {  	v9 =	vld [tilespmem:s12+$0x12470]  }
0x43f: {  	v10 =	vld [tilespmem:s12+$0x12480]  }
0x440: {  	v11 =	vld [tilespmem:s12+$0x12490]  }
0x441: {  	v12 =	vld [tilespmem:s12+$0x124A0]  }
0x442: {  	v13 =	vld [tilespmem:s12+$0x124B0]  }
0x443: {  	v14 =	vld [tilespmem:s12+$0x124C0]  }
0x444: {  	v15 =	vld [tilespmem:s12+$0x124D0]  }
0x445: {  	v1 =	vld [tilespmem:s12+$0x124E0]  }
0x446: {  	[tilespmem:s12+$0x16400] =	vst.add.f32.msk $0xffff, v2  }
0x447: {  	[tilespmem:s12+$0x16410] =	vst.add.f32.msk $0xffff, v3  }
0x448: {  	[tilespmem:s12+$0x16420] =	vst.add.f32.msk $0xffff, v4  }
0x449: {  	[tilespmem:s12+$0x16430] =	vst.add.f32.msk $0xffff, v5  }
0x44a: {  	[tilespmem:s12+$0x16440] =	vst.add.f32.msk $0xffff, v6  }
0x44b: {  	[tilespmem:s12+$0x16450] =	vst.add.f32.msk $0xffff, v7  }
0x44c: {  	[tilespmem:s12+$0x16460] =	vst.add.f32.msk $0xffff, v8  }
0x44d: {  	[tilespmem:s12+$0x16470] =	vst.add.f32.msk $0xffff, v9  }
0x44e: {  	[tilespmem:s12+$0x16480] =	vst.add.f32.msk $0xffff, v10  }
.Ltmp8:
0x44f: {  	[tilespmem:s12+$0x16490] =	vst.add.f32.msk $0xffff, v11;
	(pc) =	sbr.rel @p1 .LBB2_19-.Ltmp8, $4  }
0x450: {  	[tilespmem:s12+$0x164A0] =	vst.add.f32.msk $0xffff, v12  }
0x451: {  	[tilespmem:s12+$0x164B0] =	vst.add.f32.msk $0xffff, v13  }
0x452: {  	[tilespmem:s12+$0x164C0] =	vst.add.f32.msk $0xffff, v14  }
0x453: {  	s14 =	sadd.s32 $0x400, s14;
	[tilespmem:s12+$0x164D0] =	vst.add.f32.msk $0xffff, v15  }
0x454: {  	[tilespmem:s12+$0x164E0] =	vst.add.f32.msk $0xffff, v1  }
0x455: {  	_ =	swait.ge [sflag:s0], $0x2000  }
0x456: {  	s11 =	sadd.s32 @!p0 $0x700, s11;
	[sflag:s0] =	ssyncset.done $0x0  }
0x457: {  	s12 =	simm.s32 @!p0 $0x80;
	s13 =	simm.s32 @!p0 $0x12400;
	[sflag:s0] =	ssyncadd.s32 $0xFFFFE000  }
0x458: {  	[tilespmem:s13], [sflag:$0x7] =	stream.indirect.gather @!p0 [hbm4b:s3+s12], $0x40, s11, s12, $0xb8;
	[tilespmem:$0x18400] =	vst v63  }
0x459: {  	s11 =	simm.s32 $0x0  }
0x45a: {  	v1 =	vld [tilespmem:s11+$0x144F0]  }
0x45b: {  	v2 =	vld [tilespmem:s11+$0x14400]  }
0x45c: {  	v3 =	vld [tilespmem:s11+$0x14410]  }
0x45d: {  	v4 =	vld [tilespmem:s11+$0x14420]  }
0x45e: {  	v5 =	vld [tilespmem:s11+$0x14430]  }
0x45f: {  	v6 =	vld [tilespmem:s11+$0x14440]  }
0x460: {  	v7 =	vld [tilespmem:s11+$0x14450]  }
0x461: {  	v8 =	vld [tilespmem:s11+$0x14460]  }
0x462: {  	v9 =	vld [tilespmem:s11+$0x14470]  }
0x463: {  	v10 =	vld [tilespmem:s11+$0x14480]  }
0x464: {  	v11 =	vld [tilespmem:s11+$0x14490]  }
0x465: {  	v12 =	vld [tilespmem:s11+$0x144A0]  }
0x466: {  	v13 =	vld [tilespmem:s11+$0x144B0]  }
0x467: {  	v14 =	vld [tilespmem:s11+$0x144C0]  }
0x468: {  	v15 =	vld [tilespmem:s11+$0x144D0]  }
0x469: {  	[tilespmem:s11+$0x164F0] =	vst.add.f32.msk $0xffff, v1  }
0x46a: {  	v1 =	vld [tilespmem:s11+$0x144E0]  }
0x46b: {  	[tilespmem:s11+$0x16400] =	vst.add.f32.msk $0xffff, v2  }
0x46c: {  	[tilespmem:s11+$0x16410] =	vst.add.f32.msk $0xffff, v3  }
0x46d: {  	[tilespmem:s11+$0x16420] =	vst.add.f32.msk $0xffff, v4  }
0x46e: {  	[tilespmem:s11+$0x16430] =	vst.add.f32.msk $0xffff, v5  }
0x46f: {  	[tilespmem:s11+$0x16440] =	vst.add.f32.msk $0xffff, v6  }
0x470: {  	[tilespmem:s11+$0x16450] =	vst.add.f32.msk $0xffff, v7  }
0x471: {  	[tilespmem:s11+$0x16460] =	vst.add.f32.msk $0xffff, v8  }
0x472: {  	[tilespmem:s11+$0x16470] =	vst.add.f32.msk $0xffff, v9  }
0x473: {  	[tilespmem:s11+$0x16480] =	vst.add.f32.msk $0xffff, v10  }
0x474: {  	[tilespmem:s11+$0x16490] =	vst.add.f32.msk $0xffff, v11  }
0x475: {  	[tilespmem:s11+$0x164A0] =	vst.add.f32.msk $0xffff, v12  }
0x476: {  	[tilespmem:s11+$0x164B0] =	vst.add.f32.msk $0xffff, v13  }
0x477: {  	[tilespmem:s11+$0x164C0] =	vst.add.f32.msk $0xffff, v14  }
0x478: {  	s12 =	simm.s32 $0x0;
	s13 =	simm.s32 $0x400;
	[tilespmem:s11+$0x164D0] =	vst.add.f32.msk $0xffff, v15  }
.LBB2_21:
0x479: {  	s12 =	sadd.s32 $0x4, s12;
	[tilespmem:s11+$0x164E0] =	vst.add.f32.msk $0xffff, v1;
	s11 =	sshra.s32 s13, $0x2  }
0x47a: {  	v1 =	vld [tilespmem:s11+$0x144F0];
	p0 =	slt.u32 s12, $0x7C  }
0x47b: {  	v2 =	vld [tilespmem:s11+$0x14400]  }
0x47c: {  	v3 =	vld [tilespmem:s11+$0x14410]  }
0x47d: {  	v4 =	vld [tilespmem:s11+$0x14420]  }
0x47e: {  	v5 =	vld [tilespmem:s11+$0x14430]  }
0x47f: {  	[tilespmem:s11+$0x164F0] =	vst.add.f32.msk $0xffff, v1  }
0x480: {  	v6 =	vld [tilespmem:s11+$0x14440]  }
0x481: {  	v7 =	vld [tilespmem:s11+$0x14450]  }
0x482: {  	v8 =	vld [tilespmem:s11+$0x14460]  }
0x483: {  	v9 =	vld [tilespmem:s11+$0x14470]  }
0x484: {  	v10 =	vld [tilespmem:s11+$0x14480]  }
0x485: {  	v11 =	vld [tilespmem:s11+$0x14490]  }
0x486: {  	v12 =	vld [tilespmem:s11+$0x144A0]  }
0x487: {  	v13 =	vld [tilespmem:s11+$0x144B0]  }
0x488: {  	v14 =	vld [tilespmem:s11+$0x144C0]  }
0x489: {  	v15 =	vld [tilespmem:s11+$0x144D0]  }
0x48a: {  	v1 =	vld [tilespmem:s11+$0x144E0]  }
0x48b: {  	[tilespmem:s11+$0x16400] =	vst.add.f32.msk $0xffff, v2  }
0x48c: {  	[tilespmem:s11+$0x16410] =	vst.add.f32.msk $0xffff, v3  }
0x48d: {  	[tilespmem:s11+$0x16420] =	vst.add.f32.msk $0xffff, v4  }
0x48e: {  	[tilespmem:s11+$0x16430] =	vst.add.f32.msk $0xffff, v5  }
0x48f: {  	[tilespmem:s11+$0x16440] =	vst.add.f32.msk $0xffff, v6  }
0x490: {  	[tilespmem:s11+$0x16450] =	vst.add.f32.msk $0xffff, v7  }
0x491: {  	[tilespmem:s11+$0x16460] =	vst.add.f32.msk $0xffff, v8  }
0x492: {  	[tilespmem:s11+$0x16470] =	vst.add.f32.msk $0xffff, v9  }
0x493: {  	[tilespmem:s11+$0x16480] =	vst.add.f32.msk $0xffff, v10  }
.Ltmp9:
0x494: {  	[tilespmem:s11+$0x16490] =	vst.add.f32.msk $0xffff, v11;
	(pc) =	sbr.rel @p0 .LBB2_21-.Ltmp9, $4  }
0x495: {  	[tilespmem:s11+$0x164A0] =	vst.add.f32.msk $0xffff, v12  }
0x496: {  	[tilespmem:s11+$0x164B0] =	vst.add.f32.msk $0xffff, v13  }
0x497: {  	[tilespmem:s11+$0x164C0] =	vst.add.f32.msk $0xffff, v14  }
0x498: {  	s13 =	sadd.s32 $0x400, s13;
	[tilespmem:s11+$0x164D0] =	vst.add.f32.msk $0xffff, v15  }
0x499: {  	s8 =	sadd.s32 $0x1, s8  }
0x49a: {  	p0 =	sne.s32 s8, $0x19  }
.Ltmp10:
0x49b: {  	_ = 	snop;
	(pc) =	sbr.rel @p0 .LBB2_6-.Ltmp10, $2  }
0x49c: {  	_ =	sdelay $0x2  }
0x49d: {  	[tilespmem:s11+$0x164E0] =	vst.add.f32.msk $0xffff, v1  }
0x49e: {  	s7 =	sadd.s32 $0x1, s7  }
0x49f: {  	p0 =	sne.s32 s7, s6  }
.Ltmp11:
0x4a0: {  	_ = 	snop;
	(pc) =	sbr.rel @p0 .LBB2_1-.Ltmp11, $4  }
0x4a1: {  	[hbm4b:s5+s2] =	stream.linear.scatter [tilespmem:s1], [sflag:$0x9], $0x2000, $0x38;
	[tilespmem:$0x18400] =	vst v63  }
0x4a2: {  	_ =	swait.ge [sflag:s9], $0x2000  }
0x4a3: {  	[sflag:s9] =	ssyncset.done $0x0  }
0x4a4: {  	[sflag:s9] =	ssyncadd.s32 $0xFFFFE000  }
0x4a5: {  	_ =	sfence.sel $0x180000  }
0x4a6: {  	[bflag:$0x0] =	sbarrier.arrive $0xFFFF  }
0x4a7: {  	_ =	strace $0x90000047  }
0x4a8: {  	s0 =	stileid.u32;
	[bflag:$0x2] =	sbarrier.arrive $0xFFFF  }
0x4a9: {  	p0 =	sne.s32 s0, $0x0;
	s0 =	rddreg [dreg:$0x3]  }
0x4aa: {  	s0 =	sadd.s32 @!p0 $0x100000, s0  }
0x4ab: {  	[sflag:s0] =	ssyncadd.tile.s32 @!p0 $0x1;
	_ =	shalt  }
.Lfunc_end2:
_tile_overlayer_lowered:
.L_overlay_start_2:
0x4ac: {  	(tag) =	ssettag $0x2  }
0x4ad: {  	s0 =	rddreg [dreg:$0x0];
	s2 =	stileid.u32  }
0x4ae: {  	s1 =	rddreg [dreg:$0x1];
	p0 =	sne.s32 s2, $0x0  }
0x4af: {  	s3 =	rddreg [dreg:$0x2];
	[bflag:$0x3] =	sbarrier.arrive $0xFFFF;
	s2 =	simm.s32 @!p0 $0x1C09  }
0x4b0: {  	[timem:s3], [sflag:s2] =	dma.local @!p0 [hbm:s0], s1  }
0x4b1: {  	s0 =	simm.s32 @!p0 $0x9  }
0x4b2: {  	_ =	swait.ge @!p0 [sflag:s0], s1  }
0x4b3: {  	s1 =	ssub.s32 @!p0 $0x0, s1;
	[sflag:s0] =	ssyncset.done @!p0 $0x0  }
0x4b4: {  	[sflag:s0] =	ssyncadd.s32 @!p0 s1  }
0x4b5: {  	[bflag:$0x3] =	sbarrier.arrive $0xFFFF  }
0x4b6: {  	_ =	shalt  }

</sc_bundles>
